<compile_context>
chip_gen: v7x
topology: tpu7x:2x2x1
jax: 0.10.2.dev20260603
libtpu: 0.0.44.dev20260713+nightly
codegen_flags: <defaults>
</compile_context>

<pallas_src>
import functools

import jax
import jax.numpy as jnp
from jax import lax
from jax.experimental import pallas as pl
from jax.experimental.pallas import tpu as pltpu
from jax.experimental.pallas import tpu_sc as plsc

VOCAB = 100000
HIDDEN = 1024
NUM_TOKEN_CUTOFF = 1000
LIN_ROWS = 1024
L = 16
NC, NS = 2, 16
NW = NC * NS
TOKENS = 4 * 2048
BPW = TOKENS // NW
CH = 32
NBUF = 3
GBUF_N = BPW + 2 * L


def _linear_body(x_ref, w_ref, b_ref, o_ref):
    o_ref[...] = lax.dot_general(
        x_ref[...], w_ref[...],
        dimension_numbers=(((1,), (1,)), ((), ())),
        preferred_element_type=jnp.float32,
    ) + b_ref[...]


def _lin_table(table, w, b2d):
    tile = 256
    return pl.pallas_call(
        _linear_body,
        grid=(LIN_ROWS // tile,),
        in_specs=[
            pl.BlockSpec((tile, HIDDEN), lambda i: (i, 0)),
            pl.BlockSpec((HIDDEN, HIDDEN), lambda i: (0, 0)),
            pl.BlockSpec((1, HIDDEN), lambda i: (0, 0)),
        ],
        out_specs=pl.BlockSpec((tile, HIDDEN), lambda i: (i, 0)),
        out_shape=jax.ShapeDtypeStruct((LIN_ROWS, HIDDEN), jnp.float32),
    )(table, w, b2d)


def _sc_body(ids_hbm, table_hbm, lin_hbm, out_hbm, ids_v, rows_v,
             lrows_v, gbuf_v, pbuf_v, gsem0, gsem1, gsem2,
             ssem0, ssem1, ssem2, mgsem):
    wid = lax.axis_index("s") * NC + lax.axis_index("c")
    base = wid * BPW
    rows = tuple(rows_v.at[b] for b in range(NBUF))
    gsem = (gsem0, gsem1, gsem2)
    ssem = (ssem0, ssem1, ssem2)
    pltpu.sync_copy(ids_hbm.at[pl.ds(base, BPW)], ids_v)

    nchunk = BPW // CH

    def gather(c):
        b = c % NBUF
        return pltpu.async_copy(
            table_hbm.at[ids_v.at[pl.ds(c * CH, CH)]], rows[b], gsem[b])

    def store(c):
        b = c % NBUF
        return pltpu.async_copy(
            rows[b], out_hbm.at[pl.ds(base + c * CH, CH)], ssem[b])

    stores = [None] * nchunk
    gathers = [None] * nchunk
    for c in range(min(NBUF, nchunk)):
        gathers[c] = gather(c)

    lane = lax.iota(jnp.int32, L)
    for i in range(GBUF_N // L):
        gbuf_v[pl.ds(i * L, L)] = lane * 0
        pbuf_v[pl.ds(i * L, L)] = lane * 0 + base
    cnt = jnp.int32(0)
    for v in range(BPW // L):
        idv = ids_v[pl.ds(v * L, L)]
        mask = idv < NUM_TOKEN_CUTOFF
        cs = plsc.cumsum(mask.astype(jnp.int32))
        dest = cnt + cs - 1
        dest = jnp.where(mask, jnp.maximum(dest, 0), BPW + L + lane)
        plsc.store_scatter(gbuf_v, [dest], idv, mask=mask)
        plsc.store_scatter(pbuf_v, [dest], base + v * L + lane, mask=mask)
        cnt = cnt + plsc.all_reduce_population_count(mask)[0]

    def masked_chunk_idx(k):
        gi = gbuf_v[pl.ds(k * L, L)]
        po = pbuf_v[pl.ds(k * L, L)]
        valid = (k * L + lane) < cnt
        return jnp.where(valid, gi, gi[0]), jnp.where(valid, po, po[0])

    @pl.when(cnt > 0)
    def _():
        gi, _po = masked_chunk_idx(0)
        pltpu.async_copy(lin_hbm.at[gi], lrows_v, mgsem)

    for c in range(nchunk):
        gathers[c].wait()
        stores[c] = store(c)
        if c + NBUF < nchunk:
            stores[c].wait()
            gathers[c + NBUF] = gather(c + NBUF)
    for c in range(max(0, nchunk - NBUF), nchunk):
        stores[c].wait()

    @pl.when(cnt > 0)
    def _():
        gi, po = masked_chunk_idx(0)
        pltpu.make_async_copy(lin_hbm.at[gi], lrows_v, mgsem).wait()
        pltpu.async_copy(lrows_v, out_hbm.at[po], ssem0).wait()

    for k in range(1, BPW // L):
        @pl.when(cnt > k * L)
        def _(k=k):
            gi, po = masked_chunk_idx(k)
            pltpu.async_copy(lin_hbm.at[gi], lrows_v, mgsem).wait()
            pltpu.async_copy(lrows_v, out_hbm.at[po], ssem0).wait()


_sc_embed = functools.partial(
    pl.kernel,
    out_type=jax.ShapeDtypeStruct((TOKENS, HIDDEN), jnp.float32),
    mesh=plsc.VectorSubcoreMesh(core_axis_name="c", subcore_axis_name="s"),
    compiler_params=pltpu.CompilerParams(needs_layout_passes=False),
    scratch_types=[
        pltpu.VMEM((BPW,), jnp.int32),
        pltpu.VMEM((NBUF, CH, HIDDEN), jnp.float32),
        pltpu.VMEM((L, HIDDEN), jnp.float32),
        pltpu.VMEM((GBUF_N,), jnp.int32),
        pltpu.VMEM((GBUF_N,), jnp.int32),
        pltpu.SemaphoreType.DMA,
        pltpu.SemaphoreType.DMA,
        pltpu.SemaphoreType.DMA,
        pltpu.SemaphoreType.DMA,
        pltpu.SemaphoreType.DMA,
        pltpu.SemaphoreType.DMA,
        pltpu.SemaphoreType.DMA,
    ],
)(_sc_body)


@jax.jit
def kernel(input_ids, table, W, b):
    ids_flat = input_ids.reshape(-1).astype(jnp.int32)
    lin = _lin_table(table, W, b.reshape(1, HIDDEN))
    out = _sc_embed(ids_flat, table, lin)
    return out.reshape(input_ids.shape + (HIDDEN,))

# --- scband reference (transcript-rebuilt; emitter-appended) ---
"""Pipeline reference for scband-fnetoken-embed-82145544503615 (READ-ONLY COPY).

The authoritative reference and input builder live on the scoring server;
editing this copy changes nothing except your own understanding.
"""

import jax, jax.numpy as jnp
import numpy as np

VOCAB = 100000
HIDDEN = 1024
BATCH = 4
SEQ = 2048
NUM_TOKEN_CUTOFF = 1000  # proxy: token ids < 1000 are treated as 'number' tokens (tokenizer-free stand-in)


def setup_inputs(seed: int = 0) -> dict:
    key = jax.random.key(seed)
    k1, k2, k3, k4 = jax.random.split(key, 4)
    input_ids = jax.random.randint(k1, (BATCH, SEQ), 0, VOCAB, dtype=jnp.int64 if jax.config.jax_enable_x64 else jnp.int32)
    table = jax.random.normal(k2, (VOCAB, HIDDEN), dtype=jnp.float32) * 0.02
    W = jax.random.normal(k3, (HIDDEN, HIDDEN), dtype=jnp.float32) * (1.0 / np.sqrt(HIDDEN))
    b = jax.random.normal(k4, (HIDDEN,), dtype=jnp.float32) * 0.01
    return {"input_ids": input_ids, "table": table, "W": W, "b": b}


def reference(input_ids, table, W, b):
    # token_embeddings = original_token_embed(input_ids)
    token_embeddings = jnp.take(table, input_ids, axis=0)  # [B, S, H]
    # number_mask: in the torch module this comes from tokenizer.decode + regex \d+.
    # Deterministic tokenizer-free proxy: token ids below NUM_TOKEN_CUTOFF are 'number' tokens.
    number_mask = (input_ids < NUM_TOKEN_CUTOFF)  # [B, S] bool
    number_mask = number_mask[:, :, None]  # broadcast over hidden dim (expand_as)
    # number_linear applied to ALL embeddings (as in the torch code), then selected via where
    lin = jnp.einsum('bsh,oh->bso', token_embeddings, W) + b  # nn.Linear: x @ W.T + b
    out = jnp.where(number_mask, lin, token_embeddings)
    return out

if __name__ == "__main__":
    import jax
    _d = setup_inputs()
    print(jax.jit(kernel)(*tuple(_d.values())))

</pallas_src>

<mosaic_0001>
#map = affine_map<(d0, d1) -> (0)>
#map1 = affine_map<(d0, d1) -> (0, 0)>
module attributes {stable_mosaic.version = 14 : i64} {
  func.func @_sc_body(%arg0: i32, %arg1: i32, %arg2: memref<8192xi32, #tpu.memory_space<hbm>>, %arg3: memref<100000x1024xf32, #tpu.memory_space<hbm>>, %arg4: memref<1024x1024xf32, #tpu.memory_space<hbm>>, %arg5: memref<8192x1024xf32, #tpu.memory_space<hbm>>, %arg6: memref<256xi32, #tpu.memory_space<vmem>>, %arg7: memref<3x32x1024xf32, #tpu.memory_space<vmem>>, %arg8: memref<16x1024xf32, #tpu.memory_space<vmem>>, %arg9: memref<288xi32, #tpu.memory_space<vmem>>, %arg10: memref<288xi32, #tpu.memory_space<vmem>>, %arg11: memref<!tpu.dma_semaphore, #tpu.memory_space<semaphore_mem>>, %arg12: memref<!tpu.dma_semaphore, #tpu.memory_space<semaphore_mem>>, %arg13: memref<!tpu.dma_semaphore, #tpu.memory_space<semaphore_mem>>, %arg14: memref<!tpu.dma_semaphore, #tpu.memory_space<semaphore_mem>>, %arg15: memref<!tpu.dma_semaphore, #tpu.memory_space<semaphore_mem>>, %arg16: memref<!tpu.dma_semaphore, #tpu.memory_space<semaphore_mem>>, %arg17: memref<!tpu.dma_semaphore, #tpu.memory_space<semaphore_mem>>) attributes {dimension_semantics = [#tpu.dimension_semantics<core_parallel>, #tpu.dimension_semantics<subcore_parallel>], iteration_bounds = array<i64: 2, 16>, scalar_prefetch = 0 : i64, scratch_operands = 12 : i64, tpu.core_type = #tpu.core_type<sc_vector_subcore>, window_params = [{transform_indices = #map}, {transform_indices = #map1}, {transform_indices = #map1}, {transform_indices = #map1}]} {
    %mul3A = arith.constant 2 : i32
    %mul3A_0 = arith.muli %arg1, %mul3A : i32
    %add3A = arith.addi %mul3A_0, %arg0 : i32
    %mul3A_1 = arith.constant 256 : i32
    %mul3A_2 = arith.muli %add3A, %mul3A_1 : i32
    "tpu.region"() ({
      %run_scoped3A = tpu.sem_alloc : memref<!tpu.dma_semaphore, #tpu.memory_space<semaphore_mem>>
      %dma_start3A_1138 = tpu.memref_slice %arg2[%mul3A_2] : memref<8192xi32, #tpu.memory_space<hbm>> -> memref<256xi32, #tpu.memory_space<hbm>>
      %dma_start3A_1139 = tpu.memref_slice %arg2[%mul3A_2] : memref<8192xi32, #tpu.memory_space<hbm>> -> memref<256xi32, #tpu.memory_space<hbm>>
      tpu.enqueue_dma source(%dma_start3A_1139 : memref<256xi32, #tpu.memory_space<hbm>>) target(%arg6 : memref<256xi32, #tpu.memory_space<vmem>>) target_semaphore(%run_scoped3A : memref<!tpu.dma_semaphore, #tpu.memory_space<semaphore_mem>>)
      %dma_wait3A_1140 = tpu.memref_slice %arg2[%mul3A_2] : memref<8192xi32, #tpu.memory_space<hbm>> -> memref<256xi32, #tpu.memory_space<hbm>>
      %dma_wait3A_1141 = tpu.memref_slice %arg2[%mul3A_2] : memref<8192xi32, #tpu.memory_space<hbm>> -> memref<256xi32, #tpu.memory_space<hbm>>
      tpu.wait_dma2 semaphore(%run_scoped3A : memref<!tpu.dma_semaphore, #tpu.memory_space<semaphore_mem>>) src(%dma_wait3A_1141 : memref<256xi32, #tpu.memory_space<hbm>>) dst(%arg6 : memref<256xi32, #tpu.memory_space<vmem>>)
      tpu.yield
    }) : () -> ()
    %dma_start3A = arith.constant 0 : i32
    %dma_start3A_3 = arith.constant 0 : i32
    %dma_start3A_4 = arith.constant 0 : i32
    %dma_start3A_5 = tpu.memref_slice %arg7[%dma_start3A, %dma_start3A_3, %dma_start3A_4] : memref<3x32x1024xf32, #tpu.memory_space<vmem>> -> memref<1x32x1024xf32, #tpu.memory_space<vmem>>
    %dma_start3A_6 = tpu.memref_squeeze %dma_start3A_5 : memref<1x32x1024xf32, #tpu.memory_space<vmem>> -> memref<32x1024xf32, #tpu.memory_space<vmem>>
    %dma_start3A_7 = arith.constant 0 : i32
    %dma_start3A_8 = tpu.memref_slice %arg6[%dma_start3A_7] : memref<256xi32, #tpu.memory_space<vmem>> -> memref<32xi32, #tpu.memory_space<vmem>>
    %dma_start3A_9 = arith.constant 0 : i32
    %dma_start3A_10 = arith.constant 0 : i32
    %dma_start3A_11 = tpu.memref_slice %arg3[%dma_start3A_9, %dma_start3A_10] : memref<100000x1024xf32, #tpu.memory_space<hbm>> -> memref<100000x1024xf32, #tpu.memory_space<hbm>>
    tpu.enqueue_indirect_dma source(%dma_start3A_11 : memref<100000x1024xf32, #tpu.memory_space<hbm>>) target(%dma_start3A_6 : memref<32x1024xf32, #tpu.memory_space<vmem>>) offsets(%dma_start3A_8 : memref<32xi32, #tpu.memory_space<vmem>>) semaphore(%arg11 : memref<!tpu.dma_semaphore, #tpu.memory_space<semaphore_mem>>)
    %dma_start3A_12 = arith.constant 1 : i32
    %dma_start3A_13 = arith.constant 0 : i32
    %dma_start3A_14 = arith.constant 0 : i32
    %dma_start3A_15 = tpu.memref_slice %arg7[%dma_start3A_12, %dma_start3A_13, %dma_start3A_14] : memref<3x32x1024xf32, #tpu.memory_space<vmem>> -> memref<1x32x1024xf32, #tpu.memory_space<vmem>>
    %dma_start3A_16 = tpu.memref_squeeze %dma_start3A_15 : memref<1x32x1024xf32, #tpu.memory_space<vmem>> -> memref<32x1024xf32, #tpu.memory_space<vmem>>
    %dma_start3A_17 = arith.constant 32 : i32
    %dma_start3A_18 = tpu.memref_slice %arg6[%dma_start3A_17] : memref<256xi32, #tpu.memory_space<vmem>> -> memref<32xi32, #tpu.memory_space<vmem>>
    %dma_start3A_19 = arith.constant 0 : i32
    %dma_start3A_20 = arith.constant 0 : i32
    %dma_start3A_21 = tpu.memref_slice %arg3[%dma_start3A_19, %dma_start3A_20] : memref<100000x1024xf32, #tpu.memory_space<hbm>> -> memref<100000x1024xf32, #tpu.memory_space<hbm>>
    tpu.enqueue_indirect_dma source(%dma_start3A_21 : memref<100000x1024xf32, #tpu.memory_space<hbm>>) target(%dma_start3A_16 : memref<32x1024xf32, #tpu.memory_space<vmem>>) offsets(%dma_start3A_18 : memref<32xi32, #tpu.memory_space<vmem>>) semaphore(%arg12 : memref<!tpu.dma_semaphore, #tpu.memory_space<semaphore_mem>>)
    %dma_start3A_22 = arith.constant 2 : i32
    %dma_start3A_23 = arith.constant 0 : i32
    %dma_start3A_24 = arith.constant 0 : i32
    %dma_start3A_25 = tpu.memref_slice %arg7[%dma_start3A_22, %dma_start3A_23, %dma_start3A_24] : memref<3x32x1024xf32, #tpu.memory_space<vmem>> -> memref<1x32x1024xf32, #tpu.memory_space<vmem>>
    %dma_start3A_26 = tpu.memref_squeeze %dma_start3A_25 : memref<1x32x1024xf32, #tpu.memory_space<vmem>> -> memref<32x1024xf32, #tpu.memory_space<vmem>>
    %dma_start3A_27 = arith.constant 64 : i32
    %dma_start3A_28 = tpu.memref_slice %arg6[%dma_start3A_27] : memref<256xi32, #tpu.memory_space<vmem>> -> memref<32xi32, #tpu.memory_space<vmem>>
    %dma_start3A_29 = arith.constant 0 : i32
    %dma_start3A_30 = arith.constant 0 : i32
    %dma_start3A_31 = tpu.memref_slice %arg3[%dma_start3A_29, %dma_start3A_30] : memref<100000x1024xf32, #tpu.memory_space<hbm>> -> memref<100000x1024xf32, #tpu.memory_space<hbm>>
    tpu.enqueue_indirect_dma source(%dma_start3A_31 : memref<100000x1024xf32, #tpu.memory_space<hbm>>) target(%dma_start3A_26 : memref<32x1024xf32, #tpu.memory_space<vmem>>) offsets(%dma_start3A_28 : memref<32xi32, #tpu.memory_space<vmem>>) semaphore(%arg13 : memref<!tpu.dma_semaphore, #tpu.memory_space<semaphore_mem>>)
    %iota3A = tpu.iota {dimensions = array<i32: 0>} : vector<16xi32>
    %mul3A_32 = arith.constant 0 : i32
    %mul3A_33 = vector.broadcast %mul3A_32 : i32 to vector<16xi32>
    %mul3A_34 = arith.muli %iota3A, %mul3A_33 : vector<16xi32>
    %swap3A = arith.constant 0 : index
    %swap3A_35 = tpu.vector_load %arg9[%swap3A] {strides = array<i32>} : memref<288xi32, #tpu.memory_space<vmem>>, vector<16xi32>,
    tpu.vector_store %arg9[%swap3A], %mul3A_34 {strides = array<i32>} : memref<288xi32, #tpu.memory_space<vmem>>, vector<16xi32>,
    %mul3A_36 = arith.constant 0 : i32
    %mul3A_37 = vector.broadcast %mul3A_36 : i32 to vector<16xi32>
    %mul3A_38 = arith.muli %iota3A, %mul3A_37 : vector<16xi32>
    %add3A_39 = vector.broadcast %mul3A_2 : i32 to vector<16xi32>
    %add3A_40 = arith.addi %mul3A_38, %add3A_39 : vector<16xi32>
    %swap3A_41 = arith.constant 0 : index
    %swap3A_42 = tpu.vector_load %arg10[%swap3A_41] {strides = array<i32>} : memref<288xi32, #tpu.memory_space<vmem>>, vector<16xi32>,
    tpu.vector_store %arg10[%swap3A_41], %add3A_40 {strides = array<i32>} : memref<288xi32, #tpu.memory_space<vmem>>, vector<16xi32>,
    %mul3A_43 = arith.constant 0 : i32
    %mul3A_44 = vector.broadcast %mul3A_43 : i32 to vector<16xi32>
    %mul3A_45 = arith.muli %iota3A, %mul3A_44 : vector<16xi32>
    %swap3A_46 = arith.constant 16 : index
    %swap3A_47 = tpu.vector_load %arg9[%swap3A_46] {strides = array<i32>} : memref<288xi32, #tpu.memory_space<vmem>>, vector<16xi32>,
    tpu.vector_store %arg9[%swap3A_46], %mul3A_45 {strides = array<i32>} : memref<288xi32, #tpu.memory_space<vmem>>, vector<16xi32>,
    %mul3A_48 = arith.constant 0 : i32
    %mul3A_49 = vector.broadcast %mul3A_48 : i32 to vector<16xi32>
    %mul3A_50 = arith.muli %iota3A, %mul3A_49 : vector<16xi32>
    %add3A_51 = vector.broadcast %mul3A_2 : i32 to vector<16xi32>
    %add3A_52 = arith.addi %mul3A_50, %add3A_51 : vector<16xi32>
    %swap3A_53 = arith.constant 16 : index
    %swap3A_54 = tpu.vector_load %arg10[%swap3A_53] {strides = array<i32>} : memref<288xi32, #tpu.memory_space<vmem>>, vector<16xi32>,
    tpu.vector_store %arg10[%swap3A_53], %add3A_52 {strides = array<i32>} : memref<288xi32, #tpu.memory_space<vmem>>, vector<16xi32>,
    %mul3A_55 = arith.constant 0 : i32
    %mul3A_56 = vector.broadcast %mul3A_55 : i32 to vector<16xi32>
    %mul3A_57 = arith.muli %iota3A, %mul3A_56 : vector<16xi32>
    %swap3A_58 = arith.constant 32 : index
    %swap3A_59 = tpu.vector_load %arg9[%swap3A_58] {strides = array<i32>} : memref<288xi32, #tpu.memory_space<vmem>>, vector<16xi32>,
    tpu.vector_store %arg9[%swap3A_58], %mul3A_57 {strides = array<i32>} : memref<288xi32, #tpu.memory_space<vmem>>, vector<16xi32>,
    %mul3A_60 = arith.constant 0 : i32
    %mul3A_61 = vector.broadcast %mul3A_60 : i32 to vector<16xi32>
    %mul3A_62 = arith.muli %iota3A, %mul3A_61 : vector<16xi32>
    %add3A_63 = vector.broadcast %mul3A_2 : i32 to vector<16xi32>
    %add3A_64 = arith.addi %mul3A_62, %add3A_63 : vector<16xi32>
    %swap3A_65 = arith.constant 32 : index
    %swap3A_66 = tpu.vector_load %arg10[%swap3A_65] {strides = array<i32>} : memref<288xi32, #tpu.memory_space<vmem>>, vector<16xi32>,
    tpu.vector_store %arg10[%swap3A_65], %add3A_64 {strides = array<i32>} : memref<288xi32, #tpu.memory_space<vmem>>, vector<16xi32>,
    %mul3A_67 = arith.constant 0 : i32
    %mul3A_68 = vector.broadcast %mul3A_67 : i32 to vector<16xi32>
    %mul3A_69 = arith.muli %iota3A, %mul3A_68 : vector<16xi32>
    %swap3A_70 = arith.constant 48 : index
    %swap3A_71 = tpu.vector_load %arg9[%swap3A_70] {strides = array<i32>} : memref<288xi32, #tpu.memory_space<vmem>>, vector<16xi32>,
    tpu.vector_store %arg9[%swap3A_70], %mul3A_69 {strides = array<i32>} : memref<288xi32, #tpu.memory_space<vmem>>, vector<16xi32>,
    %mul3A_72 = arith.constant 0 : i32
    %mul3A_73 = vector.broadcast %mul3A_72 : i32 to vector<16xi32>
    %mul3A_74 = arith.muli %iota3A, %mul3A_73 : vector<16xi32>
    %add3A_75 = vector.broadcast %mul3A_2 : i32 to vector<16xi32>
    %add3A_76 = arith.addi %mul3A_74, %add3A_75 : vector<16xi32>
    %swap3A_77 = arith.constant 48 : index
    %swap3A_78 = tpu.vector_load %arg10[%swap3A_77] {strides = array<i32>} : memref<288xi32, #tpu.memory_space<vmem>>, vector<16xi32>,
    tpu.vector_store %arg10[%swap3A_77], %add3A_76 {strides = array<i32>} : memref<288xi32, #tpu.memory_space<vmem>>, vector<16xi32>,
    %mul3A_79 = arith.constant 0 : i32
    %mul3A_80 = vector.broadcast %mul3A_79 : i32 to vector<16xi32>
    %mul3A_81 = arith.muli %iota3A, %mul3A_80 : vector<16xi32>
    %swap3A_82 = arith.constant 64 : index
    %swap3A_83 = tpu.vector_load %arg9[%swap3A_82] {strides = array<i32>} : memref<288xi32, #tpu.memory_space<vmem>>, vector<16xi32>,
    tpu.vector_store %arg9[%swap3A_82], %mul3A_81 {strides = array<i32>} : memref<288xi32, #tpu.memory_space<vmem>>, vector<16xi32>,
    %mul3A_84 = arith.constant 0 : i32
    %mul3A_85 = vector.broadcast %mul3A_84 : i32 to vector<16xi32>
    %mul3A_86 = arith.muli %iota3A, %mul3A_85 : vector<16xi32>
    %add3A_87 = vector.broadcast %mul3A_2 : i32 to vector<16xi32>
    %add3A_88 = arith.addi %mul3A_86, %add3A_87 : vector<16xi32>
    %swap3A_89 = arith.constant 64 : index
    %swap3A_90 = tpu.vector_load %arg10[%swap3A_89] {strides = array<i32>} : memref<288xi32, #tpu.memory_space<vmem>>, vector<16xi32>,
    tpu.vector_store %arg10[%swap3A_89], %add3A_88 {strides = array<i32>} : memref<288xi32, #tpu.memory_space<vmem>>, vector<16xi32>,
    %mul3A_91 = arith.constant 0 : i32
    %mul3A_92 = vector.broadcast %mul3A_91 : i32 to vector<16xi32>
    %mul3A_93 = arith.muli %iota3A, %mul3A_92 : vector<16xi32>
    %swap3A_94 = arith.constant 80 : index
    %swap3A_95 = tpu.vector_load %arg9[%swap3A_94] {strides = array<i32>} : memref<288xi32, #tpu.memory_space<vmem>>, vector<16xi32>,
    tpu.vector_store %arg9[%swap3A_94], %mul3A_93 {strides = array<i32>} : memref<288xi32, #tpu.memory_space<vmem>>, vector<16xi32>,
    %mul3A_96 = arith.constant 0 : i32
    %mul3A_97 = vector.broadcast %mul3A_96 : i32 to vector<16xi32>
    %mul3A_98 = arith.muli %iota3A, %mul3A_97 : vector<16xi32>
    %add3A_99 = vector.broadcast %mul3A_2 : i32 to vector<16xi32>
    %add3A_100 = arith.addi %mul3A_98, %add3A_99 : vector<16xi32>
    %swap3A_101 = arith.constant 80 : index
    %swap3A_102 = tpu.vector_load %arg10[%swap3A_101] {strides = array<i32>} : memref<288xi32, #tpu.memory_space<vmem>>, vector<16xi32>,
    tpu.vector_store %arg10[%swap3A_101], %add3A_100 {strides = array<i32>} : memref<288xi32, #tpu.memory_space<vmem>>, vector<16xi32>,
    %mul3A_103 = arith.constant 0 : i32
    %mul3A_104 = vector.broadcast %mul3A_103 : i32 to vector<16xi32>
    %mul3A_105 = arith.muli %iota3A, %mul3A_104 : vector<16xi32>
    %swap3A_106 = arith.constant 96 : index
    %swap3A_107 = tpu.vector_load %arg9[%swap3A_106] {strides = array<i32>} : memref<288xi32, #tpu.memory_space<vmem>>, vector<16xi32>,
    tpu.vector_store %arg9[%swap3A_106], %mul3A_105 {strides = array<i32>} : memref<288xi32, #tpu.memory_space<vmem>>, vector<16xi32>,
    %mul3A_108 = arith.constant 0 : i32
    %mul3A_109 = vector.broadcast %mul3A_108 : i32 to vector<16xi32>
    %mul3A_110 = arith.muli %iota3A, %mul3A_109 : vector<16xi32>
    %add3A_111 = vector.broadcast %mul3A_2 : i32 to vector<16xi32>
    %add3A_112 = arith.addi %mul3A_110, %add3A_111 : vector<16xi32>
    %swap3A_113 = arith.constant 96 : index
    %swap3A_114 = tpu.vector_load %arg10[%swap3A_113] {strides = array<i32>} : memref<288xi32, #tpu.memory_space<vmem>>, vector<16xi32>,
    tpu.vector_store %arg10[%swap3A_113], %add3A_112 {strides = array<i32>} : memref<288xi32, #tpu.memory_space<vmem>>, vector<16xi32>,
    %mul3A_115 = arith.constant 0 : i32
    %mul3A_116 = vector.broadcast %mul3A_115 : i32 to vector<16xi32>
    %mul3A_117 = arith.muli %iota3A, %mul3A_116 : vector<16xi32>
    %swap3A_118 = arith.constant 112 : index
    %swap3A_119 = tpu.vector_load %arg9[%swap3A_118] {strides = array<i32>} : memref<288xi32, #tpu.memory_space<vmem>>, vector<16xi32>,
    tpu.vector_store %arg9[%swap3A_118], %mul3A_117 {strides = array<i32>} : memref<288xi32, #tpu.memory_space<vmem>>, vector<16xi32>,
    %mul3A_120 = arith.constant 0 : i32
    %mul3A_121 = vector.broadcast %mul3A_120 : i32 to vector<16xi32>
    %mul3A_122 = arith.muli %iota3A, %mul3A_121 : vector<16xi32>
    %add3A_123 = vector.broadcast %mul3A_2 : i32 to vector<16xi32>
    %add3A_124 = arith.addi %mul3A_122, %add3A_123 : vector<16xi32>
    %swap3A_125 = arith.constant 112 : index
    %swap3A_126 = tpu.vector_load %arg10[%swap3A_125] {strides = array<i32>} : memref<288xi32, #tpu.memory_space<vmem>>, vector<16xi32>,
    tpu.vector_store %arg10[%swap3A_125], %add3A_124 {strides = array<i32>} : memref<288xi32, #tpu.memory_space<vmem>>, vector<16xi32>,
    %mul3A_127 = arith.constant 0 : i32
    %mul3A_128 = vector.broadcast %mul3A_127 : i32 to vector<16xi32>
    %mul3A_129 = arith.muli %iota3A, %mul3A_128 : vector<16xi32>
    %swap3A_130 = arith.constant 128 : index
    %swap3A_131 = tpu.vector_load %arg9[%swap3A_130] {strides = array<i32>} : memref<288xi32, #tpu.memory_space<vmem>>, vector<16xi32>,
    tpu.vector_store %arg9[%swap3A_130], %mul3A_129 {strides = array<i32>} : memref<288xi32, #tpu.memory_space<vmem>>, vector<16xi32>,
    %mul3A_132 = arith.constant 0 : i32
    %mul3A_133 = vector.broadcast %mul3A_132 : i32 to vector<16xi32>
    %mul3A_134 = arith.muli %iota3A, %mul3A_133 : vector<16xi32>
    %add3A_135 = vector.broadcast %mul3A_2 : i32 to vector<16xi32>
    %add3A_136 = arith.addi %mul3A_134, %add3A_135 : vector<16xi32>
    %swap3A_137 = arith.constant 128 : index
    %swap3A_138 = tpu.vector_load %arg10[%swap3A_137] {strides = array<i32>} : memref<288xi32, #tpu.memory_space<vmem>>, vector<16xi32>,
    tpu.vector_store %arg10[%swap3A_137], %add3A_136 {strides = array<i32>} : memref<288xi32, #tpu.memory_space<vmem>>, vector<16xi32>,
    %mul3A_139 = arith.constant 0 : i32
    %mul3A_140 = vector.broadcast %mul3A_139 : i32 to vector<16xi32>
    %mul3A_141 = arith.muli %iota3A, %mul3A_140 : vector<16xi32>
    %swap3A_142 = arith.constant 144 : index
    %swap3A_143 = tpu.vector_load %arg9[%swap3A_142] {strides = array<i32>} : memref<288xi32, #tpu.memory_space<vmem>>, vector<16xi32>,
    tpu.vector_store %arg9[%swap3A_142], %mul3A_141 {strides = array<i32>} : memref<288xi32, #tpu.memory_space<vmem>>, vector<16xi32>,
    %mul3A_144 = arith.constant 0 : i32
    %mul3A_145 = vector.broadcast %mul3A_144 : i32 to vector<16xi32>
    %mul3A_146 = arith.muli %iota3A, %mul3A_145 : vector<16xi32>
    %add3A_147 = vector.broadcast %mul3A_2 : i32 to vector<16xi32>
    %add3A_148 = arith.addi %mul3A_146, %add3A_147 : vector<16xi32>
    %swap3A_149 = arith.constant 144 : index
    %swap3A_150 = tpu.vector_load %arg10[%swap3A_149] {strides = array<i32>} : memref<288xi32, #tpu.memory_space<vmem>>, vector<16xi32>,
    tpu.vector_store %arg10[%swap3A_149], %add3A_148 {strides = array<i32>} : memref<288xi32, #tpu.memory_space<vmem>>, vector<16xi32>,
    %mul3A_151 = arith.constant 0 : i32
    %mul3A_152 = vector.broadcast %mul3A_151 : i32 to vector<16xi32>
    %mul3A_153 = arith.muli %iota3A, %mul3A_152 : vector<16xi32>
    %swap3A_154 = arith.constant 160 : index
    %swap3A_155 = tpu.vector_load %arg9[%swap3A_154] {strides = array<i32>} : memref<288xi32, #tpu.memory_space<vmem>>, vector<16xi32>,
    tpu.vector_store %arg9[%swap3A_154], %mul3A_153 {strides = array<i32>} : memref<288xi32, #tpu.memory_space<vmem>>, vector<16xi32>,
    %mul3A_156 = arith.constant 0 : i32
    %mul3A_157 = vector.broadcast %mul3A_156 : i32 to vector<16xi32>
    %mul3A_158 = arith.muli %iota3A, %mul3A_157 : vector<16xi32>
    %add3A_159 = vector.broadcast %mul3A_2 : i32 to vector<16xi32>
    %add3A_160 = arith.addi %mul3A_158, %add3A_159 : vector<16xi32>
    %swap3A_161 = arith.constant 160 : index
    %swap3A_162 = tpu.vector_load %arg10[%swap3A_161] {strides = array<i32>} : memref<288xi32, #tpu.memory_space<vmem>>, vector<16xi32>,
    tpu.vector_store %arg10[%swap3A_161], %add3A_160 {strides = array<i32>} : memref<288xi32, #tpu.memory_space<vmem>>, vector<16xi32>,
    %mul3A_163 = arith.constant 0 : i32
    %mul3A_164 = vector.broadcast %mul3A_163 : i32 to vector<16xi32>
    %mul3A_165 = arith.muli %iota3A, %mul3A_164 : vector<16xi32>
    %swap3A_166 = arith.constant 176 : index
    %swap3A_167 = tpu.vector_load %arg9[%swap3A_166] {strides = array<i32>} : memref<288xi32, #tpu.memory_space<vmem>>, vector<16xi32>,
    tpu.vector_store %arg9[%swap3A_166], %mul3A_165 {strides = array<i32>} : memref<288xi32, #tpu.memory_space<vmem>>, vector<16xi32>,
    %mul3A_168 = arith.constant 0 : i32
    %mul3A_169 = vector.broadcast %mul3A_168 : i32 to vector<16xi32>
    %mul3A_170 = arith.muli %iota3A, %mul3A_169 : vector<16xi32>
    %add3A_171 = vector.broadcast %mul3A_2 : i32 to vector<16xi32>
    %add3A_172 = arith.addi %mul3A_170, %add3A_171 : vector<16xi32>
    %swap3A_173 = arith.constant 176 : index
    %swap3A_174 = tpu.vector_load %arg10[%swap3A_173] {strides = array<i32>} : memref<288xi32, #tpu.memory_space<vmem>>, vector<16xi32>,
    tpu.vector_store %arg10[%swap3A_173], %add3A_172 {strides = array<i32>} : memref<288xi32, #tpu.memory_space<vmem>>, vector<16xi32>,
    %mul3A_175 = arith.constant 0 : i32
    %mul3A_176 = vector.broadcast %mul3A_175 : i32 to vector<16xi32>
    %mul3A_177 = arith.muli %iota3A, %mul3A_176 : vector<16xi32>
    %swap3A_178 = arith.constant 192 : index
    %swap3A_179 = tpu.vector_load %arg9[%swap3A_178] {strides = array<i32>} : memref<288xi32, #tpu.memory_space<vmem>>, vector<16xi32>,
    tpu.vector_store %arg9[%swap3A_178], %mul3A_177 {strides = array<i32>} : memref<288xi32, #tpu.memory_space<vmem>>, vector<16xi32>,
    %mul3A_180 = arith.constant 0 : i32
    %mul3A_181 = vector.broadcast %mul3A_180 : i32 to vector<16xi32>
    %mul3A_182 = arith.muli %iota3A, %mul3A_181 : vector<16xi32>
    %add3A_183 = vector.broadcast %mul3A_2 : i32 to vector<16xi32>
    %add3A_184 = arith.addi %mul3A_182, %add3A_183 : vector<16xi32>
    %swap3A_185 = arith.constant 192 : index
    %swap3A_186 = tpu.vector_load %arg10[%swap3A_185] {strides = array<i32>} : memref<288xi32, #tpu.memory_space<vmem>>, vector<16xi32>,
    tpu.vector_store %arg10[%swap3A_185], %add3A_184 {strides = array<i32>} : memref<288xi32, #tpu.memory_space<vmem>>, vector<16xi32>,
    %mul3A_187 = arith.constant 0 : i32
    %mul3A_188 = vector.broadcast %mul3A_187 : i32 to vector<16xi32>
    %mul3A_189 = arith.muli %iota3A, %mul3A_188 : vector<16xi32>
    %swap3A_190 = arith.constant 208 : index
    %swap3A_191 = tpu.vector_load %arg9[%swap3A_190] {strides = array<i32>} : memref<288xi32, #tpu.memory_space<vmem>>, vector<16xi32>,
    tpu.vector_store %arg9[%swap3A_190], %mul3A_189 {strides = array<i32>} : memref<288xi32, #tpu.memory_space<vmem>>, vector<16xi32>,
    %mul3A_192 = arith.constant 0 : i32
    %mul3A_193 = vector.broadcast %mul3A_192 : i32 to vector<16xi32>
    %mul3A_194 = arith.muli %iota3A, %mul3A_193 : vector<16xi32>
    %add3A_195 = vector.broadcast %mul3A_2 : i32 to vector<16xi32>
    %add3A_196 = arith.addi %mul3A_194, %add3A_195 : vector<16xi32>
    %swap3A_197 = arith.constant 208 : index
    %swap3A_198 = tpu.vector_load %arg10[%swap3A_197] {strides = array<i32>} : memref<288xi32, #tpu.memory_space<vmem>>, vector<16xi32>,
    tpu.vector_store %arg10[%swap3A_197], %add3A_196 {strides = array<i32>} : memref<288xi32, #tpu.memory_space<vmem>>, vector<16xi32>,
    %mul3A_199 = arith.constant 0 : i32
    %mul3A_200 = vector.broadcast %mul3A_199 : i32 to vector<16xi32>
    %mul3A_201 = arith.muli %iota3A, %mul3A_200 : vector<16xi32>
    %swap3A_202 = arith.constant 224 : index
    %swap3A_203 = tpu.vector_load %arg9[%swap3A_202] {strides = array<i32>} : memref<288xi32, #tpu.memory_space<vmem>>, vector<16xi32>,
    tpu.vector_store %arg9[%swap3A_202], %mul3A_201 {strides = array<i32>} : memref<288xi32, #tpu.memory_space<vmem>>, vector<16xi32>,
    %mul3A_204 = arith.constant 0 : i32
    %mul3A_205 = vector.broadcast %mul3A_204 : i32 to vector<16xi32>
    %mul3A_206 = arith.muli %iota3A, %mul3A_205 : vector<16xi32>
    %add3A_207 = vector.broadcast %mul3A_2 : i32 to vector<16xi32>
    %add3A_208 = arith.addi %mul3A_206, %add3A_207 : vector<16xi32>
    %swap3A_209 = arith.constant 224 : index
    %swap3A_210 = tpu.vector_load %arg10[%swap3A_209] {strides = array<i32>} : memref<288xi32, #tpu.memory_space<vmem>>, vector<16xi32>,
    tpu.vector_store %arg10[%swap3A_209], %add3A_208 {strides = array<i32>} : memref<288xi32, #tpu.memory_space<vmem>>, vector<16xi32>,
    %mul3A_211 = arith.constant 0 : i32
    %mul3A_212 = vector.broadcast %mul3A_211 : i32 to vector<16xi32>
    %mul3A_213 = arith.muli %iota3A, %mul3A_212 : vector<16xi32>
    %swap3A_214 = arith.constant 240 : index
    %swap3A_215 = tpu.vector_load %arg9[%swap3A_214] {strides = array<i32>} : memref<288xi32, #tpu.memory_space<vmem>>, vector<16xi32>,
    tpu.vector_store %arg9[%swap3A_214], %mul3A_213 {strides = array<i32>} : memref<288xi32, #tpu.memory_space<vmem>>, vector<16xi32>,
    %mul3A_216 = arith.constant 0 : i32
    %mul3A_217 = vector.broadcast %mul3A_216 : i32 to vector<16xi32>
    %mul3A_218 = arith.muli %iota3A, %mul3A_217 : vector<16xi32>
    %add3A_219 = vector.broadcast %mul3A_2 : i32 to vector<16xi32>
    %add3A_220 = arith.addi %mul3A_218, %add3A_219 : vector<16xi32>
    %swap3A_221 = arith.constant 240 : index
    %swap3A_222 = tpu.vector_load %arg10[%swap3A_221] {strides = array<i32>} : memref<288xi32, #tpu.memory_space<vmem>>, vector<16xi32>,
    tpu.vector_store %arg10[%swap3A_221], %add3A_220 {strides = array<i32>} : memref<288xi32, #tpu.memory_space<vmem>>, vector<16xi32>,
    %mul3A_223 = arith.constant 0 : i32
    %mul3A_224 = vector.broadcast %mul3A_223 : i32 to vector<16xi32>
    %mul3A_225 = arith.muli %iota3A, %mul3A_224 : vector<16xi32>
    %swap3A_226 = arith.constant 256 : index
    %swap3A_227 = tpu.vector_load %arg9[%swap3A_226] {strides = array<i32>} : memref<288xi32, #tpu.memory_space<vmem>>, vector<16xi32>,
    tpu.vector_store %arg9[%swap3A_226], %mul3A_225 {strides = array<i32>} : memref<288xi32, #tpu.memory_space<vmem>>, vector<16xi32>,
    %mul3A_228 = arith.constant 0 : i32
    %mul3A_229 = vector.broadcast %mul3A_228 : i32 to vector<16xi32>
    %mul3A_230 = arith.muli %iota3A, %mul3A_229 : vector<16xi32>
    %add3A_231 = vector.broadcast %mul3A_2 : i32 to vector<16xi32>
    %add3A_232 = arith.addi %mul3A_230, %add3A_231 : vector<16xi32>
    %swap3A_233 = arith.constant 256 : index
    %swap3A_234 = tpu.vector_load %arg10[%swap3A_233] {strides = array<i32>} : memref<288xi32, #tpu.memory_space<vmem>>, vector<16xi32>,
    tpu.vector_store %arg10[%swap3A_233], %add3A_232 {strides = array<i32>} : memref<288xi32, #tpu.memory_space<vmem>>, vector<16xi32>,
    %mul3A_235 = arith.constant 0 : i32
    %mul3A_236 = vector.broadcast %mul3A_235 : i32 to vector<16xi32>
    %mul3A_237 = arith.muli %iota3A, %mul3A_236 : vector<16xi32>
    %swap3A_238 = arith.constant 272 : index
    %swap3A_239 = tpu.vector_load %arg9[%swap3A_238] {strides = array<i32>} : memref<288xi32, #tpu.memory_space<vmem>>, vector<16xi32>,
    tpu.vector_store %arg9[%swap3A_238], %mul3A_237 {strides = array<i32>} : memref<288xi32, #tpu.memory_space<vmem>>, vector<16xi32>,
    %mul3A_240 = arith.constant 0 : i32
    %mul3A_241 = vector.broadcast %mul3A_240 : i32 to vector<16xi32>
    %mul3A_242 = arith.muli %iota3A, %mul3A_241 : vector<16xi32>
    %add3A_243 = vector.broadcast %mul3A_2 : i32 to vector<16xi32>
    %add3A_244 = arith.addi %mul3A_242, %add3A_243 : vector<16xi32>
    %swap3A_245 = arith.constant 272 : index
    %swap3A_246 = tpu.vector_load %arg10[%swap3A_245] {strides = array<i32>} : memref<288xi32, #tpu.memory_space<vmem>>, vector<16xi32>,
    tpu.vector_store %arg10[%swap3A_245], %add3A_244 {strides = array<i32>} : memref<288xi32, #tpu.memory_space<vmem>>, vector<16xi32>,
    %get3A = arith.constant 0 : index
    %get3A_247 = tpu.vector_load %arg6[%get3A] {strides = array<i32>} : memref<256xi32, #tpu.memory_space<vmem>>, vector<16xi32>,
    %lt3A = arith.constant 1000 : i32
    %lt3A_248 = vector.broadcast %lt3A : i32 to vector<16xi32>
    %lt3A_249 = arith.cmpi slt, %get3A_247, %lt3A_248 : vector<16xi32>
    %convert_element_type3A = arith.extui %lt3A_249 : vector<16xi1> to vector<16xi32>
    %broadcast_in_dim3A = arith.constant true
    %broadcast_in_dim3A_250 = vector.broadcast %broadcast_in_dim3A : i1 to vector<16xi1>
    %masked_cumsum3A = tpu.scan <sum>, %convert_element_type3A masked %broadcast_in_dim3A_250 : vector<16xi32>, vector<16xi1> -> vector<16xi32>
    %add3A_251 = arith.constant 0 : i32
    %add3A_252 = vector.broadcast %add3A_251 : i32 to vector<16xi32>
    %add3A_253 = arith.addi %add3A_252, %masked_cumsum3A : vector<16xi32>
    %sub3A = arith.constant 1 : i32
    %sub3A_254 = vector.broadcast %sub3A : i32 to vector<16xi32>
    %sub3A_255 = arith.subi %add3A_253, %sub3A_254 : vector<16xi32>
    %max3A = arith.constant 0 : i32
    %max3A_256 = vector.broadcast %max3A : i32 to vector<16xi32>
    %max3A_257 = arith.maxsi %sub3A_255, %max3A_256 : vector<16xi32>
    %add3A_258 = arith.constant 272 : i32
    %add3A_259 = vector.broadcast %add3A_258 : i32 to vector<16xi32>
    %add3A_260 = arith.addi %add3A_259, %iota3A : vector<16xi32>
    %select_n3A = arith.select %lt3A_249, %max3A_257, %add3A_260 : vector<16xi1>, vector<16xi32>
    tpu.vector_store_idx %arg9[%select_n3A], %get3A_247 masked %lt3A_249 : memref<288xi32, #tpu.memory_space<vmem>>[vector<16xi32>], vector<16xi32>, vector<16xi1>
    %add3A_261 = arith.constant 0 : i32
    %add3A_262 = arith.addi %mul3A_2, %add3A_261 : i32
    %add3A_263 = vector.broadcast %add3A_262 : i32 to vector<16xi32>
    %add3A_264 = arith.addi %add3A_263, %iota3A : vector<16xi32>
    tpu.vector_store_idx %arg10[%select_n3A], %add3A_264 masked %lt3A_249 : memref<288xi32, #tpu.memory_space<vmem>>[vector<16xi32>], vector<16xi32>, vector<16xi1>
    %all_reduce_population_count3A = tpu.all_reduce %lt3A_249 {dim = 0 : i64, kind = #tpu.reduction_kind<sum>} : vector<16xi1> -> vector<16xi32>
    %slice3A = vector.extract_strided_slice %all_reduce_population_count3A {offsets = [0], sizes = [1], strides = [1]} : vector<16xi32> to vector<1xi32>
    %squeeze3A = vector.extract %slice3A[0] : i32 from vector<1xi32>
    %add3A_265 = arith.constant 0 : i32
    %add3A_266 = arith.addi %add3A_265, %squeeze3A : i32
    %get3A_267 = arith.constant 16 : index
    %get3A_268 = tpu.vector_load %arg6[%get3A_267] {strides = array<i32>} : memref<256xi32, #tpu.memory_space<vmem>>, vector<16xi32>,
    %lt3A_269 = arith.constant 1000 : i32
    %lt3A_270 = vector.broadcast %lt3A_269 : i32 to vector<16xi32>
    %lt3A_271 = arith.cmpi slt, %get3A_268, %lt3A_270 : vector<16xi32>
    %convert_element_type3A_272 = arith.extui %lt3A_271 : vector<16xi1> to vector<16xi32>
    %broadcast_in_dim3A_273 = arith.constant true
    %broadcast_in_dim3A_274 = vector.broadcast %broadcast_in_dim3A_273 : i1 to vector<16xi1>
    %masked_cumsum3A_275 = tpu.scan <sum>, %convert_element_type3A_272 masked %broadcast_in_dim3A_274 : vector<16xi32>, vector<16xi1> -> vector<16xi32>
    %add3A_276 = vector.broadcast %add3A_266 : i32 to vector<16xi32>
    %add3A_277 = arith.addi %add3A_276, %masked_cumsum3A_275 : vector<16xi32>
    %sub3A_278 = arith.constant 1 : i32
    %sub3A_279 = vector.broadcast %sub3A_278 : i32 to vector<16xi32>
    %sub3A_280 = arith.subi %add3A_277, %sub3A_279 : vector<16xi32>
    %max3A_281 = arith.constant 0 : i32
    %max3A_282 = vector.broadcast %max3A_281 : i32 to vector<16xi32>
    %max3A_283 = arith.maxsi %sub3A_280, %max3A_282 : vector<16xi32>
    %add3A_284 = arith.constant 272 : i32
    %add3A_285 = vector.broadcast %add3A_284 : i32 to vector<16xi32>
    %add3A_286 = arith.addi %add3A_285, %iota3A : vector<16xi32>
    %select_n3A_287 = arith.select %lt3A_271, %max3A_283, %add3A_286 : vector<16xi1>, vector<16xi32>
    tpu.vector_store_idx %arg9[%select_n3A_287], %get3A_268 masked %lt3A_271 : memref<288xi32, #tpu.memory_space<vmem>>[vector<16xi32>], vector<16xi32>, vector<16xi1>
    %add3A_288 = arith.constant 16 : i32
    %add3A_289 = arith.addi %mul3A_2, %add3A_288 : i32
    %add3A_290 = vector.broadcast %add3A_289 : i32 to vector<16xi32>
    %add3A_291 = arith.addi %add3A_290, %iota3A : vector<16xi32>
    tpu.vector_store_idx %arg10[%select_n3A_287], %add3A_291 masked %lt3A_271 : memref<288xi32, #tpu.memory_space<vmem>>[vector<16xi32>], vector<16xi32>, vector<16xi1>
    %all_reduce_population_count3A_292 = tpu.all_reduce %lt3A_271 {dim = 0 : i64, kind = #tpu.reduction_kind<sum>} : vector<16xi1> -> vector<16xi32>
    %slice3A_293 = vector.extract_strided_slice %all_reduce_population_count3A_292 {offsets = [0], sizes = [1], strides = [1]} : vector<16xi32> to vector<1xi32>
    %squeeze3A_294 = vector.extract %slice3A_293[0] : i32 from vector<1xi32>
    %add3A_295 = arith.addi %add3A_266, %squeeze3A_294 : i32
    %get3A_296 = arith.constant 32 : index
    %get3A_297 = tpu.vector_load %arg6[%get3A_296] {strides = array<i32>} : memref<256xi32, #tpu.memory_space<vmem>>, vector<16xi32>,
    %lt3A_298 = arith.constant 1000 : i32
    %lt3A_299 = vector.broadcast %lt3A_298 : i32 to vector<16xi32>
    %lt3A_300 = arith.cmpi slt, %get3A_297, %lt3A_299 : vector<16xi32>
    %convert_element_type3A_301 = arith.extui %lt3A_300 : vector<16xi1> to vector<16xi32>
    %broadcast_in_dim3A_302 = arith.constant true
    %broadcast_in_dim3A_303 = vector.broadcast %broadcast_in_dim3A_302 : i1 to vector<16xi1>
    %masked_cumsum3A_304 = tpu.scan <sum>, %convert_element_type3A_301 masked %broadcast_in_dim3A_303 : vector<16xi32>, vector<16xi1> -> vector<16xi32>
    %add3A_305 = vector.broadcast %add3A_295 : i32 to vector<16xi32>
    %add3A_306 = arith.addi %add3A_305, %masked_cumsum3A_304 : vector<16xi32>
    %sub3A_307 = arith.constant 1 : i32
    %sub3A_308 = vector.broadcast %sub3A_307 : i32 to vector<16xi32>
    %sub3A_309 = arith.subi %add3A_306, %sub3A_308 : vector<16xi32>
    %max3A_310 = arith.constant 0 : i32
    %max3A_311 = vector.broadcast %max3A_310 : i32 to vector<16xi32>
    %max3A_312 = arith.maxsi %sub3A_309, %max3A_311 : vector<16xi32>
    %add3A_313 = arith.constant 272 : i32
    %add3A_314 = vector.broadcast %add3A_313 : i32 to vector<16xi32>
    %add3A_315 = arith.addi %add3A_314, %iota3A : vector<16xi32>
    %select_n3A_316 = arith.select %lt3A_300, %max3A_312, %add3A_315 : vector<16xi1>, vector<16xi32>
    tpu.vector_store_idx %arg9[%select_n3A_316], %get3A_297 masked %lt3A_300 : memref<288xi32, #tpu.memory_space<vmem>>[vector<16xi32>], vector<16xi32>, vector<16xi1>
    %add3A_317 = arith.constant 32 : i32
    %add3A_318 = arith.addi %mul3A_2, %add3A_317 : i32
    %add3A_319 = vector.broadcast %add3A_318 : i32 to vector<16xi32>
    %add3A_320 = arith.addi %add3A_319, %iota3A : vector<16xi32>
    tpu.vector_store_idx %arg10[%select_n3A_316], %add3A_320 masked %lt3A_300 : memref<288xi32, #tpu.memory_space<vmem>>[vector<16xi32>], vector<16xi32>, vector<16xi1>
    %all_reduce_population_count3A_321 = tpu.all_reduce %lt3A_300 {dim = 0 : i64, kind = #tpu.reduction_kind<sum>} : vector<16xi1> -> vector<16xi32>
    %slice3A_322 = vector.extract_strided_slice %all_reduce_population_count3A_321 {offsets = [0], sizes = [1], strides = [1]} : vector<16xi32> to vector<1xi32>
    %squeeze3A_323 = vector.extract %slice3A_322[0] : i32 from vector<1xi32>
    %add3A_324 = arith.addi %add3A_295, %squeeze3A_323 : i32
    %get3A_325 = arith.constant 48 : index
    %get3A_326 = tpu.vector_load %arg6[%get3A_325] {strides = array<i32>} : memref<256xi32, #tpu.memory_space<vmem>>, vector<16xi32>,
    %lt3A_327 = arith.constant 1000 : i32
    %lt3A_328 = vector.broadcast %lt3A_327 : i32 to vector<16xi32>
    %lt3A_329 = arith.cmpi slt, %get3A_326, %lt3A_328 : vector<16xi32>
    %convert_element_type3A_330 = arith.extui %lt3A_329 : vector<16xi1> to vector<16xi32>
    %broadcast_in_dim3A_331 = arith.constant true
    %broadcast_in_dim3A_332 = vector.broadcast %broadcast_in_dim3A_331 : i1 to vector<16xi1>
    %masked_cumsum3A_333 = tpu.scan <sum>, %convert_element_type3A_330 masked %broadcast_in_dim3A_332 : vector<16xi32>, vector<16xi1> -> vector<16xi32>
    %add3A_334 = vector.broadcast %add3A_324 : i32 to vector<16xi32>
    %add3A_335 = arith.addi %add3A_334, %masked_cumsum3A_333 : vector<16xi32>
    %sub3A_336 = arith.constant 1 : i32
    %sub3A_337 = vector.broadcast %sub3A_336 : i32 to vector<16xi32>
    %sub3A_338 = arith.subi %add3A_335, %sub3A_337 : vector<16xi32>
    %max3A_339 = arith.constant 0 : i32
    %max3A_340 = vector.broadcast %max3A_339 : i32 to vector<16xi32>
    %max3A_341 = arith.maxsi %sub3A_338, %max3A_340 : vector<16xi32>
    %add3A_342 = arith.constant 272 : i32
    %add3A_343 = vector.broadcast %add3A_342 : i32 to vector<16xi32>
    %add3A_344 = arith.addi %add3A_343, %iota3A : vector<16xi32>
    %select_n3A_345 = arith.select %lt3A_329, %max3A_341, %add3A_344 : vector<16xi1>, vector<16xi32>
    tpu.vector_store_idx %arg9[%select_n3A_345], %get3A_326 masked %lt3A_329 : memref<288xi32, #tpu.memory_space<vmem>>[vector<16xi32>], vector<16xi32>, vector<16xi1>
    %add3A_346 = arith.constant 48 : i32
    %add3A_347 = arith.addi %mul3A_2, %add3A_346 : i32
    %add3A_348 = vector.broadcast %add3A_347 : i32 to vector<16xi32>
    %add3A_349 = arith.addi %add3A_348, %iota3A : vector<16xi32>
    tpu.vector_store_idx %arg10[%select_n3A_345], %add3A_349 masked %lt3A_329 : memref<288xi32, #tpu.memory_space<vmem>>[vector<16xi32>], vector<16xi32>, vector<16xi1>
    %all_reduce_population_count3A_350 = tpu.all_reduce %lt3A_329 {dim = 0 : i64, kind = #tpu.reduction_kind<sum>} : vector<16xi1> -> vector<16xi32>
    %slice3A_351 = vector.extract_strided_slice %all_reduce_population_count3A_350 {offsets = [0], sizes = [1], strides = [1]} : vector<16xi32> to vector<1xi32>
    %squeeze3A_352 = vector.extract %slice3A_351[0] : i32 from vector<1xi32>
    %add3A_353 = arith.addi %add3A_324, %squeeze3A_352 : i32
    %get3A_354 = arith.constant 64 : index
    %get3A_355 = tpu.vector_load %arg6[%get3A_354] {strides = array<i32>} : memref<256xi32, #tpu.memory_space<vmem>>, vector<16xi32>,
    %lt3A_356 = arith.constant 1000 : i32
    %lt3A_357 = vector.broadcast %lt3A_356 : i32 to vector<16xi32>
    %lt3A_358 = arith.cmpi slt, %get3A_355, %lt3A_357 : vector<16xi32>
    %convert_element_type3A_359 = arith.extui %lt3A_358 : vector<16xi1> to vector<16xi32>
    %broadcast_in_dim3A_360 = arith.constant true
    %broadcast_in_dim3A_361 = vector.broadcast %broadcast_in_dim3A_360 : i1 to vector<16xi1>
    %masked_cumsum3A_362 = tpu.scan <sum>, %convert_element_type3A_359 masked %broadcast_in_dim3A_361 : vector<16xi32>, vector<16xi1> -> vector<16xi32>
    %add3A_363 = vector.broadcast %add3A_353 : i32 to vector<16xi32>
    %add3A_364 = arith.addi %add3A_363, %masked_cumsum3A_362 : vector<16xi32>
    %sub3A_365 = arith.constant 1 : i32
    %sub3A_366 = vector.broadcast %sub3A_365 : i32 to vector<16xi32>
    %sub3A_367 = arith.subi %add3A_364, %sub3A_366 : vector<16xi32>
    %max3A_368 = arith.constant 0 : i32
    %max3A_369 = vector.broadcast %max3A_368 : i32 to vector<16xi32>
    %max3A_370 = arith.maxsi %sub3A_367, %max3A_369 : vector<16xi32>
    %add3A_371 = arith.constant 272 : i32
    %add3A_372 = vector.broadcast %add3A_371 : i32 to vector<16xi32>
    %add3A_373 = arith.addi %add3A_372, %iota3A : vector<16xi32>
    %select_n3A_374 = arith.select %lt3A_358, %max3A_370, %add3A_373 : vector<16xi1>, vector<16xi32>
    tpu.vector_store_idx %arg9[%select_n3A_374], %get3A_355 masked %lt3A_358 : memref<288xi32, #tpu.memory_space<vmem>>[vector<16xi32>], vector<16xi32>, vector<16xi1>
    %add3A_375 = arith.constant 64 : i32
    %add3A_376 = arith.addi %mul3A_2, %add3A_375 : i32
    %add3A_377 = vector.broadcast %add3A_376 : i32 to vector<16xi32>
    %add3A_378 = arith.addi %add3A_377, %iota3A : vector<16xi32>
    tpu.vector_store_idx %arg10[%select_n3A_374], %add3A_378 masked %lt3A_358 : memref<288xi32, #tpu.memory_space<vmem>>[vector<16xi32>], vector<16xi32>, vector<16xi1>
    %all_reduce_population_count3A_379 = tpu.all_reduce %lt3A_358 {dim = 0 : i64, kind = #tpu.reduction_kind<sum>} : vector<16xi1> -> vector<16xi32>
    %slice3A_380 = vector.extract_strided_slice %all_reduce_population_count3A_379 {offsets = [0], sizes = [1], strides = [1]} : vector<16xi32> to vector<1xi32>
    %squeeze3A_381 = vector.extract %slice3A_380[0] : i32 from vector<1xi32>
    %add3A_382 = arith.addi %add3A_353, %squeeze3A_381 : i32
    %get3A_383 = arith.constant 80 : index
    %get3A_384 = tpu.vector_load %arg6[%get3A_383] {strides = array<i32>} : memref<256xi32, #tpu.memory_space<vmem>>, vector<16xi32>,
    %lt3A_385 = arith.constant 1000 : i32
    %lt3A_386 = vector.broadcast %lt3A_385 : i32 to vector<16xi32>
    %lt3A_387 = arith.cmpi slt, %get3A_384, %lt3A_386 : vector<16xi32>
    %convert_element_type3A_388 = arith.extui %lt3A_387 : vector<16xi1> to vector<16xi32>
    %broadcast_in_dim3A_389 = arith.constant true
    %broadcast_in_dim3A_390 = vector.broadcast %broadcast_in_dim3A_389 : i1 to vector<16xi1>
    %masked_cumsum3A_391 = tpu.scan <sum>, %convert_element_type3A_388 masked %broadcast_in_dim3A_390 : vector<16xi32>, vector<16xi1> -> vector<16xi32>
    %add3A_392 = vector.broadcast %add3A_382 : i32 to vector<16xi32>
    %add3A_393 = arith.addi %add3A_392, %masked_cumsum3A_391 : vector<16xi32>
    %sub3A_394 = arith.constant 1 : i32
    %sub3A_395 = vector.broadcast %sub3A_394 : i32 to vector<16xi32>
    %sub3A_396 = arith.subi %add3A_393, %sub3A_395 : vector<16xi32>
    %max3A_397 = arith.constant 0 : i32
    %max3A_398 = vector.broadcast %max3A_397 : i32 to vector<16xi32>
    %max3A_399 = arith.maxsi %sub3A_396, %max3A_398 : vector<16xi32>
    %add3A_400 = arith.constant 272 : i32
    %add3A_401 = vector.broadcast %add3A_400 : i32 to vector<16xi32>
    %add3A_402 = arith.addi %add3A_401, %iota3A : vector<16xi32>
    %select_n3A_403 = arith.select %lt3A_387, %max3A_399, %add3A_402 : vector<16xi1>, vector<16xi32>
    tpu.vector_store_idx %arg9[%select_n3A_403], %get3A_384 masked %lt3A_387 : memref<288xi32, #tpu.memory_space<vmem>>[vector<16xi32>], vector<16xi32>, vector<16xi1>
    %add3A_404 = arith.constant 80 : i32
    %add3A_405 = arith.addi %mul3A_2, %add3A_404 : i32
    %add3A_406 = vector.broadcast %add3A_405 : i32 to vector<16xi32>
    %add3A_407 = arith.addi %add3A_406, %iota3A : vector<16xi32>
    tpu.vector_store_idx %arg10[%select_n3A_403], %add3A_407 masked %lt3A_387 : memref<288xi32, #tpu.memory_space<vmem>>[vector<16xi32>], vector<16xi32>, vector<16xi1>
    %all_reduce_population_count3A_408 = tpu.all_reduce %lt3A_387 {dim = 0 : i64, kind = #tpu.reduction_kind<sum>} : vector<16xi1> -> vector<16xi32>
    %slice3A_409 = vector.extract_strided_slice %all_reduce_population_count3A_408 {offsets = [0], sizes = [1], strides = [1]} : vector<16xi32> to vector<1xi32>
    %squeeze3A_410 = vector.extract %slice3A_409[0] : i32 from vector<1xi32>
    %add3A_411 = arith.addi %add3A_382, %squeeze3A_410 : i32
    %get3A_412 = arith.constant 96 : index
    %get3A_413 = tpu.vector_load %arg6[%get3A_412] {strides = array<i32>} : memref<256xi32, #tpu.memory_space<vmem>>, vector<16xi32>,
    %lt3A_414 = arith.constant 1000 : i32
    %lt3A_415 = vector.broadcast %lt3A_414 : i32 to vector<16xi32>
    %lt3A_416 = arith.cmpi slt, %get3A_413, %lt3A_415 : vector<16xi32>
    %convert_element_type3A_417 = arith.extui %lt3A_416 : vector<16xi1> to vector<16xi32>
    %broadcast_in_dim3A_418 = arith.constant true
    %broadcast_in_dim3A_419 = vector.broadcast %broadcast_in_dim3A_418 : i1 to vector<16xi1>
    %masked_cumsum3A_420 = tpu.scan <sum>, %convert_element_type3A_417 masked %broadcast_in_dim3A_419 : vector<16xi32>, vector<16xi1> -> vector<16xi32>
    %add3A_421 = vector.broadcast %add3A_411 : i32 to vector<16xi32>
    %add3A_422 = arith.addi %add3A_421, %masked_cumsum3A_420 : vector<16xi32>
    %sub3A_423 = arith.constant 1 : i32
    %sub3A_424 = vector.broadcast %sub3A_423 : i32 to vector<16xi32>
    %sub3A_425 = arith.subi %add3A_422, %sub3A_424 : vector<16xi32>
    %max3A_426 = arith.constant 0 : i32
    %max3A_427 = vector.broadcast %max3A_426 : i32 to vector<16xi32>
    %max3A_428 = arith.maxsi %sub3A_425, %max3A_427 : vector<16xi32>
    %add3A_429 = arith.constant 272 : i32
    %add3A_430 = vector.broadcast %add3A_429 : i32 to vector<16xi32>
    %add3A_431 = arith.addi %add3A_430, %iota3A : vector<16xi32>
    %select_n3A_432 = arith.select %lt3A_416, %max3A_428, %add3A_431 : vector<16xi1>, vector<16xi32>
    tpu.vector_store_idx %arg9[%select_n3A_432], %get3A_413 masked %lt3A_416 : memref<288xi32, #tpu.memory_space<vmem>>[vector<16xi32>], vector<16xi32>, vector<16xi1>
    %add3A_433 = arith.constant 96 : i32
    %add3A_434 = arith.addi %mul3A_2, %add3A_433 : i32
    %add3A_435 = vector.broadcast %add3A_434 : i32 to vector<16xi32>
    %add3A_436 = arith.addi %add3A_435, %iota3A : vector<16xi32>
    tpu.vector_store_idx %arg10[%select_n3A_432], %add3A_436 masked %lt3A_416 : memref<288xi32, #tpu.memory_space<vmem>>[vector<16xi32>], vector<16xi32>, vector<16xi1>
    %all_reduce_population_count3A_437 = tpu.all_reduce %lt3A_416 {dim = 0 : i64, kind = #tpu.reduction_kind<sum>} : vector<16xi1> -> vector<16xi32>
    %slice3A_438 = vector.extract_strided_slice %all_reduce_population_count3A_437 {offsets = [0], sizes = [1], strides = [1]} : vector<16xi32> to vector<1xi32>
    %squeeze3A_439 = vector.extract %slice3A_438[0] : i32 from vector<1xi32>
    %add3A_440 = arith.addi %add3A_411, %squeeze3A_439 : i32
    %get3A_441 = arith.constant 112 : index
    %get3A_442 = tpu.vector_load %arg6[%get3A_441] {strides = array<i32>} : memref<256xi32, #tpu.memory_space<vmem>>, vector<16xi32>,
    %lt3A_443 = arith.constant 1000 : i32
    %lt3A_444 = vector.broadcast %lt3A_443 : i32 to vector<16xi32>
    %lt3A_445 = arith.cmpi slt, %get3A_442, %lt3A_444 : vector<16xi32>
    %convert_element_type3A_446 = arith.extui %lt3A_445 : vector<16xi1> to vector<16xi32>
    %broadcast_in_dim3A_447 = arith.constant true
    %broadcast_in_dim3A_448 = vector.broadcast %broadcast_in_dim3A_447 : i1 to vector<16xi1>
    %masked_cumsum3A_449 = tpu.scan <sum>, %convert_element_type3A_446 masked %broadcast_in_dim3A_448 : vector<16xi32>, vector<16xi1> -> vector<16xi32>
    %add3A_450 = vector.broadcast %add3A_440 : i32 to vector<16xi32>
    %add3A_451 = arith.addi %add3A_450, %masked_cumsum3A_449 : vector<16xi32>
    %sub3A_452 = arith.constant 1 : i32
    %sub3A_453 = vector.broadcast %sub3A_452 : i32 to vector<16xi32>
    %sub3A_454 = arith.subi %add3A_451, %sub3A_453 : vector<16xi32>
    %max3A_455 = arith.constant 0 : i32
    %max3A_456 = vector.broadcast %max3A_455 : i32 to vector<16xi32>
    %max3A_457 = arith.maxsi %sub3A_454, %max3A_456 : vector<16xi32>
    %add3A_458 = arith.constant 272 : i32
    %add3A_459 = vector.broadcast %add3A_458 : i32 to vector<16xi32>
    %add3A_460 = arith.addi %add3A_459, %iota3A : vector<16xi32>
    %select_n3A_461 = arith.select %lt3A_445, %max3A_457, %add3A_460 : vector<16xi1>, vector<16xi32>
    tpu.vector_store_idx %arg9[%select_n3A_461], %get3A_442 masked %lt3A_445 : memref<288xi32, #tpu.memory_space<vmem>>[vector<16xi32>], vector<16xi32>, vector<16xi1>
    %add3A_462 = arith.constant 112 : i32
    %add3A_463 = arith.addi %mul3A_2, %add3A_462 : i32
    %add3A_464 = vector.broadcast %add3A_463 : i32 to vector<16xi32>
    %add3A_465 = arith.addi %add3A_464, %iota3A : vector<16xi32>
    tpu.vector_store_idx %arg10[%select_n3A_461], %add3A_465 masked %lt3A_445 : memref<288xi32, #tpu.memory_space<vmem>>[vector<16xi32>], vector<16xi32>, vector<16xi1>
    %all_reduce_population_count3A_466 = tpu.all_reduce %lt3A_445 {dim = 0 : i64, kind = #tpu.reduction_kind<sum>} : vector<16xi1> -> vector<16xi32>
    %slice3A_467 = vector.extract_strided_slice %all_reduce_population_count3A_466 {offsets = [0], sizes = [1], strides = [1]} : vector<16xi32> to vector<1xi32>
    %squeeze3A_468 = vector.extract %slice3A_467[0] : i32 from vector<1xi32>
    %add3A_469 = arith.addi %add3A_440, %squeeze3A_468 : i32
    %get3A_470 = arith.constant 128 : index
    %get3A_471 = tpu.vector_load %arg6[%get3A_470] {strides = array<i32>} : memref<256xi32, #tpu.memory_space<vmem>>, vector<16xi32>,
    %lt3A_472 = arith.constant 1000 : i32
    %lt3A_473 = vector.broadcast %lt3A_472 : i32 to vector<16xi32>
    %lt3A_474 = arith.cmpi slt, %get3A_471, %lt3A_473 : vector<16xi32>
    %convert_element_type3A_475 = arith.extui %lt3A_474 : vector<16xi1> to vector<16xi32>
    %broadcast_in_dim3A_476 = arith.constant true
    %broadcast_in_dim3A_477 = vector.broadcast %broadcast_in_dim3A_476 : i1 to vector<16xi1>
    %masked_cumsum3A_478 = tpu.scan <sum>, %convert_element_type3A_475 masked %broadcast_in_dim3A_477 : vector<16xi32>, vector<16xi1> -> vector<16xi32>
    %add3A_479 = vector.broadcast %add3A_469 : i32 to vector<16xi32>
    %add3A_480 = arith.addi %add3A_479, %masked_cumsum3A_478 : vector<16xi32>
    %sub3A_481 = arith.constant 1 : i32
    %sub3A_482 = vector.broadcast %sub3A_481 : i32 to vector<16xi32>
    %sub3A_483 = arith.subi %add3A_480, %sub3A_482 : vector<16xi32>
    %max3A_484 = arith.constant 0 : i32
    %max3A_485 = vector.broadcast %max3A_484 : i32 to vector<16xi32>
    %max3A_486 = arith.maxsi %sub3A_483, %max3A_485 : vector<16xi32>
    %add3A_487 = arith.constant 272 : i32
    %add3A_488 = vector.broadcast %add3A_487 : i32 to vector<16xi32>
    %add3A_489 = arith.addi %add3A_488, %iota3A : vector<16xi32>
    %select_n3A_490 = arith.select %lt3A_474, %max3A_486, %add3A_489 : vector<16xi1>, vector<16xi32>
    tpu.vector_store_idx %arg9[%select_n3A_490], %get3A_471 masked %lt3A_474 : memref<288xi32, #tpu.memory_space<vmem>>[vector<16xi32>], vector<16xi32>, vector<16xi1>
    %add3A_491 = arith.constant 128 : i32
    %add3A_492 = arith.addi %mul3A_2, %add3A_491 : i32
    %add3A_493 = vector.broadcast %add3A_492 : i32 to vector<16xi32>
    %add3A_494 = arith.addi %add3A_493, %iota3A : vector<16xi32>
    tpu.vector_store_idx %arg10[%select_n3A_490], %add3A_494 masked %lt3A_474 : memref<288xi32, #tpu.memory_space<vmem>>[vector<16xi32>], vector<16xi32>, vector<16xi1>
    %all_reduce_population_count3A_495 = tpu.all_reduce %lt3A_474 {dim = 0 : i64, kind = #tpu.reduction_kind<sum>} : vector<16xi1> -> vector<16xi32>
    %slice3A_496 = vector.extract_strided_slice %all_reduce_population_count3A_495 {offsets = [0], sizes = [1], strides = [1]} : vector<16xi32> to vector<1xi32>
    %squeeze3A_497 = vector.extract %slice3A_496[0] : i32 from vector<1xi32>
    %add3A_498 = arith.addi %add3A_469, %squeeze3A_497 : i32
    %get3A_499 = arith.constant 144 : index
    %get3A_500 = tpu.vector_load %arg6[%get3A_499] {strides = array<i32>} : memref<256xi32, #tpu.memory_space<vmem>>, vector<16xi32>,
    %lt3A_501 = arith.constant 1000 : i32
    %lt3A_502 = vector.broadcast %lt3A_501 : i32 to vector<16xi32>
    %lt3A_503 = arith.cmpi slt, %get3A_500, %lt3A_502 : vector<16xi32>
    %convert_element_type3A_504 = arith.extui %lt3A_503 : vector<16xi1> to vector<16xi32>
    %broadcast_in_dim3A_505 = arith.constant true
    %broadcast_in_dim3A_506 = vector.broadcast %broadcast_in_dim3A_505 : i1 to vector<16xi1>
    %masked_cumsum3A_507 = tpu.scan <sum>, %convert_element_type3A_504 masked %broadcast_in_dim3A_506 : vector<16xi32>, vector<16xi1> -> vector<16xi32>
    %add3A_508 = vector.broadcast %add3A_498 : i32 to vector<16xi32>
    %add3A_509 = arith.addi %add3A_508, %masked_cumsum3A_507 : vector<16xi32>
    %sub3A_510 = arith.constant 1 : i32
    %sub3A_511 = vector.broadcast %sub3A_510 : i32 to vector<16xi32>
    %sub3A_512 = arith.subi %add3A_509, %sub3A_511 : vector<16xi32>
    %max3A_513 = arith.constant 0 : i32
    %max3A_514 = vector.broadcast %max3A_513 : i32 to vector<16xi32>
    %max3A_515 = arith.maxsi %sub3A_512, %max3A_514 : vector<16xi32>
    %add3A_516 = arith.constant 272 : i32
    %add3A_517 = vector.broadcast %add3A_516 : i32 to vector<16xi32>
    %add3A_518 = arith.addi %add3A_517, %iota3A : vector<16xi32>
    %select_n3A_519 = arith.select %lt3A_503, %max3A_515, %add3A_518 : vector<16xi1>, vector<16xi32>
    tpu.vector_store_idx %arg9[%select_n3A_519], %get3A_500 masked %lt3A_503 : memref<288xi32, #tpu.memory_space<vmem>>[vector<16xi32>], vector<16xi32>, vector<16xi1>
    %add3A_520 = arith.constant 144 : i32
    %add3A_521 = arith.addi %mul3A_2, %add3A_520 : i32
    %add3A_522 = vector.broadcast %add3A_521 : i32 to vector<16xi32>
    %add3A_523 = arith.addi %add3A_522, %iota3A : vector<16xi32>
    tpu.vector_store_idx %arg10[%select_n3A_519], %add3A_523 masked %lt3A_503 : memref<288xi32, #tpu.memory_space<vmem>>[vector<16xi32>], vector<16xi32>, vector<16xi1>
    %all_reduce_population_count3A_524 = tpu.all_reduce %lt3A_503 {dim = 0 : i64, kind = #tpu.reduction_kind<sum>} : vector<16xi1> -> vector<16xi32>
    %slice3A_525 = vector.extract_strided_slice %all_reduce_population_count3A_524 {offsets = [0], sizes = [1], strides = [1]} : vector<16xi32> to vector<1xi32>
    %squeeze3A_526 = vector.extract %slice3A_525[0] : i32 from vector<1xi32>
    %add3A_527 = arith.addi %add3A_498, %squeeze3A_526 : i32
    %get3A_528 = arith.constant 160 : index
    %get3A_529 = tpu.vector_load %arg6[%get3A_528] {strides = array<i32>} : memref<256xi32, #tpu.memory_space<vmem>>, vector<16xi32>,
    %lt3A_530 = arith.constant 1000 : i32
    %lt3A_531 = vector.broadcast %lt3A_530 : i32 to vector<16xi32>
    %lt3A_532 = arith.cmpi slt, %get3A_529, %lt3A_531 : vector<16xi32>
    %convert_element_type3A_533 = arith.extui %lt3A_532 : vector<16xi1> to vector<16xi32>
    %broadcast_in_dim3A_534 = arith.constant true
    %broadcast_in_dim3A_535 = vector.broadcast %broadcast_in_dim3A_534 : i1 to vector<16xi1>
    %masked_cumsum3A_536 = tpu.scan <sum>, %convert_element_type3A_533 masked %broadcast_in_dim3A_535 : vector<16xi32>, vector<16xi1> -> vector<16xi32>
    %add3A_537 = vector.broadcast %add3A_527 : i32 to vector<16xi32>
    %add3A_538 = arith.addi %add3A_537, %masked_cumsum3A_536 : vector<16xi32>
    %sub3A_539 = arith.constant 1 : i32
    %sub3A_540 = vector.broadcast %sub3A_539 : i32 to vector<16xi32>
    %sub3A_541 = arith.subi %add3A_538, %sub3A_540 : vector<16xi32>
    %max3A_542 = arith.constant 0 : i32
    %max3A_543 = vector.broadcast %max3A_542 : i32 to vector<16xi32>
    %max3A_544 = arith.maxsi %sub3A_541, %max3A_543 : vector<16xi32>
    %add3A_545 = arith.constant 272 : i32
    %add3A_546 = vector.broadcast %add3A_545 : i32 to vector<16xi32>
    %add3A_547 = arith.addi %add3A_546, %iota3A : vector<16xi32>
    %select_n3A_548 = arith.select %lt3A_532, %max3A_544, %add3A_547 : vector<16xi1>, vector<16xi32>
    tpu.vector_store_idx %arg9[%select_n3A_548], %get3A_529 masked %lt3A_532 : memref<288xi32, #tpu.memory_space<vmem>>[vector<16xi32>], vector<16xi32>, vector<16xi1>
    %add3A_549 = arith.constant 160 : i32
    %add3A_550 = arith.addi %mul3A_2, %add3A_549 : i32
    %add3A_551 = vector.broadcast %add3A_550 : i32 to vector<16xi32>
    %add3A_552 = arith.addi %add3A_551, %iota3A : vector<16xi32>
    tpu.vector_store_idx %arg10[%select_n3A_548], %add3A_552 masked %lt3A_532 : memref<288xi32, #tpu.memory_space<vmem>>[vector<16xi32>], vector<16xi32>, vector<16xi1>
    %all_reduce_population_count3A_553 = tpu.all_reduce %lt3A_532 {dim = 0 : i64, kind = #tpu.reduction_kind<sum>} : vector<16xi1> -> vector<16xi32>
    %slice3A_554 = vector.extract_strided_slice %all_reduce_population_count3A_553 {offsets = [0], sizes = [1], strides = [1]} : vector<16xi32> to vector<1xi32>
    %squeeze3A_555 = vector.extract %slice3A_554[0] : i32 from vector<1xi32>
    %add3A_556 = arith.addi %add3A_527, %squeeze3A_555 : i32
    %get3A_557 = arith.constant 176 : index
    %get3A_558 = tpu.vector_load %arg6[%get3A_557] {strides = array<i32>} : memref<256xi32, #tpu.memory_space<vmem>>, vector<16xi32>,
    %lt3A_559 = arith.constant 1000 : i32
    %lt3A_560 = vector.broadcast %lt3A_559 : i32 to vector<16xi32>
    %lt3A_561 = arith.cmpi slt, %get3A_558, %lt3A_560 : vector<16xi32>
    %convert_element_type3A_562 = arith.extui %lt3A_561 : vector<16xi1> to vector<16xi32>
    %broadcast_in_dim3A_563 = arith.constant true
    %broadcast_in_dim3A_564 = vector.broadcast %broadcast_in_dim3A_563 : i1 to vector<16xi1>
    %masked_cumsum3A_565 = tpu.scan <sum>, %convert_element_type3A_562 masked %broadcast_in_dim3A_564 : vector<16xi32>, vector<16xi1> -> vector<16xi32>
    %add3A_566 = vector.broadcast %add3A_556 : i32 to vector<16xi32>
    %add3A_567 = arith.addi %add3A_566, %masked_cumsum3A_565 : vector<16xi32>
    %sub3A_568 = arith.constant 1 : i32
    %sub3A_569 = vector.broadcast %sub3A_568 : i32 to vector<16xi32>
    %sub3A_570 = arith.subi %add3A_567, %sub3A_569 : vector<16xi32>
    %max3A_571 = arith.constant 0 : i32
    %max3A_572 = vector.broadcast %max3A_571 : i32 to vector<16xi32>
    %max3A_573 = arith.maxsi %sub3A_570, %max3A_572 : vector<16xi32>
    %add3A_574 = arith.constant 272 : i32
    %add3A_575 = vector.broadcast %add3A_574 : i32 to vector<16xi32>
    %add3A_576 = arith.addi %add3A_575, %iota3A : vector<16xi32>
    %select_n3A_577 = arith.select %lt3A_561, %max3A_573, %add3A_576 : vector<16xi1>, vector<16xi32>
    tpu.vector_store_idx %arg9[%select_n3A_577], %get3A_558 masked %lt3A_561 : memref<288xi32, #tpu.memory_space<vmem>>[vector<16xi32>], vector<16xi32>, vector<16xi1>
    %add3A_578 = arith.constant 176 : i32
    %add3A_579 = arith.addi %mul3A_2, %add3A_578 : i32
    %add3A_580 = vector.broadcast %add3A_579 : i32 to vector<16xi32>
    %add3A_581 = arith.addi %add3A_580, %iota3A : vector<16xi32>
    tpu.vector_store_idx %arg10[%select_n3A_577], %add3A_581 masked %lt3A_561 : memref<288xi32, #tpu.memory_space<vmem>>[vector<16xi32>], vector<16xi32>, vector<16xi1>
    %all_reduce_population_count3A_582 = tpu.all_reduce %lt3A_561 {dim = 0 : i64, kind = #tpu.reduction_kind<sum>} : vector<16xi1> -> vector<16xi32>
    %slice3A_583 = vector.extract_strided_slice %all_reduce_population_count3A_582 {offsets = [0], sizes = [1], strides = [1]} : vector<16xi32> to vector<1xi32>
    %squeeze3A_584 = vector.extract %slice3A_583[0] : i32 from vector<1xi32>
    %add3A_585 = arith.addi %add3A_556, %squeeze3A_584 : i32
    %get3A_586 = arith.constant 192 : index
    %get3A_587 = tpu.vector_load %arg6[%get3A_586] {strides = array<i32>} : memref<256xi32, #tpu.memory_space<vmem>>, vector<16xi32>,
    %lt3A_588 = arith.constant 1000 : i32
    %lt3A_589 = vector.broadcast %lt3A_588 : i32 to vector<16xi32>
    %lt3A_590 = arith.cmpi slt, %get3A_587, %lt3A_589 : vector<16xi32>
    %convert_element_type3A_591 = arith.extui %lt3A_590 : vector<16xi1> to vector<16xi32>
    %broadcast_in_dim3A_592 = arith.constant true
    %broadcast_in_dim3A_593 = vector.broadcast %broadcast_in_dim3A_592 : i1 to vector<16xi1>
    %masked_cumsum3A_594 = tpu.scan <sum>, %convert_element_type3A_591 masked %broadcast_in_dim3A_593 : vector<16xi32>, vector<16xi1> -> vector<16xi32>
    %add3A_595 = vector.broadcast %add3A_585 : i32 to vector<16xi32>
    %add3A_596 = arith.addi %add3A_595, %masked_cumsum3A_594 : vector<16xi32>
    %sub3A_597 = arith.constant 1 : i32
    %sub3A_598 = vector.broadcast %sub3A_597 : i32 to vector<16xi32>
    %sub3A_599 = arith.subi %add3A_596, %sub3A_598 : vector<16xi32>
    %max3A_600 = arith.constant 0 : i32
    %max3A_601 = vector.broadcast %max3A_600 : i32 to vector<16xi32>
    %max3A_602 = arith.maxsi %sub3A_599, %max3A_601 : vector<16xi32>
    %add3A_603 = arith.constant 272 : i32
    %add3A_604 = vector.broadcast %add3A_603 : i32 to vector<16xi32>
    %add3A_605 = arith.addi %add3A_604, %iota3A : vector<16xi32>
    %select_n3A_606 = arith.select %lt3A_590, %max3A_602, %add3A_605 : vector<16xi1>, vector<16xi32>
    tpu.vector_store_idx %arg9[%select_n3A_606], %get3A_587 masked %lt3A_590 : memref<288xi32, #tpu.memory_space<vmem>>[vector<16xi32>], vector<16xi32>, vector<16xi1>
    %add3A_607 = arith.constant 192 : i32
    %add3A_608 = arith.addi %mul3A_2, %add3A_607 : i32
    %add3A_609 = vector.broadcast %add3A_608 : i32 to vector<16xi32>
    %add3A_610 = arith.addi %add3A_609, %iota3A : vector<16xi32>
    tpu.vector_store_idx %arg10[%select_n3A_606], %add3A_610 masked %lt3A_590 : memref<288xi32, #tpu.memory_space<vmem>>[vector<16xi32>], vector<16xi32>, vector<16xi1>
    %all_reduce_population_count3A_611 = tpu.all_reduce %lt3A_590 {dim = 0 : i64, kind = #tpu.reduction_kind<sum>} : vector<16xi1> -> vector<16xi32>
    %slice3A_612 = vector.extract_strided_slice %all_reduce_population_count3A_611 {offsets = [0], sizes = [1], strides = [1]} : vector<16xi32> to vector<1xi32>
    %squeeze3A_613 = vector.extract %slice3A_612[0] : i32 from vector<1xi32>
    %add3A_614 = arith.addi %add3A_585, %squeeze3A_613 : i32
    %get3A_615 = arith.constant 208 : index
    %get3A_616 = tpu.vector_load %arg6[%get3A_615] {strides = array<i32>} : memref<256xi32, #tpu.memory_space<vmem>>, vector<16xi32>,
    %lt3A_617 = arith.constant 1000 : i32
    %lt3A_618 = vector.broadcast %lt3A_617 : i32 to vector<16xi32>
    %lt3A_619 = arith.cmpi slt, %get3A_616, %lt3A_618 : vector<16xi32>
    %convert_element_type3A_620 = arith.extui %lt3A_619 : vector<16xi1> to vector<16xi32>
    %broadcast_in_dim3A_621 = arith.constant true
    %broadcast_in_dim3A_622 = vector.broadcast %broadcast_in_dim3A_621 : i1 to vector<16xi1>
    %masked_cumsum3A_623 = tpu.scan <sum>, %convert_element_type3A_620 masked %broadcast_in_dim3A_622 : vector<16xi32>, vector<16xi1> -> vector<16xi32>
    %add3A_624 = vector.broadcast %add3A_614 : i32 to vector<16xi32>
    %add3A_625 = arith.addi %add3A_624, %masked_cumsum3A_623 : vector<16xi32>
    %sub3A_626 = arith.constant 1 : i32
    %sub3A_627 = vector.broadcast %sub3A_626 : i32 to vector<16xi32>
    %sub3A_628 = arith.subi %add3A_625, %sub3A_627 : vector<16xi32>
    %max3A_629 = arith.constant 0 : i32
    %max3A_630 = vector.broadcast %max3A_629 : i32 to vector<16xi32>
    %max3A_631 = arith.maxsi %sub3A_628, %max3A_630 : vector<16xi32>
    %add3A_632 = arith.constant 272 : i32
    %add3A_633 = vector.broadcast %add3A_632 : i32 to vector<16xi32>
    %add3A_634 = arith.addi %add3A_633, %iota3A : vector<16xi32>
    %select_n3A_635 = arith.select %lt3A_619, %max3A_631, %add3A_634 : vector<16xi1>, vector<16xi32>
    tpu.vector_store_idx %arg9[%select_n3A_635], %get3A_616 masked %lt3A_619 : memref<288xi32, #tpu.memory_space<vmem>>[vector<16xi32>], vector<16xi32>, vector<16xi1>
    %add3A_636 = arith.constant 208 : i32
    %add3A_637 = arith.addi %mul3A_2, %add3A_636 : i32
    %add3A_638 = vector.broadcast %add3A_637 : i32 to vector<16xi32>
    %add3A_639 = arith.addi %add3A_638, %iota3A : vector<16xi32>
    tpu.vector_store_idx %arg10[%select_n3A_635], %add3A_639 masked %lt3A_619 : memref<288xi32, #tpu.memory_space<vmem>>[vector<16xi32>], vector<16xi32>, vector<16xi1>
    %all_reduce_population_count3A_640 = tpu.all_reduce %lt3A_619 {dim = 0 : i64, kind = #tpu.reduction_kind<sum>} : vector<16xi1> -> vector<16xi32>
    %slice3A_641 = vector.extract_strided_slice %all_reduce_population_count3A_640 {offsets = [0], sizes = [1], strides = [1]} : vector<16xi32> to vector<1xi32>
    %squeeze3A_642 = vector.extract %slice3A_641[0] : i32 from vector<1xi32>
    %add3A_643 = arith.addi %add3A_614, %squeeze3A_642 : i32
    %get3A_644 = arith.constant 224 : index
    %get3A_645 = tpu.vector_load %arg6[%get3A_644] {strides = array<i32>} : memref<256xi32, #tpu.memory_space<vmem>>, vector<16xi32>,
    %lt3A_646 = arith.constant 1000 : i32
    %lt3A_647 = vector.broadcast %lt3A_646 : i32 to vector<16xi32>
    %lt3A_648 = arith.cmpi slt, %get3A_645, %lt3A_647 : vector<16xi32>
    %convert_element_type3A_649 = arith.extui %lt3A_648 : vector<16xi1> to vector<16xi32>
    %broadcast_in_dim3A_650 = arith.constant true
    %broadcast_in_dim3A_651 = vector.broadcast %broadcast_in_dim3A_650 : i1 to vector<16xi1>
    %masked_cumsum3A_652 = tpu.scan <sum>, %convert_element_type3A_649 masked %broadcast_in_dim3A_651 : vector<16xi32>, vector<16xi1> -> vector<16xi32>
    %add3A_653 = vector.broadcast %add3A_643 : i32 to vector<16xi32>
    %add3A_654 = arith.addi %add3A_653, %masked_cumsum3A_652 : vector<16xi32>
    %sub3A_655 = arith.constant 1 : i32
    %sub3A_656 = vector.broadcast %sub3A_655 : i32 to vector<16xi32>
    %sub3A_657 = arith.subi %add3A_654, %sub3A_656 : vector<16xi32>
    %max3A_658 = arith.constant 0 : i32
    %max3A_659 = vector.broadcast %max3A_658 : i32 to vector<16xi32>
    %max3A_660 = arith.maxsi %sub3A_657, %max3A_659 : vector<16xi32>
    %add3A_661 = arith.constant 272 : i32
    %add3A_662 = vector.broadcast %add3A_661 : i32 to vector<16xi32>
    %add3A_663 = arith.addi %add3A_662, %iota3A : vector<16xi32>
    %select_n3A_664 = arith.select %lt3A_648, %max3A_660, %add3A_663 : vector<16xi1>, vector<16xi32>
    tpu.vector_store_idx %arg9[%select_n3A_664], %get3A_645 masked %lt3A_648 : memref<288xi32, #tpu.memory_space<vmem>>[vector<16xi32>], vector<16xi32>, vector<16xi1>
    %add3A_665 = arith.constant 224 : i32
    %add3A_666 = arith.addi %mul3A_2, %add3A_665 : i32
    %add3A_667 = vector.broadcast %add3A_666 : i32 to vector<16xi32>
    %add3A_668 = arith.addi %add3A_667, %iota3A : vector<16xi32>
    tpu.vector_store_idx %arg10[%select_n3A_664], %add3A_668 masked %lt3A_648 : memref<288xi32, #tpu.memory_space<vmem>>[vector<16xi32>], vector<16xi32>, vector<16xi1>
    %all_reduce_population_count3A_669 = tpu.all_reduce %lt3A_648 {dim = 0 : i64, kind = #tpu.reduction_kind<sum>} : vector<16xi1> -> vector<16xi32>
    %slice3A_670 = vector.extract_strided_slice %all_reduce_population_count3A_669 {offsets = [0], sizes = [1], strides = [1]} : vector<16xi32> to vector<1xi32>
    %squeeze3A_671 = vector.extract %slice3A_670[0] : i32 from vector<1xi32>
    %add3A_672 = arith.addi %add3A_643, %squeeze3A_671 : i32
    %get3A_673 = arith.constant 240 : index
    %get3A_674 = tpu.vector_load %arg6[%get3A_673] {strides = array<i32>} : memref<256xi32, #tpu.memory_space<vmem>>, vector<16xi32>,
    %lt3A_675 = arith.constant 1000 : i32
    %lt3A_676 = vector.broadcast %lt3A_675 : i32 to vector<16xi32>
    %lt3A_677 = arith.cmpi slt, %get3A_674, %lt3A_676 : vector<16xi32>
    %convert_element_type3A_678 = arith.extui %lt3A_677 : vector<16xi1> to vector<16xi32>
    %broadcast_in_dim3A_679 = arith.constant true
    %broadcast_in_dim3A_680 = vector.broadcast %broadcast_in_dim3A_679 : i1 to vector<16xi1>
    %masked_cumsum3A_681 = tpu.scan <sum>, %convert_element_type3A_678 masked %broadcast_in_dim3A_680 : vector<16xi32>, vector<16xi1> -> vector<16xi32>
    %add3A_682 = vector.broadcast %add3A_672 : i32 to vector<16xi32>
    %add3A_683 = arith.addi %add3A_682, %masked_cumsum3A_681 : vector<16xi32>
    %sub3A_684 = arith.constant 1 : i32
    %sub3A_685 = vector.broadcast %sub3A_684 : i32 to vector<16xi32>
    %sub3A_686 = arith.subi %add3A_683, %sub3A_685 : vector<16xi32>
    %max3A_687 = arith.constant 0 : i32
    %max3A_688 = vector.broadcast %max3A_687 : i32 to vector<16xi32>
    %max3A_689 = arith.maxsi %sub3A_686, %max3A_688 : vector<16xi32>
    %add3A_690 = arith.constant 272 : i32
    %add3A_691 = vector.broadcast %add3A_690 : i32 to vector<16xi32>
    %add3A_692 = arith.addi %add3A_691, %iota3A : vector<16xi32>
    %select_n3A_693 = arith.select %lt3A_677, %max3A_689, %add3A_692 : vector<16xi1>, vector<16xi32>
    tpu.vector_store_idx %arg9[%select_n3A_693], %get3A_674 masked %lt3A_677 : memref<288xi32, #tpu.memory_space<vmem>>[vector<16xi32>], vector<16xi32>, vector<16xi1>
    %add3A_694 = arith.constant 240 : i32
    %add3A_695 = arith.addi %mul3A_2, %add3A_694 : i32
    %add3A_696 = vector.broadcast %add3A_695 : i32 to vector<16xi32>
    %add3A_697 = arith.addi %add3A_696, %iota3A : vector<16xi32>
    tpu.vector_store_idx %arg10[%select_n3A_693], %add3A_697 masked %lt3A_677 : memref<288xi32, #tpu.memory_space<vmem>>[vector<16xi32>], vector<16xi32>, vector<16xi1>
    %all_reduce_population_count3A_698 = tpu.all_reduce %lt3A_677 {dim = 0 : i64, kind = #tpu.reduction_kind<sum>} : vector<16xi1> -> vector<16xi32>
    %slice3A_699 = vector.extract_strided_slice %all_reduce_population_count3A_698 {offsets = [0], sizes = [1], strides = [1]} : vector<16xi32> to vector<1xi32>
    %squeeze3A_700 = vector.extract %slice3A_699[0] : i32 from vector<1xi32>
    %add3A_701 = arith.addi %add3A_672, %squeeze3A_700 : i32
    %gt3A = arith.constant 0 : i32
    %gt3A_702 = arith.cmpi sgt, %add3A_701, %gt3A : i32
    %convert_element_type3A_703 = arith.extui %gt3A_702 : i1 to i32
    %cond3A = arith.constant 0 : i32
    %cond3A_704 = arith.cmpi ne, %convert_element_type3A_703, %cond3A : i32
    scf.if %cond3A_704 {
      %get3A_1138 = arith.constant 0 : index
      %get3A_1139 = tpu.vector_load %arg9[%get3A_1138] {strides = array<i32>} : memref<288xi32, #tpu.memory_space<vmem>>, vector<16xi32>,
      %get3A_1140 = arith.constant 0 : index
      %get3A_1141 = tpu.vector_load %arg10[%get3A_1140] {strides = array<i32>} : memref<288xi32, #tpu.memory_space<vmem>>, vector<16xi32>,
      %add3A_1142 = arith.constant 0 : i32
      %add3A_1143 = vector.broadcast %add3A_1142 : i32 to vector<16xi32>
      %add3A_1144 = arith.addi %add3A_1143, %iota3A : vector<16xi32>
      %lt3A_1145 = vector.broadcast %add3A_701 : i32 to vector<16xi32>
      %lt3A_1146 = arith.cmpi slt, %add3A_1144, %lt3A_1145 : vector<16xi32>
      %slice3A_1147 = vector.extract_strided_slice %get3A_1139 {offsets = [0], sizes = [1], strides = [1]} : vector<16xi32> to vector<1xi32>
      %squeeze3A_1148 = vector.extract %slice3A_1147[0] : i32 from vector<1xi32>
      %broadcast_in_dim3A_1149 = vector.broadcast %squeeze3A_1148 : i32 to vector<16xi32>
      %select_n3A_1150 = arith.select %lt3A_1146, %get3A_1139, %broadcast_in_dim3A_1149 : vector<16xi1>, vector<16xi32>
      %slice3A_1151 = vector.extract_strided_slice %get3A_1141 {offsets = [0], sizes = [1], strides = [1]} : vector<16xi32> to vector<1xi32>
      %squeeze3A_1152 = vector.extract %slice3A_1151[0] : i32 from vector<1xi32>
      %broadcast_in_dim3A_1153 = vector.broadcast %squeeze3A_1152 : i32 to vector<16xi32>
      %select_n3A_1154 = arith.select %lt3A_1146, %get3A_1141, %broadcast_in_dim3A_1153 : vector<16xi1>, vector<16xi32>
      %dma_start3A_1155 = arith.constant 0 : i32
      %dma_start3A_1156 = arith.constant 0 : i32
      %dma_start3A_1157 = tpu.memref_slice %arg4[%dma_start3A_1155, %dma_start3A_1156] : memref<1024x1024xf32, #tpu.memory_space<hbm>> -> memref<1024x1024xf32, #tpu.memory_space<hbm>>
      tpu.enqueue_indirect_dma source(%dma_start3A_1157 : memref<1024x1024xf32, #tpu.memory_space<hbm>>) target(%arg8 : memref<16x1024xf32, #tpu.memory_space<vmem>>) offsets(%select_n3A_1150 : vector<16xi32>) semaphore(%arg17 : memref<!tpu.dma_semaphore, #tpu.memory_space<semaphore_mem>>)
    } else {
    }
    %dma_wait3A = arith.constant 0 : i32
    %dma_wait3A_705 = arith.constant 0 : i32
    %dma_wait3A_706 = arith.constant 0 : i32
    %dma_wait3A_707 = tpu.memref_slice %arg7[%dma_wait3A, %dma_wait3A_705, %dma_wait3A_706] : memref<3x32x1024xf32, #tpu.memory_space<vmem>> -> memref<1x32x1024xf32, #tpu.memory_space<vmem>>
    %dma_wait3A_708 = tpu.memref_squeeze %dma_wait3A_707 : memref<1x32x1024xf32, #tpu.memory_space<vmem>> -> memref<32x1024xf32, #tpu.memory_space<vmem>>
    %dma_wait3A_709 = arith.constant 0 : i32
    %dma_wait3A_710 = tpu.memref_slice %arg6[%dma_wait3A_709] : memref<256xi32, #tpu.memory_space<vmem>> -> memref<32xi32, #tpu.memory_space<vmem>>
    %dma_wait3A_711 = arith.constant 0 : i32
    %dma_wait3A_712 = arith.constant 0 : i32
    %dma_wait3A_713 = tpu.memref_slice %arg3[%dma_wait3A_711, %dma_wait3A_712] : memref<100000x1024xf32, #tpu.memory_space<hbm>> -> memref<100000x1024xf32, #tpu.memory_space<hbm>>
    tpu.wait_indirect_dma semaphore(%arg11 : memref<!tpu.dma_semaphore, #tpu.memory_space<semaphore_mem>>) src(%dma_wait3A_713 : memref<100000x1024xf32, #tpu.memory_space<hbm>>) dst(%dma_wait3A_708 : memref<32x1024xf32, #tpu.memory_space<vmem>>)
    %add3A_714 = arith.constant 0 : i32
    %add3A_715 = arith.addi %mul3A_2, %add3A_714 : i32
    %dma_start3A_716 = arith.constant 0 : i32
    %dma_start3A_717 = arith.constant 0 : i32
    %dma_start3A_718 = arith.constant 0 : i32
    %dma_start3A_719 = tpu.memref_slice %arg7[%dma_start3A_716, %dma_start3A_717, %dma_start3A_718] : memref<3x32x1024xf32, #tpu.memory_space<vmem>> -> memref<1x32x1024xf32, #tpu.memory_space<vmem>>
    %dma_start3A_720 = tpu.memref_squeeze %dma_start3A_719 : memref<1x32x1024xf32, #tpu.memory_space<vmem>> -> memref<32x1024xf32, #tpu.memory_space<vmem>>
    %dma_start3A_721 = arith.constant 0 : i32
    %dma_start3A_722 = tpu.memref_slice %arg5[%add3A_715, %dma_start3A_721] : memref<8192x1024xf32, #tpu.memory_space<hbm>> -> memref<32x1024xf32, #tpu.memory_space<hbm>>
    %dma_start3A_723 = arith.constant 0 : i32
    %dma_start3A_724 = tpu.memref_slice %arg5[%add3A_715, %dma_start3A_723] : memref<8192x1024xf32, #tpu.memory_space<hbm>> -> memref<32x1024xf32, #tpu.memory_space<hbm>>
    %dma_start3A_725 = arith.constant 0 : i32
    %dma_start3A_726 = arith.constant 0 : i32
    %dma_start3A_727 = tpu.memref_slice %arg7[%dma_start3A_716, %dma_start3A_725, %dma_start3A_726] : memref<3x32x1024xf32, #tpu.memory_space<vmem>> -> memref<1x32x1024xf32, #tpu.memory_space<vmem>>
    %dma_start3A_728 = tpu.memref_squeeze %dma_start3A_727 : memref<1x32x1024xf32, #tpu.memory_space<vmem>> -> memref<32x1024xf32, #tpu.memory_space<vmem>>
    tpu.enqueue_dma source(%dma_start3A_728 : memref<32x1024xf32, #tpu.memory_space<vmem>>) target(%dma_start3A_724 : memref<32x1024xf32, #tpu.memory_space<hbm>>) target_semaphore(%arg14 : memref<!tpu.dma_semaphore, #tpu.memory_space<semaphore_mem>>)
    %dma_wait3A_729 = arith.constant 0 : i32
    %dma_wait3A_730 = arith.constant 0 : i32
    %dma_wait3A_731 = arith.constant 0 : i32
    %dma_wait3A_732 = tpu.memref_slice %arg7[%dma_wait3A_729, %dma_wait3A_730, %dma_wait3A_731] : memref<3x32x1024xf32, #tpu.memory_space<vmem>> -> memref<1x32x1024xf32, #tpu.memory_space<vmem>>
    %dma_wait3A_733 = tpu.memref_squeeze %dma_wait3A_732 : memref<1x32x1024xf32, #tpu.memory_space<vmem>> -> memref<32x1024xf32, #tpu.memory_space<vmem>>
    %dma_wait3A_734 = arith.constant 0 : i32
    %dma_wait3A_735 = tpu.memref_slice %arg5[%add3A_715, %dma_wait3A_734] : memref<8192x1024xf32, #tpu.memory_space<hbm>> -> memref<32x1024xf32, #tpu.memory_space<hbm>>
    %dma_wait3A_736 = arith.constant 0 : i32
    %dma_wait3A_737 = tpu.memref_slice %arg5[%add3A_715, %dma_wait3A_736] : memref<8192x1024xf32, #tpu.memory_space<hbm>> -> memref<32x1024xf32, #tpu.memory_space<hbm>>
    %dma_wait3A_738 = arith.constant 0 : i32
    %dma_wait3A_739 = arith.constant 0 : i32
    %dma_wait3A_740 = tpu.memref_slice %arg7[%dma_wait3A_729, %dma_wait3A_738, %dma_wait3A_739] : memref<3x32x1024xf32, #tpu.memory_space<vmem>> -> memref<1x32x1024xf32, #tpu.memory_space<vmem>>
    %dma_wait3A_741 = tpu.memref_squeeze %dma_wait3A_740 : memref<1x32x1024xf32, #tpu.memory_space<vmem>> -> memref<32x1024xf32, #tpu.memory_space<vmem>>
    tpu.wait_dma2 semaphore(%arg14 : memref<!tpu.dma_semaphore, #tpu.memory_space<semaphore_mem>>) src(%dma_wait3A_741 : memref<32x1024xf32, #tpu.memory_space<vmem>>) dst(%dma_wait3A_737 : memref<32x1024xf32, #tpu.memory_space<hbm>>)
    %dma_start3A_742 = arith.constant 0 : i32
    %dma_start3A_743 = arith.constant 0 : i32
    %dma_start3A_744 = arith.constant 0 : i32
    %dma_start3A_745 = tpu.memref_slice %arg7[%dma_start3A_742, %dma_start3A_743, %dma_start3A_744] : memref<3x32x1024xf32, #tpu.memory_space<vmem>> -> memref<1x32x1024xf32, #tpu.memory_space<vmem>>
    %dma_start3A_746 = tpu.memref_squeeze %dma_start3A_745 : memref<1x32x1024xf32, #tpu.memory_space<vmem>> -> memref<32x1024xf32, #tpu.memory_space<vmem>>
    %dma_start3A_747 = arith.constant 96 : i32
    %dma_start3A_748 = tpu.memref_slice %arg6[%dma_start3A_747] : memref<256xi32, #tpu.memory_space<vmem>> -> memref<32xi32, #tpu.memory_space<vmem>>
    %dma_start3A_749 = arith.constant 0 : i32
    %dma_start3A_750 = arith.constant 0 : i32
    %dma_start3A_751 = tpu.memref_slice %arg3[%dma_start3A_749, %dma_start3A_750] : memref<100000x1024xf32, #tpu.memory_space<hbm>> -> memref<100000x1024xf32, #tpu.memory_space<hbm>>
    tpu.enqueue_indirect_dma source(%dma_start3A_751 : memref<100000x1024xf32, #tpu.memory_space<hbm>>) target(%dma_start3A_746 : memref<32x1024xf32, #tpu.memory_space<vmem>>) offsets(%dma_start3A_748 : memref<32xi32, #tpu.memory_space<vmem>>) semaphore(%arg11 : memref<!tpu.dma_semaphore, #tpu.memory_space<semaphore_mem>>)
    %dma_wait3A_752 = arith.constant 1 : i32
    %dma_wait3A_753 = arith.constant 0 : i32
    %dma_wait3A_754 = arith.constant 0 : i32
    %dma_wait3A_755 = tpu.memref_slice %arg7[%dma_wait3A_752, %dma_wait3A_753, %dma_wait3A_754] : memref<3x32x1024xf32, #tpu.memory_space<vmem>> -> memref<1x32x1024xf32, #tpu.memory_space<vmem>>
    %dma_wait3A_756 = tpu.memref_squeeze %dma_wait3A_755 : memref<1x32x1024xf32, #tpu.memory_space<vmem>> -> memref<32x1024xf32, #tpu.memory_space<vmem>>
    %dma_wait3A_757 = arith.constant 32 : i32
    %dma_wait3A_758 = tpu.memref_slice %arg6[%dma_wait3A_757] : memref<256xi32, #tpu.memory_space<vmem>> -> memref<32xi32, #tpu.memory_space<vmem>>
    %dma_wait3A_759 = arith.constant 0 : i32
    %dma_wait3A_760 = arith.constant 0 : i32
    %dma_wait3A_761 = tpu.memref_slice %arg3[%dma_wait3A_759, %dma_wait3A_760] : memref<100000x1024xf32, #tpu.memory_space<hbm>> -> memref<100000x1024xf32, #tpu.memory_space<hbm>>
    tpu.wait_indirect_dma semaphore(%arg12 : memref<!tpu.dma_semaphore, #tpu.memory_space<semaphore_mem>>) src(%dma_wait3A_761 : memref<100000x1024xf32, #tpu.memory_space<hbm>>) dst(%dma_wait3A_756 : memref<32x1024xf32, #tpu.memory_space<vmem>>)
    %add3A_762 = arith.constant 32 : i32
    %add3A_763 = arith.addi %mul3A_2, %add3A_762 : i32
    %dma_start3A_764 = arith.constant 1 : i32
    %dma_start3A_765 = arith.constant 0 : i32
    %dma_start3A_766 = arith.constant 0 : i32
    %dma_start3A_767 = tpu.memref_slice %arg7[%dma_start3A_764, %dma_start3A_765, %dma_start3A_766] : memref<3x32x1024xf32, #tpu.memory_space<vmem>> -> memref<1x32x1024xf32, #tpu.memory_space<vmem>>
    %dma_start3A_768 = tpu.memref_squeeze %dma_start3A_767 : memref<1x32x1024xf32, #tpu.memory_space<vmem>> -> memref<32x1024xf32, #tpu.memory_space<vmem>>
    %dma_start3A_769 = arith.constant 0 : i32
    %dma_start3A_770 = tpu.memref_slice %arg5[%add3A_763, %dma_start3A_769] : memref<8192x1024xf32, #tpu.memory_space<hbm>> -> memref<32x1024xf32, #tpu.memory_space<hbm>>
    %dma_start3A_771 = arith.constant 0 : i32
    %dma_start3A_772 = tpu.memref_slice %arg5[%add3A_763, %dma_start3A_771] : memref<8192x1024xf32, #tpu.memory_space<hbm>> -> memref<32x1024xf32, #tpu.memory_space<hbm>>
    %dma_start3A_773 = arith.constant 0 : i32
    %dma_start3A_774 = arith.constant 0 : i32
    %dma_start3A_775 = tpu.memref_slice %arg7[%dma_start3A_764, %dma_start3A_773, %dma_start3A_774] : memref<3x32x1024xf32, #tpu.memory_space<vmem>> -> memref<1x32x1024xf32, #tpu.memory_space<vmem>>
    %dma_start3A_776 = tpu.memref_squeeze %dma_start3A_775 : memref<1x32x1024xf32, #tpu.memory_space<vmem>> -> memref<32x1024xf32, #tpu.memory_space<vmem>>
    tpu.enqueue_dma source(%dma_start3A_776 : memref<32x1024xf32, #tpu.memory_space<vmem>>) target(%dma_start3A_772 : memref<32x1024xf32, #tpu.memory_space<hbm>>) target_semaphore(%arg15 : memref<!tpu.dma_semaphore, #tpu.memory_space<semaphore_mem>>)
    %dma_wait3A_777 = arith.constant 1 : i32
    %dma_wait3A_778 = arith.constant 0 : i32
    %dma_wait3A_779 = arith.constant 0 : i32
    %dma_wait3A_780 = tpu.memref_slice %arg7[%dma_wait3A_777, %dma_wait3A_778, %dma_wait3A_779] : memref<3x32x1024xf32, #tpu.memory_space<vmem>> -> memref<1x32x1024xf32, #tpu.memory_space<vmem>>
    %dma_wait3A_781 = tpu.memref_squeeze %dma_wait3A_780 : memref<1x32x1024xf32, #tpu.memory_space<vmem>> -> memref<32x1024xf32, #tpu.memory_space<vmem>>
    %dma_wait3A_782 = arith.constant 0 : i32
    %dma_wait3A_783 = tpu.memref_slice %arg5[%add3A_763, %dma_wait3A_782] : memref<8192x1024xf32, #tpu.memory_space<hbm>> -> memref<32x1024xf32, #tpu.memory_space<hbm>>
    %dma_wait3A_784 = arith.constant 0 : i32
    %dma_wait3A_785 = tpu.memref_slice %arg5[%add3A_763, %dma_wait3A_784] : memref<8192x1024xf32, #tpu.memory_space<hbm>> -> memref<32x1024xf32, #tpu.memory_space<hbm>>
    %dma_wait3A_786 = arith.constant 0 : i32
    %dma_wait3A_787 = arith.constant 0 : i32
    %dma_wait3A_788 = tpu.memref_slice %arg7[%dma_wait3A_777, %dma_wait3A_786, %dma_wait3A_787] : memref<3x32x1024xf32, #tpu.memory_space<vmem>> -> memref<1x32x1024xf32, #tpu.memory_space<vmem>>
    %dma_wait3A_789 = tpu.memref_squeeze %dma_wait3A_788 : memref<1x32x1024xf32, #tpu.memory_space<vmem>> -> memref<32x1024xf32, #tpu.memory_space<vmem>>
    tpu.wait_dma2 semaphore(%arg15 : memref<!tpu.dma_semaphore, #tpu.memory_space<semaphore_mem>>) src(%dma_wait3A_789 : memref<32x1024xf32, #tpu.memory_space<vmem>>) dst(%dma_wait3A_785 : memref<32x1024xf32, #tpu.memory_space<hbm>>)
    %dma_start3A_790 = arith.constant 1 : i32
    %dma_start3A_791 = arith.constant 0 : i32
    %dma_start3A_792 = arith.constant 0 : i32
    %dma_start3A_793 = tpu.memref_slice %arg7[%dma_start3A_790, %dma_start3A_791, %dma_start3A_792] : memref<3x32x1024xf32, #tpu.memory_space<vmem>> -> memref<1x32x1024xf32, #tpu.memory_space<vmem>>
    %dma_start3A_794 = tpu.memref_squeeze %dma_start3A_793 : memref<1x32x1024xf32, #tpu.memory_space<vmem>> -> memref<32x1024xf32, #tpu.memory_space<vmem>>
    %dma_start3A_795 = arith.constant 128 : i32
    %dma_start3A_796 = tpu.memref_slice %arg6[%dma_start3A_795] : memref<256xi32, #tpu.memory_space<vmem>> -> memref<32xi32, #tpu.memory_space<vmem>>
    %dma_start3A_797 = arith.constant 0 : i32
    %dma_start3A_798 = arith.constant 0 : i32
    %dma_start3A_799 = tpu.memref_slice %arg3[%dma_start3A_797, %dma_start3A_798] : memref<100000x1024xf32, #tpu.memory_space<hbm>> -> memref<100000x1024xf32, #tpu.memory_space<hbm>>
    tpu.enqueue_indirect_dma source(%dma_start3A_799 : memref<100000x1024xf32, #tpu.memory_space<hbm>>) target(%dma_start3A_794 : memref<32x1024xf32, #tpu.memory_space<vmem>>) offsets(%dma_start3A_796 : memref<32xi32, #tpu.memory_space<vmem>>) semaphore(%arg12 : memref<!tpu.dma_semaphore, #tpu.memory_space<semaphore_mem>>)
    %dma_wait3A_800 = arith.constant 2 : i32
    %dma_wait3A_801 = arith.constant 0 : i32
    %dma_wait3A_802 = arith.constant 0 : i32
    %dma_wait3A_803 = tpu.memref_slice %arg7[%dma_wait3A_800, %dma_wait3A_801, %dma_wait3A_802] : memref<3x32x1024xf32, #tpu.memory_space<vmem>> -> memref<1x32x1024xf32, #tpu.memory_space<vmem>>
    %dma_wait3A_804 = tpu.memref_squeeze %dma_wait3A_803 : memref<1x32x1024xf32, #tpu.memory_space<vmem>> -> memref<32x1024xf32, #tpu.memory_space<vmem>>
    %dma_wait3A_805 = arith.constant 64 : i32
    %dma_wait3A_806 = tpu.memref_slice %arg6[%dma_wait3A_805] : memref<256xi32, #tpu.memory_space<vmem>> -> memref<32xi32, #tpu.memory_space<vmem>>
    %dma_wait3A_807 = arith.constant 0 : i32
    %dma_wait3A_808 = arith.constant 0 : i32
    %dma_wait3A_809 = tpu.memref_slice %arg3[%dma_wait3A_807, %dma_wait3A_808] : memref<100000x1024xf32, #tpu.memory_space<hbm>> -> memref<100000x1024xf32, #tpu.memory_space<hbm>>
    tpu.wait_indirect_dma semaphore(%arg13 : memref<!tpu.dma_semaphore, #tpu.memory_space<semaphore_mem>>) src(%dma_wait3A_809 : memref<100000x1024xf32, #tpu.memory_space<hbm>>) dst(%dma_wait3A_804 : memref<32x1024xf32, #tpu.memory_space<vmem>>)
    %add3A_810 = arith.constant 64 : i32
    %add3A_811 = arith.addi %mul3A_2, %add3A_810 : i32
    %dma_start3A_812 = arith.constant 2 : i32
    %dma_start3A_813 = arith.constant 0 : i32
    %dma_start3A_814 = arith.constant 0 : i32
    %dma_start3A_815 = tpu.memref_slice %arg7[%dma_start3A_812, %dma_start3A_813, %dma_start3A_814] : memref<3x32x1024xf32, #tpu.memory_space<vmem>> -> memref<1x32x1024xf32, #tpu.memory_space<vmem>>
    %dma_start3A_816 = tpu.memref_squeeze %dma_start3A_815 : memref<1x32x1024xf32, #tpu.memory_space<vmem>> -> memref<32x1024xf32, #tpu.memory_space<vmem>>
    %dma_start3A_817 = arith.constant 0 : i32
    %dma_start3A_818 = tpu.memref_slice %arg5[%add3A_811, %dma_start3A_817] : memref<8192x1024xf32, #tpu.memory_space<hbm>> -> memref<32x1024xf32, #tpu.memory_space<hbm>>
    %dma_start3A_819 = arith.constant 0 : i32
    %dma_start3A_820 = tpu.memref_slice %arg5[%add3A_811, %dma_start3A_819] : memref<8192x1024xf32, #tpu.memory_space<hbm>> -> memref<32x1024xf32, #tpu.memory_space<hbm>>
    %dma_start3A_821 = arith.constant 0 : i32
    %dma_start3A_822 = arith.constant 0 : i32
    %dma_start3A_823 = tpu.memref_slice %arg7[%dma_start3A_812, %dma_start3A_821, %dma_start3A_822] : memref<3x32x1024xf32, #tpu.memory_space<vmem>> -> memref<1x32x1024xf32, #tpu.memory_space<vmem>>
    %dma_start3A_824 = tpu.memref_squeeze %dma_start3A_823 : memref<1x32x1024xf32, #tpu.memory_space<vmem>> -> memref<32x1024xf32, #tpu.memory_space<vmem>>
    tpu.enqueue_dma source(%dma_start3A_824 : memref<32x1024xf32, #tpu.memory_space<vmem>>) target(%dma_start3A_820 : memref<32x1024xf32, #tpu.memory_space<hbm>>) target_semaphore(%arg16 : memref<!tpu.dma_semaphore, #tpu.memory_space<semaphore_mem>>)
    %dma_wait3A_825 = arith.constant 2 : i32
    %dma_wait3A_826 = arith.constant 0 : i32
    %dma_wait3A_827 = arith.constant 0 : i32
    %dma_wait3A_828 = tpu.memref_slice %arg7[%dma_wait3A_825, %dma_wait3A_826, %dma_wait3A_827] : memref<3x32x1024xf32, #tpu.memory_space<vmem>> -> memref<1x32x1024xf32, #tpu.memory_space<vmem>>
    %dma_wait3A_829 = tpu.memref_squeeze %dma_wait3A_828 : memref<1x32x1024xf32, #tpu.memory_space<vmem>> -> memref<32x1024xf32, #tpu.memory_space<vmem>>
    %dma_wait3A_830 = arith.constant 0 : i32
    %dma_wait3A_831 = tpu.memref_slice %arg5[%add3A_811, %dma_wait3A_830] : memref<8192x1024xf32, #tpu.memory_space<hbm>> -> memref<32x1024xf32, #tpu.memory_space<hbm>>
    %dma_wait3A_832 = arith.constant 0 : i32
    %dma_wait3A_833 = tpu.memref_slice %arg5[%add3A_811, %dma_wait3A_832] : memref<8192x1024xf32, #tpu.memory_space<hbm>> -> memref<32x1024xf32, #tpu.memory_space<hbm>>
    %dma_wait3A_834 = arith.constant 0 : i32
    %dma_wait3A_835 = arith.constant 0 : i32
    %dma_wait3A_836 = tpu.memref_slice %arg7[%dma_wait3A_825, %dma_wait3A_834, %dma_wait3A_835] : memref<3x32x1024xf32, #tpu.memory_space<vmem>> -> memref<1x32x1024xf32, #tpu.memory_space<vmem>>
    %dma_wait3A_837 = tpu.memref_squeeze %dma_wait3A_836 : memref<1x32x1024xf32, #tpu.memory_space<vmem>> -> memref<32x1024xf32, #tpu.memory_space<vmem>>
    tpu.wait_dma2 semaphore(%arg16 : memref<!tpu.dma_semaphore, #tpu.memory_space<semaphore_mem>>) src(%dma_wait3A_837 : memref<32x1024xf32, #tpu.memory_space<vmem>>) dst(%dma_wait3A_833 : memref<32x1024xf32, #tpu.memory_space<hbm>>)
    %dma_start3A_838 = arith.constant 2 : i32
    %dma_start3A_839 = arith.constant 0 : i32
    %dma_start3A_840 = arith.constant 0 : i32
    %dma_start3A_841 = tpu.memref_slice %arg7[%dma_start3A_838, %dma_start3A_839, %dma_start3A_840] : memref<3x32x1024xf32, #tpu.memory_space<vmem>> -> memref<1x32x1024xf32, #tpu.memory_space<vmem>>
    %dma_start3A_842 = tpu.memref_squeeze %dma_start3A_841 : memref<1x32x1024xf32, #tpu.memory_space<vmem>> -> memref<32x1024xf32, #tpu.memory_space<vmem>>
    %dma_start3A_843 = arith.constant 160 : i32
    %dma_start3A_844 = tpu.memref_slice %arg6[%dma_start3A_843] : memref<256xi32, #tpu.memory_space<vmem>> -> memref<32xi32, #tpu.memory_space<vmem>>
    %dma_start3A_845 = arith.constant 0 : i32
    %dma_start3A_846 = arith.constant 0 : i32
    %dma_start3A_847 = tpu.memref_slice %arg3[%dma_start3A_845, %dma_start3A_846] : memref<100000x1024xf32, #tpu.memory_space<hbm>> -> memref<100000x1024xf32, #tpu.memory_space<hbm>>
    tpu.enqueue_indirect_dma source(%dma_start3A_847 : memref<100000x1024xf32, #tpu.memory_space<hbm>>) target(%dma_start3A_842 : memref<32x1024xf32, #tpu.memory_space<vmem>>) offsets(%dma_start3A_844 : memref<32xi32, #tpu.memory_space<vmem>>) semaphore(%arg13 : memref<!tpu.dma_semaphore, #tpu.memory_space<semaphore_mem>>)
    %dma_wait3A_848 = arith.constant 0 : i32
    %dma_wait3A_849 = arith.constant 0 : i32
    %dma_wait3A_850 = arith.constant 0 : i32
    %dma_wait3A_851 = tpu.memref_slice %arg7[%dma_wait3A_848, %dma_wait3A_849, %dma_wait3A_850] : memref<3x32x1024xf32, #tpu.memory_space<vmem>> -> memref<1x32x1024xf32, #tpu.memory_space<vmem>>
    %dma_wait3A_852 = tpu.memref_squeeze %dma_wait3A_851 : memref<1x32x1024xf32, #tpu.memory_space<vmem>> -> memref<32x1024xf32, #tpu.memory_space<vmem>>
    %dma_wait3A_853 = arith.constant 96 : i32
    %dma_wait3A_854 = tpu.memref_slice %arg6[%dma_wait3A_853] : memref<256xi32, #tpu.memory_space<vmem>> -> memref<32xi32, #tpu.memory_space<vmem>>
    %dma_wait3A_855 = arith.constant 0 : i32
    %dma_wait3A_856 = arith.constant 0 : i32
    %dma_wait3A_857 = tpu.memref_slice %arg3[%dma_wait3A_855, %dma_wait3A_856] : memref<100000x1024xf32, #tpu.memory_space<hbm>> -> memref<100000x1024xf32, #tpu.memory_space<hbm>>
    tpu.wait_indirect_dma semaphore(%arg11 : memref<!tpu.dma_semaphore, #tpu.memory_space<semaphore_mem>>) src(%dma_wait3A_857 : memref<100000x1024xf32, #tpu.memory_space<hbm>>) dst(%dma_wait3A_852 : memref<32x1024xf32, #tpu.memory_space<vmem>>)
    %add3A_858 = arith.constant 96 : i32
    %add3A_859 = arith.addi %mul3A_2, %add3A_858 : i32
    %dma_start3A_860 = arith.constant 0 : i32
    %dma_start3A_861 = arith.constant 0 : i32
    %dma_start3A_862 = arith.constant 0 : i32
    %dma_start3A_863 = tpu.memref_slice %arg7[%dma_start3A_860, %dma_start3A_861, %dma_start3A_862] : memref<3x32x1024xf32, #tpu.memory_space<vmem>> -> memref<1x32x1024xf32, #tpu.memory_space<vmem>>
    %dma_start3A_864 = tpu.memref_squeeze %dma_start3A_863 : memref<1x32x1024xf32, #tpu.memory_space<vmem>> -> memref<32x1024xf32, #tpu.memory_space<vmem>>
    %dma_start3A_865 = arith.constant 0 : i32
    %dma_start3A_866 = tpu.memref_slice %arg5[%add3A_859, %dma_start3A_865] : memref<8192x1024xf32, #tpu.memory_space<hbm>> -> memref<32x1024xf32, #tpu.memory_space<hbm>>
    %dma_start3A_867 = arith.constant 0 : i32
    %dma_start3A_868 = tpu.memref_slice %arg5[%add3A_859, %dma_start3A_867] : memref<8192x1024xf32, #tpu.memory_space<hbm>> -> memref<32x1024xf32, #tpu.memory_space<hbm>>
    %dma_start3A_869 = arith.constant 0 : i32
    %dma_start3A_870 = arith.constant 0 : i32
    %dma_start3A_871 = tpu.memref_slice %arg7[%dma_start3A_860, %dma_start3A_869, %dma_start3A_870] : memref<3x32x1024xf32, #tpu.memory_space<vmem>> -> memref<1x32x1024xf32, #tpu.memory_space<vmem>>
    %dma_start3A_872 = tpu.memref_squeeze %dma_start3A_871 : memref<1x32x1024xf32, #tpu.memory_space<vmem>> -> memref<32x1024xf32, #tpu.memory_space<vmem>>
    tpu.enqueue_dma source(%dma_start3A_872 : memref<32x1024xf32, #tpu.memory_space<vmem>>) target(%dma_start3A_868 : memref<32x1024xf32, #tpu.memory_space<hbm>>) target_semaphore(%arg14 : memref<!tpu.dma_semaphore, #tpu.memory_space<semaphore_mem>>)
    %dma_wait3A_873 = arith.constant 0 : i32
    %dma_wait3A_874 = arith.constant 0 : i32
    %dma_wait3A_875 = arith.constant 0 : i32
    %dma_wait3A_876 = tpu.memref_slice %arg7[%dma_wait3A_873, %dma_wait3A_874, %dma_wait3A_875] : memref<3x32x1024xf32, #tpu.memory_space<vmem>> -> memref<1x32x1024xf32, #tpu.memory_space<vmem>>
    %dma_wait3A_877 = tpu.memref_squeeze %dma_wait3A_876 : memref<1x32x1024xf32, #tpu.memory_space<vmem>> -> memref<32x1024xf32, #tpu.memory_space<vmem>>
    %dma_wait3A_878 = arith.constant 0 : i32
    %dma_wait3A_879 = tpu.memref_slice %arg5[%add3A_859, %dma_wait3A_878] : memref<8192x1024xf32, #tpu.memory_space<hbm>> -> memref<32x1024xf32, #tpu.memory_space<hbm>>
    %dma_wait3A_880 = arith.constant 0 : i32
    %dma_wait3A_881 = tpu.memref_slice %arg5[%add3A_859, %dma_wait3A_880] : memref<8192x1024xf32, #tpu.memory_space<hbm>> -> memref<32x1024xf32, #tpu.memory_space<hbm>>
    %dma_wait3A_882 = arith.constant 0 : i32
    %dma_wait3A_883 = arith.constant 0 : i32
    %dma_wait3A_884 = tpu.memref_slice %arg7[%dma_wait3A_873, %dma_wait3A_882, %dma_wait3A_883] : memref<3x32x1024xf32, #tpu.memory_space<vmem>> -> memref<1x32x1024xf32, #tpu.memory_space<vmem>>
    %dma_wait3A_885 = tpu.memref_squeeze %dma_wait3A_884 : memref<1x32x1024xf32, #tpu.memory_space<vmem>> -> memref<32x1024xf32, #tpu.memory_space<vmem>>
    tpu.wait_dma2 semaphore(%arg14 : memref<!tpu.dma_semaphore, #tpu.memory_space<semaphore_mem>>) src(%dma_wait3A_885 : memref<32x1024xf32, #tpu.memory_space<vmem>>) dst(%dma_wait3A_881 : memref<32x1024xf32, #tpu.memory_space<hbm>>)
    %dma_start3A_886 = arith.constant 0 : i32
    %dma_start3A_887 = arith.constant 0 : i32
    %dma_start3A_888 = arith.constant 0 : i32
    %dma_start3A_889 = tpu.memref_slice %arg7[%dma_start3A_886, %dma_start3A_887, %dma_start3A_888] : memref<3x32x1024xf32, #tpu.memory_space<vmem>> -> memref<1x32x1024xf32, #tpu.memory_space<vmem>>
    %dma_start3A_890 = tpu.memref_squeeze %dma_start3A_889 : memref<1x32x1024xf32, #tpu.memory_space<vmem>> -> memref<32x1024xf32, #tpu.memory_space<vmem>>
    %dma_start3A_891 = arith.constant 192 : i32
    %dma_start3A_892 = tpu.memref_slice %arg6[%dma_start3A_891] : memref<256xi32, #tpu.memory_space<vmem>> -> memref<32xi32, #tpu.memory_space<vmem>>
    %dma_start3A_893 = arith.constant 0 : i32
    %dma_start3A_894 = arith.constant 0 : i32
    %dma_start3A_895 = tpu.memref_slice %arg3[%dma_start3A_893, %dma_start3A_894] : memref<100000x1024xf32, #tpu.memory_space<hbm>> -> memref<100000x1024xf32, #tpu.memory_space<hbm>>
    tpu.enqueue_indirect_dma source(%dma_start3A_895 : memref<100000x1024xf32, #tpu.memory_space<hbm>>) target(%dma_start3A_890 : memref<32x1024xf32, #tpu.memory_space<vmem>>) offsets(%dma_start3A_892 : memref<32xi32, #tpu.memory_space<vmem>>) semaphore(%arg11 : memref<!tpu.dma_semaphore, #tpu.memory_space<semaphore_mem>>)
    %dma_wait3A_896 = arith.constant 1 : i32
    %dma_wait3A_897 = arith.constant 0 : i32
    %dma_wait3A_898 = arith.constant 0 : i32
    %dma_wait3A_899 = tpu.memref_slice %arg7[%dma_wait3A_896, %dma_wait3A_897, %dma_wait3A_898] : memref<3x32x1024xf32, #tpu.memory_space<vmem>> -> memref<1x32x1024xf32, #tpu.memory_space<vmem>>
    %dma_wait3A_900 = tpu.memref_squeeze %dma_wait3A_899 : memref<1x32x1024xf32, #tpu.memory_space<vmem>> -> memref<32x1024xf32, #tpu.memory_space<vmem>>
    %dma_wait3A_901 = arith.constant 128 : i32
    %dma_wait3A_902 = tpu.memref_slice %arg6[%dma_wait3A_901] : memref<256xi32, #tpu.memory_space<vmem>> -> memref<32xi32, #tpu.memory_space<vmem>>
    %dma_wait3A_903 = arith.constant 0 : i32
    %dma_wait3A_904 = arith.constant 0 : i32
    %dma_wait3A_905 = tpu.memref_slice %arg3[%dma_wait3A_903, %dma_wait3A_904] : memref<100000x1024xf32, #tpu.memory_space<hbm>> -> memref<100000x1024xf32, #tpu.memory_space<hbm>>
    tpu.wait_indirect_dma semaphore(%arg12 : memref<!tpu.dma_semaphore, #tpu.memory_space<semaphore_mem>>) src(%dma_wait3A_905 : memref<100000x1024xf32, #tpu.memory_space<hbm>>) dst(%dma_wait3A_900 : memref<32x1024xf32, #tpu.memory_space<vmem>>)
    %add3A_906 = arith.constant 128 : i32
    %add3A_907 = arith.addi %mul3A_2, %add3A_906 : i32
    %dma_start3A_908 = arith.constant 1 : i32
    %dma_start3A_909 = arith.constant 0 : i32
    %dma_start3A_910 = arith.constant 0 : i32
    %dma_start3A_911 = tpu.memref_slice %arg7[%dma_start3A_908, %dma_start3A_909, %dma_start3A_910] : memref<3x32x1024xf32, #tpu.memory_space<vmem>> -> memref<1x32x1024xf32, #tpu.memory_space<vmem>>
    %dma_start3A_912 = tpu.memref_squeeze %dma_start3A_911 : memref<1x32x1024xf32, #tpu.memory_space<vmem>> -> memref<32x1024xf32, #tpu.memory_space<vmem>>
    %dma_start3A_913 = arith.constant 0 : i32
    %dma_start3A_914 = tpu.memref_slice %arg5[%add3A_907, %dma_start3A_913] : memref<8192x1024xf32, #tpu.memory_space<hbm>> -> memref<32x1024xf32, #tpu.memory_space<hbm>>
    %dma_start3A_915 = arith.constant 0 : i32
    %dma_start3A_916 = tpu.memref_slice %arg5[%add3A_907, %dma_start3A_915] : memref<8192x1024xf32, #tpu.memory_space<hbm>> -> memref<32x1024xf32, #tpu.memory_space<hbm>>
    %dma_start3A_917 = arith.constant 0 : i32
    %dma_start3A_918 = arith.constant 0 : i32
    %dma_start3A_919 = tpu.memref_slice %arg7[%dma_start3A_908, %dma_start3A_917, %dma_start3A_918] : memref<3x32x1024xf32, #tpu.memory_space<vmem>> -> memref<1x32x1024xf32, #tpu.memory_space<vmem>>
    %dma_start3A_920 = tpu.memref_squeeze %dma_start3A_919 : memref<1x32x1024xf32, #tpu.memory_space<vmem>> -> memref<32x1024xf32, #tpu.memory_space<vmem>>
    tpu.enqueue_dma source(%dma_start3A_920 : memref<32x1024xf32, #tpu.memory_space<vmem>>) target(%dma_start3A_916 : memref<32x1024xf32, #tpu.memory_space<hbm>>) target_semaphore(%arg15 : memref<!tpu.dma_semaphore, #tpu.memory_space<semaphore_mem>>)
    %dma_wait3A_921 = arith.constant 1 : i32
    %dma_wait3A_922 = arith.constant 0 : i32
    %dma_wait3A_923 = arith.constant 0 : i32
    %dma_wait3A_924 = tpu.memref_slice %arg7[%dma_wait3A_921, %dma_wait3A_922, %dma_wait3A_923] : memref<3x32x1024xf32, #tpu.memory_space<vmem>> -> memref<1x32x1024xf32, #tpu.memory_space<vmem>>
    %dma_wait3A_925 = tpu.memref_squeeze %dma_wait3A_924 : memref<1x32x1024xf32, #tpu.memory_space<vmem>> -> memref<32x1024xf32, #tpu.memory_space<vmem>>
    %dma_wait3A_926 = arith.constant 0 : i32
    %dma_wait3A_927 = tpu.memref_slice %arg5[%add3A_907, %dma_wait3A_926] : memref<8192x1024xf32, #tpu.memory_space<hbm>> -> memref<32x1024xf32, #tpu.memory_space<hbm>>
    %dma_wait3A_928 = arith.constant 0 : i32
    %dma_wait3A_929 = tpu.memref_slice %arg5[%add3A_907, %dma_wait3A_928] : memref<8192x1024xf32, #tpu.memory_space<hbm>> -> memref<32x1024xf32, #tpu.memory_space<hbm>>
    %dma_wait3A_930 = arith.constant 0 : i32
    %dma_wait3A_931 = arith.constant 0 : i32
    %dma_wait3A_932 = tpu.memref_slice %arg7[%dma_wait3A_921, %dma_wait3A_930, %dma_wait3A_931] : memref<3x32x1024xf32, #tpu.memory_space<vmem>> -> memref<1x32x1024xf32, #tpu.memory_space<vmem>>
    %dma_wait3A_933 = tpu.memref_squeeze %dma_wait3A_932 : memref<1x32x1024xf32, #tpu.memory_space<vmem>> -> memref<32x1024xf32, #tpu.memory_space<vmem>>
    tpu.wait_dma2 semaphore(%arg15 : memref<!tpu.dma_semaphore, #tpu.memory_space<semaphore_mem>>) src(%dma_wait3A_933 : memref<32x1024xf32, #tpu.memory_space<vmem>>) dst(%dma_wait3A_929 : memref<32x1024xf32, #tpu.memory_space<hbm>>)
    %dma_start3A_934 = arith.constant 1 : i32
    %dma_start3A_935 = arith.constant 0 : i32
    %dma_start3A_936 = arith.constant 0 : i32
    %dma_start3A_937 = tpu.memref_slice %arg7[%dma_start3A_934, %dma_start3A_935, %dma_start3A_936] : memref<3x32x1024xf32, #tpu.memory_space<vmem>> -> memref<1x32x1024xf32, #tpu.memory_space<vmem>>
    %dma_start3A_938 = tpu.memref_squeeze %dma_start3A_937 : memref<1x32x1024xf32, #tpu.memory_space<vmem>> -> memref<32x1024xf32, #tpu.memory_space<vmem>>
    %dma_start3A_939 = arith.constant 224 : i32
    %dma_start3A_940 = tpu.memref_slice %arg6[%dma_start3A_939] : memref<256xi32, #tpu.memory_space<vmem>> -> memref<32xi32, #tpu.memory_space<vmem>>
    %dma_start3A_941 = arith.constant 0 : i32
    %dma_start3A_942 = arith.constant 0 : i32
    %dma_start3A_943 = tpu.memref_slice %arg3[%dma_start3A_941, %dma_start3A_942] : memref<100000x1024xf32, #tpu.memory_space<hbm>> -> memref<100000x1024xf32, #tpu.memory_space<hbm>>
    tpu.enqueue_indirect_dma source(%dma_start3A_943 : memref<100000x1024xf32, #tpu.memory_space<hbm>>) target(%dma_start3A_938 : memref<32x1024xf32, #tpu.memory_space<vmem>>) offsets(%dma_start3A_940 : memref<32xi32, #tpu.memory_space<vmem>>) semaphore(%arg12 : memref<!tpu.dma_semaphore, #tpu.memory_space<semaphore_mem>>)
    %dma_wait3A_944 = arith.constant 2 : i32
    %dma_wait3A_945 = arith.constant 0 : i32
    %dma_wait3A_946 = arith.constant 0 : i32
    %dma_wait3A_947 = tpu.memref_slice %arg7[%dma_wait3A_944, %dma_wait3A_945, %dma_wait3A_946] : memref<3x32x1024xf32, #tpu.memory_space<vmem>> -> memref<1x32x1024xf32, #tpu.memory_space<vmem>>
    %dma_wait3A_948 = tpu.memref_squeeze %dma_wait3A_947 : memref<1x32x1024xf32, #tpu.memory_space<vmem>> -> memref<32x1024xf32, #tpu.memory_space<vmem>>
    %dma_wait3A_949 = arith.constant 160 : i32
    %dma_wait3A_950 = tpu.memref_slice %arg6[%dma_wait3A_949] : memref<256xi32, #tpu.memory_space<vmem>> -> memref<32xi32, #tpu.memory_space<vmem>>
    %dma_wait3A_951 = arith.constant 0 : i32
    %dma_wait3A_952 = arith.constant 0 : i32
    %dma_wait3A_953 = tpu.memref_slice %arg3[%dma_wait3A_951, %dma_wait3A_952] : memref<100000x1024xf32, #tpu.memory_space<hbm>> -> memref<100000x1024xf32, #tpu.memory_space<hbm>>
    tpu.wait_indirect_dma semaphore(%arg13 : memref<!tpu.dma_semaphore, #tpu.memory_space<semaphore_mem>>) src(%dma_wait3A_953 : memref<100000x1024xf32, #tpu.memory_space<hbm>>) dst(%dma_wait3A_948 : memref<32x1024xf32, #tpu.memory_space<vmem>>)
    %add3A_954 = arith.constant 160 : i32
    %add3A_955 = arith.addi %mul3A_2, %add3A_954 : i32
    %dma_start3A_956 = arith.constant 2 : i32
    %dma_start3A_957 = arith.constant 0 : i32
    %dma_start3A_958 = arith.constant 0 : i32
    %dma_start3A_959 = tpu.memref_slice %arg7[%dma_start3A_956, %dma_start3A_957, %dma_start3A_958] : memref<3x32x1024xf32, #tpu.memory_space<vmem>> -> memref<1x32x1024xf32, #tpu.memory_space<vmem>>
    %dma_start3A_960 = tpu.memref_squeeze %dma_start3A_959 : memref<1x32x1024xf32, #tpu.memory_space<vmem>> -> memref<32x1024xf32, #tpu.memory_space<vmem>>
    %dma_start3A_961 = arith.constant 0 : i32
    %dma_start3A_962 = tpu.memref_slice %arg5[%add3A_955, %dma_start3A_961] : memref<8192x1024xf32, #tpu.memory_space<hbm>> -> memref<32x1024xf32, #tpu.memory_space<hbm>>
    %dma_start3A_963 = arith.constant 0 : i32
    %dma_start3A_964 = tpu.memref_slice %arg5[%add3A_955, %dma_start3A_963] : memref<8192x1024xf32, #tpu.memory_space<hbm>> -> memref<32x1024xf32, #tpu.memory_space<hbm>>
    %dma_start3A_965 = arith.constant 0 : i32
    %dma_start3A_966 = arith.constant 0 : i32
    %dma_start3A_967 = tpu.memref_slice %arg7[%dma_start3A_956, %dma_start3A_965, %dma_start3A_966] : memref<3x32x1024xf32, #tpu.memory_space<vmem>> -> memref<1x32x1024xf32, #tpu.memory_space<vmem>>
    %dma_start3A_968 = tpu.memref_squeeze %dma_start3A_967 : memref<1x32x1024xf32, #tpu.memory_space<vmem>> -> memref<32x1024xf32, #tpu.memory_space<vmem>>
    tpu.enqueue_dma source(%dma_start3A_968 : memref<32x1024xf32, #tpu.memory_space<vmem>>) target(%dma_start3A_964 : memref<32x1024xf32, #tpu.memory_space<hbm>>) target_semaphore(%arg16 : memref<!tpu.dma_semaphore, #tpu.memory_space<semaphore_mem>>)
    %dma_wait3A_969 = arith.constant 0 : i32
    %dma_wait3A_970 = arith.constant 0 : i32
    %dma_wait3A_971 = arith.constant 0 : i32
    %dma_wait3A_972 = tpu.memref_slice %arg7[%dma_wait3A_969, %dma_wait3A_970, %dma_wait3A_971] : memref<3x32x1024xf32, #tpu.memory_space<vmem>> -> memref<1x32x1024xf32, #tpu.memory_space<vmem>>
    %dma_wait3A_973 = tpu.memref_squeeze %dma_wait3A_972 : memref<1x32x1024xf32, #tpu.memory_space<vmem>> -> memref<32x1024xf32, #tpu.memory_space<vmem>>
    %dma_wait3A_974 = arith.constant 192 : i32
    %dma_wait3A_975 = tpu.memref_slice %arg6[%dma_wait3A_974] : memref<256xi32, #tpu.memory_space<vmem>> -> memref<32xi32, #tpu.memory_space<vmem>>
    %dma_wait3A_976 = arith.constant 0 : i32
    %dma_wait3A_977 = arith.constant 0 : i32
    %dma_wait3A_978 = tpu.memref_slice %arg3[%dma_wait3A_976, %dma_wait3A_977] : memref<100000x1024xf32, #tpu.memory_space<hbm>> -> memref<100000x1024xf32, #tpu.memory_space<hbm>>
    tpu.wait_indirect_dma semaphore(%arg11 : memref<!tpu.dma_semaphore, #tpu.memory_space<semaphore_mem>>) src(%dma_wait3A_978 : memref<100000x1024xf32, #tpu.memory_space<hbm>>) dst(%dma_wait3A_973 : memref<32x1024xf32, #tpu.memory_space<vmem>>)
    %add3A_979 = arith.constant 192 : i32
    %add3A_980 = arith.addi %mul3A_2, %add3A_979 : i32
    %dma_start3A_981 = arith.constant 0 : i32
    %dma_start3A_982 = arith.constant 0 : i32
    %dma_start3A_983 = arith.constant 0 : i32
    %dma_start3A_984 = tpu.memref_slice %arg7[%dma_start3A_981, %dma_start3A_982, %dma_start3A_983] : memref<3x32x1024xf32, #tpu.memory_space<vmem>> -> memref<1x32x1024xf32, #tpu.memory_space<vmem>>
    %dma_start3A_985 = tpu.memref_squeeze %dma_start3A_984 : memref<1x32x1024xf32, #tpu.memory_space<vmem>> -> memref<32x1024xf32, #tpu.memory_space<vmem>>
    %dma_start3A_986 = arith.constant 0 : i32
    %dma_start3A_987 = tpu.memref_slice %arg5[%add3A_980, %dma_start3A_986] : memref<8192x1024xf32, #tpu.memory_space<hbm>> -> memref<32x1024xf32, #tpu.memory_space<hbm>>
    %dma_start3A_988 = arith.constant 0 : i32
    %dma_start3A_989 = tpu.memref_slice %arg5[%add3A_980, %dma_start3A_988] : memref<8192x1024xf32, #tpu.memory_space<hbm>> -> memref<32x1024xf32, #tpu.memory_space<hbm>>
    %dma_start3A_990 = arith.constant 0 : i32
    %dma_start3A_991 = arith.constant 0 : i32
    %dma_start3A_992 = tpu.memref_slice %arg7[%dma_start3A_981, %dma_start3A_990, %dma_start3A_991] : memref<3x32x1024xf32, #tpu.memory_space<vmem>> -> memref<1x32x1024xf32, #tpu.memory_space<vmem>>
    %dma_start3A_993 = tpu.memref_squeeze %dma_start3A_992 : memref<1x32x1024xf32, #tpu.memory_space<vmem>> -> memref<32x1024xf32, #tpu.memory_space<vmem>>
    tpu.enqueue_dma source(%dma_start3A_993 : memref<32x1024xf32, #tpu.memory_space<vmem>>) target(%dma_start3A_989 : memref<32x1024xf32, #tpu.memory_space<hbm>>) target_semaphore(%arg14 : memref<!tpu.dma_semaphore, #tpu.memory_space<semaphore_mem>>)
    %dma_wait3A_994 = arith.constant 1 : i32
    %dma_wait3A_995 = arith.constant 0 : i32
    %dma_wait3A_996 = arith.constant 0 : i32
    %dma_wait3A_997 = tpu.memref_slice %arg7[%dma_wait3A_994, %dma_wait3A_995, %dma_wait3A_996] : memref<3x32x1024xf32, #tpu.memory_space<vmem>> -> memref<1x32x1024xf32, #tpu.memory_space<vmem>>
    %dma_wait3A_998 = tpu.memref_squeeze %dma_wait3A_997 : memref<1x32x1024xf32, #tpu.memory_space<vmem>> -> memref<32x1024xf32, #tpu.memory_space<vmem>>
    %dma_wait3A_999 = arith.constant 224 : i32
    %dma_wait3A_1000 = tpu.memref_slice %arg6[%dma_wait3A_999] : memref<256xi32, #tpu.memory_space<vmem>> -> memref<32xi32, #tpu.memory_space<vmem>>
    %dma_wait3A_1001 = arith.constant 0 : i32
    %dma_wait3A_1002 = arith.constant 0 : i32
    %dma_wait3A_1003 = tpu.memref_slice %arg3[%dma_wait3A_1001, %dma_wait3A_1002] : memref<100000x1024xf32, #tpu.memory_space<hbm>> -> memref<100000x1024xf32, #tpu.memory_space<hbm>>
    tpu.wait_indirect_dma semaphore(%arg12 : memref<!tpu.dma_semaphore, #tpu.memory_space<semaphore_mem>>) src(%dma_wait3A_1003 : memref<100000x1024xf32, #tpu.memory_space<hbm>>) dst(%dma_wait3A_998 : memref<32x1024xf32, #tpu.memory_space<vmem>>)
    %add3A_1004 = arith.constant 224 : i32
    %add3A_1005 = arith.addi %mul3A_2, %add3A_1004 : i32
    %dma_start3A_1006 = arith.constant 1 : i32
    %dma_start3A_1007 = arith.constant 0 : i32
    %dma_start3A_1008 = arith.constant 0 : i32
    %dma_start3A_1009 = tpu.memref_slice %arg7[%dma_start3A_1006, %dma_start3A_1007, %dma_start3A_1008] : memref<3x32x1024xf32, #tpu.memory_space<vmem>> -> memref<1x32x1024xf32, #tpu.memory_space<vmem>>
    %dma_start3A_1010 = tpu.memref_squeeze %dma_start3A_1009 : memref<1x32x1024xf32, #tpu.memory_space<vmem>> -> memref<32x1024xf32, #tpu.memory_space<vmem>>
    %dma_start3A_1011 = arith.constant 0 : i32
    %dma_start3A_1012 = tpu.memref_slice %arg5[%add3A_1005, %dma_start3A_1011] : memref<8192x1024xf32, #tpu.memory_space<hbm>> -> memref<32x1024xf32, #tpu.memory_space<hbm>>
    %dma_start3A_1013 = arith.constant 0 : i32
    %dma_start3A_1014 = tpu.memref_slice %arg5[%add3A_1005, %dma_start3A_1013] : memref<8192x1024xf32, #tpu.memory_space<hbm>> -> memref<32x1024xf32, #tpu.memory_space<hbm>>
    %dma_start3A_1015 = arith.constant 0 : i32
    %dma_start3A_1016 = arith.constant 0 : i32
    %dma_start3A_1017 = tpu.memref_slice %arg7[%dma_start3A_1006, %dma_start3A_1015, %dma_start3A_1016] : memref<3x32x1024xf32, #tpu.memory_space<vmem>> -> memref<1x32x1024xf32, #tpu.memory_space<vmem>>
    %dma_start3A_1018 = tpu.memref_squeeze %dma_start3A_1017 : memref<1x32x1024xf32, #tpu.memory_space<vmem>> -> memref<32x1024xf32, #tpu.memory_space<vmem>>
    tpu.enqueue_dma source(%dma_start3A_1018 : memref<32x1024xf32, #tpu.memory_space<vmem>>) target(%dma_start3A_1014 : memref<32x1024xf32, #tpu.memory_space<hbm>>) target_semaphore(%arg15 : memref<!tpu.dma_semaphore, #tpu.memory_space<semaphore_mem>>)
    %dma_wait3A_1019 = arith.constant 2 : i32
    %dma_wait3A_1020 = arith.constant 0 : i32
    %dma_wait3A_1021 = arith.constant 0 : i32
    %dma_wait3A_1022 = tpu.memref_slice %arg7[%dma_wait3A_1019, %dma_wait3A_1020, %dma_wait3A_1021] : memref<3x32x1024xf32, #tpu.memory_space<vmem>> -> memref<1x32x1024xf32, #tpu.memory_space<vmem>>
    %dma_wait3A_1023 = tpu.memref_squeeze %dma_wait3A_1022 : memref<1x32x1024xf32, #tpu.memory_space<vmem>> -> memref<32x1024xf32, #tpu.memory_space<vmem>>
    %dma_wait3A_1024 = arith.constant 0 : i32
    %dma_wait3A_1025 = tpu.memref_slice %arg5[%add3A_955, %dma_wait3A_1024] : memref<8192x1024xf32, #tpu.memory_space<hbm>> -> memref<32x1024xf32, #tpu.memory_space<hbm>>
    %dma_wait3A_1026 = arith.constant 0 : i32
    %dma_wait3A_1027 = tpu.memref_slice %arg5[%add3A_955, %dma_wait3A_1026] : memref<8192x1024xf32, #tpu.memory_space<hbm>> -> memref<32x1024xf32, #tpu.memory_space<hbm>>
    %dma_wait3A_1028 = arith.constant 0 : i32
    %dma_wait3A_1029 = arith.constant 0 : i32
    %dma_wait3A_1030 = tpu.memref_slice %arg7[%dma_wait3A_1019, %dma_wait3A_1028, %dma_wait3A_1029] : memref<3x32x1024xf32, #tpu.memory_space<vmem>> -> memref<1x32x1024xf32, #tpu.memory_space<vmem>>
    %dma_wait3A_1031 = tpu.memref_squeeze %dma_wait3A_1030 : memref<1x32x1024xf32, #tpu.memory_space<vmem>> -> memref<32x1024xf32, #tpu.memory_space<vmem>>
    tpu.wait_dma2 semaphore(%arg16 : memref<!tpu.dma_semaphore, #tpu.memory_space<semaphore_mem>>) src(%dma_wait3A_1031 : memref<32x1024xf32, #tpu.memory_space<vmem>>) dst(%dma_wait3A_1027 : memref<32x1024xf32, #tpu.memory_space<hbm>>)
    %dma_wait3A_1032 = arith.constant 0 : i32
    %dma_wait3A_1033 = arith.constant 0 : i32
    %dma_wait3A_1034 = arith.constant 0 : i32
    %dma_wait3A_1035 = tpu.memref_slice %arg7[%dma_wait3A_1032, %dma_wait3A_1033, %dma_wait3A_1034] : memref<3x32x1024xf32, #tpu.memory_space<vmem>> -> memref<1x32x1024xf32, #tpu.memory_space<vmem>>
    %dma_wait3A_1036 = tpu.memref_squeeze %dma_wait3A_1035 : memref<1x32x1024xf32, #tpu.memory_space<vmem>> -> memref<32x1024xf32, #tpu.memory_space<vmem>>
    %dma_wait3A_1037 = arith.constant 0 : i32
    %dma_wait3A_1038 = tpu.memref_slice %arg5[%add3A_980, %dma_wait3A_1037] : memref<8192x1024xf32, #tpu.memory_space<hbm>> -> memref<32x1024xf32, #tpu.memory_space<hbm>>
    %dma_wait3A_1039 = arith.constant 0 : i32
    %dma_wait3A_1040 = tpu.memref_slice %arg5[%add3A_980, %dma_wait3A_1039] : memref<8192x1024xf32, #tpu.memory_space<hbm>> -> memref<32x1024xf32, #tpu.memory_space<hbm>>
    %dma_wait3A_1041 = arith.constant 0 : i32
    %dma_wait3A_1042 = arith.constant 0 : i32
    %dma_wait3A_1043 = tpu.memref_slice %arg7[%dma_wait3A_1032, %dma_wait3A_1041, %dma_wait3A_1042] : memref<3x32x1024xf32, #tpu.memory_space<vmem>> -> memref<1x32x1024xf32, #tpu.memory_space<vmem>>
    %dma_wait3A_1044 = tpu.memref_squeeze %dma_wait3A_1043 : memref<1x32x1024xf32, #tpu.memory_space<vmem>> -> memref<32x1024xf32, #tpu.memory_space<vmem>>
    tpu.wait_dma2 semaphore(%arg14 : memref<!tpu.dma_semaphore, #tpu.memory_space<semaphore_mem>>) src(%dma_wait3A_1044 : memref<32x1024xf32, #tpu.memory_space<vmem>>) dst(%dma_wait3A_1040 : memref<32x1024xf32, #tpu.memory_space<hbm>>)
    %dma_wait3A_1045 = arith.constant 1 : i32
    %dma_wait3A_1046 = arith.constant 0 : i32
    %dma_wait3A_1047 = arith.constant 0 : i32
    %dma_wait3A_1048 = tpu.memref_slice %arg7[%dma_wait3A_1045, %dma_wait3A_1046, %dma_wait3A_1047] : memref<3x32x1024xf32, #tpu.memory_space<vmem>> -> memref<1x32x1024xf32, #tpu.memory_space<vmem>>
    %dma_wait3A_1049 = tpu.memref_squeeze %dma_wait3A_1048 : memref<1x32x1024xf32, #tpu.memory_space<vmem>> -> memref<32x1024xf32, #tpu.memory_space<vmem>>
    %dma_wait3A_1050 = arith.constant 0 : i32
    %dma_wait3A_1051 = tpu.memref_slice %arg5[%add3A_1005, %dma_wait3A_1050] : memref<8192x1024xf32, #tpu.memory_space<hbm>> -> memref<32x1024xf32, #tpu.memory_space<hbm>>
    %dma_wait3A_1052 = arith.constant 0 : i32
    %dma_wait3A_1053 = tpu.memref_slice %arg5[%add3A_1005, %dma_wait3A_1052] : memref<8192x1024xf32, #tpu.memory_space<hbm>> -> memref<32x1024xf32, #tpu.memory_space<hbm>>
    %dma_wait3A_1054 = arith.constant 0 : i32
    %dma_wait3A_1055 = arith.constant 0 : i32
    %dma_wait3A_1056 = tpu.memref_slice %arg7[%dma_wait3A_1045, %dma_wait3A_1054, %dma_wait3A_1055] : memref<3x32x1024xf32, #tpu.memory_space<vmem>> -> memref<1x32x1024xf32, #tpu.memory_space<vmem>>
    %dma_wait3A_1057 = tpu.memref_squeeze %dma_wait3A_1056 : memref<1x32x1024xf32, #tpu.memory_space<vmem>> -> memref<32x1024xf32, #tpu.memory_space<vmem>>
    tpu.wait_dma2 semaphore(%arg15 : memref<!tpu.dma_semaphore, #tpu.memory_space<semaphore_mem>>) src(%dma_wait3A_1057 : memref<32x1024xf32, #tpu.memory_space<vmem>>) dst(%dma_wait3A_1053 : memref<32x1024xf32, #tpu.memory_space<hbm>>)
    %gt3A_1058 = arith.constant 0 : i32
    %gt3A_1059 = arith.cmpi sgt, %add3A_701, %gt3A_1058 : i32
    %convert_element_type3A_1060 = arith.extui %gt3A_1059 : i1 to i32
    %cond3A_1061 = arith.constant 0 : i32
    %cond3A_1062 = arith.cmpi ne, %convert_element_type3A_1060, %cond3A_1061 : i32
    scf.if %cond3A_1062 {
      %get3A_1138 = arith.constant 0 : index
      %get3A_1139 = tpu.vector_load %arg9[%get3A_1138] {strides = array<i32>} : memref<288xi32, #tpu.memory_space<vmem>>, vector<16xi32>,
      %get3A_1140 = arith.constant 0 : index
      %get3A_1141 = tpu.vector_load %arg10[%get3A_1140] {strides = array<i32>} : memref<288xi32, #tpu.memory_space<vmem>>, vector<16xi32>,
      %add3A_1142 = arith.constant 0 : i32
      %add3A_1143 = vector.broadcast %add3A_1142 : i32 to vector<16xi32>
      %add3A_1144 = arith.addi %add3A_1143, %iota3A : vector<16xi32>
      %lt3A_1145 = vector.broadcast %add3A_701 : i32 to vector<16xi32>
      %lt3A_1146 = arith.cmpi slt, %add3A_1144, %lt3A_1145 : vector<16xi32>
      %slice3A_1147 = vector.extract_strided_slice %get3A_1139 {offsets = [0], sizes = [1], strides = [1]} : vector<16xi32> to vector<1xi32>
      %squeeze3A_1148 = vector.extract %slice3A_1147[0] : i32 from vector<1xi32>
      %broadcast_in_dim3A_1149 = vector.broadcast %squeeze3A_1148 : i32 to vector<16xi32>
      %select_n3A_1150 = arith.select %lt3A_1146, %get3A_1139, %broadcast_in_dim3A_1149 : vector<16xi1>, vector<16xi32>
      %slice3A_1151 = vector.extract_strided_slice %get3A_1141 {offsets = [0], sizes = [1], strides = [1]} : vector<16xi32> to vector<1xi32>
      %squeeze3A_1152 = vector.extract %slice3A_1151[0] : i32 from vector<1xi32>
      %broadcast_in_dim3A_1153 = vector.broadcast %squeeze3A_1152 : i32 to vector<16xi32>
      %select_n3A_1154 = arith.select %lt3A_1146, %get3A_1141, %broadcast_in_dim3A_1153 : vector<16xi1>, vector<16xi32>
      %dma_wait3A_1155 = arith.constant 0 : i32
      %dma_wait3A_1156 = arith.constant 0 : i32
      %dma_wait3A_1157 = tpu.memref_slice %arg4[%dma_wait3A_1155, %dma_wait3A_1156] : memref<1024x1024xf32, #tpu.memory_space<hbm>> -> memref<1024x1024xf32, #tpu.memory_space<hbm>>
      tpu.wait_indirect_dma semaphore(%arg17 : memref<!tpu.dma_semaphore, #tpu.memory_space<semaphore_mem>>) src(%dma_wait3A_1157 : memref<1024x1024xf32, #tpu.memory_space<hbm>>) dst(%arg8 : memref<16x1024xf32, #tpu.memory_space<vmem>>)
      %dma_start3A_1158 = arith.constant 0 : i32
      %dma_start3A_1159 = arith.constant 0 : i32
      %dma_start3A_1160 = tpu.memref_slice %arg5[%dma_start3A_1158, %dma_start3A_1159] : memref<8192x1024xf32, #tpu.memory_space<hbm>> -> memref<8192x1024xf32, #tpu.memory_space<hbm>>
      tpu.enqueue_indirect_dma source(%arg8 : memref<16x1024xf32, #tpu.memory_space<vmem>>) target(%dma_start3A_1160 : memref<8192x1024xf32, #tpu.memory_space<hbm>>) offsets(%select_n3A_1154 : vector<16xi32>) semaphore(%arg14 : memref<!tpu.dma_semaphore, #tpu.memory_space<semaphore_mem>>)
      %dma_wait3A_1161 = arith.constant 0 : i32
      %dma_wait3A_1162 = arith.constant 0 : i32
      %dma_wait3A_1163 = tpu.memref_slice %arg5[%dma_wait3A_1161, %dma_wait3A_1162] : memref<8192x1024xf32, #tpu.memory_space<hbm>> -> memref<8192x1024xf32, #tpu.memory_space<hbm>>
      tpu.wait_indirect_dma semaphore(%arg14 : memref<!tpu.dma_semaphore, #tpu.memory_space<semaphore_mem>>) src(%arg8 : memref<16x1024xf32, #tpu.memory_space<vmem>>) dst(%dma_wait3A_1163 : memref<8192x1024xf32, #tpu.memory_space<hbm>>)
    } else {
    }
    %gt3A_1063 = arith.constant 16 : i32
    %gt3A_1064 = arith.cmpi sgt, %add3A_701, %gt3A_1063 : i32
    %convert_element_type3A_1065 = arith.extui %gt3A_1064 : i1 to i32
    %cond3A_1066 = arith.constant 0 : i32
    %cond3A_1067 = arith.cmpi ne, %convert_element_type3A_1065, %cond3A_1066 : i32
    scf.if %cond3A_1067 {
      %get3A_1138 = arith.constant 16 : index
      %get3A_1139 = tpu.vector_load %arg9[%get3A_1138] {strides = array<i32>} : memref<288xi32, #tpu.memory_space<vmem>>, vector<16xi32>,
      %get3A_1140 = arith.constant 16 : index
      %get3A_1141 = tpu.vector_load %arg10[%get3A_1140] {strides = array<i32>} : memref<288xi32, #tpu.memory_space<vmem>>, vector<16xi32>,
      %add3A_1142 = arith.constant 16 : i32
      %add3A_1143 = vector.broadcast %add3A_1142 : i32 to vector<16xi32>
      %add3A_1144 = arith.addi %add3A_1143, %iota3A : vector<16xi32>
      %lt3A_1145 = vector.broadcast %add3A_701 : i32 to vector<16xi32>
      %lt3A_1146 = arith.cmpi slt, %add3A_1144, %lt3A_1145 : vector<16xi32>
      %slice3A_1147 = vector.extract_strided_slice %get3A_1139 {offsets = [0], sizes = [1], strides = [1]} : vector<16xi32> to vector<1xi32>
      %squeeze3A_1148 = vector.extract %slice3A_1147[0] : i32 from vector<1xi32>
      %broadcast_in_dim3A_1149 = vector.broadcast %squeeze3A_1148 : i32 to vector<16xi32>
      %select_n3A_1150 = arith.select %lt3A_1146, %get3A_1139, %broadcast_in_dim3A_1149 : vector<16xi1>, vector<16xi32>
      %slice3A_1151 = vector.extract_strided_slice %get3A_1141 {offsets = [0], sizes = [1], strides = [1]} : vector<16xi32> to vector<1xi32>
      %squeeze3A_1152 = vector.extract %slice3A_1151[0] : i32 from vector<1xi32>
      %broadcast_in_dim3A_1153 = vector.broadcast %squeeze3A_1152 : i32 to vector<16xi32>
      %select_n3A_1154 = arith.select %lt3A_1146, %get3A_1141, %broadcast_in_dim3A_1153 : vector<16xi1>, vector<16xi32>
      %dma_start3A_1155 = arith.constant 0 : i32
      %dma_start3A_1156 = arith.constant 0 : i32
      %dma_start3A_1157 = tpu.memref_slice %arg4[%dma_start3A_1155, %dma_start3A_1156] : memref<1024x1024xf32, #tpu.memory_space<hbm>> -> memref<1024x1024xf32, #tpu.memory_space<hbm>>
      tpu.enqueue_indirect_dma source(%dma_start3A_1157 : memref<1024x1024xf32, #tpu.memory_space<hbm>>) target(%arg8 : memref<16x1024xf32, #tpu.memory_space<vmem>>) offsets(%select_n3A_1150 : vector<16xi32>) semaphore(%arg17 : memref<!tpu.dma_semaphore, #tpu.memory_space<semaphore_mem>>)
      %dma_wait3A_1158 = arith.constant 0 : i32
      %dma_wait3A_1159 = arith.constant 0 : i32
      %dma_wait3A_1160 = tpu.memref_slice %arg4[%dma_wait3A_1158, %dma_wait3A_1159] : memref<1024x1024xf32, #tpu.memory_space<hbm>> -> memref<1024x1024xf32, #tpu.memory_space<hbm>>
      tpu.wait_indirect_dma semaphore(%arg17 : memref<!tpu.dma_semaphore, #tpu.memory_space<semaphore_mem>>) src(%dma_wait3A_1160 : memref<1024x1024xf32, #tpu.memory_space<hbm>>) dst(%arg8 : memref<16x1024xf32, #tpu.memory_space<vmem>>)
      %dma_start3A_1161 = arith.constant 0 : i32
      %dma_start3A_1162 = arith.constant 0 : i32
      %dma_start3A_1163 = tpu.memref_slice %arg5[%dma_start3A_1161, %dma_start3A_1162] : memref<8192x1024xf32, #tpu.memory_space<hbm>> -> memref<8192x1024xf32, #tpu.memory_space<hbm>>
      tpu.enqueue_indirect_dma source(%arg8 : memref<16x1024xf32, #tpu.memory_space<vmem>>) target(%dma_start3A_1163 : memref<8192x1024xf32, #tpu.memory_space<hbm>>) offsets(%select_n3A_1154 : vector<16xi32>) semaphore(%arg14 : memref<!tpu.dma_semaphore, #tpu.memory_space<semaphore_mem>>)
      %dma_wait3A_1164 = arith.constant 0 : i32
      %dma_wait3A_1165 = arith.constant 0 : i32
      %dma_wait3A_1166 = tpu.memref_slice %arg5[%dma_wait3A_1164, %dma_wait3A_1165] : memref<8192x1024xf32, #tpu.memory_space<hbm>> -> memref<8192x1024xf32, #tpu.memory_space<hbm>>
      tpu.wait_indirect_dma semaphore(%arg14 : memref<!tpu.dma_semaphore, #tpu.memory_space<semaphore_mem>>) src(%arg8 : memref<16x1024xf32, #tpu.memory_space<vmem>>) dst(%dma_wait3A_1166 : memref<8192x1024xf32, #tpu.memory_space<hbm>>)
    } else {
    }
    %gt3A_1068 = arith.constant 32 : i32
    %gt3A_1069 = arith.cmpi sgt, %add3A_701, %gt3A_1068 : i32
    %convert_element_type3A_1070 = arith.extui %gt3A_1069 : i1 to i32
    %cond3A_1071 = arith.constant 0 : i32
    %cond3A_1072 = arith.cmpi ne, %convert_element_type3A_1070, %cond3A_1071 : i32
    scf.if %cond3A_1072 {
      %get3A_1138 = arith.constant 32 : index
      %get3A_1139 = tpu.vector_load %arg9[%get3A_1138] {strides = array<i32>} : memref<288xi32, #tpu.memory_space<vmem>>, vector<16xi32>,
      %get3A_1140 = arith.constant 32 : index
      %get3A_1141 = tpu.vector_load %arg10[%get3A_1140] {strides = array<i32>} : memref<288xi32, #tpu.memory_space<vmem>>, vector<16xi32>,
      %add3A_1142 = arith.constant 32 : i32
      %add3A_1143 = vector.broadcast %add3A_1142 : i32 to vector<16xi32>
      %add3A_1144 = arith.addi %add3A_1143, %iota3A : vector<16xi32>
      %lt3A_1145 = vector.broadcast %add3A_701 : i32 to vector<16xi32>
      %lt3A_1146 = arith.cmpi slt, %add3A_1144, %lt3A_1145 : vector<16xi32>
      %slice3A_1147 = vector.extract_strided_slice %get3A_1139 {offsets = [0], sizes = [1], strides = [1]} : vector<16xi32> to vector<1xi32>
      %squeeze3A_1148 = vector.extract %slice3A_1147[0] : i32 from vector<1xi32>
      %broadcast_in_dim3A_1149 = vector.broadcast %squeeze3A_1148 : i32 to vector<16xi32>
      %select_n3A_1150 = arith.select %lt3A_1146, %get3A_1139, %broadcast_in_dim3A_1149 : vector<16xi1>, vector<16xi32>
      %slice3A_1151 = vector.extract_strided_slice %get3A_1141 {offsets = [0], sizes = [1], strides = [1]} : vector<16xi32> to vector<1xi32>
      %squeeze3A_1152 = vector.extract %slice3A_1151[0] : i32 from vector<1xi32>
      %broadcast_in_dim3A_1153 = vector.broadcast %squeeze3A_1152 : i32 to vector<16xi32>
      %select_n3A_1154 = arith.select %lt3A_1146, %get3A_1141, %broadcast_in_dim3A_1153 : vector<16xi1>, vector<16xi32>
      %dma_start3A_1155 = arith.constant 0 : i32
      %dma_start3A_1156 = arith.constant 0 : i32
      %dma_start3A_1157 = tpu.memref_slice %arg4[%dma_start3A_1155, %dma_start3A_1156] : memref<1024x1024xf32, #tpu.memory_space<hbm>> -> memref<1024x1024xf32, #tpu.memory_space<hbm>>
      tpu.enqueue_indirect_dma source(%dma_start3A_1157 : memref<1024x1024xf32, #tpu.memory_space<hbm>>) target(%arg8 : memref<16x1024xf32, #tpu.memory_space<vmem>>) offsets(%select_n3A_1150 : vector<16xi32>) semaphore(%arg17 : memref<!tpu.dma_semaphore, #tpu.memory_space<semaphore_mem>>)
      %dma_wait3A_1158 = arith.constant 0 : i32
      %dma_wait3A_1159 = arith.constant 0 : i32
      %dma_wait3A_1160 = tpu.memref_slice %arg4[%dma_wait3A_1158, %dma_wait3A_1159] : memref<1024x1024xf32, #tpu.memory_space<hbm>> -> memref<1024x1024xf32, #tpu.memory_space<hbm>>
      tpu.wait_indirect_dma semaphore(%arg17 : memref<!tpu.dma_semaphore, #tpu.memory_space<semaphore_mem>>) src(%dma_wait3A_1160 : memref<1024x1024xf32, #tpu.memory_space<hbm>>) dst(%arg8 : memref<16x1024xf32, #tpu.memory_space<vmem>>)
      %dma_start3A_1161 = arith.constant 0 : i32
      %dma_start3A_1162 = arith.constant 0 : i32
      %dma_start3A_1163 = tpu.memref_slice %arg5[%dma_start3A_1161, %dma_start3A_1162] : memref<8192x1024xf32, #tpu.memory_space<hbm>> -> memref<8192x1024xf32, #tpu.memory_space<hbm>>
      tpu.enqueue_indirect_dma source(%arg8 : memref<16x1024xf32, #tpu.memory_space<vmem>>) target(%dma_start3A_1163 : memref<8192x1024xf32, #tpu.memory_space<hbm>>) offsets(%select_n3A_1154 : vector<16xi32>) semaphore(%arg14 : memref<!tpu.dma_semaphore, #tpu.memory_space<semaphore_mem>>)
      %dma_wait3A_1164 = arith.constant 0 : i32
      %dma_wait3A_1165 = arith.constant 0 : i32
      %dma_wait3A_1166 = tpu.memref_slice %arg5[%dma_wait3A_1164, %dma_wait3A_1165] : memref<8192x1024xf32, #tpu.memory_space<hbm>> -> memref<8192x1024xf32, #tpu.memory_space<hbm>>
      tpu.wait_indirect_dma semaphore(%arg14 : memref<!tpu.dma_semaphore, #tpu.memory_space<semaphore_mem>>) src(%arg8 : memref<16x1024xf32, #tpu.memory_space<vmem>>) dst(%dma_wait3A_1166 : memref<8192x1024xf32, #tpu.memory_space<hbm>>)
    } else {
    }
    %gt3A_1073 = arith.constant 48 : i32
    %gt3A_1074 = arith.cmpi sgt, %add3A_701, %gt3A_1073 : i32
    %convert_element_type3A_1075 = arith.extui %gt3A_1074 : i1 to i32
    %cond3A_1076 = arith.constant 0 : i32
    %cond3A_1077 = arith.cmpi ne, %convert_element_type3A_1075, %cond3A_1076 : i32
    scf.if %cond3A_1077 {
      %get3A_1138 = arith.constant 48 : index
      %get3A_1139 = tpu.vector_load %arg9[%get3A_1138] {strides = array<i32>} : memref<288xi32, #tpu.memory_space<vmem>>, vector<16xi32>,
      %get3A_1140 = arith.constant 48 : index
      %get3A_1141 = tpu.vector_load %arg10[%get3A_1140] {strides = array<i32>} : memref<288xi32, #tpu.memory_space<vmem>>, vector<16xi32>,
      %add3A_1142 = arith.constant 48 : i32
      %add3A_1143 = vector.broadcast %add3A_1142 : i32 to vector<16xi32>
      %add3A_1144 = arith.addi %add3A_1143, %iota3A : vector<16xi32>
      %lt3A_1145 = vector.broadcast %add3A_701 : i32 to vector<16xi32>
      %lt3A_1146 = arith.cmpi slt, %add3A_1144, %lt3A_1145 : vector<16xi32>
      %slice3A_1147 = vector.extract_strided_slice %get3A_1139 {offsets = [0], sizes = [1], strides = [1]} : vector<16xi32> to vector<1xi32>
      %squeeze3A_1148 = vector.extract %slice3A_1147[0] : i32 from vector<1xi32>
      %broadcast_in_dim3A_1149 = vector.broadcast %squeeze3A_1148 : i32 to vector<16xi32>
      %select_n3A_1150 = arith.select %lt3A_1146, %get3A_1139, %broadcast_in_dim3A_1149 : vector<16xi1>, vector<16xi32>
      %slice3A_1151 = vector.extract_strided_slice %get3A_1141 {offsets = [0], sizes = [1], strides = [1]} : vector<16xi32> to vector<1xi32>
      %squeeze3A_1152 = vector.extract %slice3A_1151[0] : i32 from vector<1xi32>
      %broadcast_in_dim3A_1153 = vector.broadcast %squeeze3A_1152 : i32 to vector<16xi32>
      %select_n3A_1154 = arith.select %lt3A_1146, %get3A_1141, %broadcast_in_dim3A_1153 : vector<16xi1>, vector<16xi32>
      %dma_start3A_1155 = arith.constant 0 : i32
      %dma_start3A_1156 = arith.constant 0 : i32
      %dma_start3A_1157 = tpu.memref_slice %arg4[%dma_start3A_1155, %dma_start3A_1156] : memref<1024x1024xf32, #tpu.memory_space<hbm>> -> memref<1024x1024xf32, #tpu.memory_space<hbm>>
      tpu.enqueue_indirect_dma source(%dma_start3A_1157 : memref<1024x1024xf32, #tpu.memory_space<hbm>>) target(%arg8 : memref<16x1024xf32, #tpu.memory_space<vmem>>) offsets(%select_n3A_1150 : vector<16xi32>) semaphore(%arg17 : memref<!tpu.dma_semaphore, #tpu.memory_space<semaphore_mem>>)
      %dma_wait3A_1158 = arith.constant 0 : i32
      %dma_wait3A_1159 = arith.constant 0 : i32
      %dma_wait3A_1160 = tpu.memref_slice %arg4[%dma_wait3A_1158, %dma_wait3A_1159] : memref<1024x1024xf32, #tpu.memory_space<hbm>> -> memref<1024x1024xf32, #tpu.memory_space<hbm>>
      tpu.wait_indirect_dma semaphore(%arg17 : memref<!tpu.dma_semaphore, #tpu.memory_space<semaphore_mem>>) src(%dma_wait3A_1160 : memref<1024x1024xf32, #tpu.memory_space<hbm>>) dst(%arg8 : memref<16x1024xf32, #tpu.memory_space<vmem>>)
      %dma_start3A_1161 = arith.constant 0 : i32
      %dma_start3A_1162 = arith.constant 0 : i32
      %dma_start3A_1163 = tpu.memref_slice %arg5[%dma_start3A_1161, %dma_start3A_1162] : memref<8192x1024xf32, #tpu.memory_space<hbm>> -> memref<8192x1024xf32, #tpu.memory_space<hbm>>
      tpu.enqueue_indirect_dma source(%arg8 : memref<16x1024xf32, #tpu.memory_space<vmem>>) target(%dma_start3A_1163 : memref<8192x1024xf32, #tpu.memory_space<hbm>>) offsets(%select_n3A_1154 : vector<16xi32>) semaphore(%arg14 : memref<!tpu.dma_semaphore, #tpu.memory_space<semaphore_mem>>)
      %dma_wait3A_1164 = arith.constant 0 : i32
      %dma_wait3A_1165 = arith.constant 0 : i32
      %dma_wait3A_1166 = tpu.memref_slice %arg5[%dma_wait3A_1164, %dma_wait3A_1165] : memref<8192x1024xf32, #tpu.memory_space<hbm>> -> memref<8192x1024xf32, #tpu.memory_space<hbm>>
      tpu.wait_indirect_dma semaphore(%arg14 : memref<!tpu.dma_semaphore, #tpu.memory_space<semaphore_mem>>) src(%arg8 : memref<16x1024xf32, #tpu.memory_space<vmem>>) dst(%dma_wait3A_1166 : memref<8192x1024xf32, #tpu.memory_space<hbm>>)
    } else {
    }
    %gt3A_1078 = arith.constant 64 : i32
    %gt3A_1079 = arith.cmpi sgt, %add3A_701, %gt3A_1078 : i32
    %convert_element_type3A_1080 = arith.extui %gt3A_1079 : i1 to i32
    %cond3A_1081 = arith.constant 0 : i32
    %cond3A_1082 = arith.cmpi ne, %convert_element_type3A_1080, %cond3A_1081 : i32
    scf.if %cond3A_1082 {
      %get3A_1138 = arith.constant 64 : index
      %get3A_1139 = tpu.vector_load %arg9[%get3A_1138] {strides = array<i32>} : memref<288xi32, #tpu.memory_space<vmem>>, vector<16xi32>,
      %get3A_1140 = arith.constant 64 : index
      %get3A_1141 = tpu.vector_load %arg10[%get3A_1140] {strides = array<i32>} : memref<288xi32, #tpu.memory_space<vmem>>, vector<16xi32>,
      %add3A_1142 = arith.constant 64 : i32
      %add3A_1143 = vector.broadcast %add3A_1142 : i32 to vector<16xi32>
      %add3A_1144 = arith.addi %add3A_1143, %iota3A : vector<16xi32>
      %lt3A_1145 = vector.broadcast %add3A_701 : i32 to vector<16xi32>
      %lt3A_1146 = arith.cmpi slt, %add3A_1144, %lt3A_1145 : vector<16xi32>
      %slice3A_1147 = vector.extract_strided_slice %get3A_1139 {offsets = [0], sizes = [1], strides = [1]} : vector<16xi32> to vector<1xi32>
      %squeeze3A_1148 = vector.extract %slice3A_1147[0] : i32 from vector<1xi32>
      %broadcast_in_dim3A_1149 = vector.broadcast %squeeze3A_1148 : i32 to vector<16xi32>
      %select_n3A_1150 = arith.select %lt3A_1146, %get3A_1139, %broadcast_in_dim3A_1149 : vector<16xi1>, vector<16xi32>
      %slice3A_1151 = vector.extract_strided_slice %get3A_1141 {offsets = [0], sizes = [1], strides = [1]} : vector<16xi32> to vector<1xi32>
      %squeeze3A_1152 = vector.extract %slice3A_1151[0] : i32 from vector<1xi32>
      %broadcast_in_dim3A_1153 = vector.broadcast %squeeze3A_1152 : i32 to vector<16xi32>
      %select_n3A_1154 = arith.select %lt3A_1146, %get3A_1141, %broadcast_in_dim3A_1153 : vector<16xi1>, vector<16xi32>
      %dma_start3A_1155 = arith.constant 0 : i32
      %dma_start3A_1156 = arith.constant 0 : i32
      %dma_start3A_1157 = tpu.memref_slice %arg4[%dma_start3A_1155, %dma_start3A_1156] : memref<1024x1024xf32, #tpu.memory_space<hbm>> -> memref<1024x1024xf32, #tpu.memory_space<hbm>>
      tpu.enqueue_indirect_dma source(%dma_start3A_1157 : memref<1024x1024xf32, #tpu.memory_space<hbm>>) target(%arg8 : memref<16x1024xf32, #tpu.memory_space<vmem>>) offsets(%select_n3A_1150 : vector<16xi32>) semaphore(%arg17 : memref<!tpu.dma_semaphore, #tpu.memory_space<semaphore_mem>>)
      %dma_wait3A_1158 = arith.constant 0 : i32
      %dma_wait3A_1159 = arith.constant 0 : i32
      %dma_wait3A_1160 = tpu.memref_slice %arg4[%dma_wait3A_1158, %dma_wait3A_1159] : memref<1024x1024xf32, #tpu.memory_space<hbm>> -> memref<1024x1024xf32, #tpu.memory_space<hbm>>
      tpu.wait_indirect_dma semaphore(%arg17 : memref<!tpu.dma_semaphore, #tpu.memory_space<semaphore_mem>>) src(%dma_wait3A_1160 : memref<1024x1024xf32, #tpu.memory_space<hbm>>) dst(%arg8 : memref<16x1024xf32, #tpu.memory_space<vmem>>)
      %dma_start3A_1161 = arith.constant 0 : i32
      %dma_start3A_1162 = arith.constant 0 : i32
      %dma_start3A_1163 = tpu.memref_slice %arg5[%dma_start3A_1161, %dma_start3A_1162] : memref<8192x1024xf32, #tpu.memory_space<hbm>> -> memref<8192x1024xf32, #tpu.memory_space<hbm>>
      tpu.enqueue_indirect_dma source(%arg8 : memref<16x1024xf32, #tpu.memory_space<vmem>>) target(%dma_start3A_1163 : memref<8192x1024xf32, #tpu.memory_space<hbm>>) offsets(%select_n3A_1154 : vector<16xi32>) semaphore(%arg14 : memref<!tpu.dma_semaphore, #tpu.memory_space<semaphore_mem>>)
      %dma_wait3A_1164 = arith.constant 0 : i32
      %dma_wait3A_1165 = arith.constant 0 : i32
      %dma_wait3A_1166 = tpu.memref_slice %arg5[%dma_wait3A_1164, %dma_wait3A_1165] : memref<8192x1024xf32, #tpu.memory_space<hbm>> -> memref<8192x1024xf32, #tpu.memory_space<hbm>>
      tpu.wait_indirect_dma semaphore(%arg14 : memref<!tpu.dma_semaphore, #tpu.memory_space<semaphore_mem>>) src(%arg8 : memref<16x1024xf32, #tpu.memory_space<vmem>>) dst(%dma_wait3A_1166 : memref<8192x1024xf32, #tpu.memory_space<hbm>>)
    } else {
    }
    %gt3A_1083 = arith.constant 80 : i32
    %gt3A_1084 = arith.cmpi sgt, %add3A_701, %gt3A_1083 : i32
    %convert_element_type3A_1085 = arith.extui %gt3A_1084 : i1 to i32
    %cond3A_1086 = arith.constant 0 : i32
    %cond3A_1087 = arith.cmpi ne, %convert_element_type3A_1085, %cond3A_1086 : i32
    scf.if %cond3A_1087 {
      %get3A_1138 = arith.constant 80 : index
      %get3A_1139 = tpu.vector_load %arg9[%get3A_1138] {strides = array<i32>} : memref<288xi32, #tpu.memory_space<vmem>>, vector<16xi32>,
      %get3A_1140 = arith.constant 80 : index
      %get3A_1141 = tpu.vector_load %arg10[%get3A_1140] {strides = array<i32>} : memref<288xi32, #tpu.memory_space<vmem>>, vector<16xi32>,
      %add3A_1142 = arith.constant 80 : i32
      %add3A_1143 = vector.broadcast %add3A_1142 : i32 to vector<16xi32>
      %add3A_1144 = arith.addi %add3A_1143, %iota3A : vector<16xi32>
      %lt3A_1145 = vector.broadcast %add3A_701 : i32 to vector<16xi32>
      %lt3A_1146 = arith.cmpi slt, %add3A_1144, %lt3A_1145 : vector<16xi32>
      %slice3A_1147 = vector.extract_strided_slice %get3A_1139 {offsets = [0], sizes = [1], strides = [1]} : vector<16xi32> to vector<1xi32>
      %squeeze3A_1148 = vector.extract %slice3A_1147[0] : i32 from vector<1xi32>
      %broadcast_in_dim3A_1149 = vector.broadcast %squeeze3A_1148 : i32 to vector<16xi32>
      %select_n3A_1150 = arith.select %lt3A_1146, %get3A_1139, %broadcast_in_dim3A_1149 : vector<16xi1>, vector<16xi32>
      %slice3A_1151 = vector.extract_strided_slice %get3A_1141 {offsets = [0], sizes = [1], strides = [1]} : vector<16xi32> to vector<1xi32>
      %squeeze3A_1152 = vector.extract %slice3A_1151[0] : i32 from vector<1xi32>
      %broadcast_in_dim3A_1153 = vector.broadcast %squeeze3A_1152 : i32 to vector<16xi32>
      %select_n3A_1154 = arith.select %lt3A_1146, %get3A_1141, %broadcast_in_dim3A_1153 : vector<16xi1>, vector<16xi32>
      %dma_start3A_1155 = arith.constant 0 : i32
      %dma_start3A_1156 = arith.constant 0 : i32
      %dma_start3A_1157 = tpu.memref_slice %arg4[%dma_start3A_1155, %dma_start3A_1156] : memref<1024x1024xf32, #tpu.memory_space<hbm>> -> memref<1024x1024xf32, #tpu.memory_space<hbm>>
      tpu.enqueue_indirect_dma source(%dma_start3A_1157 : memref<1024x1024xf32, #tpu.memory_space<hbm>>) target(%arg8 : memref<16x1024xf32, #tpu.memory_space<vmem>>) offsets(%select_n3A_1150 : vector<16xi32>) semaphore(%arg17 : memref<!tpu.dma_semaphore, #tpu.memory_space<semaphore_mem>>)
      %dma_wait3A_1158 = arith.constant 0 : i32
      %dma_wait3A_1159 = arith.constant 0 : i32
      %dma_wait3A_1160 = tpu.memref_slice %arg4[%dma_wait3A_1158, %dma_wait3A_1159] : memref<1024x1024xf32, #tpu.memory_space<hbm>> -> memref<1024x1024xf32, #tpu.memory_space<hbm>>
      tpu.wait_indirect_dma semaphore(%arg17 : memref<!tpu.dma_semaphore, #tpu.memory_space<semaphore_mem>>) src(%dma_wait3A_1160 : memref<1024x1024xf32, #tpu.memory_space<hbm>>) dst(%arg8 : memref<16x1024xf32, #tpu.memory_space<vmem>>)
      %dma_start3A_1161 = arith.constant 0 : i32
      %dma_start3A_1162 = arith.constant 0 : i32
      %dma_start3A_1163 = tpu.memref_slice %arg5[%dma_start3A_1161, %dma_start3A_1162] : memref<8192x1024xf32, #tpu.memory_space<hbm>> -> memref<8192x1024xf32, #tpu.memory_space<hbm>>
      tpu.enqueue_indirect_dma source(%arg8 : memref<16x1024xf32, #tpu.memory_space<vmem>>) target(%dma_start3A_1163 : memref<8192x1024xf32, #tpu.memory_space<hbm>>) offsets(%select_n3A_1154 : vector<16xi32>) semaphore(%arg14 : memref<!tpu.dma_semaphore, #tpu.memory_space<semaphore_mem>>)
      %dma_wait3A_1164 = arith.constant 0 : i32
      %dma_wait3A_1165 = arith.constant 0 : i32
      %dma_wait3A_1166 = tpu.memref_slice %arg5[%dma_wait3A_1164, %dma_wait3A_1165] : memref<8192x1024xf32, #tpu.memory_space<hbm>> -> memref<8192x1024xf32, #tpu.memory_space<hbm>>
      tpu.wait_indirect_dma semaphore(%arg14 : memref<!tpu.dma_semaphore, #tpu.memory_space<semaphore_mem>>) src(%arg8 : memref<16x1024xf32, #tpu.memory_space<vmem>>) dst(%dma_wait3A_1166 : memref<8192x1024xf32, #tpu.memory_space<hbm>>)
    } else {
    }
    %gt3A_1088 = arith.constant 96 : i32
    %gt3A_1089 = arith.cmpi sgt, %add3A_701, %gt3A_1088 : i32
    %convert_element_type3A_1090 = arith.extui %gt3A_1089 : i1 to i32
    %cond3A_1091 = arith.constant 0 : i32
    %cond3A_1092 = arith.cmpi ne, %convert_element_type3A_1090, %cond3A_1091 : i32
    scf.if %cond3A_1092 {
      %get3A_1138 = arith.constant 96 : index
      %get3A_1139 = tpu.vector_load %arg9[%get3A_1138] {strides = array<i32>} : memref<288xi32, #tpu.memory_space<vmem>>, vector<16xi32>,
      %get3A_1140 = arith.constant 96 : index
      %get3A_1141 = tpu.vector_load %arg10[%get3A_1140] {strides = array<i32>} : memref<288xi32, #tpu.memory_space<vmem>>, vector<16xi32>,
      %add3A_1142 = arith.constant 96 : i32
      %add3A_1143 = vector.broadcast %add3A_1142 : i32 to vector<16xi32>
      %add3A_1144 = arith.addi %add3A_1143, %iota3A : vector<16xi32>
      %lt3A_1145 = vector.broadcast %add3A_701 : i32 to vector<16xi32>
      %lt3A_1146 = arith.cmpi slt, %add3A_1144, %lt3A_1145 : vector<16xi32>
      %slice3A_1147 = vector.extract_strided_slice %get3A_1139 {offsets = [0], sizes = [1], strides = [1]} : vector<16xi32> to vector<1xi32>
      %squeeze3A_1148 = vector.extract %slice3A_1147[0] : i32 from vector<1xi32>
      %broadcast_in_dim3A_1149 = vector.broadcast %squeeze3A_1148 : i32 to vector<16xi32>
      %select_n3A_1150 = arith.select %lt3A_1146, %get3A_1139, %broadcast_in_dim3A_1149 : vector<16xi1>, vector<16xi32>
      %slice3A_1151 = vector.extract_strided_slice %get3A_1141 {offsets = [0], sizes = [1], strides = [1]} : vector<16xi32> to vector<1xi32>
      %squeeze3A_1152 = vector.extract %slice3A_1151[0] : i32 from vector<1xi32>
      %broadcast_in_dim3A_1153 = vector.broadcast %squeeze3A_1152 : i32 to vector<16xi32>
      %select_n3A_1154 = arith.select %lt3A_1146, %get3A_1141, %broadcast_in_dim3A_1153 : vector<16xi1>, vector<16xi32>
      %dma_start3A_1155 = arith.constant 0 : i32
      %dma_start3A_1156 = arith.constant 0 : i32
      %dma_start3A_1157 = tpu.memref_slice %arg4[%dma_start3A_1155, %dma_start3A_1156] : memref<1024x1024xf32, #tpu.memory_space<hbm>> -> memref<1024x1024xf32, #tpu.memory_space<hbm>>
      tpu.enqueue_indirect_dma source(%dma_start3A_1157 : memref<1024x1024xf32, #tpu.memory_space<hbm>>) target(%arg8 : memref<16x1024xf32, #tpu.memory_space<vmem>>) offsets(%select_n3A_1150 : vector<16xi32>) semaphore(%arg17 : memref<!tpu.dma_semaphore, #tpu.memory_space<semaphore_mem>>)
      %dma_wait3A_1158 = arith.constant 0 : i32
      %dma_wait3A_1159 = arith.constant 0 : i32
      %dma_wait3A_1160 = tpu.memref_slice %arg4[%dma_wait3A_1158, %dma_wait3A_1159] : memref<1024x1024xf32, #tpu.memory_space<hbm>> -> memref<1024x1024xf32, #tpu.memory_space<hbm>>
      tpu.wait_indirect_dma semaphore(%arg17 : memref<!tpu.dma_semaphore, #tpu.memory_space<semaphore_mem>>) src(%dma_wait3A_1160 : memref<1024x1024xf32, #tpu.memory_space<hbm>>) dst(%arg8 : memref<16x1024xf32, #tpu.memory_space<vmem>>)
      %dma_start3A_1161 = arith.constant 0 : i32
      %dma_start3A_1162 = arith.constant 0 : i32
      %dma_start3A_1163 = tpu.memref_slice %arg5[%dma_start3A_1161, %dma_start3A_1162] : memref<8192x1024xf32, #tpu.memory_space<hbm>> -> memref<8192x1024xf32, #tpu.memory_space<hbm>>
      tpu.enqueue_indirect_dma source(%arg8 : memref<16x1024xf32, #tpu.memory_space<vmem>>) target(%dma_start3A_1163 : memref<8192x1024xf32, #tpu.memory_space<hbm>>) offsets(%select_n3A_1154 : vector<16xi32>) semaphore(%arg14 : memref<!tpu.dma_semaphore, #tpu.memory_space<semaphore_mem>>)
      %dma_wait3A_1164 = arith.constant 0 : i32
      %dma_wait3A_1165 = arith.constant 0 : i32
      %dma_wait3A_1166 = tpu.memref_slice %arg5[%dma_wait3A_1164, %dma_wait3A_1165] : memref<8192x1024xf32, #tpu.memory_space<hbm>> -> memref<8192x1024xf32, #tpu.memory_space<hbm>>
      tpu.wait_indirect_dma semaphore(%arg14 : memref<!tpu.dma_semaphore, #tpu.memory_space<semaphore_mem>>) src(%arg8 : memref<16x1024xf32, #tpu.memory_space<vmem>>) dst(%dma_wait3A_1166 : memref<8192x1024xf32, #tpu.memory_space<hbm>>)
    } else {
    }
    %gt3A_1093 = arith.constant 112 : i32
    %gt3A_1094 = arith.cmpi sgt, %add3A_701, %gt3A_1093 : i32
    %convert_element_type3A_1095 = arith.extui %gt3A_1094 : i1 to i32
    %cond3A_1096 = arith.constant 0 : i32
    %cond3A_1097 = arith.cmpi ne, %convert_element_type3A_1095, %cond3A_1096 : i32
    scf.if %cond3A_1097 {
      %get3A_1138 = arith.constant 112 : index
      %get3A_1139 = tpu.vector_load %arg9[%get3A_1138] {strides = array<i32>} : memref<288xi32, #tpu.memory_space<vmem>>, vector<16xi32>,
      %get3A_1140 = arith.constant 112 : index
      %get3A_1141 = tpu.vector_load %arg10[%get3A_1140] {strides = array<i32>} : memref<288xi32, #tpu.memory_space<vmem>>, vector<16xi32>,
      %add3A_1142 = arith.constant 112 : i32
      %add3A_1143 = vector.broadcast %add3A_1142 : i32 to vector<16xi32>
      %add3A_1144 = arith.addi %add3A_1143, %iota3A : vector<16xi32>
      %lt3A_1145 = vector.broadcast %add3A_701 : i32 to vector<16xi32>
      %lt3A_1146 = arith.cmpi slt, %add3A_1144, %lt3A_1145 : vector<16xi32>
      %slice3A_1147 = vector.extract_strided_slice %get3A_1139 {offsets = [0], sizes = [1], strides = [1]} : vector<16xi32> to vector<1xi32>
      %squeeze3A_1148 = vector.extract %slice3A_1147[0] : i32 from vector<1xi32>
      %broadcast_in_dim3A_1149 = vector.broadcast %squeeze3A_1148 : i32 to vector<16xi32>
      %select_n3A_1150 = arith.select %lt3A_1146, %get3A_1139, %broadcast_in_dim3A_1149 : vector<16xi1>, vector<16xi32>
      %slice3A_1151 = vector.extract_strided_slice %get3A_1141 {offsets = [0], sizes = [1], strides = [1]} : vector<16xi32> to vector<1xi32>
      %squeeze3A_1152 = vector.extract %slice3A_1151[0] : i32 from vector<1xi32>
      %broadcast_in_dim3A_1153 = vector.broadcast %squeeze3A_1152 : i32 to vector<16xi32>
      %select_n3A_1154 = arith.select %lt3A_1146, %get3A_1141, %broadcast_in_dim3A_1153 : vector<16xi1>, vector<16xi32>
      %dma_start3A_1155 = arith.constant 0 : i32
      %dma_start3A_1156 = arith.constant 0 : i32
      %dma_start3A_1157 = tpu.memref_slice %arg4[%dma_start3A_1155, %dma_start3A_1156] : memref<1024x1024xf32, #tpu.memory_space<hbm>> -> memref<1024x1024xf32, #tpu.memory_space<hbm>>
      tpu.enqueue_indirect_dma source(%dma_start3A_1157 : memref<1024x1024xf32, #tpu.memory_space<hbm>>) target(%arg8 : memref<16x1024xf32, #tpu.memory_space<vmem>>) offsets(%select_n3A_1150 : vector<16xi32>) semaphore(%arg17 : memref<!tpu.dma_semaphore, #tpu.memory_space<semaphore_mem>>)
      %dma_wait3A_1158 = arith.constant 0 : i32
      %dma_wait3A_1159 = arith.constant 0 : i32
      %dma_wait3A_1160 = tpu.memref_slice %arg4[%dma_wait3A_1158, %dma_wait3A_1159] : memref<1024x1024xf32, #tpu.memory_space<hbm>> -> memref<1024x1024xf32, #tpu.memory_space<hbm>>
      tpu.wait_indirect_dma semaphore(%arg17 : memref<!tpu.dma_semaphore, #tpu.memory_space<semaphore_mem>>) src(%dma_wait3A_1160 : memref<1024x1024xf32, #tpu.memory_space<hbm>>) dst(%arg8 : memref<16x1024xf32, #tpu.memory_space<vmem>>)
      %dma_start3A_1161 = arith.constant 0 : i32
      %dma_start3A_1162 = arith.constant 0 : i32
      %dma_start3A_1163 = tpu.memref_slice %arg5[%dma_start3A_1161, %dma_start3A_1162] : memref<8192x1024xf32, #tpu.memory_space<hbm>> -> memref<8192x1024xf32, #tpu.memory_space<hbm>>
      tpu.enqueue_indirect_dma source(%arg8 : memref<16x1024xf32, #tpu.memory_space<vmem>>) target(%dma_start3A_1163 : memref<8192x1024xf32, #tpu.memory_space<hbm>>) offsets(%select_n3A_1154 : vector<16xi32>) semaphore(%arg14 : memref<!tpu.dma_semaphore, #tpu.memory_space<semaphore_mem>>)
      %dma_wait3A_1164 = arith.constant 0 : i32
      %dma_wait3A_1165 = arith.constant 0 : i32
      %dma_wait3A_1166 = tpu.memref_slice %arg5[%dma_wait3A_1164, %dma_wait3A_1165] : memref<8192x1024xf32, #tpu.memory_space<hbm>> -> memref<8192x1024xf32, #tpu.memory_space<hbm>>
      tpu.wait_indirect_dma semaphore(%arg14 : memref<!tpu.dma_semaphore, #tpu.memory_space<semaphore_mem>>) src(%arg8 : memref<16x1024xf32, #tpu.memory_space<vmem>>) dst(%dma_wait3A_1166 : memref<8192x1024xf32, #tpu.memory_space<hbm>>)
    } else {
    }
    %gt3A_1098 = arith.constant 128 : i32
    %gt3A_1099 = arith.cmpi sgt, %add3A_701, %gt3A_1098 : i32
    %convert_element_type3A_1100 = arith.extui %gt3A_1099 : i1 to i32
    %cond3A_1101 = arith.constant 0 : i32
    %cond3A_1102 = arith.cmpi ne, %convert_element_type3A_1100, %cond3A_1101 : i32
    scf.if %cond3A_1102 {
      %get3A_1138 = arith.constant 128 : index
      %get3A_1139 = tpu.vector_load %arg9[%get3A_1138] {strides = array<i32>} : memref<288xi32, #tpu.memory_space<vmem>>, vector<16xi32>,
      %get3A_1140 = arith.constant 128 : index
      %get3A_1141 = tpu.vector_load %arg10[%get3A_1140] {strides = array<i32>} : memref<288xi32, #tpu.memory_space<vmem>>, vector<16xi32>,
      %add3A_1142 = arith.constant 128 : i32
      %add3A_1143 = vector.broadcast %add3A_1142 : i32 to vector<16xi32>
      %add3A_1144 = arith.addi %add3A_1143, %iota3A : vector<16xi32>
      %lt3A_1145 = vector.broadcast %add3A_701 : i32 to vector<16xi32>
      %lt3A_1146 = arith.cmpi slt, %add3A_1144, %lt3A_1145 : vector<16xi32>
      %slice3A_1147 = vector.extract_strided_slice %get3A_1139 {offsets = [0], sizes = [1], strides = [1]} : vector<16xi32> to vector<1xi32>
      %squeeze3A_1148 = vector.extract %slice3A_1147[0] : i32 from vector<1xi32>
      %broadcast_in_dim3A_1149 = vector.broadcast %squeeze3A_1148 : i32 to vector<16xi32>
      %select_n3A_1150 = arith.select %lt3A_1146, %get3A_1139, %broadcast_in_dim3A_1149 : vector<16xi1>, vector<16xi32>
      %slice3A_1151 = vector.extract_strided_slice %get3A_1141 {offsets = [0], sizes = [1], strides = [1]} : vector<16xi32> to vector<1xi32>
      %squeeze3A_1152 = vector.extract %slice3A_1151[0] : i32 from vector<1xi32>
      %broadcast_in_dim3A_1153 = vector.broadcast %squeeze3A_1152 : i32 to vector<16xi32>
      %select_n3A_1154 = arith.select %lt3A_1146, %get3A_1141, %broadcast_in_dim3A_1153 : vector<16xi1>, vector<16xi32>
      %dma_start3A_1155 = arith.constant 0 : i32
      %dma_start3A_1156 = arith.constant 0 : i32
      %dma_start3A_1157 = tpu.memref_slice %arg4[%dma_start3A_1155, %dma_start3A_1156] : memref<1024x1024xf32, #tpu.memory_space<hbm>> -> memref<1024x1024xf32, #tpu.memory_space<hbm>>
      tpu.enqueue_indirect_dma source(%dma_start3A_1157 : memref<1024x1024xf32, #tpu.memory_space<hbm>>) target(%arg8 : memref<16x1024xf32, #tpu.memory_space<vmem>>) offsets(%select_n3A_1150 : vector<16xi32>) semaphore(%arg17 : memref<!tpu.dma_semaphore, #tpu.memory_space<semaphore_mem>>)
      %dma_wait3A_1158 = arith.constant 0 : i32
      %dma_wait3A_1159 = arith.constant 0 : i32
      %dma_wait3A_1160 = tpu.memref_slice %arg4[%dma_wait3A_1158, %dma_wait3A_1159] : memref<1024x1024xf32, #tpu.memory_space<hbm>> -> memref<1024x1024xf32, #tpu.memory_space<hbm>>
      tpu.wait_indirect_dma semaphore(%arg17 : memref<!tpu.dma_semaphore, #tpu.memory_space<semaphore_mem>>) src(%dma_wait3A_1160 : memref<1024x1024xf32, #tpu.memory_space<hbm>>) dst(%arg8 : memref<16x1024xf32, #tpu.memory_space<vmem>>)
      %dma_start3A_1161 = arith.constant 0 : i32
      %dma_start3A_1162 = arith.constant 0 : i32
      %dma_start3A_1163 = tpu.memref_slice %arg5[%dma_start3A_1161, %dma_start3A_1162] : memref<8192x1024xf32, #tpu.memory_space<hbm>> -> memref<8192x1024xf32, #tpu.memory_space<hbm>>
      tpu.enqueue_indirect_dma source(%arg8 : memref<16x1024xf32, #tpu.memory_space<vmem>>) target(%dma_start3A_1163 : memref<8192x1024xf32, #tpu.memory_space<hbm>>) offsets(%select_n3A_1154 : vector<16xi32>) semaphore(%arg14 : memref<!tpu.dma_semaphore, #tpu.memory_space<semaphore_mem>>)
      %dma_wait3A_1164 = arith.constant 0 : i32
      %dma_wait3A_1165 = arith.constant 0 : i32
      %dma_wait3A_1166 = tpu.memref_slice %arg5[%dma_wait3A_1164, %dma_wait3A_1165] : memref<8192x1024xf32, #tpu.memory_space<hbm>> -> memref<8192x1024xf32, #tpu.memory_space<hbm>>
      tpu.wait_indirect_dma semaphore(%arg14 : memref<!tpu.dma_semaphore, #tpu.memory_space<semaphore_mem>>) src(%arg8 : memref<16x1024xf32, #tpu.memory_space<vmem>>) dst(%dma_wait3A_1166 : memref<8192x1024xf32, #tpu.memory_space<hbm>>)
    } else {
    }
    %gt3A_1103 = arith.constant 144 : i32
    %gt3A_1104 = arith.cmpi sgt, %add3A_701, %gt3A_1103 : i32
    %convert_element_type3A_1105 = arith.extui %gt3A_1104 : i1 to i32
    %cond3A_1106 = arith.constant 0 : i32
    %cond3A_1107 = arith.cmpi ne, %convert_element_type3A_1105, %cond3A_1106 : i32
    scf.if %cond3A_1107 {
      %get3A_1138 = arith.constant 144 : index
      %get3A_1139 = tpu.vector_load %arg9[%get3A_1138] {strides = array<i32>} : memref<288xi32, #tpu.memory_space<vmem>>, vector<16xi32>,
      %get3A_1140 = arith.constant 144 : index
      %get3A_1141 = tpu.vector_load %arg10[%get3A_1140] {strides = array<i32>} : memref<288xi32, #tpu.memory_space<vmem>>, vector<16xi32>,
      %add3A_1142 = arith.constant 144 : i32
      %add3A_1143 = vector.broadcast %add3A_1142 : i32 to vector<16xi32>
      %add3A_1144 = arith.addi %add3A_1143, %iota3A : vector<16xi32>
      %lt3A_1145 = vector.broadcast %add3A_701 : i32 to vector<16xi32>
      %lt3A_1146 = arith.cmpi slt, %add3A_1144, %lt3A_1145 : vector<16xi32>
      %slice3A_1147 = vector.extract_strided_slice %get3A_1139 {offsets = [0], sizes = [1], strides = [1]} : vector<16xi32> to vector<1xi32>
      %squeeze3A_1148 = vector.extract %slice3A_1147[0] : i32 from vector<1xi32>
      %broadcast_in_dim3A_1149 = vector.broadcast %squeeze3A_1148 : i32 to vector<16xi32>
      %select_n3A_1150 = arith.select %lt3A_1146, %get3A_1139, %broadcast_in_dim3A_1149 : vector<16xi1>, vector<16xi32>
      %slice3A_1151 = vector.extract_strided_slice %get3A_1141 {offsets = [0], sizes = [1], strides = [1]} : vector<16xi32> to vector<1xi32>
      %squeeze3A_1152 = vector.extract %slice3A_1151[0] : i32 from vector<1xi32>
      %broadcast_in_dim3A_1153 = vector.broadcast %squeeze3A_1152 : i32 to vector<16xi32>
      %select_n3A_1154 = arith.select %lt3A_1146, %get3A_1141, %broadcast_in_dim3A_1153 : vector<16xi1>, vector<16xi32>
      %dma_start3A_1155 = arith.constant 0 : i32
      %dma_start3A_1156 = arith.constant 0 : i32
      %dma_start3A_1157 = tpu.memref_slice %arg4[%dma_start3A_1155, %dma_start3A_1156] : memref<1024x1024xf32, #tpu.memory_space<hbm>> -> memref<1024x1024xf32, #tpu.memory_space<hbm>>
      tpu.enqueue_indirect_dma source(%dma_start3A_1157 : memref<1024x1024xf32, #tpu.memory_space<hbm>>) target(%arg8 : memref<16x1024xf32, #tpu.memory_space<vmem>>) offsets(%select_n3A_1150 : vector<16xi32>) semaphore(%arg17 : memref<!tpu.dma_semaphore, #tpu.memory_space<semaphore_mem>>)
      %dma_wait3A_1158 = arith.constant 0 : i32
      %dma_wait3A_1159 = arith.constant 0 : i32
      %dma_wait3A_1160 = tpu.memref_slice %arg4[%dma_wait3A_1158, %dma_wait3A_1159] : memref<1024x1024xf32, #tpu.memory_space<hbm>> -> memref<1024x1024xf32, #tpu.memory_space<hbm>>
      tpu.wait_indirect_dma semaphore(%arg17 : memref<!tpu.dma_semaphore, #tpu.memory_space<semaphore_mem>>) src(%dma_wait3A_1160 : memref<1024x1024xf32, #tpu.memory_space<hbm>>) dst(%arg8 : memref<16x1024xf32, #tpu.memory_space<vmem>>)
      %dma_start3A_1161 = arith.constant 0 : i32
      %dma_start3A_1162 = arith.constant 0 : i32
      %dma_start3A_1163 = tpu.memref_slice %arg5[%dma_start3A_1161, %dma_start3A_1162] : memref<8192x1024xf32, #tpu.memory_space<hbm>> -> memref<8192x1024xf32, #tpu.memory_space<hbm>>
      tpu.enqueue_indirect_dma source(%arg8 : memref<16x1024xf32, #tpu.memory_space<vmem>>) target(%dma_start3A_1163 : memref<8192x1024xf32, #tpu.memory_space<hbm>>) offsets(%select_n3A_1154 : vector<16xi32>) semaphore(%arg14 : memref<!tpu.dma_semaphore, #tpu.memory_space<semaphore_mem>>)
      %dma_wait3A_1164 = arith.constant 0 : i32
      %dma_wait3A_1165 = arith.constant 0 : i32
      %dma_wait3A_1166 = tpu.memref_slice %arg5[%dma_wait3A_1164, %dma_wait3A_1165] : memref<8192x1024xf32, #tpu.memory_space<hbm>> -> memref<8192x1024xf32, #tpu.memory_space<hbm>>
      tpu.wait_indirect_dma semaphore(%arg14 : memref<!tpu.dma_semaphore, #tpu.memory_space<semaphore_mem>>) src(%arg8 : memref<16x1024xf32, #tpu.memory_space<vmem>>) dst(%dma_wait3A_1166 : memref<8192x1024xf32, #tpu.memory_space<hbm>>)
    } else {
    }
    %gt3A_1108 = arith.constant 160 : i32
    %gt3A_1109 = arith.cmpi sgt, %add3A_701, %gt3A_1108 : i32
    %convert_element_type3A_1110 = arith.extui %gt3A_1109 : i1 to i32
    %cond3A_1111 = arith.constant 0 : i32
    %cond3A_1112 = arith.cmpi ne, %convert_element_type3A_1110, %cond3A_1111 : i32
    scf.if %cond3A_1112 {
      %get3A_1138 = arith.constant 160 : index
      %get3A_1139 = tpu.vector_load %arg9[%get3A_1138] {strides = array<i32>} : memref<288xi32, #tpu.memory_space<vmem>>, vector<16xi32>,
      %get3A_1140 = arith.constant 160 : index
      %get3A_1141 = tpu.vector_load %arg10[%get3A_1140] {strides = array<i32>} : memref<288xi32, #tpu.memory_space<vmem>>, vector<16xi32>,
      %add3A_1142 = arith.constant 160 : i32
      %add3A_1143 = vector.broadcast %add3A_1142 : i32 to vector<16xi32>
      %add3A_1144 = arith.addi %add3A_1143, %iota3A : vector<16xi32>
      %lt3A_1145 = vector.broadcast %add3A_701 : i32 to vector<16xi32>
      %lt3A_1146 = arith.cmpi slt, %add3A_1144, %lt3A_1145 : vector<16xi32>
      %slice3A_1147 = vector.extract_strided_slice %get3A_1139 {offsets = [0], sizes = [1], strides = [1]} : vector<16xi32> to vector<1xi32>
      %squeeze3A_1148 = vector.extract %slice3A_1147[0] : i32 from vector<1xi32>
      %broadcast_in_dim3A_1149 = vector.broadcast %squeeze3A_1148 : i32 to vector<16xi32>
      %select_n3A_1150 = arith.select %lt3A_1146, %get3A_1139, %broadcast_in_dim3A_1149 : vector<16xi1>, vector<16xi32>
      %slice3A_1151 = vector.extract_strided_slice %get3A_1141 {offsets = [0], sizes = [1], strides = [1]} : vector<16xi32> to vector<1xi32>
      %squeeze3A_1152 = vector.extract %slice3A_1151[0] : i32 from vector<1xi32>
      %broadcast_in_dim3A_1153 = vector.broadcast %squeeze3A_1152 : i32 to vector<16xi32>
      %select_n3A_1154 = arith.select %lt3A_1146, %get3A_1141, %broadcast_in_dim3A_1153 : vector<16xi1>, vector<16xi32>
      %dma_start3A_1155 = arith.constant 0 : i32
      %dma_start3A_1156 = arith.constant 0 : i32
      %dma_start3A_1157 = tpu.memref_slice %arg4[%dma_start3A_1155, %dma_start3A_1156] : memref<1024x1024xf32, #tpu.memory_space<hbm>> -> memref<1024x1024xf32, #tpu.memory_space<hbm>>
      tpu.enqueue_indirect_dma source(%dma_start3A_1157 : memref<1024x1024xf32, #tpu.memory_space<hbm>>) target(%arg8 : memref<16x1024xf32, #tpu.memory_space<vmem>>) offsets(%select_n3A_1150 : vector<16xi32>) semaphore(%arg17 : memref<!tpu.dma_semaphore, #tpu.memory_space<semaphore_mem>>)
      %dma_wait3A_1158 = arith.constant 0 : i32
      %dma_wait3A_1159 = arith.constant 0 : i32
      %dma_wait3A_1160 = tpu.memref_slice %arg4[%dma_wait3A_1158, %dma_wait3A_1159] : memref<1024x1024xf32, #tpu.memory_space<hbm>> -> memref<1024x1024xf32, #tpu.memory_space<hbm>>
      tpu.wait_indirect_dma semaphore(%arg17 : memref<!tpu.dma_semaphore, #tpu.memory_space<semaphore_mem>>) src(%dma_wait3A_1160 : memref<1024x1024xf32, #tpu.memory_space<hbm>>) dst(%arg8 : memref<16x1024xf32, #tpu.memory_space<vmem>>)
      %dma_start3A_1161 = arith.constant 0 : i32
      %dma_start3A_1162 = arith.constant 0 : i32
      %dma_start3A_1163 = tpu.memref_slice %arg5[%dma_start3A_1161, %dma_start3A_1162] : memref<8192x1024xf32, #tpu.memory_space<hbm>> -> memref<8192x1024xf32, #tpu.memory_space<hbm>>
      tpu.enqueue_indirect_dma source(%arg8 : memref<16x1024xf32, #tpu.memory_space<vmem>>) target(%dma_start3A_1163 : memref<8192x1024xf32, #tpu.memory_space<hbm>>) offsets(%select_n3A_1154 : vector<16xi32>) semaphore(%arg14 : memref<!tpu.dma_semaphore, #tpu.memory_space<semaphore_mem>>)
      %dma_wait3A_1164 = arith.constant 0 : i32
      %dma_wait3A_1165 = arith.constant 0 : i32
      %dma_wait3A_1166 = tpu.memref_slice %arg5[%dma_wait3A_1164, %dma_wait3A_1165] : memref<8192x1024xf32, #tpu.memory_space<hbm>> -> memref<8192x1024xf32, #tpu.memory_space<hbm>>
      tpu.wait_indirect_dma semaphore(%arg14 : memref<!tpu.dma_semaphore, #tpu.memory_space<semaphore_mem>>) src(%arg8 : memref<16x1024xf32, #tpu.memory_space<vmem>>) dst(%dma_wait3A_1166 : memref<8192x1024xf32, #tpu.memory_space<hbm>>)
    } else {
    }
    %gt3A_1113 = arith.constant 176 : i32
    %gt3A_1114 = arith.cmpi sgt, %add3A_701, %gt3A_1113 : i32
    %convert_element_type3A_1115 = arith.extui %gt3A_1114 : i1 to i32
    %cond3A_1116 = arith.constant 0 : i32
    %cond3A_1117 = arith.cmpi ne, %convert_element_type3A_1115, %cond3A_1116 : i32
    scf.if %cond3A_1117 {
      %get3A_1138 = arith.constant 176 : index
      %get3A_1139 = tpu.vector_load %arg9[%get3A_1138] {strides = array<i32>} : memref<288xi32, #tpu.memory_space<vmem>>, vector<16xi32>,
      %get3A_1140 = arith.constant 176 : index
      %get3A_1141 = tpu.vector_load %arg10[%get3A_1140] {strides = array<i32>} : memref<288xi32, #tpu.memory_space<vmem>>, vector<16xi32>,
      %add3A_1142 = arith.constant 176 : i32
      %add3A_1143 = vector.broadcast %add3A_1142 : i32 to vector<16xi32>
      %add3A_1144 = arith.addi %add3A_1143, %iota3A : vector<16xi32>
      %lt3A_1145 = vector.broadcast %add3A_701 : i32 to vector<16xi32>
      %lt3A_1146 = arith.cmpi slt, %add3A_1144, %lt3A_1145 : vector<16xi32>
      %slice3A_1147 = vector.extract_strided_slice %get3A_1139 {offsets = [0], sizes = [1], strides = [1]} : vector<16xi32> to vector<1xi32>
      %squeeze3A_1148 = vector.extract %slice3A_1147[0] : i32 from vector<1xi32>
      %broadcast_in_dim3A_1149 = vector.broadcast %squeeze3A_1148 : i32 to vector<16xi32>
      %select_n3A_1150 = arith.select %lt3A_1146, %get3A_1139, %broadcast_in_dim3A_1149 : vector<16xi1>, vector<16xi32>
      %slice3A_1151 = vector.extract_strided_slice %get3A_1141 {offsets = [0], sizes = [1], strides = [1]} : vector<16xi32> to vector<1xi32>
      %squeeze3A_1152 = vector.extract %slice3A_1151[0] : i32 from vector<1xi32>
      %broadcast_in_dim3A_1153 = vector.broadcast %squeeze3A_1152 : i32 to vector<16xi32>
      %select_n3A_1154 = arith.select %lt3A_1146, %get3A_1141, %broadcast_in_dim3A_1153 : vector<16xi1>, vector<16xi32>
      %dma_start3A_1155 = arith.constant 0 : i32
      %dma_start3A_1156 = arith.constant 0 : i32
      %dma_start3A_1157 = tpu.memref_slice %arg4[%dma_start3A_1155, %dma_start3A_1156] : memref<1024x1024xf32, #tpu.memory_space<hbm>> -> memref<1024x1024xf32, #tpu.memory_space<hbm>>
      tpu.enqueue_indirect_dma source(%dma_start3A_1157 : memref<1024x1024xf32, #tpu.memory_space<hbm>>) target(%arg8 : memref<16x1024xf32, #tpu.memory_space<vmem>>) offsets(%select_n3A_1150 : vector<16xi32>) semaphore(%arg17 : memref<!tpu.dma_semaphore, #tpu.memory_space<semaphore_mem>>)
      %dma_wait3A_1158 = arith.constant 0 : i32
      %dma_wait3A_1159 = arith.constant 0 : i32
      %dma_wait3A_1160 = tpu.memref_slice %arg4[%dma_wait3A_1158, %dma_wait3A_1159] : memref<1024x1024xf32, #tpu.memory_space<hbm>> -> memref<1024x1024xf32, #tpu.memory_space<hbm>>
      tpu.wait_indirect_dma semaphore(%arg17 : memref<!tpu.dma_semaphore, #tpu.memory_space<semaphore_mem>>) src(%dma_wait3A_1160 : memref<1024x1024xf32, #tpu.memory_space<hbm>>) dst(%arg8 : memref<16x1024xf32, #tpu.memory_space<vmem>>)
      %dma_start3A_1161 = arith.constant 0 : i32
      %dma_start3A_1162 = arith.constant 0 : i32
      %dma_start3A_1163 = tpu.memref_slice %arg5[%dma_start3A_1161, %dma_start3A_1162] : memref<8192x1024xf32, #tpu.memory_space<hbm>> -> memref<8192x1024xf32, #tpu.memory_space<hbm>>
      tpu.enqueue_indirect_dma source(%arg8 : memref<16x1024xf32, #tpu.memory_space<vmem>>) target(%dma_start3A_1163 : memref<8192x1024xf32, #tpu.memory_space<hbm>>) offsets(%select_n3A_1154 : vector<16xi32>) semaphore(%arg14 : memref<!tpu.dma_semaphore, #tpu.memory_space<semaphore_mem>>)
      %dma_wait3A_1164 = arith.constant 0 : i32
      %dma_wait3A_1165 = arith.constant 0 : i32
      %dma_wait3A_1166 = tpu.memref_slice %arg5[%dma_wait3A_1164, %dma_wait3A_1165] : memref<8192x1024xf32, #tpu.memory_space<hbm>> -> memref<8192x1024xf32, #tpu.memory_space<hbm>>
      tpu.wait_indirect_dma semaphore(%arg14 : memref<!tpu.dma_semaphore, #tpu.memory_space<semaphore_mem>>) src(%arg8 : memref<16x1024xf32, #tpu.memory_space<vmem>>) dst(%dma_wait3A_1166 : memref<8192x1024xf32, #tpu.memory_space<hbm>>)
    } else {
    }
    %gt3A_1118 = arith.constant 192 : i32
    %gt3A_1119 = arith.cmpi sgt, %add3A_701, %gt3A_1118 : i32
    %convert_element_type3A_1120 = arith.extui %gt3A_1119 : i1 to i32
    %cond3A_1121 = arith.constant 0 : i32
    %cond3A_1122 = arith.cmpi ne, %convert_element_type3A_1120, %cond3A_1121 : i32
    scf.if %cond3A_1122 {
      %get3A_1138 = arith.constant 192 : index
      %get3A_1139 = tpu.vector_load %arg9[%get3A_1138] {strides = array<i32>} : memref<288xi32, #tpu.memory_space<vmem>>, vector<16xi32>,
      %get3A_1140 = arith.constant 192 : index
      %get3A_1141 = tpu.vector_load %arg10[%get3A_1140] {strides = array<i32>} : memref<288xi32, #tpu.memory_space<vmem>>, vector<16xi32>,
      %add3A_1142 = arith.constant 192 : i32
      %add3A_1143 = vector.broadcast %add3A_1142 : i32 to vector<16xi32>
      %add3A_1144 = arith.addi %add3A_1143, %iota3A : vector<16xi32>
      %lt3A_1145 = vector.broadcast %add3A_701 : i32 to vector<16xi32>
      %lt3A_1146 = arith.cmpi slt, %add3A_1144, %lt3A_1145 : vector<16xi32>
      %slice3A_1147 = vector.extract_strided_slice %get3A_1139 {offsets = [0], sizes = [1], strides = [1]} : vector<16xi32> to vector<1xi32>
      %squeeze3A_1148 = vector.extract %slice3A_1147[0] : i32 from vector<1xi32>
      %broadcast_in_dim3A_1149 = vector.broadcast %squeeze3A_1148 : i32 to vector<16xi32>
      %select_n3A_1150 = arith.select %lt3A_1146, %get3A_1139, %broadcast_in_dim3A_1149 : vector<16xi1>, vector<16xi32>
      %slice3A_1151 = vector.extract_strided_slice %get3A_1141 {offsets = [0], sizes = [1], strides = [1]} : vector<16xi32> to vector<1xi32>
      %squeeze3A_1152 = vector.extract %slice3A_1151[0] : i32 from vector<1xi32>
      %broadcast_in_dim3A_1153 = vector.broadcast %squeeze3A_1152 : i32 to vector<16xi32>
      %select_n3A_1154 = arith.select %lt3A_1146, %get3A_1141, %broadcast_in_dim3A_1153 : vector<16xi1>, vector<16xi32>
      %dma_start3A_1155 = arith.constant 0 : i32
      %dma_start3A_1156 = arith.constant 0 : i32
      %dma_start3A_1157 = tpu.memref_slice %arg4[%dma_start3A_1155, %dma_start3A_1156] : memref<1024x1024xf32, #tpu.memory_space<hbm>> -> memref<1024x1024xf32, #tpu.memory_space<hbm>>
      tpu.enqueue_indirect_dma source(%dma_start3A_1157 : memref<1024x1024xf32, #tpu.memory_space<hbm>>) target(%arg8 : memref<16x1024xf32, #tpu.memory_space<vmem>>) offsets(%select_n3A_1150 : vector<16xi32>) semaphore(%arg17 : memref<!tpu.dma_semaphore, #tpu.memory_space<semaphore_mem>>)
      %dma_wait3A_1158 = arith.constant 0 : i32
      %dma_wait3A_1159 = arith.constant 0 : i32
      %dma_wait3A_1160 = tpu.memref_slice %arg4[%dma_wait3A_1158, %dma_wait3A_1159] : memref<1024x1024xf32, #tpu.memory_space<hbm>> -> memref<1024x1024xf32, #tpu.memory_space<hbm>>
      tpu.wait_indirect_dma semaphore(%arg17 : memref<!tpu.dma_semaphore, #tpu.memory_space<semaphore_mem>>) src(%dma_wait3A_1160 : memref<1024x1024xf32, #tpu.memory_space<hbm>>) dst(%arg8 : memref<16x1024xf32, #tpu.memory_space<vmem>>)
      %dma_start3A_1161 = arith.constant 0 : i32
      %dma_start3A_1162 = arith.constant 0 : i32
      %dma_start3A_1163 = tpu.memref_slice %arg5[%dma_start3A_1161, %dma_start3A_1162] : memref<8192x1024xf32, #tpu.memory_space<hbm>> -> memref<8192x1024xf32, #tpu.memory_space<hbm>>
      tpu.enqueue_indirect_dma source(%arg8 : memref<16x1024xf32, #tpu.memory_space<vmem>>) target(%dma_start3A_1163 : memref<8192x1024xf32, #tpu.memory_space<hbm>>) offsets(%select_n3A_1154 : vector<16xi32>) semaphore(%arg14 : memref<!tpu.dma_semaphore, #tpu.memory_space<semaphore_mem>>)
      %dma_wait3A_1164 = arith.constant 0 : i32
      %dma_wait3A_1165 = arith.constant 0 : i32
      %dma_wait3A_1166 = tpu.memref_slice %arg5[%dma_wait3A_1164, %dma_wait3A_1165] : memref<8192x1024xf32, #tpu.memory_space<hbm>> -> memref<8192x1024xf32, #tpu.memory_space<hbm>>
      tpu.wait_indirect_dma semaphore(%arg14 : memref<!tpu.dma_semaphore, #tpu.memory_space<semaphore_mem>>) src(%arg8 : memref<16x1024xf32, #tpu.memory_space<vmem>>) dst(%dma_wait3A_1166 : memref<8192x1024xf32, #tpu.memory_space<hbm>>)
    } else {
    }
    %gt3A_1123 = arith.constant 208 : i32
    %gt3A_1124 = arith.cmpi sgt, %add3A_701, %gt3A_1123 : i32
    %convert_element_type3A_1125 = arith.extui %gt3A_1124 : i1 to i32
    %cond3A_1126 = arith.constant 0 : i32
    %cond3A_1127 = arith.cmpi ne, %convert_element_type3A_1125, %cond3A_1126 : i32
    scf.if %cond3A_1127 {
      %get3A_1138 = arith.constant 208 : index
      %get3A_1139 = tpu.vector_load %arg9[%get3A_1138] {strides = array<i32>} : memref<288xi32, #tpu.memory_space<vmem>>, vector<16xi32>,
      %get3A_1140 = arith.constant 208 : index
      %get3A_1141 = tpu.vector_load %arg10[%get3A_1140] {strides = array<i32>} : memref<288xi32, #tpu.memory_space<vmem>>, vector<16xi32>,
      %add3A_1142 = arith.constant 208 : i32
      %add3A_1143 = vector.broadcast %add3A_1142 : i32 to vector<16xi32>
      %add3A_1144 = arith.addi %add3A_1143, %iota3A : vector<16xi32>
      %lt3A_1145 = vector.broadcast %add3A_701 : i32 to vector<16xi32>
      %lt3A_1146 = arith.cmpi slt, %add3A_1144, %lt3A_1145 : vector<16xi32>
      %slice3A_1147 = vector.extract_strided_slice %get3A_1139 {offsets = [0], sizes = [1], strides = [1]} : vector<16xi32> to vector<1xi32>
      %squeeze3A_1148 = vector.extract %slice3A_1147[0] : i32 from vector<1xi32>
      %broadcast_in_dim3A_1149 = vector.broadcast %squeeze3A_1148 : i32 to vector<16xi32>
      %select_n3A_1150 = arith.select %lt3A_1146, %get3A_1139, %broadcast_in_dim3A_1149 : vector<16xi1>, vector<16xi32>
      %slice3A_1151 = vector.extract_strided_slice %get3A_1141 {offsets = [0], sizes = [1], strides = [1]} : vector<16xi32> to vector<1xi32>
      %squeeze3A_1152 = vector.extract %slice3A_1151[0] : i32 from vector<1xi32>
      %broadcast_in_dim3A_1153 = vector.broadcast %squeeze3A_1152 : i32 to vector<16xi32>
      %select_n3A_1154 = arith.select %lt3A_1146, %get3A_1141, %broadcast_in_dim3A_1153 : vector<16xi1>, vector<16xi32>
      %dma_start3A_1155 = arith.constant 0 : i32
      %dma_start3A_1156 = arith.constant 0 : i32
      %dma_start3A_1157 = tpu.memref_slice %arg4[%dma_start3A_1155, %dma_start3A_1156] : memref<1024x1024xf32, #tpu.memory_space<hbm>> -> memref<1024x1024xf32, #tpu.memory_space<hbm>>
      tpu.enqueue_indirect_dma source(%dma_start3A_1157 : memref<1024x1024xf32, #tpu.memory_space<hbm>>) target(%arg8 : memref<16x1024xf32, #tpu.memory_space<vmem>>) offsets(%select_n3A_1150 : vector<16xi32>) semaphore(%arg17 : memref<!tpu.dma_semaphore, #tpu.memory_space<semaphore_mem>>)
      %dma_wait3A_1158 = arith.constant 0 : i32
      %dma_wait3A_1159 = arith.constant 0 : i32
      %dma_wait3A_1160 = tpu.memref_slice %arg4[%dma_wait3A_1158, %dma_wait3A_1159] : memref<1024x1024xf32, #tpu.memory_space<hbm>> -> memref<1024x1024xf32, #tpu.memory_space<hbm>>
      tpu.wait_indirect_dma semaphore(%arg17 : memref<!tpu.dma_semaphore, #tpu.memory_space<semaphore_mem>>) src(%dma_wait3A_1160 : memref<1024x1024xf32, #tpu.memory_space<hbm>>) dst(%arg8 : memref<16x1024xf32, #tpu.memory_space<vmem>>)
      %dma_start3A_1161 = arith.constant 0 : i32
      %dma_start3A_1162 = arith.constant 0 : i32
      %dma_start3A_1163 = tpu.memref_slice %arg5[%dma_start3A_1161, %dma_start3A_1162] : memref<8192x1024xf32, #tpu.memory_space<hbm>> -> memref<8192x1024xf32, #tpu.memory_space<hbm>>
      tpu.enqueue_indirect_dma source(%arg8 : memref<16x1024xf32, #tpu.memory_space<vmem>>) target(%dma_start3A_1163 : memref<8192x1024xf32, #tpu.memory_space<hbm>>) offsets(%select_n3A_1154 : vector<16xi32>) semaphore(%arg14 : memref<!tpu.dma_semaphore, #tpu.memory_space<semaphore_mem>>)
      %dma_wait3A_1164 = arith.constant 0 : i32
      %dma_wait3A_1165 = arith.constant 0 : i32
      %dma_wait3A_1166 = tpu.memref_slice %arg5[%dma_wait3A_1164, %dma_wait3A_1165] : memref<8192x1024xf32, #tpu.memory_space<hbm>> -> memref<8192x1024xf32, #tpu.memory_space<hbm>>
      tpu.wait_indirect_dma semaphore(%arg14 : memref<!tpu.dma_semaphore, #tpu.memory_space<semaphore_mem>>) src(%arg8 : memref<16x1024xf32, #tpu.memory_space<vmem>>) dst(%dma_wait3A_1166 : memref<8192x1024xf32, #tpu.memory_space<hbm>>)
    } else {
    }
    %gt3A_1128 = arith.constant 224 : i32
    %gt3A_1129 = arith.cmpi sgt, %add3A_701, %gt3A_1128 : i32
    %convert_element_type3A_1130 = arith.extui %gt3A_1129 : i1 to i32
    %cond3A_1131 = arith.constant 0 : i32
    %cond3A_1132 = arith.cmpi ne, %convert_element_type3A_1130, %cond3A_1131 : i32
    scf.if %cond3A_1132 {
      %get3A_1138 = arith.constant 224 : index
      %get3A_1139 = tpu.vector_load %arg9[%get3A_1138] {strides = array<i32>} : memref<288xi32, #tpu.memory_space<vmem>>, vector<16xi32>,
      %get3A_1140 = arith.constant 224 : index
      %get3A_1141 = tpu.vector_load %arg10[%get3A_1140] {strides = array<i32>} : memref<288xi32, #tpu.memory_space<vmem>>, vector<16xi32>,
      %add3A_1142 = arith.constant 224 : i32
      %add3A_1143 = vector.broadcast %add3A_1142 : i32 to vector<16xi32>
      %add3A_1144 = arith.addi %add3A_1143, %iota3A : vector<16xi32>
      %lt3A_1145 = vector.broadcast %add3A_701 : i32 to vector<16xi32>
      %lt3A_1146 = arith.cmpi slt, %add3A_1144, %lt3A_1145 : vector<16xi32>
      %slice3A_1147 = vector.extract_strided_slice %get3A_1139 {offsets = [0], sizes = [1], strides = [1]} : vector<16xi32> to vector<1xi32>
      %squeeze3A_1148 = vector.extract %slice3A_1147[0] : i32 from vector<1xi32>
      %broadcast_in_dim3A_1149 = vector.broadcast %squeeze3A_1148 : i32 to vector<16xi32>
      %select_n3A_1150 = arith.select %lt3A_1146, %get3A_1139, %broadcast_in_dim3A_1149 : vector<16xi1>, vector<16xi32>
      %slice3A_1151 = vector.extract_strided_slice %get3A_1141 {offsets = [0], sizes = [1], strides = [1]} : vector<16xi32> to vector<1xi32>
      %squeeze3A_1152 = vector.extract %slice3A_1151[0] : i32 from vector<1xi32>
      %broadcast_in_dim3A_1153 = vector.broadcast %squeeze3A_1152 : i32 to vector<16xi32>
      %select_n3A_1154 = arith.select %lt3A_1146, %get3A_1141, %broadcast_in_dim3A_1153 : vector<16xi1>, vector<16xi32>
      %dma_start3A_1155 = arith.constant 0 : i32
      %dma_start3A_1156 = arith.constant 0 : i32
      %dma_start3A_1157 = tpu.memref_slice %arg4[%dma_start3A_1155, %dma_start3A_1156] : memref<1024x1024xf32, #tpu.memory_space<hbm>> -> memref<1024x1024xf32, #tpu.memory_space<hbm>>
      tpu.enqueue_indirect_dma source(%dma_start3A_1157 : memref<1024x1024xf32, #tpu.memory_space<hbm>>) target(%arg8 : memref<16x1024xf32, #tpu.memory_space<vmem>>) offsets(%select_n3A_1150 : vector<16xi32>) semaphore(%arg17 : memref<!tpu.dma_semaphore, #tpu.memory_space<semaphore_mem>>)
      %dma_wait3A_1158 = arith.constant 0 : i32
      %dma_wait3A_1159 = arith.constant 0 : i32
      %dma_wait3A_1160 = tpu.memref_slice %arg4[%dma_wait3A_1158, %dma_wait3A_1159] : memref<1024x1024xf32, #tpu.memory_space<hbm>> -> memref<1024x1024xf32, #tpu.memory_space<hbm>>
      tpu.wait_indirect_dma semaphore(%arg17 : memref<!tpu.dma_semaphore, #tpu.memory_space<semaphore_mem>>) src(%dma_wait3A_1160 : memref<1024x1024xf32, #tpu.memory_space<hbm>>) dst(%arg8 : memref<16x1024xf32, #tpu.memory_space<vmem>>)
      %dma_start3A_1161 = arith.constant 0 : i32
      %dma_start3A_1162 = arith.constant 0 : i32
      %dma_start3A_1163 = tpu.memref_slice %arg5[%dma_start3A_1161, %dma_start3A_1162] : memref<8192x1024xf32, #tpu.memory_space<hbm>> -> memref<8192x1024xf32, #tpu.memory_space<hbm>>
      tpu.enqueue_indirect_dma source(%arg8 : memref<16x1024xf32, #tpu.memory_space<vmem>>) target(%dma_start3A_1163 : memref<8192x1024xf32, #tpu.memory_space<hbm>>) offsets(%select_n3A_1154 : vector<16xi32>) semaphore(%arg14 : memref<!tpu.dma_semaphore, #tpu.memory_space<semaphore_mem>>)
      %dma_wait3A_1164 = arith.constant 0 : i32
      %dma_wait3A_1165 = arith.constant 0 : i32
      %dma_wait3A_1166 = tpu.memref_slice %arg5[%dma_wait3A_1164, %dma_wait3A_1165] : memref<8192x1024xf32, #tpu.memory_space<hbm>> -> memref<8192x1024xf32, #tpu.memory_space<hbm>>
      tpu.wait_indirect_dma semaphore(%arg14 : memref<!tpu.dma_semaphore, #tpu.memory_space<semaphore_mem>>) src(%arg8 : memref<16x1024xf32, #tpu.memory_space<vmem>>) dst(%dma_wait3A_1166 : memref<8192x1024xf32, #tpu.memory_space<hbm>>)
    } else {
    }
    %gt3A_1133 = arith.constant 240 : i32
    %gt3A_1134 = arith.cmpi sgt, %add3A_701, %gt3A_1133 : i32
    %convert_element_type3A_1135 = arith.extui %gt3A_1134 : i1 to i32
    %cond3A_1136 = arith.constant 0 : i32
    %cond3A_1137 = arith.cmpi ne, %convert_element_type3A_1135, %cond3A_1136 : i32
    scf.if %cond3A_1137 {
      %get3A_1138 = arith.constant 240 : index
      %get3A_1139 = tpu.vector_load %arg9[%get3A_1138] {strides = array<i32>} : memref<288xi32, #tpu.memory_space<vmem>>, vector<16xi32>,
      %get3A_1140 = arith.constant 240 : index
      %get3A_1141 = tpu.vector_load %arg10[%get3A_1140] {strides = array<i32>} : memref<288xi32, #tpu.memory_space<vmem>>, vector<16xi32>,
      %add3A_1142 = arith.constant 240 : i32
      %add3A_1143 = vector.broadcast %add3A_1142 : i32 to vector<16xi32>
      %add3A_1144 = arith.addi %add3A_1143, %iota3A : vector<16xi32>
      %lt3A_1145 = vector.broadcast %add3A_701 : i32 to vector<16xi32>
      %lt3A_1146 = arith.cmpi slt, %add3A_1144, %lt3A_1145 : vector<16xi32>
      %slice3A_1147 = vector.extract_strided_slice %get3A_1139 {offsets = [0], sizes = [1], strides = [1]} : vector<16xi32> to vector<1xi32>
      %squeeze3A_1148 = vector.extract %slice3A_1147[0] : i32 from vector<1xi32>
      %broadcast_in_dim3A_1149 = vector.broadcast %squeeze3A_1148 : i32 to vector<16xi32>
      %select_n3A_1150 = arith.select %lt3A_1146, %get3A_1139, %broadcast_in_dim3A_1149 : vector<16xi1>, vector<16xi32>
      %slice3A_1151 = vector.extract_strided_slice %get3A_1141 {offsets = [0], sizes = [1], strides = [1]} : vector<16xi32> to vector<1xi32>
      %squeeze3A_1152 = vector.extract %slice3A_1151[0] : i32 from vector<1xi32>
      %broadcast_in_dim3A_1153 = vector.broadcast %squeeze3A_1152 : i32 to vector<16xi32>
      %select_n3A_1154 = arith.select %lt3A_1146, %get3A_1141, %broadcast_in_dim3A_1153 : vector<16xi1>, vector<16xi32>
      %dma_start3A_1155 = arith.constant 0 : i32
      %dma_start3A_1156 = arith.constant 0 : i32
      %dma_start3A_1157 = tpu.memref_slice %arg4[%dma_start3A_1155, %dma_start3A_1156] : memref<1024x1024xf32, #tpu.memory_space<hbm>> -> memref<1024x1024xf32, #tpu.memory_space<hbm>>
      tpu.enqueue_indirect_dma source(%dma_start3A_1157 : memref<1024x1024xf32, #tpu.memory_space<hbm>>) target(%arg8 : memref<16x1024xf32, #tpu.memory_space<vmem>>) offsets(%select_n3A_1150 : vector<16xi32>) semaphore(%arg17 : memref<!tpu.dma_semaphore, #tpu.memory_space<semaphore_mem>>)
      %dma_wait3A_1158 = arith.constant 0 : i32
      %dma_wait3A_1159 = arith.constant 0 : i32
      %dma_wait3A_1160 = tpu.memref_slice %arg4[%dma_wait3A_1158, %dma_wait3A_1159] : memref<1024x1024xf32, #tpu.memory_space<hbm>> -> memref<1024x1024xf32, #tpu.memory_space<hbm>>
      tpu.wait_indirect_dma semaphore(%arg17 : memref<!tpu.dma_semaphore, #tpu.memory_space<semaphore_mem>>) src(%dma_wait3A_1160 : memref<1024x1024xf32, #tpu.memory_space<hbm>>) dst(%arg8 : memref<16x1024xf32, #tpu.memory_space<vmem>>)
      %dma_start3A_1161 = arith.constant 0 : i32
      %dma_start3A_1162 = arith.constant 0 : i32
      %dma_start3A_1163 = tpu.memref_slice %arg5[%dma_start3A_1161, %dma_start3A_1162] : memref<8192x1024xf32, #tpu.memory_space<hbm>> -> memref<8192x1024xf32, #tpu.memory_space<hbm>>
      tpu.enqueue_indirect_dma source(%arg8 : memref<16x1024xf32, #tpu.memory_space<vmem>>) target(%dma_start3A_1163 : memref<8192x1024xf32, #tpu.memory_space<hbm>>) offsets(%select_n3A_1154 : vector<16xi32>) semaphore(%arg14 : memref<!tpu.dma_semaphore, #tpu.memory_space<semaphore_mem>>)
      %dma_wait3A_1164 = arith.constant 0 : i32
      %dma_wait3A_1165 = arith.constant 0 : i32
      %dma_wait3A_1166 = tpu.memref_slice %arg5[%dma_wait3A_1164, %dma_wait3A_1165] : memref<8192x1024xf32, #tpu.memory_space<hbm>> -> memref<8192x1024xf32, #tpu.memory_space<hbm>>
      tpu.wait_indirect_dma semaphore(%arg14 : memref<!tpu.dma_semaphore, #tpu.memory_space<semaphore_mem>>) src(%arg8 : memref<16x1024xf32, #tpu.memory_space<vmem>>) dst(%dma_wait3A_1166 : memref<8192x1024xf32, #tpu.memory_space<hbm>>)
    } else {
    }
    return
  }
}

module attributes {stable_mosaic.version = 14 : i64} {
  func.func @_linear_body(%arg0: i32, %arg1: memref<256x1024xf32, #tpu.memory_space<vmem>>, %arg2: memref<1024x1024xf32, #tpu.memory_space<vmem>>, %arg3: memref<1x1024xf32, #tpu.memory_space<vmem>>, %arg4: memref<256x1024xf32, #tpu.memory_space<vmem>>) attributes {dimension_semantics = [#tpu.dimension_semantics<arbitrary>], iteration_bounds = array<i64: 4>, scalar_prefetch = 0 : i64, scratch_operands = 0 : i64, tpu.core_type = #tpu.core_type<tc>, window_params = [{transform_indices = @transform_0, window_bounds = array<i64: 256, 1024>}, {pipeline_mode = #tpu.pipeline_mode<synchronous>, transform_indices = @transform_1, window_bounds = array<i64: 1024, 1024>}, {pipeline_mode = #tpu.pipeline_mode<synchronous>, transform_indices = @transform_2, window_bounds = array<i64: 1, 1024>}, {transform_indices = @transform_3, window_bounds = array<i64: 256, 1024>}]} {
    %get3A = arith.constant 0 : index
    %get3A_0 = arith.constant 0 : index
    %get3A_1 = vector.load %arg1[%get3A, %get3A_0] : memref<256x1024xf32, #tpu.memory_space<vmem>>, vector<256x1024xf32>
    %get3A_2 = arith.constant 0 : index
    %get3A_3 = arith.constant 0 : index
    %get3A_4 = vector.load %arg2[%get3A_2, %get3A_3] : memref<1024x1024xf32, #tpu.memory_space<vmem>>, vector<1024x1024xf32>
    %dot_general3A = arith.constant dense<0.000000e+00> : vector<256x1024xf32>
    %dot_general3A_5 = tpu.matmul %get3A_1, %get3A_4, %dot_general3A {dimension_numbers = #tpu.dot_dimension_numbers<[1], [1], [0], [0], [0, 0, 1, 0], [], []>, transpose_lhs_hint = false} : vector<256x1024xf32>, vector<1024x1024xf32>, vector<256x1024xf32> -> vector<256x1024xf32>
    %get3A_6 = arith.constant 0 : index
    %get3A_7 = arith.constant 0 : index
    %get3A_8 = vector.load %arg3[%get3A_6, %get3A_7] : memref<1x1024xf32, #tpu.memory_space<vmem>>, vector<1x1024xf32>
    %add3A = vector.broadcast %get3A_8 : vector<1x1024xf32> to vector<256x1024xf32>
    %add3A_9 = arith.addf %dot_general3A_5, %add3A : vector<256x1024xf32>
    %swap3A = arith.constant 0 : index
    %swap3A_10 = arith.constant 0 : index
    %swap3A_11 = vector.load %arg4[%swap3A, %swap3A_10] : memref<256x1024xf32, #tpu.memory_space<vmem>>, vector<256x1024xf32>
    tpu.vector_store %arg4[%swap3A, %swap3A_10], %add3A_9 {strides = array<i32>} : memref<256x1024xf32, #tpu.memory_space<vmem>>, vector<256x1024xf32>,
    return
  }
  func.func @transform_0(%arg0: i32) -> (i32, i32) {
    %c0_i32 = arith.constant 0 : i32
    %c0_i32_0 = arith.constant 0 : i32
    return %arg0, %c0_i32 : i32, i32
  }
  func.func @transform_1(%arg0: i32) -> (i32, i32) {
    %c0_i32 = arith.constant 0 : i32
    %c0_i32_0 = arith.constant 0 : i32
    %c0_i32_1 = arith.constant 0 : i32
    return %c0_i32, %c0_i32_0 : i32, i32
  }
  func.func @transform_2(%arg0: i32) -> (i32, i32) {
    %c0_i32 = arith.constant 0 : i32
    %c0_i32_0 = arith.constant 0 : i32
    %c0_i32_1 = arith.constant 0 : i32
    return %c0_i32, %c0_i32_0 : i32, i32
  }
  func.func @transform_3(%arg0: i32) -> (i32, i32) {
    %c0_i32 = arith.constant 0 : i32
    %c0_i32_0 = arith.constant 0 : i32
    return %arg0, %c0_i32 : i32, i32
  }
}

</mosaic_0001>

<sc_bundles>
// kernel: kernel.4.cloned.1.call-start
scs
__scs_entry_jumppad:
0x0: {  	(pc) =	sbr.rel $0x88, $3  }
0x1: {  	(tag) =	ssettag $0x0;
	lr =	simm.s32 $0x1  }
0x2: {  	[smem:$0x3F9D] =	sst lr;
	_ =	strace $0xD0000000  }
0x3: {  	_ = 	snop  }
0x4: {  	_ = 	snop  }
0x5: {  	_ = 	snop  }
0x6: {  	_ = 	snop  }
0x7: {  	_ = 	snop  }
__scs_overlays_trampoline_lowered:
0x8: {  	[smem:$0x3FAC] =	sst s0  }
0x9: {  	[smem:$0x3FAD] =	sst s1  }
0xa: {  	[smem:$0x3FAE] =	sst s2  }
0xb: {  	[smem:$0x3FAF] =	sst s3  }
0xc: {  	[smem:$0x3FB0] =	sst s4  }
0xd: {  	[smem:$0x3FB1] =	sst s5  }
0xe: {  	[smem:$0x3FB2] =	sst s6  }
0xf: {  	[smem:$0x3FB3] =	sst s7  }
0x10: {  	[smem:$0x3FB4] =	sst s8  }
0x11: {  	[smem:$0x3FB5] =	sst s9;
	s0 =	simm.s32 @!p0 $0x0  }
0x12: {  	s1 =	sld [smem:$0x3F9B];
	s0 =	simm.s32 @p0 $0x1  }
0x13: {  	[smem:$0x3FB6] =	sst s0;
	s0 =	simm.s32 @!p1 $0x0  }
0x14: {  	s2 =	sld [smem:$0x3F9A];
	s0 =	simm.s32 @p1 $0x1  }
0x15: {  	[smem:$0x3FB7] =	sst s0;
	s0 =	simm.s32 @!p2 $0x0  }
0x16: {  	s3 =	sld [smem:$0x3FDB];
	s0 =	simm.s32 @p2 $0x1  }
0x17: {  	s4 =	simm.s32 $0x1BF5;
	[smem:$0x3FB9] =	sst s0  }
0x18: {  	s0 =	sld [smem:$0x3F9C];
	_ =	swait.ge [sflag:s4], $0x0  }
0x19: {  	s7 =	sld [smem:$0x3F9D]  }
0x1a: {  	s8 =	sadd.s32 $0xFFFFE003, lr  }
0x1b: {  	s9 =	sadd.s32 $0xFFFFFEF7, lr;
	s5 =	simm.s32 $0xFFFFFFFF;
	p2 =	slt.u32 s8, $0xFFFFF086  }
0x1c: {  	p1 =	slt.u32 s9, $0xF7A;
	s5 =	simm.s32 @!p2 $0x0  }
0x1d: {  	s5 =	simm.s32 @p1 $0x1;
	p0 =	seq.s32 s7, s2  }
0x1e: {  	s7 =	smul.u32 @!p0 $0xF7A, s2;
	p2 =	seq.s32 @!p0 s5, $0x0  }
0x1f: {  	s9 =	smul.u32 $0xF7A, s1;
	s8 =	simm.s32 @!p0 $0x1BF5;
	p2 =	por !p2, p0  }
0x20: {  	[sflag:s8] =	ssyncset.s32 @!p0 $0xFFFFF086;
	s6 =	sadd.s32 @!p0 s3, s7;
	s7 =	simm.s32 @!p0 $0x108  }
0x21: {  	s3 =	sadd.s32 s3, s9;
	s6 =	sadd.s32 @!p0 $0x88, s6;
	s7 =	simm.s32 @p2 $0x1082  }
0x22: {  	[simem:s7], [sflag:s8] =	dma.local @!p0 [hbm:s6], $0xF7A  }
0x23: {  	s9 =	sor.u32 $0xD0000000, s2;
	s6 =	simm.s32 $0x108;
	_ =	swait.ge @!p0 [sflag:s8], $0x0  }
0x24: {  	s3 =	sadd.s32 $0x88, s3;
	s6 =	simm.s32 @!p1 $0x1082;
	[sflag:s4] =	ssyncset.s32 $0xFFFFF086  }
0x25: {  	[simem:s6], [sflag:s4] =	dma.local [hbm:s3], $0xF7A  }
0x26: {  	[smem:$0x3F9D] =	sst s1;
	(tag) =	ssettag s2;
	_ =	strace s9  }
0x27: {  	s1 =	sld [smem:$0x3FAD]  }
0x28: {  	s2 =	sld [smem:$0x3FAE]  }
0x29: {  	s4 =	sld [smem:$0x3FB0]  }
0x2a: {  	p0 =	seq.s32 s5, $0x0;
	s5 =	sld [smem:$0x3FB1]  }
0x2b: {  	s6 =	sld [smem:$0x3FB2]  }
0x2c: {  	s7 =	sld [smem:$0x3FB3]  }
0x2d: {  	s3 =	simm.s32 $0x108;
	s8 =	sld [smem:$0x3FB4]  }
0x2e: {  	s3 =	simm.s32 @!p0 $0x1082;
	s9 =	sld [smem:$0x3FB5]  }
0x2f: {  	lr =	sadd.s32 s0, s3;
	s0 =	sld [smem:$0x3FAC]  }
0x30: {  	s3 =	sld [smem:$0x3FAF]  }
0x31: {  	[smem:$0x3FB8] =	sst s10  }
0x32: {  	s10 =	sld [smem:$0x3FB6];
	_ =	sdelay $0x3  }
0x33: {  	p0 =	seq.s32 s10, $0x1;
	s10 =	sld [smem:$0x3FB8];
	_ =	sdelay $0x3  }
0x34: {  	[smem:$0x3FB8] =	sst s10  }
0x35: {  	s10 =	sld [smem:$0x3FB7];
	_ =	sdelay $0x3  }
0x36: {  	p1 =	seq.s32 s10, $0x1;
	s10 =	sld [smem:$0x3FB8];
	_ =	sdelay $0x3  }
0x37: {  	[smem:$0x3FB8] =	sst s10  }
0x38: {  	s10 =	sld [smem:$0x3FB9]  }
0x39: {  	_ = 	snop;
	(pc) =	sbr.ind lr, $3  }
0x3a: {  	_ = 	snop  }
0x3b: {  	_ = 	snop  }
0x3c: {  	p2 =	seq.s32 s10, $0x1;
	s10 =	sld [smem:$0x3FB8]  }
0x3d: {  	_ =	shalt  }
0x3e: {  	_ =	shalt  }
0x3f: {  	_ =	shalt  }
0x40: {  	_ =	shalt  }
0x41: {  	_ =	shalt  }
0x42: {  	_ =	shalt  }
0x43: {  	_ =	shalt  }
0x44: {  	_ =	shalt  }
0x45: {  	_ =	shalt  }
0x46: {  	_ =	shalt  }
0x47: {  	_ =	shalt  }
0x48: {  	_ =	shalt  }
0x49: {  	_ =	shalt  }
0x4a: {  	_ =	shalt  }
0x4b: {  	_ =	shalt  }
0x4c: {  	_ =	shalt  }
0x4d: {  	_ =	shalt  }
0x4e: {  	_ =	shalt  }
0x4f: {  	_ =	shalt  }
0x50: {  	_ =	shalt  }
0x51: {  	_ =	shalt  }
0x52: {  	_ =	shalt  }
0x53: {  	_ =	shalt  }
0x54: {  	_ =	shalt  }
0x55: {  	_ =	shalt  }
0x56: {  	_ =	shalt  }
0x57: {  	_ =	shalt  }
0x58: {  	_ =	shalt  }
0x59: {  	_ =	shalt  }
0x5a: {  	_ =	shalt  }
0x5b: {  	_ =	shalt  }
0x5c: {  	_ =	shalt  }
0x5d: {  	_ =	shalt  }
0x5e: {  	_ =	shalt  }
0x5f: {  	_ =	shalt  }
0x60: {  	_ =	shalt  }
0x61: {  	_ =	shalt  }
0x62: {  	_ =	shalt  }
0x63: {  	_ =	shalt  }
0x64: {  	_ =	shalt  }
0x65: {  	_ =	shalt  }
0x66: {  	_ =	shalt  }
0x67: {  	_ =	shalt  }
0x68: {  	_ =	shalt  }
0x69: {  	_ =	shalt  }
0x6a: {  	_ =	shalt  }
0x6b: {  	_ =	shalt  }
0x6c: {  	_ =	shalt  }
0x6d: {  	_ =	shalt  }
0x6e: {  	_ =	shalt  }
0x6f: {  	_ =	shalt  }
0x70: {  	_ =	shalt  }
0x71: {  	_ =	shalt  }
0x72: {  	_ =	shalt  }
0x73: {  	_ =	shalt  }
0x74: {  	_ =	shalt  }
0x75: {  	_ =	shalt  }
0x76: {  	_ =	shalt  }
0x77: {  	_ =	shalt  }
0x78: {  	_ =	shalt  }
0x79: {  	_ =	shalt  }
0x7a: {  	_ =	shalt  }
0x7b: {  	_ =	shalt  }
0x7c: {  	_ =	shalt  }
0x7d: {  	_ =	shalt  }
0x7e: {  	_ =	shalt  }
0x7f: {  	_ =	shalt  }
0x80: {  	_ =	shalt  }
0x81: {  	_ =	shalt  }
0x82: {  	_ =	shalt  }
0x83: {  	_ =	shalt  }
0x84: {  	_ =	shalt  }
0x85: {  	_ =	shalt  }
0x86: {  	_ =	shalt  }
0x87: {  	_ =	shalt  }
.Lfunc_end0:
.L_simem_size_0:
called_computation_lowered:
.L_overlay_start_0:
0x88: {  	s2 =	sld [smem:$0x3FD9]  }
0x89: {  	s3 =	sld [smem:$0x3FFE];
	_ =	sdelay $0x1  }
0x8a: {  	s1 =	srdreg.scid  }
0x8b: {  	s0 =	sand.u32 $0x1, s1  }
0x8c: {  	s17 =	sshll.u32 s0, $0xA;
	s2 =	sadd.s32 s3, s2  }
0x8d: {  	s2 =	sadd.s32 s2, s17  }
0x8e: {  	[smem:$0x3FC4] =	sst s2  }
0x8f: {  	_ = 	snop  }
0x90: {  	s2 =	sld [smem:$0x3FC8]  }
0x91: {  	s18 =	sld [smem:$0x3FD0];
	(tm) =	ssettm $0x1  }
0x92: {  	s4 =	sld [smem:$0x3FFB];
	_ =	sdelay $0x3  }
0x93: {  	_ =	strace s4  }
0x94: {  	s4 =	sld [smem:$0x3FFC];
	_ =	sdelay $0x3  }
0x95: {  	_ =	strace s4  }
0x96: {  	s4 =	sld [smem:$0x3FFD];
	_ =	sdelay $0x3  }
0x97: {  	_ =	strace s4  }
0x98: {  	_ =	strace $0x8FFFFFFF  }
0x99: {  	s19 =	sld [smem:$0x3FDB];
	_ =	sdelay $0x1  }
0x9a: {  	s5 =	simm.s32 $_scs_section_size  }
0x9b: {  	s6 =	simm.s32 $_size__tile_overlayer_lowered;
	s7 =	simm.s32 $_tile_overlayer_lowered  }
0x9c: {  	s22 =	simm.s32 $0x1BFF;
	s21 =	sshll.u32 s7, $0x1;
	s4 =	sadd.s32 s5, s19  }
0x9d: {  	s8 =	simm.s32 $0x0;
	s20 =	sshll.u32 s6, $0x1;
	s6 =	sadd.s32 s21, s4  }
0x9e: {  	[timem:s8], [sflag:s22] =	dma.local [hbm:s6], s20  }
0x9f: {  	_ =	swait.ge [sflag:s22], s20  }
0xa0: {  	s5 =	ssub.s32 $0x0, s20;
	[sflag:s22] =	ssyncset.done $0x0  }
0xa1: {  	[sflag:s22] =	ssyncadd.s32 s5;
	_ =	sdelay $0x1  }
0xa2: {  	s23 =	simm.s32 $0x1B8B  }
0xa3: {  	_ =	swait.ge [sflag:s23], $0x1  }
0xa4: {  	[sflag:s23] =	ssyncset.done $0x0  }
0xa5: {  	s25 =	simm.s32 $0x1B8E;
	s24 =	sld [smem:$0x3FFE];
	[sflag:s23] =	ssyncadd.s32 $0xFFFFFFFF  }
0xa6: {  	s26 =	simm.s32 $execute0_lowered;
	[smem:$0x3FD2] =	sst s25  }
0xa7: {  	s6 =	sshll.u32 s26, $0x1;
	_ =	strace $0x80000046;
	[dreg:$0x1] =	wrdreg $0xFFFFFFFF  }
0xa8: {  	s28 =	simm.s32 $_size_execute0_lowered;
	s4 =	sadd.s32 s4, s6;
	[dreg:$0x0] =	wrdreg $0x0  }
0xa9: {  	s6 =	sshll.u32 s28, $0x1;
	[dreg:$0x2] =	wrdreg s4  }
0xaa: {  	[dreg:$0x3] =	wrdreg s6  }
0xab: {  	[dreg:$0x4] =	wrdreg $0xC0  }
0xac: {  	_ =	task [dreg:s8], $0x5FFFF  }
0xad: {  	[dreg:$0x1] =	wrdreg $0xFFFFFFFF  }
0xae: {  	[dreg:$0x0] =	wrdreg $0x60  }
0xaf: {  	[dreg:$0x2] =	wrdreg s24  }
0xb0: {  	[dreg:$0x3] =	wrdreg s2  }
0xb1: {  	[dreg:$0x4] =	wrdreg s18  }
0xb2: {  	[dreg:$0x5] =	wrdreg $0x9  }
0xb3: {  	_ =	task.clear_ibuf [dreg:s8], $0x6FFFF;
	_ =	strace $0x90000046  }
0xb4: {  	s29 =	simm.s32 $0x9;
	_ =	strace $0x80000048  }
0xb5: {  	_ =	swait.ge [sflag:s29], $0x1  }
0xb6: {  	[sflag:s29] =	ssyncadd.s32 $0xFFFFFFFF  }
0xb7: {  	_ =	strace $0x90000048  }
0xb8: {  	_ =	sfence  }
0xb9: {  	s30 =	sld [smem:$0x0];
	_ =	sdelay $0x2  }
0xba: {  	s31 =	sshll.u32 s1, $0xD;
	s1 =	sshrl.u32 s1, $0x2  }
0xbb: {  	s3 =	sand.u32 $0x4000, s31;
	s1 =	sadd.s32 s1, s30  }
0xbc: {  	s0 =	sor.u32 s3, s0;
	s1 =	sshll.u32 s1, $0x11  }
0xbd: {  	s0 =	sor.u32 s1, s0  }
0xbe: {  	s0 =	sadd.s32 $0x8F2B, s0  }
0xbf: {  	[sflag:s0] =	ssyncadd.remote.s32 $0x1  }
0xc0: {  	_ =	sfence.sel $0xFFFF  }
0xc1: {  	[dreg:$0x0] =	wrdreg $0xFFFFFFFF;
	(pc) =	sbr.abs _section_cstart, $3  }
0xc2: {  	[dreg:$0x1] =	wrdreg $0xFFFFFFFF  }
0xc3: {  	_ =	task.clear_ibuf [dreg:s8], $0x2FFFF;
	_ =	strace $0x9FFFFFFF  }
0xc4: {  	(tm) =	ssettm $0x7FFFFFFF  }
0xc5: {  	_ =	shalt  }
tec
execute0_lowered:
.L_overlay_start_1:
0x0: {  	(tag) =	ssettag $0x1  }
0x1: {  	s9 =	rddreg [dreg:$0x0]  }
0x2: {  	s2 =	rddreg [dreg:$0x1]  }
0x3: {  	s24 =	rddreg [dreg:$0x2];
	s0 =	srdreg.scid  }
0x4: {  	s1 =	stileid.u32;
	s4 =	simm.s32 $0x0;
	s0 =	sand.u32 $0x1, s0  }
0x5: {  	s1 =	sshll.u32 s1, $0x9;
	[smem:$0x7FF] =	sst s4;
	s7 =	sadd.s32 $0xF00, s9  }
0x6: {  	s8 =	sadd.s32 $0x1000, s9;
	s5 =	sshll.u32 s0, $0x8;
	s0 =	ssub.s32 $0x2, s0  }
0x7: {  	_ =	strace $0x80000047;
	s12 =	sor.u32 s5, s1;
	s6 =	sshrl.u32 s0, $0x1  }
0x8: {  	s5 =	sadd.s32 $0xE00, s9;
	s1 =	sshrl.u32 s12, $0x3;
	s15 =	ssub.s32 s0, s6  }
0x9: {  	s14 =	sor.u32 $0x20, s12;
	s13 =	sor.u32 $0x40, s12;
	s11 =	sor.u32 $0x60, s12  }
0xa: {  	s0 =	sor.u32 $0xA0, s12;
	s3 =	sor.u32 $0xC0, s12;
	s10 =	sor.u32 $0xE0, s12  }
0xb: {  	s16 =	sshll.u32 s12, $0x7;
	s29 =	sor.u32 $0x10, s12;
	s30 =	sor.u32 $0x30, s12  }
0xc: {  	s1 =	sadd.s32 s1, s9;
	s17 =	sshll.u32 s14, $0x7;
	s9 =	sadd.s32 $0x1100, s9  }
0xd: {  	s16 =	sadd.s32 s24, s16;
	s20 =	sshll.u32 s13, $0x7;
	s21 =	sshll.u32 s11, $0x7  }
0xe: {  	v0 =	vlaneseq.u32;
	s25 =	sshll.u32 s0, $0x7;
	s26 =	sshll.u32 s3, $0x7;
	s28 =	sshll.u32 s10, $0x7  }
0xf: {  	v3 =	vor.u32 s29, v0;
	v5 =	vor.u32 s30, v0;
	s29 =	simm.s32 $0x5;
	s30 =	simm.s32 $0x3;
	s18 =	sadd.s32 $0xA00, s1  }
0x10: {  	s1 =	sor.u32 $0x80, s12;
	[dreg:$0x5] =	wrdreg s16;
	s19 =	sadd.s32 s24, s17  }
0x11: {  	s16 =	sadd.s32 s24, s20;
	s22 =	sadd.s32 s24, s21;
	[dreg:$0x4] =	wrdreg s18  }
0x12: {  	s31 =	sadd.s32 s24, s26;
	s6 =	sadd.s32 s24, s28;
	[dreg:$0x6] =	wrdreg s19  }
0x13: {  	vm0 =	vmmov $0xffff;
	s20 =	sadd.s32 $0x200, s2;
	s21 =	sadd.s32 $0x300, s2;
	[dreg:$0x7] =	wrdreg s16  }
0x14: {  	v21 =	vimm.s32 $0x0;
	v19 =	vshrl.u32 v0, $0x3;
	v18 =	vand.u32 $0x7, v0;
	s28 =	sor.u32 $0x50, s12;
	s26 =	sor.u32 $0x70, s12;
	[dreg:$0x8] =	wrdreg s22  }
0x15: {  	v20 =	vor.u32 $0x8, v0;
	v22 =	vor.u32 $0x110, v0;
	v19 =	vmul.u32 $0x8, v19;
	s18 =	sshll.u32 s1, $0x7;
	s16 =	sadd.s32 s24, s25;
	[dreg:$0xb] =	wrdreg s31  }
.Ltmp0:
0x16: {  	v1 =	vmov s12;
	v2 =	vor.u32 s12, v0;
	v4 =	vor.u32 s14, v0;
	[dreg:$0xc] =	wrdreg s6;
	s6 =	smax.u32 s15, $0x1;
	(pc) =	sbr.rel .LBB2_1-.Ltmp0, $4  }
0x17: {  	v6 =	vor.u32 s13, v0;
	v8 =	vor.u32 s11, v0;
	v12 =	vor.u32 s0, v0;
	s19 =	sadd.s32 $0x100, s2;
	s25 =	sor.u32 $0x90, s12;
	s31 =	sor.u32 $0xF0, s12  }
0x18: {  	v14 =	vor.u32 s3, v0;
	v16 =	vor.u32 s10, v0;
	s22 =	sadd.s32 $0x100, s24;
	v7 =	vor.u32 s28, v0;
	s23 =	sadd.s32 s24, s18;
	[dreg:$0xa] =	wrdreg s16  }
0x19: {  	v9 =	vor.u32 s26, v0;
	v10 =	vor.u32 s1, v0;
	s16 =	sor.u32 $0xB0, s12;
	s18 =	sor.u32 $0xD0, s12;
	v11 =	vor.u32 s25, v0;
	[dreg:$0x9] =	wrdreg s23  }
0x1a: {  	v17 =	vor.u32 s31, v0;
	s23 =	sadd.s32 $0x200, s24;
	s24 =	sadd.s32 $0x300, s24;
	v13 =	vor.u32 s16, v0;
	v15 =	vor.u32 s18, v0;
	s18 =	simm.s32 $0x1  }
.LBB2_3:
0x1b: {  	s0 =	rddreg [dreg:$0xd]  }
0x1c: {  	s6 =	sadd.s32 $0xFFFFFFFF, s0  }
0x1d: {  	p0 =	sne.s32 s6, $0x0  }
.Ltmp1:
0x1e: {  	_ = 	snop;
	(pc) =	sbr.rel @!p0 .LBB2_4-.Ltmp1, $1  }
0x1f: {  	_ =	sdelay $0x3  }
.LBB2_1:
0x20: {  	[dreg:$0xd] =	wrdreg s6  }
0x21: {  	s10 =	rddreg [dreg:$0x4];
	s12 =	simm.s32 $0x8  }
0x22: {  	[tilespmem:s4], [sflag:$0x8] =	stream.linear.gather [hbm4b:s10+s4], $0x100, $0x38;
	[tilespmem:$0x1C400] =	vst v63  }
0x23: {  	_ =	swait.ge [sflag:s12], $0x100  }
0x24: {  	[sflag:s12] =	ssyncset.done $0x0  }
0x25: {  	[sflag:s12] =	ssyncadd.s32 $0xFFFFFF00  }
0x26: {  	v23 =	vld [tilespmem:$0x0];
	_ =	sdelay $0x4  }
0x27: {  	v24 =	vshll.u32 v23, $0x3  }
0x28: {  	v23 =	vand.u32 $0x7, v23;
	v24 =	vand.u32 $0xFFFFFFC0, v24  }
0x29: {  	v23 =	vor.u32 v23, v24  }
0x2a: {  	v24 =	vperm.xlane v23, v18;
	_ =	sdelay $0x1  }
0x2b: {  	v24 =	vadd.s32 v19, v24;
	_ =	sdelay $0x3  }
0x2c: {  	s0 =	simm.s32 $0x100;
	s2 =	rddreg [dreg:$0x1]  }
0x2d: {  	[tilespmem:s0], [sflag:$0x1] =	stream.indirect_vreg.gather [hbm4b:s2+s4], $0x80, v24, vm0, $0xb8;
	[tilespmem:$0x1C400] =	vst v63  }
0x2e: {  	s13 =	simm.s32 $0x900;
	v23 =	vperm.xlane v23, v20  }
0x2f: {  	[tilespmem:s13], [sflag:$0x1] =	stream.indirect_vreg.gather [hbm4b:s19+s4], $0x80, v24, vm0, $0xb8;
	[tilespmem:$0x1C400] =	vst v63  }
0x30: {  	s14 =	simm.s32 $0x1100;
	v23 =	vadd.s32 v19, v23  }
0x31: {  	[tilespmem:s14], [sflag:$0x1] =	stream.indirect_vreg.gather [hbm4b:s20+s4], $0x80, v24, vm0, $0xb8;
	[tilespmem:$0x1C400] =	vst v63  }
0x32: {  	s15 =	simm.s32 $0x1900  }
0x33: {  	[tilespmem:s15], [sflag:$0x1] =	stream.indirect_vreg.gather [hbm4b:s21+s4], $0x80, v24, vm0, $0xb8;
	[tilespmem:$0x1C400] =	vst v63  }
0x34: {  	s16 =	simm.s32 $0x2100  }
0x35: {  	[tilespmem:s16], [sflag:$0x1] =	stream.indirect_vreg.gather [hbm4b:s2+s4], $0x80, v23, vm0, $0xb8;
	[tilespmem:$0x1C400] =	vst v63  }
0x36: {  	s17 =	simm.s32 $0x2900  }
0x37: {  	[tilespmem:s17], [sflag:$0x1] =	stream.indirect_vreg.gather [hbm4b:s19+s4], $0x80, v23, vm0, $0xb8;
	[tilespmem:$0x1C400] =	vst v63  }
0x38: {  	s25 =	simm.s32 $0x3100  }
0x39: {  	[tilespmem:s25], [sflag:$0x1] =	stream.indirect_vreg.gather [hbm4b:s20+s4], $0x80, v23, vm0, $0xb8;
	[tilespmem:$0x1C400] =	vst v63  }
0x3a: {  	s26 =	simm.s32 $0x3900  }
0x3b: {  	[tilespmem:s26], [sflag:$0x1] =	stream.indirect_vreg.gather [hbm4b:s21+s4], $0x80, v23, vm0, $0xb8;
	[tilespmem:$0x1C400] =	vst v63  }
0x3c: {  	v23 =	vld [tilespmem:$0x10];
	_ =	sdelay $0x4  }
0x3d: {  	v57 =	vshll.u32 v23, $0x3  }
0x3e: {  	v23 =	vand.u32 $0x7, v23;
	v24 =	vand.u32 $0xFFFFFFC0, v57  }
0x3f: {  	v23 =	vor.u32 v23, v24  }
0x40: {  	v24 =	vperm.xlane v23, v18;
	_ =	sdelay $0x1  }
0x41: {  	v24 =	vadd.s32 v19, v24;
	_ =	sdelay $0x3  }
0x42: {  	s28 =	simm.s32 $0x4100  }
0x43: {  	[tilespmem:s28], [sflag:$0x1] =	stream.indirect_vreg.gather [hbm4b:s2+s4], $0x80, v24, vm0, $0xb8;
	[tilespmem:$0x1C400] =	vst v63  }
0x44: {  	s1 =	simm.s32 $0x4900;
	v23 =	vperm.xlane v23, v20  }
0x45: {  	[tilespmem:s1], [sflag:$0x1] =	stream.indirect_vreg.gather [hbm4b:s19+s4], $0x80, v24, vm0, $0xb8;
	[tilespmem:$0x1C400] =	vst v63  }
0x46: {  	s3 =	simm.s32 $0x5100;
	v23 =	vadd.s32 v19, v23  }
0x47: {  	[tilespmem:s3], [sflag:$0x1] =	stream.indirect_vreg.gather [hbm4b:s20+s4], $0x80, v24, vm0, $0xb8;
	[tilespmem:$0x1C400] =	vst v63  }
0x48: {  	s6 =	simm.s32 $0x5900  }
0x49: {  	[tilespmem:s6], [sflag:$0x1] =	stream.indirect_vreg.gather [hbm4b:s21+s4], $0x80, v24, vm0, $0xb8;
	[tilespmem:$0x1C400] =	vst v63  }
0x4a: {  	s10 =	simm.s32 $0x6100  }
0x4b: {  	[tilespmem:s10], [sflag:$0x1] =	stream.indirect_vreg.gather [hbm4b:s2+s4], $0x80, v23, vm0, $0xb8;
	[tilespmem:$0x1C400] =	vst v63  }
0x4c: {  	s11 =	simm.s32 $0x6900  }
0x4d: {  	[tilespmem:s11], [sflag:$0x1] =	stream.indirect_vreg.gather [hbm4b:s19+s4], $0x80, v23, vm0, $0xb8;
	[tilespmem:$0x1C400] =	vst v63  }
0x4e: {  	s12 =	simm.s32 $0x7100  }
0x4f: {  	[tilespmem:s12], [sflag:$0x1] =	stream.indirect_vreg.gather [hbm4b:s20+s4], $0x80, v23, vm0, $0xb8;
	[tilespmem:$0x1C400] =	vst v63  }
0x50: {  	s13 =	simm.s32 $0x7900  }
0x51: {  	[tilespmem:s13], [sflag:$0x1] =	stream.indirect_vreg.gather [hbm4b:s21+s4], $0x80, v23, vm0, $0xb8;
	[tilespmem:$0x1C400] =	vst v63  }
0x52: {  	v23 =	vld [tilespmem:$0x20];
	_ =	sdelay $0x4  }
0x53: {  	v58 =	vshll.u32 v23, $0x3  }
0x54: {  	v23 =	vand.u32 $0x7, v23;
	v24 =	vand.u32 $0xFFFFFFC0, v58  }
0x55: {  	v23 =	vor.u32 v23, v24  }
0x56: {  	v24 =	vperm.xlane v23, v18;
	_ =	sdelay $0x1  }
0x57: {  	v24 =	vadd.s32 v19, v24;
	_ =	sdelay $0x3  }
0x58: {  	s14 =	simm.s32 $0x8100  }
0x59: {  	[tilespmem:s14], [sflag:$0x2] =	stream.indirect_vreg.gather [hbm4b:s2+s4], $0x80, v24, vm0, $0xb8;
	[tilespmem:$0x1C400] =	vst v63  }
0x5a: {  	s15 =	simm.s32 $0x8900;
	v23 =	vperm.xlane v23, v20  }
0x5b: {  	[tilespmem:s15], [sflag:$0x2] =	stream.indirect_vreg.gather [hbm4b:s19+s4], $0x80, v24, vm0, $0xb8;
	[tilespmem:$0x1C400] =	vst v63  }
0x5c: {  	s16 =	simm.s32 $0x9100;
	v23 =	vadd.s32 v19, v23  }
0x5d: {  	[tilespmem:s16], [sflag:$0x2] =	stream.indirect_vreg.gather [hbm4b:s20+s4], $0x80, v24, vm0, $0xb8;
	[tilespmem:$0x1C400] =	vst v63  }
0x5e: {  	s17 =	simm.s32 $0x9900  }
0x5f: {  	[tilespmem:s17], [sflag:$0x2] =	stream.indirect_vreg.gather [hbm4b:s21+s4], $0x80, v24, vm0, $0xb8;
	[tilespmem:$0x1C400] =	vst v63  }
0x60: {  	s25 =	simm.s32 $0xA100  }
0x61: {  	[tilespmem:s25], [sflag:$0x2] =	stream.indirect_vreg.gather [hbm4b:s2+s4], $0x80, v23, vm0, $0xb8;
	[tilespmem:$0x1C400] =	vst v63  }
0x62: {  	s26 =	simm.s32 $0xA900  }
0x63: {  	[tilespmem:s26], [sflag:$0x2] =	stream.indirect_vreg.gather [hbm4b:s19+s4], $0x80, v23, vm0, $0xb8;
	[tilespmem:$0x1C400] =	vst v63  }
0x64: {  	s28 =	simm.s32 $0xB100  }
0x65: {  	[tilespmem:s28], [sflag:$0x2] =	stream.indirect_vreg.gather [hbm4b:s20+s4], $0x80, v23, vm0, $0xb8;
	[tilespmem:$0x1C400] =	vst v63  }
0x66: {  	s1 =	simm.s32 $0xB900  }
0x67: {  	[tilespmem:s1], [sflag:$0x2] =	stream.indirect_vreg.gather [hbm4b:s21+s4], $0x80, v23, vm0, $0xb8;
	[tilespmem:$0x1C400] =	vst v63  }
0x68: {  	v23 =	vld [tilespmem:$0x30];
	_ =	sdelay $0x4  }
0x69: {  	v59 =	vshll.u32 v23, $0x3  }
0x6a: {  	v23 =	vand.u32 $0x7, v23;
	v24 =	vand.u32 $0xFFFFFFC0, v59  }
0x6b: {  	v23 =	vor.u32 v23, v24  }
0x6c: {  	v24 =	vperm.xlane v23, v18;
	_ =	sdelay $0x1  }
0x6d: {  	v24 =	vadd.s32 v19, v24;
	_ =	sdelay $0x3  }
0x6e: {  	s3 =	simm.s32 $0xC100  }
0x6f: {  	[tilespmem:s3], [sflag:$0x2] =	stream.indirect_vreg.gather [hbm4b:s2+s4], $0x80, v24, vm0, $0xb8;
	[tilespmem:$0x1C400] =	vst v63  }
0x70: {  	s6 =	simm.s32 $0xC900;
	v23 =	vperm.xlane v23, v20  }
0x71: {  	[tilespmem:s6], [sflag:$0x2] =	stream.indirect_vreg.gather [hbm4b:s19+s4], $0x80, v24, vm0, $0xb8;
	[tilespmem:$0x1C400] =	vst v63  }
0x72: {  	s10 =	simm.s32 $0xD100;
	v23 =	vadd.s32 v19, v23  }
0x73: {  	[tilespmem:s10], [sflag:$0x2] =	stream.indirect_vreg.gather [hbm4b:s20+s4], $0x80, v24, vm0, $0xb8;
	[tilespmem:$0x1C400] =	vst v63  }
0x74: {  	s11 =	simm.s32 $0xD900  }
0x75: {  	[tilespmem:s11], [sflag:$0x2] =	stream.indirect_vreg.gather [hbm4b:s21+s4], $0x80, v24, vm0, $0xb8;
	[tilespmem:$0x1C400] =	vst v63  }
0x76: {  	s12 =	simm.s32 $0xE100  }
0x77: {  	[tilespmem:s12], [sflag:$0x2] =	stream.indirect_vreg.gather [hbm4b:s2+s4], $0x80, v23, vm0, $0xb8;
	[tilespmem:$0x1C400] =	vst v63  }
0x78: {  	s13 =	simm.s32 $0xE900  }
0x79: {  	[tilespmem:s13], [sflag:$0x2] =	stream.indirect_vreg.gather [hbm4b:s19+s4], $0x80, v23, vm0, $0xb8;
	[tilespmem:$0x1C400] =	vst v63  }
0x7a: {  	s14 =	simm.s32 $0xF100  }
0x7b: {  	[tilespmem:s14], [sflag:$0x2] =	stream.indirect_vreg.gather [hbm4b:s20+s4], $0x80, v23, vm0, $0xb8;
	[tilespmem:$0x1C400] =	vst v63  }
0x7c: {  	s15 =	simm.s32 $0xF900  }
0x7d: {  	[tilespmem:s15], [sflag:$0x2] =	stream.indirect_vreg.gather [hbm4b:s21+s4], $0x80, v23, vm0, $0xb8;
	[tilespmem:$0x1C400] =	vst v63  }
0x7e: {  	v23 =	vld [tilespmem:$0x40];
	_ =	sdelay $0x4  }
0x7f: {  	v60 =	vshll.u32 v23, $0x3  }
0x80: {  	v23 =	vand.u32 $0x7, v23;
	v24 =	vand.u32 $0xFFFFFFC0, v60  }
0x81: {  	v23 =	vor.u32 v23, v24  }
0x82: {  	v24 =	vperm.xlane v23, v18;
	_ =	sdelay $0x1  }
0x83: {  	v24 =	vadd.s32 v19, v24;
	_ =	sdelay $0x3  }
0x84: {  	s16 =	simm.s32 $0x10100  }
0x85: {  	[tilespmem:s16], [sflag:$0x3] =	stream.indirect_vreg.gather [hbm4b:s2+s4], $0x80, v24, vm0, $0xb8;
	[tilespmem:$0x1C400] =	vst v63  }
0x86: {  	s17 =	simm.s32 $0x10900;
	v23 =	vperm.xlane v23, v20  }
0x87: {  	[tilespmem:s17], [sflag:$0x3] =	stream.indirect_vreg.gather [hbm4b:s19+s4], $0x80, v24, vm0, $0xb8;
	[tilespmem:$0x1C400] =	vst v63  }
0x88: {  	s25 =	simm.s32 $0x11100;
	v23 =	vadd.s32 v19, v23  }
0x89: {  	[tilespmem:s25], [sflag:$0x3] =	stream.indirect_vreg.gather [hbm4b:s20+s4], $0x80, v24, vm0, $0xb8;
	[tilespmem:$0x1C400] =	vst v63  }
0x8a: {  	s26 =	simm.s32 $0x11900  }
0x8b: {  	[tilespmem:s26], [sflag:$0x3] =	stream.indirect_vreg.gather [hbm4b:s21+s4], $0x80, v24, vm0, $0xb8;
	[tilespmem:$0x1C400] =	vst v63  }
0x8c: {  	s28 =	simm.s32 $0x12100  }
0x8d: {  	[tilespmem:s28], [sflag:$0x3] =	stream.indirect_vreg.gather [hbm4b:s2+s4], $0x80, v23, vm0, $0xb8;
	[tilespmem:$0x1C400] =	vst v63  }
0x8e: {  	s1 =	simm.s32 $0x12900  }
0x8f: {  	[tilespmem:s1], [sflag:$0x3] =	stream.indirect_vreg.gather [hbm4b:s19+s4], $0x80, v23, vm0, $0xb8;
	[tilespmem:$0x1C400] =	vst v63  }
0x90: {  	s3 =	simm.s32 $0x13100  }
0x91: {  	[tilespmem:s3], [sflag:$0x3] =	stream.indirect_vreg.gather [hbm4b:s20+s4], $0x80, v23, vm0, $0xb8;
	[tilespmem:$0x1C400] =	vst v63  }
0x92: {  	s6 =	simm.s32 $0x13900  }
0x93: {  	[tilespmem:s6], [sflag:$0x3] =	stream.indirect_vreg.gather [hbm4b:s21+s4], $0x80, v23, vm0, $0xb8;
	[tilespmem:$0x1C400] =	vst v63  }
0x94: {  	v23 =	vld [tilespmem:$0x50];
	_ =	sdelay $0x4  }
0x95: {  	v61 =	vshll.u32 v23, $0x3  }
0x96: {  	v23 =	vand.u32 $0x7, v23;
	v24 =	vand.u32 $0xFFFFFFC0, v61  }
0x97: {  	v23 =	vor.u32 v23, v24  }
0x98: {  	v24 =	vperm.xlane v23, v18;
	_ =	sdelay $0x1  }
0x99: {  	v24 =	vadd.s32 v19, v24;
	_ =	sdelay $0x3  }
0x9a: {  	s10 =	simm.s32 $0x14100  }
0x9b: {  	[tilespmem:s10], [sflag:$0x3] =	stream.indirect_vreg.gather [hbm4b:s2+s4], $0x80, v24, vm0, $0xb8;
	[tilespmem:$0x1C400] =	vst v63  }
0x9c: {  	s11 =	simm.s32 $0x14900;
	v23 =	vperm.xlane v23, v20  }
0x9d: {  	[tilespmem:s11], [sflag:$0x3] =	stream.indirect_vreg.gather [hbm4b:s19+s4], $0x80, v24, vm0, $0xb8;
	[tilespmem:$0x1C400] =	vst v63  }
0x9e: {  	s12 =	simm.s32 $0x15100;
	v23 =	vadd.s32 v19, v23  }
0x9f: {  	[tilespmem:s12], [sflag:$0x3] =	stream.indirect_vreg.gather [hbm4b:s20+s4], $0x80, v24, vm0, $0xb8;
	[tilespmem:$0x1C400] =	vst v63  }
0xa0: {  	s13 =	simm.s32 $0x15900  }
0xa1: {  	[tilespmem:s13], [sflag:$0x3] =	stream.indirect_vreg.gather [hbm4b:s21+s4], $0x80, v24, vm0, $0xb8;
	[tilespmem:$0x1C400] =	vst v63  }
0xa2: {  	s14 =	simm.s32 $0x16100  }
0xa3: {  	[tilespmem:s14], [sflag:$0x3] =	stream.indirect_vreg.gather [hbm4b:s2+s4], $0x80, v23, vm0, $0xb8;
	[tilespmem:$0x1C400] =	vst v63  }
0xa4: {  	s15 =	simm.s32 $0x16900  }
0xa5: {  	[tilespmem:s15], [sflag:$0x3] =	stream.indirect_vreg.gather [hbm4b:s19+s4], $0x80, v23, vm0, $0xb8;
	[tilespmem:$0x1C400] =	vst v63  }
0xa6: {  	s16 =	simm.s32 $0x17100  }
0xa7: {  	[tilespmem:s16], [sflag:$0x3] =	stream.indirect_vreg.gather [hbm4b:s20+s4], $0x80, v23, vm0, $0xb8;
	[tilespmem:$0x1C400] =	vst v63  }
0xa8: {  	s17 =	simm.s32 $0x17900  }
0xa9: {  	[tilespmem:s17], [sflag:$0x3] =	stream.indirect_vreg.gather [hbm4b:s21+s4], $0x80, v23, vm0, $0xb8;
	[tilespmem:$0x1C400] =	vst v63  }
0xaa: {  	[tilespmem:$0x1C100] =	vst v21  }
0xab: {  	[tilespmem:$0x1C280] =	vst v1  }
0xac: {  	[tilespmem:$0x1C110] =	vst v21  }
0xad: {  	[tilespmem:$0x1C290] =	vst v1  }
0xae: {  	[tilespmem:$0x1C120] =	vst v21  }
0xaf: {  	[tilespmem:$0x1C2A0] =	vst v1  }
0xb0: {  	[tilespmem:$0x1C130] =	vst v21  }
0xb1: {  	[tilespmem:$0x1C2B0] =	vst v1  }
0xb2: {  	[tilespmem:$0x1C140] =	vst v21  }
0xb3: {  	[tilespmem:$0x1C2C0] =	vst v1  }
0xb4: {  	[tilespmem:$0x1C150] =	vst v21  }
0xb5: {  	[tilespmem:$0x1C2D0] =	vst v1  }
0xb6: {  	[tilespmem:$0x1C160] =	vst v21  }
0xb7: {  	[tilespmem:$0x1C2E0] =	vst v1  }
0xb8: {  	[tilespmem:$0x1C170] =	vst v21;
	v23 =	vld [tilespmem:$0x0]  }
0xb9: {  	[tilespmem:$0x1C2F0] =	vst v1  }
0xba: {  	[tilespmem:$0x1C180] =	vst v21  }
0xbb: {  	[tilespmem:$0x1C300] =	vst v1  }
0xbc: {  	[tilespmem:$0x1C190] =	vst v21  }
0xbd: {  	[tilespmem:$0x1C310] =	vst v1;
	vm1 =	vlt.s32 v23, $0x3E8  }
0xbe: {  	[tilespmem:$0x1C1A0] =	vst v21;
	v62 =	vsel vm1, $0x1, v21  }
0xbf: {  	[tilespmem:$0x1C320] =	vst v1;
	(xrf0) =	vadd.scan.msk.s32 $0xffff, v62  }
0xc0: {  	[tilespmem:$0x1C1B0] =	vst v21  }
0xc1: {  	[tilespmem:$0x1C330] =	vst v1  }
0xc2: {  	[tilespmem:$0x1C1C0] =	vst v21  }
0xc3: {  	[tilespmem:$0x1C340] =	vst v1  }
0xc4: {  	[tilespmem:$0x1C1D0] =	vst v21  }
0xc5: {  	[tilespmem:$0x1C350] =	vst v1;
	v24, _, _ =	vpop (xrf0)  }
0xc6: {  	[tilespmem:$0x1C1E0] =	vst v21;
	v24 =	vadd.s32 $0xFFFFFFFF, v24  }
0xc7: {  	[tilespmem:$0x1C360] =	vst v1;
	vm2 =	vgt.s32 v24, $0x0  }
0xc8: {  	[tilespmem:$0x1C1F0] =	vst v21;
	v24 =	vnsel vm2, $0x0, v24  }
0xc9: {  	[tilespmem:$0x1C370] =	vst v1;
	v24 =	vsel vm1, v24, v22  }
0xca: {  	[tilespmem:$0x1C200] =	vst v21  }
0xcb: {  	[tilespmem:$0x1C380] =	vst v1  }
0xcc: {  	[tilespmem:$0x1C210] =	vst v21  }
0xcd: {  	s1 =	simm.s32 $0x1C100;
	[tilespmem:$0x1C390] =	vst v1  }
0xce: {  	s11 =	simm.s32 $0x1C280;
	[tilespmem:v24+s1+$0x0] =	vst.idx.msk vm1, v23  }
0xcf: {  	[tilespmem:v24+s11+$0x0] =	vst.idx.msk vm1, v2  }
0xd0: {  	v23 =	vld [tilespmem:$0x10];
	_ =	sdelay $0x4  }
0xd1: {  	vm2 =	vlt.s32 v23, $0x3E8  }
0xd2: {  	v63 =	vsel vm2, $0x1, v21  }
0xd3: {  	(xrf0) =	vadd.scan.msk.s32 $0xffff, v63;
	_ =	sdelay $0x1  }
0xd4: {  	v28 =	vmpcnt.ones.xlane vm1;
	_ =	sdelay $0x1  }
0xd5: {  	v25 =	vadd.s32 $0xFFFFFFFF, v28  }
0xd6: {  	v25 =	vbroadcast v25, $0x0  }
0xd7: {  	v26, _, _ =	vpop (xrf0)  }
0xd8: {  	v25 =	vadd.s32 v26, v25  }
0xd9: {  	v29 =	vmpcnt.ones.xlane vm2;
	vm1 =	vgt.s32 v25, $0x0  }
0xda: {  	(v2sf) =	vpush v28, $0x0;
	v30 =	vnsel vm1, $0x0, v25  }
0xdb: {  	(v2sf) =	vpush v29, $0x0;
	v24 =	vsel vm2, v30, v22;
	_ =	sdelay $0x4  }
0xdc: {  	[tilespmem:v24+s1+$0x0] =	vst.idx.msk vm2, v23  }
0xdd: {  	[tilespmem:v24+s11+$0x0] =	vst.idx.msk vm2, v3  }
0xde: {  	v23 =	vld [tilespmem:$0x20];
	_ =	sdelay $0x4  }
0xdf: {  	vm1 =	vlt.s32 v23, $0x3E8  }
0xe0: {  	v31 =	vsel vm1, $0x1, v21  }
0xe1: {  	s25 =	spop (v2sf);
	(xrf0) =	vadd.scan.msk.s32 $0xffff, v31  }
0xe2: {  	s12 =	spop (v2sf)  }
0xe3: {  	s10 =	sadd.s32 s25, s12  }
0xe4: {  	v32 =	vmov s10  }
0xe5: {  	v24 =	vadd.s32 $0xFFFFFFFF, v32  }
0xe6: {  	v24 =	vbroadcast v24, $0x0  }
0xe7: {  	v33, _, _ =	vpop (xrf0)  }
0xe8: {  	v24 =	vadd.s32 v33, v24  }
0xe9: {  	v34 =	vmpcnt.ones.xlane vm1;
	vm2 =	vgt.s32 v24, $0x0  }
0xea: {  	v24 =	vnsel vm2, $0x0, v24  }
0xeb: {  	(v2sf) =	vpush v34, $0x0;
	v24 =	vsel vm1, v24, v22;
	_ =	sdelay $0x4  }
0xec: {  	[tilespmem:v24+s1+$0x0] =	vst.idx.msk vm1, v23  }
0xed: {  	[tilespmem:v24+s11+$0x0] =	vst.idx.msk vm1, v4  }
0xee: {  	v23 =	vld [tilespmem:$0x30];
	_ =	sdelay $0x4  }
0xef: {  	vm1 =	vlt.s32 v23, $0x3E8  }
0xf0: {  	v35 =	vsel vm1, $0x1, v21  }
0xf1: {  	(xrf0) =	vadd.scan.msk.s32 $0xffff, v35  }
0xf2: {  	s26 =	spop (v2sf)  }
0xf3: {  	s10 =	sadd.s32 s10, s26  }
0xf4: {  	v36 =	vmov s10  }
0xf5: {  	v24 =	vadd.s32 $0xFFFFFFFF, v36  }
0xf6: {  	v24 =	vbroadcast v24, $0x0  }
0xf7: {  	v37, _, _ =	vpop (xrf0)  }
0xf8: {  	v24 =	vadd.s32 v37, v24  }
0xf9: {  	v38 =	vmpcnt.ones.xlane vm1;
	vm2 =	vgt.s32 v24, $0x0  }
0xfa: {  	v24 =	vnsel vm2, $0x0, v24  }
0xfb: {  	(v2sf) =	vpush v38, $0x0;
	v24 =	vsel vm1, v24, v22;
	_ =	sdelay $0x4  }
0xfc: {  	[tilespmem:v24+s1+$0x0] =	vst.idx.msk vm1, v23  }
0xfd: {  	[tilespmem:v24+s11+$0x0] =	vst.idx.msk vm1, v5  }
0xfe: {  	v23 =	vld [tilespmem:$0x40];
	_ =	sdelay $0x4  }
0xff: {  	vm1 =	vlt.s32 v23, $0x3E8  }
0x100: {  	v39 =	vsel vm1, $0x1, v21  }
0x101: {  	(xrf0) =	vadd.scan.msk.s32 $0xffff, v39  }
0x102: {  	s28 =	spop (v2sf)  }
0x103: {  	s10 =	sadd.s32 s10, s28  }
0x104: {  	v40 =	vmov s10  }
0x105: {  	v24 =	vadd.s32 $0xFFFFFFFF, v40  }
0x106: {  	v24 =	vbroadcast v24, $0x0  }
0x107: {  	v41, _, _ =	vpop (xrf0)  }
0x108: {  	v24 =	vadd.s32 v41, v24  }
0x109: {  	v42 =	vmpcnt.ones.xlane vm1;
	vm2 =	vgt.s32 v24, $0x0  }
0x10a: {  	v24 =	vnsel vm2, $0x0, v24  }
0x10b: {  	(v2sf) =	vpush v42, $0x0;
	v24 =	vsel vm1, v24, v22;
	_ =	sdelay $0x4  }
0x10c: {  	[tilespmem:v24+s1+$0x0] =	vst.idx.msk vm1, v23  }
0x10d: {  	[tilespmem:v24+s11+$0x0] =	vst.idx.msk vm1, v6  }
0x10e: {  	v23 =	vld [tilespmem:$0x50];
	_ =	sdelay $0x4  }
0x10f: {  	vm1 =	vlt.s32 v23, $0x3E8  }
0x110: {  	v43 =	vsel vm1, $0x1, v21  }
0x111: {  	(xrf0) =	vadd.scan.msk.s32 $0xffff, v43  }
0x112: {  	s0 =	spop (v2sf)  }
0x113: {  	s10 =	sadd.s32 s10, s0  }
0x114: {  	v44 =	vmov s10  }
0x115: {  	v24 =	vadd.s32 $0xFFFFFFFF, v44  }
0x116: {  	v24 =	vbroadcast v24, $0x0  }
0x117: {  	v45, _, _ =	vpop (xrf0)  }
0x118: {  	v24 =	vadd.s32 v45, v24  }
0x119: {  	v46 =	vmpcnt.ones.xlane vm1;
	vm2 =	vgt.s32 v24, $0x0  }
0x11a: {  	v24 =	vnsel vm2, $0x0, v24  }
0x11b: {  	(v2sf) =	vpush v46, $0x0;
	v24 =	vsel vm1, v24, v22;
	_ =	sdelay $0x4  }
0x11c: {  	[tilespmem:v24+s1+$0x0] =	vst.idx.msk vm1, v23  }
0x11d: {  	[tilespmem:v24+s11+$0x0] =	vst.idx.msk vm1, v7  }
0x11e: {  	v23 =	vld [tilespmem:$0x60];
	_ =	sdelay $0x4  }
0x11f: {  	vm1 =	vlt.s32 v23, $0x3E8  }
0x120: {  	v47 =	vsel vm1, $0x1, v21  }
0x121: {  	(xrf0) =	vadd.scan.msk.s32 $0xffff, v47  }
0x122: {  	s3 =	spop (v2sf)  }
0x123: {  	s10 =	sadd.s32 s10, s3  }
0x124: {  	v48 =	vmov s10  }
0x125: {  	v24 =	vadd.s32 $0xFFFFFFFF, v48  }
0x126: {  	v24 =	vbroadcast v24, $0x0  }
0x127: {  	v49, _, _ =	vpop (xrf0)  }
0x128: {  	v24 =	vadd.s32 v49, v24  }
0x129: {  	v50 =	vmpcnt.ones.xlane vm1;
	vm2 =	vgt.s32 v24, $0x0  }
0x12a: {  	v24 =	vnsel vm2, $0x0, v24  }
0x12b: {  	(v2sf) =	vpush v50, $0x0;
	v24 =	vsel vm1, v24, v22;
	_ =	sdelay $0x4  }
0x12c: {  	[tilespmem:v24+s1+$0x0] =	vst.idx.msk vm1, v23  }
0x12d: {  	[tilespmem:v24+s11+$0x0] =	vst.idx.msk vm1, v8  }
0x12e: {  	v23 =	vld [tilespmem:$0x70];
	_ =	sdelay $0x4  }
0x12f: {  	vm1 =	vlt.s32 v23, $0x3E8  }
0x130: {  	v51 =	vsel vm1, $0x1, v21  }
0x131: {  	(xrf0) =	vadd.scan.msk.s32 $0xffff, v51  }
0x132: {  	s6 =	spop (v2sf)  }
0x133: {  	s10 =	sadd.s32 s10, s6  }
0x134: {  	v52 =	vmov s10  }
0x135: {  	v24 =	vadd.s32 $0xFFFFFFFF, v52  }
0x136: {  	v24 =	vbroadcast v24, $0x0  }
0x137: {  	v53, _, _ =	vpop (xrf0)  }
0x138: {  	v24 =	vadd.s32 v53, v24  }
0x139: {  	v54 =	vmpcnt.ones.xlane vm1;
	vm2 =	vgt.s32 v24, $0x0  }
0x13a: {  	v24 =	vnsel vm2, $0x0, v24  }
0x13b: {  	(v2sf) =	vpush v54, $0x0;
	v24 =	vsel vm1, v24, v22;
	_ =	sdelay $0x4  }
0x13c: {  	[tilespmem:v24+s1+$0x0] =	vst.idx.msk vm1, v23  }
0x13d: {  	[tilespmem:v24+s11+$0x0] =	vst.idx.msk vm1, v9  }
0x13e: {  	v23 =	vld [tilespmem:$0x80];
	_ =	sdelay $0x4  }
0x13f: {  	vm1 =	vlt.s32 v23, $0x3E8  }
0x140: {  	v55 =	vsel vm1, $0x1, v21  }
0x141: {  	(xrf0) =	vadd.scan.msk.s32 $0xffff, v55  }
0x142: {  	s13 =	spop (v2sf)  }
0x143: {  	s10 =	sadd.s32 s10, s13  }
0x144: {  	v56 =	vmov s10  }
0x145: {  	v24 =	vadd.s32 $0xFFFFFFFF, v56  }
0x146: {  	v24 =	vbroadcast v24, $0x0  }
0x147: {  	v57, _, _ =	vpop (xrf0)  }
0x148: {  	v24 =	vadd.s32 v57, v24  }
0x149: {  	v58 =	vmpcnt.ones.xlane vm1;
	vm2 =	vgt.s32 v24, $0x0  }
0x14a: {  	v24 =	vnsel vm2, $0x0, v24  }
0x14b: {  	(v2sf) =	vpush v58, $0x0;
	v24 =	vsel vm1, v24, v22;
	_ =	sdelay $0x4  }
0x14c: {  	[tilespmem:v24+s1+$0x0] =	vst.idx.msk vm1, v23  }
0x14d: {  	[tilespmem:v24+s11+$0x0] =	vst.idx.msk vm1, v10  }
0x14e: {  	v23 =	vld [tilespmem:$0x90];
	_ =	sdelay $0x4  }
0x14f: {  	vm1 =	vlt.s32 v23, $0x3E8  }
0x150: {  	v59 =	vsel vm1, $0x1, v21  }
0x151: {  	(xrf0) =	vadd.scan.msk.s32 $0xffff, v59  }
0x152: {  	s14 =	spop (v2sf)  }
0x153: {  	s10 =	sadd.s32 s10, s14  }
0x154: {  	v60 =	vmov s10  }
0x155: {  	v24 =	vadd.s32 $0xFFFFFFFF, v60  }
0x156: {  	v24 =	vbroadcast v24, $0x0  }
0x157: {  	v25, _, _ =	vpop (xrf0)  }
0x158: {  	v24 =	vadd.s32 v25, v24  }
0x159: {  	v61 =	vmpcnt.ones.xlane vm1;
	vm2 =	vgt.s32 v24, $0x0  }
0x15a: {  	v24 =	vnsel vm2, $0x0, v24  }
0x15b: {  	(v2sf) =	vpush v61, $0x0;
	v24 =	vsel vm1, v24, v22;
	_ =	sdelay $0x4  }
0x15c: {  	[tilespmem:v24+s1+$0x0] =	vst.idx.msk vm1, v23  }
0x15d: {  	[tilespmem:v24+s11+$0x0] =	vst.idx.msk vm1, v11  }
0x15e: {  	v23 =	vld [tilespmem:$0xA0];
	_ =	sdelay $0x4  }
0x15f: {  	vm1 =	vlt.s32 v23, $0x3E8  }
0x160: {  	v62 =	vsel vm1, $0x1, v21  }
0x161: {  	(xrf0) =	vadd.scan.msk.s32 $0xffff, v62  }
0x162: {  	s15 =	spop (v2sf)  }
0x163: {  	s10 =	sadd.s32 s10, s15  }
0x164: {  	v63 =	vmov s10  }
0x165: {  	v24 =	vadd.s32 $0xFFFFFFFF, v63  }
0x166: {  	v24 =	vbroadcast v24, $0x0  }
0x167: {  	v28, _, _ =	vpop (xrf0)  }
0x168: {  	v24 =	vadd.s32 v28, v24  }
0x169: {  	v29 =	vmpcnt.ones.xlane vm1;
	vm2 =	vgt.s32 v24, $0x0  }
0x16a: {  	v24 =	vnsel vm2, $0x0, v24  }
0x16b: {  	(v2sf) =	vpush v29, $0x0;
	v24 =	vsel vm1, v24, v22;
	_ =	sdelay $0x4  }
0x16c: {  	[tilespmem:v24+s1+$0x0] =	vst.idx.msk vm1, v23  }
0x16d: {  	[tilespmem:v24+s11+$0x0] =	vst.idx.msk vm1, v12  }
0x16e: {  	v23 =	vld [tilespmem:$0xB0];
	_ =	sdelay $0x4  }
0x16f: {  	vm1 =	vlt.s32 v23, $0x3E8  }
0x170: {  	v30 =	vsel vm1, $0x1, v21  }
0x171: {  	(xrf0) =	vadd.scan.msk.s32 $0xffff, v30  }
0x172: {  	s16 =	spop (v2sf)  }
0x173: {  	s10 =	sadd.s32 s10, s16  }
0x174: {  	v31 =	vmov s10  }
0x175: {  	v24 =	vadd.s32 $0xFFFFFFFF, v31  }
0x176: {  	v24 =	vbroadcast v24, $0x0  }
0x177: {  	v32, _, _ =	vpop (xrf0)  }
0x178: {  	v24 =	vadd.s32 v32, v24  }
0x179: {  	v33 =	vmpcnt.ones.xlane vm1;
	vm2 =	vgt.s32 v24, $0x0  }
0x17a: {  	v24 =	vnsel vm2, $0x0, v24  }
0x17b: {  	(v2sf) =	vpush v33, $0x0;
	v24 =	vsel vm1, v24, v22;
	_ =	sdelay $0x4  }
0x17c: {  	[tilespmem:v24+s1+$0x0] =	vst.idx.msk vm1, v23  }
0x17d: {  	[tilespmem:v24+s11+$0x0] =	vst.idx.msk vm1, v13  }
0x17e: {  	v23 =	vld [tilespmem:$0xC0];
	_ =	sdelay $0x4  }
0x17f: {  	vm1 =	vlt.s32 v23, $0x3E8  }
0x180: {  	v34 =	vsel vm1, $0x1, v21  }
0x181: {  	(xrf0) =	vadd.scan.msk.s32 $0xffff, v34  }
0x182: {  	s17 =	spop (v2sf)  }
0x183: {  	s10 =	sadd.s32 s10, s17  }
0x184: {  	v35 =	vmov s10  }
0x185: {  	v24 =	vadd.s32 $0xFFFFFFFF, v35  }
0x186: {  	v24 =	vbroadcast v24, $0x0  }
0x187: {  	v36, _, _ =	vpop (xrf0)  }
0x188: {  	v24 =	vadd.s32 v36, v24  }
0x189: {  	v37 =	vmpcnt.ones.xlane vm1;
	vm2 =	vgt.s32 v24, $0x0  }
0x18a: {  	v24 =	vnsel vm2, $0x0, v24  }
0x18b: {  	(v2sf) =	vpush v37, $0x0;
	v24 =	vsel vm1, v24, v22;
	_ =	sdelay $0x4  }
0x18c: {  	[tilespmem:v24+s1+$0x0] =	vst.idx.msk vm1, v23  }
0x18d: {  	[tilespmem:v24+s11+$0x0] =	vst.idx.msk vm1, v14  }
0x18e: {  	v23 =	vld [tilespmem:$0xD0];
	_ =	sdelay $0x4  }
0x18f: {  	vm1 =	vlt.s32 v23, $0x3E8  }
0x190: {  	v38 =	vsel vm1, $0x1, v21  }
0x191: {  	(xrf0) =	vadd.scan.msk.s32 $0xffff, v38  }
0x192: {  	s25 =	spop (v2sf)  }
0x193: {  	s10 =	sadd.s32 s10, s25  }
0x194: {  	v39 =	vmov s10  }
0x195: {  	v24 =	vadd.s32 $0xFFFFFFFF, v39  }
0x196: {  	v24 =	vbroadcast v24, $0x0  }
0x197: {  	v40, _, _ =	vpop (xrf0)  }
0x198: {  	v24 =	vadd.s32 v40, v24  }
0x199: {  	v41 =	vmpcnt.ones.xlane vm1;
	vm2 =	vgt.s32 v24, $0x0  }
0x19a: {  	v24 =	vnsel vm2, $0x0, v24  }
0x19b: {  	(v2sf) =	vpush v41, $0x0;
	v24 =	vsel vm1, v24, v22;
	_ =	sdelay $0x4  }
0x19c: {  	[tilespmem:v24+s1+$0x0] =	vst.idx.msk vm1, v23  }
0x19d: {  	[tilespmem:v24+s11+$0x0] =	vst.idx.msk vm1, v15  }
0x19e: {  	v23 =	vld [tilespmem:$0xE0];
	_ =	sdelay $0x4  }
0x19f: {  	vm1 =	vlt.s32 v23, $0x3E8  }
0x1a0: {  	v42 =	vsel vm1, $0x1, v21  }
0x1a1: {  	(xrf0) =	vadd.scan.msk.s32 $0xffff, v42  }
0x1a2: {  	s26 =	spop (v2sf)  }
0x1a3: {  	s10 =	sadd.s32 s10, s26  }
0x1a4: {  	v43 =	vmov s10  }
0x1a5: {  	v24 =	vadd.s32 $0xFFFFFFFF, v43  }
0x1a6: {  	v24 =	vbroadcast v24, $0x0  }
0x1a7: {  	v44, _, _ =	vpop (xrf0)  }
0x1a8: {  	v24 =	vadd.s32 v44, v24  }
0x1a9: {  	vm2 =	vgt.s32 v24, $0x0  }
0x1aa: {  	v24 =	vnsel vm2, $0x0, v24  }
0x1ab: {  	v45 =	vmpcnt.ones.xlane vm1;
	v24 =	vsel vm1, v24, v22;
	_ =	sdelay $0x1  }
0x1ac: {  	(v2sf) =	vpush v45, $0x0;
	_ =	sdelay $0x2  }
0x1ad: {  	[tilespmem:v24+s1+$0x0] =	vst.idx.msk vm1, v23  }
0x1ae: {  	[tilespmem:v24+s11+$0x0] =	vst.idx.msk vm1, v16  }
0x1af: {  	v23 =	vld [tilespmem:$0xF0];
	_ =	sdelay $0x4  }
0x1b0: {  	vm1 =	vlt.s32 v23, $0x3E8  }
0x1b1: {  	v46 =	vmpcnt.ones.xlane vm1;
	_ =	sdelay $0x1  }
0x1b2: {  	v47 =	vsel vm1, $0x1, v21;
	(v2sf) =	vpush v46, $0x0  }
0x1b3: {  	(xrf0) =	vadd.scan.msk.s32 $0xffff, v47  }
0x1b4: {  	s28 =	spop (v2sf)  }
0x1b5: {  	s10 =	sadd.s32 s10, s28  }
0x1b6: {  	v48 =	vmov s10  }
0x1b7: {  	v24 =	vadd.s32 $0xFFFFFFFF, v48  }
0x1b8: {  	v24 =	vbroadcast v24, $0x0  }
0x1b9: {  	v25, _, _ =	vpop (xrf0)  }
0x1ba: {  	v24 =	vadd.s32 v25, v24  }
0x1bb: {  	vm2 =	vgt.s32 v24, $0x0  }
0x1bc: {  	v24 =	vnsel vm2, $0x0, v24  }
0x1bd: {  	v24 =	vsel vm1, v24, v22;
	_ =	sdelay $0x3  }
0x1be: {  	s0 =	spop (v2sf)  }
0x1bf: {  	[tilespmem:v24+s1+$0x0] =	vst.idx.msk vm1, v23;
	s31 =	sadd.s32 s10, s0  }
0x1c0: {  	[tilespmem:v24+s11+$0x0] =	vst.idx.msk vm1, v17;
	p0 =	slt.s32 s31, $0x1  }
0x1c1: {  	v24 =	vld @!p0 [tilespmem:$0x1C100];
	_ =	sdelay $0x4  }
0x1c2: {  	v23 =	vmov @!p0 s31;
	v26 =	vlaneseq.u32 @!p0;
	v25 =	vbroadcast @!p0 v24, $0x0  }
0x1c3: {  	vm2 =	vgt.s32 @!p0 v23, v26  }
0x1c4: {  	v24 =	vsel @!p0 vm2, v24, v25  }
0x1c5: {  	v25 =	vshll.u32 @!p0 v24, $0x3  }
0x1c6: {  	v24 =	vand.u32 @!p0 $0x7, v24;
	v25 =	vand.u32 @!p0 $0xFFFFFFC0, v25  }
0x1c7: {  	v27 =	vor.u32 @!p0 v24, v25;
	v25 =	vand.u32 @!p0 $0x7, v26;
	v24 =	vshrl.u32 @!p0 v26, $0x3  }
0x1c8: {  	v28 =	vperm.xlane @!p0 v27, v25;
	v24 =	vmul.u32 @!p0 $0x8, v24;
	_ =	sdelay $0x1  }
0x1c9: {  	v28 =	vadd.s32 @!p0 v24, v28;
	_ =	sdelay $0x3  }
0x1ca: {  	vm1 =	vmmov @!p0 $0xffff;
	s13 =	simm.s32 @!p0 $0x0;
	s0 =	simm.s32 @!p0 $0x18100  }
0x1cb: {  	v26 =	vor.u32 @!p0 $0x8, v26;
	[tilespmem:s0], [sflag:$0x7] =	stream.indirect_vreg.gather @!p0 [hbm4b:s5+s13], $0x80, v28, vm1, $0xb8;
	[tilespmem:$0x1C400] =	vst v63  }
0x1cc: {  	v27 =	vperm.xlane @!p0 v27, v26;
	s0 =	simm.s32 @!p0 $0x18900  }
0x1cd: {  	[tilespmem:s0], [sflag:$0x7] =	stream.indirect_vreg.gather @!p0 [hbm4b:s7+s13], $0x80, v28, vm1, $0xb8;
	[tilespmem:$0x1C400] =	vst v63  }
0x1ce: {  	v27 =	vadd.s32 @!p0 v24, v27;
	s0 =	simm.s32 @!p0 $0x19100  }
0x1cf: {  	[tilespmem:s0], [sflag:$0x7] =	stream.indirect_vreg.gather @!p0 [hbm4b:s8+s13], $0x80, v28, vm1, $0xb8;
	[tilespmem:$0x1C400] =	vst v63  }
0x1d0: {  	s0 =	simm.s32 @!p0 $0x19900  }
0x1d1: {  	[tilespmem:s0], [sflag:$0x7] =	stream.indirect_vreg.gather @!p0 [hbm4b:s9+s13], $0x80, v28, vm1, $0xb8;
	[tilespmem:$0x1C400] =	vst v63  }
0x1d2: {  	s0 =	simm.s32 @!p0 $0x1A100  }
0x1d3: {  	[tilespmem:s0], [sflag:$0x7] =	stream.indirect_vreg.gather @!p0 [hbm4b:s5+s13], $0x80, v27, vm1, $0xb8;
	[tilespmem:$0x1C400] =	vst v63  }
0x1d4: {  	s0 =	simm.s32 @!p0 $0x1A900  }
0x1d5: {  	[tilespmem:s0], [sflag:$0x7] =	stream.indirect_vreg.gather @!p0 [hbm4b:s7+s13], $0x80, v27, vm1, $0xb8;
	[tilespmem:$0x1C400] =	vst v63  }
0x1d6: {  	s0 =	simm.s32 @!p0 $0x1B100  }
0x1d7: {  	[tilespmem:s0], [sflag:$0x7] =	stream.indirect_vreg.gather @!p0 [hbm4b:s8+s13], $0x80, v27, vm1, $0xb8;
	[tilespmem:$0x1C400] =	vst v63  }
0x1d8: {  	s0 =	simm.s32 @!p0 $0x1B900  }
0x1d9: {  	[tilespmem:s0], [sflag:$0x7] =	stream.indirect_vreg.gather @!p0 [hbm4b:s9+s13], $0x80, v27, vm1, $0xb8;
	[tilespmem:$0x1C400] =	vst v63  }
0x1da: {  	_ =	swait.ge [sflag:s18], $0x8000  }
0x1db: {  	s3 =	simm.s32 $0x100;
	[sflag:s18] =	ssyncset.done $0x0  }
0x1dc: {  	s6 =	simm.s32 $0x4;
	s1 =	rddreg [dreg:$0x5];
	[sflag:s18] =	ssyncadd.s32 $0xFFFF8000  }
0x1dd: {  	[hbm4b:s1+s4] =	stream.linear.scatter [tilespmem:s3], [sflag:$0x4], $0x8000, $0x38;
	[tilespmem:$0x1C400] =	vst v63  }
0x1de: {  	_ =	swait.ge [sflag:s6], $0x8000  }
0x1df: {  	[sflag:s6] =	ssyncset.done $0x0  }
0x1e0: {  	[sflag:s6] =	ssyncadd.s32 $0xFFFF8000  }
0x1e1: {  	v49 =	vld [tilespmem:$0x60];
	_ =	sdelay $0x4  }
0x1e2: {  	v50 =	vshll.u32 v49, $0x3  }
0x1e3: {  	v27 =	vand.u32 $0x7, v49;
	v28 =	vand.u32 $0xFFFFFFC0, v50  }
0x1e4: {  	v27 =	vor.u32 v27, v28  }
0x1e5: {  	v28 =	vperm.xlane v27, v18;
	_ =	sdelay $0x1  }
0x1e6: {  	v28 =	vadd.s32 v19, v28;
	_ =	sdelay $0x4  }
0x1e7: {  	[tilespmem:s3], [sflag:$0x1] =	stream.indirect_vreg.gather [hbm4b:s2+s4], $0x80, v28, vm0, $0xb8;
	[tilespmem:$0x1C400] =	vst v63  }
0x1e8: {  	s10 =	simm.s32 $0x900;
	v27 =	vperm.xlane v27, v20  }
0x1e9: {  	[tilespmem:s10], [sflag:$0x1] =	stream.indirect_vreg.gather [hbm4b:s19+s4], $0x80, v28, vm0, $0xb8;
	[tilespmem:$0x1C400] =	vst v63  }
0x1ea: {  	s11 =	simm.s32 $0x1100;
	v27 =	vadd.s32 v19, v27  }
0x1eb: {  	[tilespmem:s11], [sflag:$0x1] =	stream.indirect_vreg.gather [hbm4b:s20+s4], $0x80, v28, vm0, $0xb8;
	[tilespmem:$0x1C400] =	vst v63  }
0x1ec: {  	s12 =	simm.s32 $0x1900  }
0x1ed: {  	[tilespmem:s12], [sflag:$0x1] =	stream.indirect_vreg.gather [hbm4b:s21+s4], $0x80, v28, vm0, $0xb8;
	[tilespmem:$0x1C400] =	vst v63  }
0x1ee: {  	s14 =	simm.s32 $0x2100  }
0x1ef: {  	[tilespmem:s14], [sflag:$0x1] =	stream.indirect_vreg.gather [hbm4b:s2+s4], $0x80, v27, vm0, $0xb8;
	[tilespmem:$0x1C400] =	vst v63  }
0x1f0: {  	s15 =	simm.s32 $0x2900  }
0x1f1: {  	[tilespmem:s15], [sflag:$0x1] =	stream.indirect_vreg.gather [hbm4b:s19+s4], $0x80, v27, vm0, $0xb8;
	[tilespmem:$0x1C400] =	vst v63  }
0x1f2: {  	s16 =	simm.s32 $0x3100  }
0x1f3: {  	[tilespmem:s16], [sflag:$0x1] =	stream.indirect_vreg.gather [hbm4b:s20+s4], $0x80, v27, vm0, $0xb8;
	[tilespmem:$0x1C400] =	vst v63  }
0x1f4: {  	s17 =	simm.s32 $0x3900  }
0x1f5: {  	[tilespmem:s17], [sflag:$0x1] =	stream.indirect_vreg.gather [hbm4b:s21+s4], $0x80, v27, vm0, $0xb8;
	[tilespmem:$0x1C400] =	vst v63  }
0x1f6: {  	v27 =	vld [tilespmem:$0x70];
	_ =	sdelay $0x4  }
0x1f7: {  	v51 =	vshll.u32 v27, $0x3  }
0x1f8: {  	v27 =	vand.u32 $0x7, v27;
	v28 =	vand.u32 $0xFFFFFFC0, v51  }
0x1f9: {  	v27 =	vor.u32 v27, v28  }
0x1fa: {  	v28 =	vperm.xlane v27, v18;
	_ =	sdelay $0x1  }
0x1fb: {  	v28 =	vadd.s32 v19, v28;
	_ =	sdelay $0x3  }
0x1fc: {  	s25 =	simm.s32 $0x4100  }
0x1fd: {  	[tilespmem:s25], [sflag:$0x1] =	stream.indirect_vreg.gather [hbm4b:s2+s4], $0x80, v28, vm0, $0xb8;
	[tilespmem:$0x1C400] =	vst v63  }
0x1fe: {  	s26 =	simm.s32 $0x4900;
	v27 =	vperm.xlane v27, v20  }
0x1ff: {  	[tilespmem:s26], [sflag:$0x1] =	stream.indirect_vreg.gather [hbm4b:s19+s4], $0x80, v28, vm0, $0xb8;
	[tilespmem:$0x1C400] =	vst v63  }
0x200: {  	s28 =	simm.s32 $0x5100;
	v27 =	vadd.s32 v19, v27  }
0x201: {  	[tilespmem:s28], [sflag:$0x1] =	stream.indirect_vreg.gather [hbm4b:s20+s4], $0x80, v28, vm0, $0xb8;
	[tilespmem:$0x1C400] =	vst v63  }
0x202: {  	s1 =	simm.s32 $0x5900  }
0x203: {  	[tilespmem:s1], [sflag:$0x1] =	stream.indirect_vreg.gather [hbm4b:s21+s4], $0x80, v28, vm0, $0xb8;
	[tilespmem:$0x1C400] =	vst v63  }
0x204: {  	s3 =	simm.s32 $0x6100  }
0x205: {  	[tilespmem:s3], [sflag:$0x1] =	stream.indirect_vreg.gather [hbm4b:s2+s4], $0x80, v27, vm0, $0xb8;
	[tilespmem:$0x1C400] =	vst v63  }
0x206: {  	s10 =	simm.s32 $0x6900  }
0x207: {  	[tilespmem:s10], [sflag:$0x1] =	stream.indirect_vreg.gather [hbm4b:s19+s4], $0x80, v27, vm0, $0xb8;
	[tilespmem:$0x1C400] =	vst v63  }
0x208: {  	s11 =	simm.s32 $0x7100  }
0x209: {  	[tilespmem:s11], [sflag:$0x1] =	stream.indirect_vreg.gather [hbm4b:s20+s4], $0x80, v27, vm0, $0xb8;
	[tilespmem:$0x1C400] =	vst v63  }
0x20a: {  	s12 =	simm.s32 $0x7900;
	s1 =	simm.s32 $0x2  }
0x20b: {  	[tilespmem:s12], [sflag:$0x1] =	stream.indirect_vreg.gather [hbm4b:s21+s4], $0x80, v27, vm0, $0xb8;
	[tilespmem:$0x1C400] =	vst v63  }
0x20c: {  	_ =	swait.ge [sflag:s1], $0x8000  }
0x20d: {  	[sflag:s1] =	ssyncset.done $0x0  }
0x20e: {  	s15 =	simm.s32 $0x8100;
	s14 =	rddreg [dreg:$0x6];
	[sflag:s1] =	ssyncadd.s32 $0xFFFF8000  }
0x20f: {  	[hbm4b:s14+s4] =	stream.linear.scatter [tilespmem:s15], [sflag:$0x5], $0x8000, $0x38;
	[tilespmem:$0x1C400] =	vst v63  }
0x210: {  	_ =	swait.ge [sflag:s29], $0x8000  }
0x211: {  	[sflag:s29] =	ssyncset.done $0x0  }
0x212: {  	[sflag:s29] =	ssyncadd.s32 $0xFFFF8000  }
0x213: {  	v52 =	vld [tilespmem:$0x80];
	_ =	sdelay $0x4  }
0x214: {  	v53 =	vshll.u32 v52, $0x3  }
0x215: {  	v27 =	vand.u32 $0x7, v52;
	v28 =	vand.u32 $0xFFFFFFC0, v53  }
0x216: {  	v27 =	vor.u32 v27, v28  }
0x217: {  	v28 =	vperm.xlane v27, v18;
	_ =	sdelay $0x1  }
0x218: {  	v28 =	vadd.s32 v19, v28;
	_ =	sdelay $0x4  }
0x219: {  	[tilespmem:s15], [sflag:$0x2] =	stream.indirect_vreg.gather [hbm4b:s2+s4], $0x80, v28, vm0, $0xb8;
	[tilespmem:$0x1C400] =	vst v63  }
0x21a: {  	s16 =	simm.s32 $0x8900;
	v27 =	vperm.xlane v27, v20  }
0x21b: {  	[tilespmem:s16], [sflag:$0x2] =	stream.indirect_vreg.gather [hbm4b:s19+s4], $0x80, v28, vm0, $0xb8;
	[tilespmem:$0x1C400] =	vst v63  }
0x21c: {  	s17 =	simm.s32 $0x9100;
	v27 =	vadd.s32 v19, v27  }
0x21d: {  	[tilespmem:s17], [sflag:$0x2] =	stream.indirect_vreg.gather [hbm4b:s20+s4], $0x80, v28, vm0, $0xb8;
	[tilespmem:$0x1C400] =	vst v63  }
0x21e: {  	s10 =	simm.s32 $0x9900  }
0x21f: {  	[tilespmem:s10], [sflag:$0x2] =	stream.indirect_vreg.gather [hbm4b:s21+s4], $0x80, v28, vm0, $0xb8;
	[tilespmem:$0x1C400] =	vst v63  }
0x220: {  	s14 =	simm.s32 $0xA100  }
0x221: {  	[tilespmem:s14], [sflag:$0x2] =	stream.indirect_vreg.gather [hbm4b:s2+s4], $0x80, v27, vm0, $0xb8;
	[tilespmem:$0x1C400] =	vst v63  }
0x222: {  	s15 =	simm.s32 $0xA900  }
0x223: {  	[tilespmem:s15], [sflag:$0x2] =	stream.indirect_vreg.gather [hbm4b:s19+s4], $0x80, v27, vm0, $0xb8;
	[tilespmem:$0x1C400] =	vst v63  }
0x224: {  	s16 =	simm.s32 $0xB100  }
0x225: {  	[tilespmem:s16], [sflag:$0x2] =	stream.indirect_vreg.gather [hbm4b:s20+s4], $0x80, v27, vm0, $0xb8;
	[tilespmem:$0x1C400] =	vst v63  }
0x226: {  	s25 =	simm.s32 $0xB900  }
0x227: {  	[tilespmem:s25], [sflag:$0x2] =	stream.indirect_vreg.gather [hbm4b:s21+s4], $0x80, v27, vm0, $0xb8;
	[tilespmem:$0x1C400] =	vst v63  }
0x228: {  	v27 =	vld [tilespmem:$0x90];
	_ =	sdelay $0x4  }
0x229: {  	v54 =	vshll.u32 v27, $0x3  }
0x22a: {  	v27 =	vand.u32 $0x7, v27;
	v28 =	vand.u32 $0xFFFFFFC0, v54  }
0x22b: {  	v27 =	vor.u32 v27, v28  }
0x22c: {  	v28 =	vperm.xlane v27, v18;
	_ =	sdelay $0x1  }
0x22d: {  	v28 =	vadd.s32 v19, v28;
	_ =	sdelay $0x3  }
0x22e: {  	s26 =	simm.s32 $0xC100  }
0x22f: {  	[tilespmem:s26], [sflag:$0x2] =	stream.indirect_vreg.gather [hbm4b:s2+s4], $0x80, v28, vm0, $0xb8;
	[tilespmem:$0x1C400] =	vst v63  }
0x230: {  	s28 =	simm.s32 $0xC900;
	v27 =	vperm.xlane v27, v20  }
0x231: {  	[tilespmem:s28], [sflag:$0x2] =	stream.indirect_vreg.gather [hbm4b:s19+s4], $0x80, v28, vm0, $0xb8;
	[tilespmem:$0x1C400] =	vst v63  }
0x232: {  	s17 =	simm.s32 $0xD100;
	v27 =	vadd.s32 v19, v27  }
0x233: {  	[tilespmem:s17], [sflag:$0x2] =	stream.indirect_vreg.gather [hbm4b:s20+s4], $0x80, v28, vm0, $0xb8;
	[tilespmem:$0x1C400] =	vst v63  }
0x234: {  	s25 =	simm.s32 $0xD900  }
0x235: {  	[tilespmem:s25], [sflag:$0x2] =	stream.indirect_vreg.gather [hbm4b:s21+s4], $0x80, v28, vm0, $0xb8;
	[tilespmem:$0x1C400] =	vst v63  }
0x236: {  	s26 =	simm.s32 $0xE100  }
0x237: {  	[tilespmem:s26], [sflag:$0x2] =	stream.indirect_vreg.gather [hbm4b:s2+s4], $0x80, v27, vm0, $0xb8;
	[tilespmem:$0x1C400] =	vst v63  }
0x238: {  	s28 =	simm.s32 $0xE900  }
0x239: {  	[tilespmem:s28], [sflag:$0x2] =	stream.indirect_vreg.gather [hbm4b:s19+s4], $0x80, v27, vm0, $0xb8;
	[tilespmem:$0x1C400] =	vst v63  }
0x23a: {  	s11 =	simm.s32 $0xF100  }
0x23b: {  	[tilespmem:s11], [sflag:$0x2] =	stream.indirect_vreg.gather [hbm4b:s20+s4], $0x80, v27, vm0, $0xb8;
	[tilespmem:$0x1C400] =	vst v63  }
0x23c: {  	s12 =	simm.s32 $0xF900  }
0x23d: {  	[tilespmem:s12], [sflag:$0x2] =	stream.indirect_vreg.gather [hbm4b:s21+s4], $0x80, v27, vm0, $0xb8;
	[tilespmem:$0x1C400] =	vst v63  }
0x23e: {  	_ =	swait.ge [sflag:s30], $0x8000  }
0x23f: {  	[sflag:s30] =	ssyncset.done $0x0  }
0x240: {  	s12 =	simm.s32 $0x10100;
	s0 =	rddreg [dreg:$0x7];
	[sflag:s30] =	ssyncadd.s32 $0xFFFF8000  }
0x241: {  	[hbm4b:s0+s4] =	stream.linear.scatter [tilespmem:s12], [sflag:$0x6], $0x8000, $0x38;
	[tilespmem:$0x1C400] =	vst v63  }
0x242: {  	s0 =	simm.s32 $0x6  }
0x243: {  	_ =	swait.ge [sflag:s0], $0x8000  }
0x244: {  	[sflag:s0] =	ssyncset.done $0x0  }
0x245: {  	[sflag:s0] =	ssyncadd.s32 $0xFFFF8000  }
0x246: {  	v55 =	vld [tilespmem:$0xA0];
	_ =	sdelay $0x4  }
0x247: {  	v56 =	vshll.u32 v55, $0x3  }
0x248: {  	v27 =	vand.u32 $0x7, v55;
	v28 =	vand.u32 $0xFFFFFFC0, v56  }
0x249: {  	v27 =	vor.u32 v27, v28  }
0x24a: {  	v28 =	vperm.xlane v27, v18;
	_ =	sdelay $0x1  }
0x24b: {  	v28 =	vadd.s32 v19, v28;
	_ =	sdelay $0x4  }
0x24c: {  	[tilespmem:s12], [sflag:$0x3] =	stream.indirect_vreg.gather [hbm4b:s2+s4], $0x80, v28, vm0, $0xb8;
	[tilespmem:$0x1C400] =	vst v63  }
0x24d: {  	v27 =	vperm.xlane v27, v20;
	s12 =	simm.s32 $0x10900  }
0x24e: {  	[tilespmem:s12], [sflag:$0x3] =	stream.indirect_vreg.gather [hbm4b:s19+s4], $0x80, v28, vm0, $0xb8;
	[tilespmem:$0x1C400] =	vst v63  }
0x24f: {  	v27 =	vadd.s32 v19, v27;
	s12 =	simm.s32 $0x11100  }
0x250: {  	[tilespmem:s12], [sflag:$0x3] =	stream.indirect_vreg.gather [hbm4b:s20+s4], $0x80, v28, vm0, $0xb8;
	[tilespmem:$0x1C400] =	vst v63  }
0x251: {  	s12 =	simm.s32 $0x11900  }
0x252: {  	[tilespmem:s12], [sflag:$0x3] =	stream.indirect_vreg.gather [hbm4b:s21+s4], $0x80, v28, vm0, $0xb8;
	[tilespmem:$0x1C400] =	vst v63  }
0x253: {  	s12 =	simm.s32 $0x12100  }
0x254: {  	[tilespmem:s12], [sflag:$0x3] =	stream.indirect_vreg.gather [hbm4b:s2+s4], $0x80, v27, vm0, $0xb8;
	[tilespmem:$0x1C400] =	vst v63  }
0x255: {  	s12 =	simm.s32 $0x12900  }
0x256: {  	[tilespmem:s12], [sflag:$0x3] =	stream.indirect_vreg.gather [hbm4b:s19+s4], $0x80, v27, vm0, $0xb8;
	[tilespmem:$0x1C400] =	vst v63  }
0x257: {  	s12 =	simm.s32 $0x13100  }
0x258: {  	[tilespmem:s12], [sflag:$0x3] =	stream.indirect_vreg.gather [hbm4b:s20+s4], $0x80, v27, vm0, $0xb8;
	[tilespmem:$0x1C400] =	vst v63  }
0x259: {  	s12 =	simm.s32 $0x13900  }
0x25a: {  	[tilespmem:s12], [sflag:$0x3] =	stream.indirect_vreg.gather [hbm4b:s21+s4], $0x80, v27, vm0, $0xb8;
	[tilespmem:$0x1C400] =	vst v63  }
0x25b: {  	v27 =	vld [tilespmem:$0xB0];
	_ =	sdelay $0x4  }
0x25c: {  	v57 =	vshll.u32 v27, $0x3  }
0x25d: {  	v27 =	vand.u32 $0x7, v27;
	v28 =	vand.u32 $0xFFFFFFC0, v57  }
0x25e: {  	v27 =	vor.u32 v27, v28  }
0x25f: {  	v28 =	vperm.xlane v27, v18;
	_ =	sdelay $0x1  }
0x260: {  	v28 =	vadd.s32 v19, v28;
	_ =	sdelay $0x3  }
0x261: {  	s12 =	simm.s32 $0x14100  }
0x262: {  	[tilespmem:s12], [sflag:$0x3] =	stream.indirect_vreg.gather [hbm4b:s2+s4], $0x80, v28, vm0, $0xb8;
	[tilespmem:$0x1C400] =	vst v63  }
0x263: {  	v27 =	vperm.xlane v27, v20;
	s12 =	simm.s32 $0x14900  }
0x264: {  	[tilespmem:s12], [sflag:$0x3] =	stream.indirect_vreg.gather [hbm4b:s19+s4], $0x80, v28, vm0, $0xb8;
	[tilespmem:$0x1C400] =	vst v63  }
0x265: {  	v27 =	vadd.s32 v19, v27;
	s12 =	simm.s32 $0x15100  }
0x266: {  	[tilespmem:s12], [sflag:$0x3] =	stream.indirect_vreg.gather [hbm4b:s20+s4], $0x80, v28, vm0, $0xb8;
	[tilespmem:$0x1C400] =	vst v63  }
0x267: {  	s12 =	simm.s32 $0x15900  }
0x268: {  	[tilespmem:s12], [sflag:$0x3] =	stream.indirect_vreg.gather [hbm4b:s21+s4], $0x80, v28, vm0, $0xb8;
	[tilespmem:$0x1C400] =	vst v63  }
0x269: {  	s12 =	simm.s32 $0x16100  }
0x26a: {  	[tilespmem:s12], [sflag:$0x3] =	stream.indirect_vreg.gather [hbm4b:s2+s4], $0x80, v27, vm0, $0xb8;
	[tilespmem:$0x1C400] =	vst v63  }
0x26b: {  	s12 =	simm.s32 $0x16900  }
0x26c: {  	[tilespmem:s12], [sflag:$0x3] =	stream.indirect_vreg.gather [hbm4b:s19+s4], $0x80, v27, vm0, $0xb8;
	[tilespmem:$0x1C400] =	vst v63  }
0x26d: {  	s12 =	simm.s32 $0x17100  }
0x26e: {  	[tilespmem:s12], [sflag:$0x3] =	stream.indirect_vreg.gather [hbm4b:s20+s4], $0x80, v27, vm0, $0xb8;
	[tilespmem:$0x1C400] =	vst v63  }
0x26f: {  	s12 =	simm.s32 $0x17900  }
0x270: {  	[tilespmem:s12], [sflag:$0x3] =	stream.indirect_vreg.gather [hbm4b:s21+s4], $0x80, v27, vm0, $0xb8;
	[tilespmem:$0x1C400] =	vst v63  }
0x271: {  	_ =	swait.ge [sflag:s18], $0x8000  }
0x272: {  	[sflag:s18] =	ssyncset.done $0x0  }
0x273: {  	s12 =	simm.s32 $0x100;
	s11 =	rddreg [dreg:$0x8];
	[sflag:s18] =	ssyncadd.s32 $0xFFFF8000  }
0x274: {  	[hbm4b:s11+s4] =	stream.linear.scatter [tilespmem:s12], [sflag:$0x4], $0x8000, $0x38;
	[tilespmem:$0x1C400] =	vst v63  }
0x275: {  	_ =	swait.ge [sflag:s6], $0x8000  }
0x276: {  	[sflag:s6] =	ssyncset.done $0x0  }
0x277: {  	[sflag:s6] =	ssyncadd.s32 $0xFFFF8000  }
0x278: {  	v58 =	vld [tilespmem:$0xC0];
	_ =	sdelay $0x4  }
0x279: {  	v59 =	vshll.u32 v58, $0x3  }
0x27a: {  	v27 =	vand.u32 $0x7, v58;
	v28 =	vand.u32 $0xFFFFFFC0, v59  }
0x27b: {  	v27 =	vor.u32 v27, v28  }
0x27c: {  	v28 =	vperm.xlane v27, v18;
	_ =	sdelay $0x1  }
0x27d: {  	v28 =	vadd.s32 v19, v28;
	_ =	sdelay $0x4  }
0x27e: {  	[tilespmem:s12], [sflag:$0x1] =	stream.indirect_vreg.gather [hbm4b:s2+s4], $0x80, v28, vm0, $0xb8;
	[tilespmem:$0x1C400] =	vst v63  }
0x27f: {  	s11 =	simm.s32 $0x900;
	v27 =	vperm.xlane v27, v20  }
0x280: {  	[tilespmem:s11], [sflag:$0x1] =	stream.indirect_vreg.gather [hbm4b:s19+s4], $0x80, v28, vm0, $0xb8;
	[tilespmem:$0x1C400] =	vst v63  }
0x281: {  	v27 =	vadd.s32 v19, v27;
	s11 =	simm.s32 $0x1100  }
0x282: {  	[tilespmem:s11], [sflag:$0x1] =	stream.indirect_vreg.gather [hbm4b:s20+s4], $0x80, v28, vm0, $0xb8;
	[tilespmem:$0x1C400] =	vst v63  }
0x283: {  	s11 =	simm.s32 $0x1900  }
0x284: {  	[tilespmem:s11], [sflag:$0x1] =	stream.indirect_vreg.gather [hbm4b:s21+s4], $0x80, v28, vm0, $0xb8;
	[tilespmem:$0x1C400] =	vst v63  }
0x285: {  	s11 =	simm.s32 $0x2100  }
0x286: {  	[tilespmem:s11], [sflag:$0x1] =	stream.indirect_vreg.gather [hbm4b:s2+s4], $0x80, v27, vm0, $0xb8;
	[tilespmem:$0x1C400] =	vst v63  }
0x287: {  	s11 =	simm.s32 $0x2900  }
0x288: {  	[tilespmem:s11], [sflag:$0x1] =	stream.indirect_vreg.gather [hbm4b:s19+s4], $0x80, v27, vm0, $0xb8;
	[tilespmem:$0x1C400] =	vst v63  }
0x289: {  	s11 =	simm.s32 $0x3100  }
0x28a: {  	[tilespmem:s11], [sflag:$0x1] =	stream.indirect_vreg.gather [hbm4b:s20+s4], $0x80, v27, vm0, $0xb8;
	[tilespmem:$0x1C400] =	vst v63  }
0x28b: {  	s11 =	simm.s32 $0x3900  }
0x28c: {  	[tilespmem:s11], [sflag:$0x1] =	stream.indirect_vreg.gather [hbm4b:s21+s4], $0x80, v27, vm0, $0xb8;
	[tilespmem:$0x1C400] =	vst v63  }
0x28d: {  	v27 =	vld [tilespmem:$0xD0];
	_ =	sdelay $0x4  }
0x28e: {  	v60 =	vshll.u32 v27, $0x3  }
0x28f: {  	v27 =	vand.u32 $0x7, v27;
	v28 =	vand.u32 $0xFFFFFFC0, v60  }
0x290: {  	v27 =	vor.u32 v27, v28  }
0x291: {  	v28 =	vperm.xlane v27, v18;
	_ =	sdelay $0x1  }
0x292: {  	v28 =	vadd.s32 v19, v28;
	_ =	sdelay $0x3  }
0x293: {  	s11 =	simm.s32 $0x4100  }
0x294: {  	[tilespmem:s11], [sflag:$0x1] =	stream.indirect_vreg.gather [hbm4b:s2+s4], $0x80, v28, vm0, $0xb8;
	[tilespmem:$0x1C400] =	vst v63  }
0x295: {  	v27 =	vperm.xlane v27, v20;
	s11 =	simm.s32 $0x4900  }
0x296: {  	[tilespmem:s11], [sflag:$0x1] =	stream.indirect_vreg.gather [hbm4b:s19+s4], $0x80, v28, vm0, $0xb8;
	[tilespmem:$0x1C400] =	vst v63  }
0x297: {  	v27 =	vadd.s32 v19, v27;
	s11 =	simm.s32 $0x5100  }
0x298: {  	[tilespmem:s11], [sflag:$0x1] =	stream.indirect_vreg.gather [hbm4b:s20+s4], $0x80, v28, vm0, $0xb8;
	[tilespmem:$0x1C400] =	vst v63  }
0x299: {  	s11 =	simm.s32 $0x5900  }
0x29a: {  	[tilespmem:s11], [sflag:$0x1] =	stream.indirect_vreg.gather [hbm4b:s21+s4], $0x80, v28, vm0, $0xb8;
	[tilespmem:$0x1C400] =	vst v63  }
0x29b: {  	s11 =	simm.s32 $0x6100  }
0x29c: {  	[tilespmem:s11], [sflag:$0x1] =	stream.indirect_vreg.gather [hbm4b:s2+s4], $0x80, v27, vm0, $0xb8;
	[tilespmem:$0x1C400] =	vst v63  }
0x29d: {  	s11 =	simm.s32 $0x6900  }
0x29e: {  	[tilespmem:s11], [sflag:$0x1] =	stream.indirect_vreg.gather [hbm4b:s19+s4], $0x80, v27, vm0, $0xb8;
	[tilespmem:$0x1C400] =	vst v63  }
0x29f: {  	s11 =	simm.s32 $0x7100  }
0x2a0: {  	[tilespmem:s11], [sflag:$0x1] =	stream.indirect_vreg.gather [hbm4b:s20+s4], $0x80, v27, vm0, $0xb8;
	[tilespmem:$0x1C400] =	vst v63  }
0x2a1: {  	s11 =	simm.s32 $0x7900  }
0x2a2: {  	[tilespmem:s11], [sflag:$0x1] =	stream.indirect_vreg.gather [hbm4b:s21+s4], $0x80, v27, vm0, $0xb8;
	[tilespmem:$0x1C400] =	vst v63  }
0x2a3: {  	_ =	swait.ge [sflag:s1], $0x8000  }
0x2a4: {  	[sflag:s1] =	ssyncset.done $0x0  }
0x2a5: {  	s3 =	simm.s32 $0x8100;
	s11 =	rddreg [dreg:$0x9];
	[sflag:s1] =	ssyncadd.s32 $0xFFFF8000  }
0x2a6: {  	[hbm4b:s11+s4] =	stream.linear.scatter [tilespmem:s3], [sflag:$0x5], $0x8000, $0x38;
	[tilespmem:$0x1C400] =	vst v63  }
0x2a7: {  	_ =	swait.ge [sflag:s29], $0x8000  }
0x2a8: {  	[sflag:s29] =	ssyncset.done $0x0  }
0x2a9: {  	[sflag:s29] =	ssyncadd.s32 $0xFFFF8000  }
0x2aa: {  	v61 =	vld [tilespmem:$0xE0];
	_ =	sdelay $0x4  }
0x2ab: {  	v62 =	vshll.u32 v61, $0x3  }
0x2ac: {  	v27 =	vand.u32 $0x7, v61;
	v28 =	vand.u32 $0xFFFFFFC0, v62  }
0x2ad: {  	v27 =	vor.u32 v27, v28  }
0x2ae: {  	v28 =	vperm.xlane v27, v18;
	_ =	sdelay $0x1  }
0x2af: {  	v28 =	vadd.s32 v19, v28;
	_ =	sdelay $0x4  }
0x2b0: {  	[tilespmem:s3], [sflag:$0x2] =	stream.indirect_vreg.gather [hbm4b:s2+s4], $0x80, v28, vm0, $0xb8;
	[tilespmem:$0x1C400] =	vst v63  }
0x2b1: {  	s11 =	simm.s32 $0x8900;
	v27 =	vperm.xlane v27, v20  }
0x2b2: {  	[tilespmem:s11], [sflag:$0x2] =	stream.indirect_vreg.gather [hbm4b:s19+s4], $0x80, v28, vm0, $0xb8;
	[tilespmem:$0x1C400] =	vst v63  }
0x2b3: {  	v27 =	vadd.s32 v19, v27;
	s11 =	simm.s32 $0x9100  }
0x2b4: {  	[tilespmem:s11], [sflag:$0x2] =	stream.indirect_vreg.gather [hbm4b:s20+s4], $0x80, v28, vm0, $0xb8;
	[tilespmem:$0x1C400] =	vst v63  }
0x2b5: {  	_ = 	snop  }
0x2b6: {  	[tilespmem:s10], [sflag:$0x2] =	stream.indirect_vreg.gather [hbm4b:s21+s4], $0x80, v28, vm0, $0xb8;
	[tilespmem:$0x1C400] =	vst v63  }
0x2b7: {  	_ = 	snop  }
0x2b8: {  	[tilespmem:s14], [sflag:$0x2] =	stream.indirect_vreg.gather [hbm4b:s2+s4], $0x80, v27, vm0, $0xb8;
	[tilespmem:$0x1C400] =	vst v63  }
0x2b9: {  	_ = 	snop  }
0x2ba: {  	[tilespmem:s15], [sflag:$0x2] =	stream.indirect_vreg.gather [hbm4b:s19+s4], $0x80, v27, vm0, $0xb8;
	[tilespmem:$0x1C400] =	vst v63  }
0x2bb: {  	_ = 	snop  }
0x2bc: {  	[tilespmem:s16], [sflag:$0x2] =	stream.indirect_vreg.gather [hbm4b:s20+s4], $0x80, v27, vm0, $0xb8;
	[tilespmem:$0x1C400] =	vst v63  }
0x2bd: {  	s16 =	simm.s32 $0xB900  }
0x2be: {  	[tilespmem:s16], [sflag:$0x2] =	stream.indirect_vreg.gather [hbm4b:s21+s4], $0x80, v27, vm0, $0xb8;
	[tilespmem:$0x1C400] =	vst v63  }
0x2bf: {  	v27 =	vld [tilespmem:$0xF0];
	_ =	sdelay $0x4  }
0x2c0: {  	v63 =	vshll.u32 v27, $0x3  }
0x2c1: {  	v27 =	vand.u32 $0x7, v27;
	v28 =	vand.u32 $0xFFFFFFC0, v63  }
0x2c2: {  	v27 =	vor.u32 v27, v28  }
0x2c3: {  	v28 =	vperm.xlane v27, v18;
	_ =	sdelay $0x1  }
0x2c4: {  	v28 =	vadd.s32 v19, v28;
	_ =	sdelay $0x3  }
0x2c5: {  	s11 =	simm.s32 $0xC100  }
0x2c6: {  	[tilespmem:s11], [sflag:$0x2] =	stream.indirect_vreg.gather [hbm4b:s2+s4], $0x80, v28, vm0, $0xb8;
	[tilespmem:$0x1C400] =	vst v63  }
0x2c7: {  	s14 =	simm.s32 $0xC900;
	v27 =	vperm.xlane v27, v20  }
0x2c8: {  	[tilespmem:s14], [sflag:$0x2] =	stream.indirect_vreg.gather [hbm4b:s19+s4], $0x80, v28, vm0, $0xb8;
	[tilespmem:$0x1C400] =	vst v63  }
0x2c9: {  	v27 =	vadd.s32 v19, v27  }
0x2ca: {  	[tilespmem:s17], [sflag:$0x2] =	stream.indirect_vreg.gather [hbm4b:s20+s4], $0x80, v28, vm0, $0xb8;
	[tilespmem:$0x1C400] =	vst v63  }
0x2cb: {  	_ = 	snop  }
0x2cc: {  	[tilespmem:s25], [sflag:$0x2] =	stream.indirect_vreg.gather [hbm4b:s21+s4], $0x80, v28, vm0, $0xb8;
	[tilespmem:$0x1C400] =	vst v63  }
0x2cd: {  	_ = 	snop  }
0x2ce: {  	[tilespmem:s26], [sflag:$0x2] =	stream.indirect_vreg.gather [hbm4b:s2+s4], $0x80, v27, vm0, $0xb8;
	[tilespmem:$0x1C400] =	vst v63  }
0x2cf: {  	_ = 	snop  }
0x2d0: {  	[tilespmem:s28], [sflag:$0x2] =	stream.indirect_vreg.gather [hbm4b:s19+s4], $0x80, v27, vm0, $0xb8;
	[tilespmem:$0x1C400] =	vst v63  }
0x2d1: {  	s15 =	simm.s32 $0xF100  }
0x2d2: {  	[tilespmem:s15], [sflag:$0x2] =	stream.indirect_vreg.gather [hbm4b:s20+s4], $0x80, v27, vm0, $0xb8;
	[tilespmem:$0x1C400] =	vst v63  }
0x2d3: {  	s16 =	simm.s32 $0xF900  }
0x2d4: {  	[tilespmem:s16], [sflag:$0x2] =	stream.indirect_vreg.gather [hbm4b:s21+s4], $0x80, v27, vm0, $0xb8;
	[tilespmem:$0x1C400] =	vst v63  }
0x2d5: {  	_ =	swait.ge [sflag:s30], $0x8000  }
0x2d6: {  	[sflag:s30] =	ssyncset.done $0x0  }
0x2d7: {  	s25 =	simm.s32 $0x10100;
	s17 =	rddreg [dreg:$0xa];
	[sflag:s30] =	ssyncadd.s32 $0xFFFF8000  }
0x2d8: {  	[hbm4b:s17+s4] =	stream.linear.scatter [tilespmem:s25], [sflag:$0x6], $0x8000, $0x38;
	[tilespmem:$0x1C400] =	vst v63  }
0x2d9: {  	_ =	swait.ge [sflag:s18], $0x8000  }
0x2da: {  	[sflag:s18] =	ssyncset.done $0x0  }
0x2db: {  	s12 =	simm.s32 $0x100;
	s26 =	rddreg [dreg:$0xb];
	[sflag:s18] =	ssyncadd.s32 $0xFFFF8000  }
0x2dc: {  	[hbm4b:s26+s4] =	stream.linear.scatter [tilespmem:s12], [sflag:$0x4], $0x8000, $0x38;
	[tilespmem:$0x1C400] =	vst v63  }
0x2dd: {  	_ =	swait.ge [sflag:s1], $0x8000  }
0x2de: {  	[sflag:s1] =	ssyncset.done $0x0  }
0x2df: {  	s28 =	rddreg [dreg:$0xc];
	[sflag:s1] =	ssyncadd.s32 $0xFFFF8000  }
0x2e0: {  	[hbm4b:s28+s4] =	stream.linear.scatter [tilespmem:s3], [sflag:$0x5], $0x8000, $0x38;
	[tilespmem:$0x1C400] =	vst v63  }
0x2e1: {  	_ =	swait.ge [sflag:s0], $0x8000  }
0x2e2: {  	[sflag:s0] =	ssyncset.done $0x0  }
0x2e3: {  	[sflag:s0] =	ssyncadd.s32 $0xFFFF8000  }
0x2e4: {  	_ =	swait.ge [sflag:s6], $0x8000  }
0x2e5: {  	[sflag:s6] =	ssyncset.done $0x0  }
0x2e6: {  	[sflag:s6] =	ssyncadd.s32 $0xFFFF8000  }
0x2e7: {  	_ =	swait.ge [sflag:s29], $0x8000  }
0x2e8: {  	[sflag:s29] =	ssyncset.done $0x0  }
0x2e9: {  	[sflag:s29] =	ssyncadd.s32 $0xFFFF8000  }
0x2ea: {  	v27 =	vld @!p0 [tilespmem:$0x1C280];
	_ =	sdelay $0x4  }
0x2eb: {  	v28 =	vbroadcast @!p0 v27, $0x0;
	_ =	sdelay $0x1  }
0x2ec: {  	v27 =	vsel @!p0 vm2, v27, v28  }
0x2ed: {  	v28 =	vshll.u32 @!p0 v27, $0x3  }
0x2ee: {  	v27 =	vand.u32 @!p0 $0x7, v27;
	v28 =	vand.u32 @!p0 $0xFFFFFFC0, v28  }
0x2ef: {  	v27 =	vor.u32 @!p0 v27, v28  }
0x2f0: {  	v25 =	vperm.xlane @!p0 v27, v25;
	_ =	sdelay $0x1  }
0x2f1: {  	s11 =	simm.s32 @!p0 $0x7;
	v25 =	vadd.s32 @!p0 v24, v25  }
0x2f2: {  	_ =	swait.ge @!p0 [sflag:s11], $0x4000  }
0x2f3: {  	[sflag:s11] =	ssyncset.done @!p0 $0x0  }
0x2f4: {  	[sflag:s11] =	ssyncadd.s32 @!p0 $0xFFFFC000  }
0x2f5: {  	s1 =	simm.s32 @!p0 $0x18100;
	s0 =	rddreg [dreg:$0x2]  }
0x2f6: {  	[hbm4b:s0+s13] =	stream.indirect_vreg.scatter @!p0 [tilespmem:s1], [sflag:$0x4], $0x80, v25, vm1, $0xb8;
	[tilespmem:$0x1C400] =	vst v63  }
0x2f7: {  	v26 =	vperm.xlane @!p0 v27, v26;
	s1 =	simm.s32 @!p0 $0x18900  }
0x2f8: {  	[hbm4b:s22+s13] =	stream.indirect_vreg.scatter @!p0 [tilespmem:s1], [sflag:$0x4], $0x80, v25, vm1, $0xb8;
	[tilespmem:$0x1C400] =	vst v63  }
0x2f9: {  	v24 =	vadd.s32 @!p0 v24, v26;
	s1 =	simm.s32 @!p0 $0x19100  }
0x2fa: {  	[hbm4b:s23+s13] =	stream.indirect_vreg.scatter @!p0 [tilespmem:s1], [sflag:$0x4], $0x80, v25, vm1, $0xb8;
	[tilespmem:$0x1C400] =	vst v63  }
0x2fb: {  	s1 =	simm.s32 @!p0 $0x19900  }
0x2fc: {  	[hbm4b:s24+s13] =	stream.indirect_vreg.scatter @!p0 [tilespmem:s1], [sflag:$0x4], $0x80, v25, vm1, $0xb8;
	[tilespmem:$0x1C400] =	vst v63  }
0x2fd: {  	s1 =	simm.s32 @!p0 $0x1A100  }
0x2fe: {  	[hbm4b:s0+s13] =	stream.indirect_vreg.scatter @!p0 [tilespmem:s1], [sflag:$0x4], $0x80, v24, vm1, $0xb8;
	[tilespmem:$0x1C400] =	vst v63  }
0x2ff: {  	s1 =	simm.s32 @!p0 $0x1A900  }
0x300: {  	[hbm4b:s22+s13] =	stream.indirect_vreg.scatter @!p0 [tilespmem:s1], [sflag:$0x4], $0x80, v24, vm1, $0xb8;
	[tilespmem:$0x1C400] =	vst v63  }
0x301: {  	s1 =	simm.s32 @!p0 $0x1B100  }
0x302: {  	[hbm4b:s23+s13] =	stream.indirect_vreg.scatter @!p0 [tilespmem:s1], [sflag:$0x4], $0x80, v24, vm1, $0xb8;
	[tilespmem:$0x1C400] =	vst v63  }
0x303: {  	s10 =	simm.s32 @!p0 $0x4;
	s1 =	simm.s32 @!p0 $0x1B900  }
0x304: {  	[hbm4b:s24+s13] =	stream.indirect_vreg.scatter @!p0 [tilespmem:s1], [sflag:$0x4], $0x80, v24, vm1, $0xb8;
	[tilespmem:$0x1C400] =	vst v63  }
0x305: {  	_ =	swait.ge @!p0 [sflag:s10], $0x4000  }
0x306: {  	p1 =	slt.u32 @!p0 s31, $0x11;
	[sflag:s10] =	ssyncset.done @!p0 $0x0  }
0x307: {  	[sflag:s10] =	ssyncadd.s32 @!p0 $0xFFFFC000;
	p0 =	por p0, p1  }
0x308: {  	v24 =	vld @!p0 [tilespmem:$0x1C110];
	_ =	sdelay $0x3  }
0x309: {  	v25 =	vlaneseq.u32 @!p0  }
0x30a: {  	v26 =	vor.u32 @!p0 $0x10, v25;
	v27 =	vbroadcast @!p0 v24, $0x0  }
0x30b: {  	vm2 =	vgt.s32 @!p0 v23, v26  }
0x30c: {  	v24 =	vsel @!p0 vm2, v24, v27  }
0x30d: {  	v26 =	vshll.u32 @!p0 v24, $0x3  }
0x30e: {  	v24 =	vand.u32 @!p0 $0x7, v24;
	v26 =	vand.u32 @!p0 $0xFFFFFFC0, v26  }
0x30f: {  	v27 =	vshrl.u32 @!p0 v25, $0x3;
	v24 =	vor.u32 @!p0 v24, v26;
	v26 =	vand.u32 @!p0 $0x7, v25  }
0x310: {  	v27 =	vmul.u32 @!p0 $0x8, v27;
	v28 =	vperm.xlane @!p0 v24, v26;
	_ =	sdelay $0x1  }
0x311: {  	v28 =	vadd.s32 @!p0 v27, v28;
	_ =	sdelay $0x3  }
0x312: {  	vm1 =	vmmov @!p0 $0xffff;
	s10 =	simm.s32 @!p0 $0x0;
	s11 =	simm.s32 @!p0 $0x18100  }
0x313: {  	v29 =	vld @!p0 [tilespmem:$0x1C290];
	v25 =	vor.u32 @!p0 $0x8, v25;
	[tilespmem:s11], [sflag:$0x7] =	stream.indirect_vreg.gather @!p0 [hbm4b:s5+s10], $0x80, v28, vm1, $0xb8;
	[tilespmem:$0x1C400] =	vst v63  }
0x314: {  	s13 =	simm.s32 @!p0 $0x18900;
	v24 =	vperm.xlane @!p0 v24, v25  }
0x315: {  	[tilespmem:s13], [sflag:$0x7] =	stream.indirect_vreg.gather @!p0 [hbm4b:s7+s10], $0x80, v28, vm1, $0xb8;
	[tilespmem:$0x1C400] =	vst v63  }
0x316: {  	s14 =	simm.s32 @!p0 $0x19100;
	v24 =	vadd.s32 @!p0 v27, v24  }
0x317: {  	[tilespmem:s14], [sflag:$0x7] =	stream.indirect_vreg.gather @!p0 [hbm4b:s8+s10], $0x80, v28, vm1, $0xb8;
	[tilespmem:$0x1C400] =	vst v63  }
0x318: {  	s15 =	simm.s32 @!p0 $0x19900  }
0x319: {  	[tilespmem:s15], [sflag:$0x7] =	stream.indirect_vreg.gather @!p0 [hbm4b:s9+s10], $0x80, v28, vm1, $0xb8;
	v28 =	vbroadcast @!p0 v29, $0x0;
	[tilespmem:$0x1C400] =	vst v63  }
0x31a: {  	s16 =	simm.s32 @!p0 $0x1A100  }
0x31b: {  	v28 =	vsel @!p0 vm2, v29, v28;
	[tilespmem:s16], [sflag:$0x7] =	stream.indirect_vreg.gather @!p0 [hbm4b:s5+s10], $0x80, v24, vm1, $0xb8;
	[tilespmem:$0x1C400] =	vst v63  }
0x31c: {  	s17 =	simm.s32 @!p0 $0x1A900;
	v29 =	vshll.u32 @!p0 v28, $0x3  }
0x31d: {  	v28 =	vand.u32 @!p0 $0x7, v28;
	[tilespmem:s17], [sflag:$0x7] =	stream.indirect_vreg.gather @!p0 [hbm4b:s7+s10], $0x80, v24, vm1, $0xb8;
	v29 =	vand.u32 @!p0 $0xFFFFFFC0, v29;
	[tilespmem:$0x1C400] =	vst v63  }
0x31e: {  	s25 =	simm.s32 @!p0 $0x1B100;
	v28 =	vor.u32 @!p0 v28, v29  }
0x31f: {  	[tilespmem:s25], [sflag:$0x7] =	stream.indirect_vreg.gather @!p0 [hbm4b:s8+s10], $0x80, v24, vm1, $0xb8;
	v26 =	vperm.xlane @!p0 v28, v26;
	[tilespmem:$0x1C400] =	vst v63  }
0x320: {  	s26 =	simm.s32 @!p0 $0x1B900  }
0x321: {  	[tilespmem:s26], [sflag:$0x7] =	stream.indirect_vreg.gather @!p0 [hbm4b:s9+s10], $0x80, v24, vm1, $0xb8;
	v24 =	vadd.s32 @!p0 v27, v26;
	[tilespmem:$0x1C400] =	vst v63  }
0x322: {  	s28 =	simm.s32 @!p0 $0x7  }
0x323: {  	_ =	swait.ge @!p0 [sflag:s28], $0x4000  }
0x324: {  	[sflag:s28] =	ssyncset.done @!p0 $0x0  }
0x325: {  	[sflag:s28] =	ssyncadd.s32 @!p0 $0xFFFFC000  }
0x326: {  	[hbm4b:s0+s10] =	stream.indirect_vreg.scatter @!p0 [tilespmem:s11], [sflag:$0x4], $0x80, v24, vm1, $0xb8;
	[tilespmem:$0x1C400] =	vst v63  }
0x327: {  	v25 =	vperm.xlane @!p0 v28, v25  }
0x328: {  	[hbm4b:s22+s10] =	stream.indirect_vreg.scatter @!p0 [tilespmem:s13], [sflag:$0x4], $0x80, v24, vm1, $0xb8;
	[tilespmem:$0x1C400] =	vst v63  }
0x329: {  	v25 =	vadd.s32 @!p0 v27, v25  }
0x32a: {  	[hbm4b:s23+s10] =	stream.indirect_vreg.scatter @!p0 [tilespmem:s14], [sflag:$0x4], $0x80, v24, vm1, $0xb8;
	[tilespmem:$0x1C400] =	vst v63  }
0x32b: {  	_ = 	snop  }
0x32c: {  	[hbm4b:s24+s10] =	stream.indirect_vreg.scatter @!p0 [tilespmem:s15], [sflag:$0x4], $0x80, v24, vm1, $0xb8;
	[tilespmem:$0x1C400] =	vst v63  }
0x32d: {  	_ = 	snop  }
0x32e: {  	[hbm4b:s0+s10] =	stream.indirect_vreg.scatter @!p0 [tilespmem:s16], [sflag:$0x4], $0x80, v25, vm1, $0xb8;
	[tilespmem:$0x1C400] =	vst v63  }
0x32f: {  	_ = 	snop  }
0x330: {  	[hbm4b:s22+s10] =	stream.indirect_vreg.scatter @!p0 [tilespmem:s17], [sflag:$0x4], $0x80, v25, vm1, $0xb8;
	[tilespmem:$0x1C400] =	vst v63  }
0x331: {  	_ = 	snop  }
0x332: {  	[hbm4b:s23+s10] =	stream.indirect_vreg.scatter @!p0 [tilespmem:s25], [sflag:$0x4], $0x80, v25, vm1, $0xb8;
	[tilespmem:$0x1C400] =	vst v63  }
0x333: {  	_ = 	snop  }
0x334: {  	[hbm4b:s24+s10] =	stream.indirect_vreg.scatter @!p0 [tilespmem:s26], [sflag:$0x4], $0x80, v25, vm1, $0xb8;
	[tilespmem:$0x1C400] =	vst v63  }
0x335: {  	s10 =	simm.s32 @!p0 $0x4  }
0x336: {  	_ =	swait.ge @!p0 [sflag:s10], $0x4000  }
0x337: {  	p1 =	slt.u32 @!p0 s31, $0x21;
	[sflag:s10] =	ssyncset.done @!p0 $0x0  }
0x338: {  	[sflag:s10] =	ssyncadd.s32 @!p0 $0xFFFFC000;
	p0 =	por p0, p1  }
0x339: {  	v24 =	vld @!p0 [tilespmem:$0x1C120];
	_ =	sdelay $0x3  }
0x33a: {  	v25 =	vlaneseq.u32 @!p0  }
0x33b: {  	v26 =	vor.u32 @!p0 $0x20, v25;
	v27 =	vbroadcast @!p0 v24, $0x0  }
0x33c: {  	vm2 =	vgt.s32 @!p0 v23, v26  }
0x33d: {  	v24 =	vsel @!p0 vm2, v24, v27  }
0x33e: {  	v26 =	vshll.u32 @!p0 v24, $0x3  }
0x33f: {  	v24 =	vand.u32 @!p0 $0x7, v24;
	v26 =	vand.u32 @!p0 $0xFFFFFFC0, v26  }
0x340: {  	v27 =	vshrl.u32 @!p0 v25, $0x3;
	v24 =	vor.u32 @!p0 v24, v26;
	v26 =	vand.u32 @!p0 $0x7, v25  }
0x341: {  	v27 =	vmul.u32 @!p0 $0x8, v27;
	v28 =	vperm.xlane @!p0 v24, v26;
	_ =	sdelay $0x1  }
0x342: {  	v28 =	vadd.s32 @!p0 v27, v28;
	_ =	sdelay $0x3  }
0x343: {  	vm1 =	vmmov @!p0 $0xffff;
	s10 =	simm.s32 @!p0 $0x0;
	s11 =	simm.s32 @!p0 $0x18100  }
0x344: {  	v29 =	vld @!p0 [tilespmem:$0x1C2A0];
	v25 =	vor.u32 @!p0 $0x8, v25;
	[tilespmem:s11], [sflag:$0x7] =	stream.indirect_vreg.gather @!p0 [hbm4b:s5+s10], $0x80, v28, vm1, $0xb8;
	[tilespmem:$0x1C400] =	vst v63  }
0x345: {  	s13 =	simm.s32 @!p0 $0x18900;
	v24 =	vperm.xlane @!p0 v24, v25  }
0x346: {  	[tilespmem:s13], [sflag:$0x7] =	stream.indirect_vreg.gather @!p0 [hbm4b:s7+s10], $0x80, v28, vm1, $0xb8;
	[tilespmem:$0x1C400] =	vst v63  }
0x347: {  	s14 =	simm.s32 @!p0 $0x19100;
	v24 =	vadd.s32 @!p0 v27, v24  }
0x348: {  	[tilespmem:s14], [sflag:$0x7] =	stream.indirect_vreg.gather @!p0 [hbm4b:s8+s10], $0x80, v28, vm1, $0xb8;
	[tilespmem:$0x1C400] =	vst v63  }
0x349: {  	s15 =	simm.s32 @!p0 $0x19900  }
0x34a: {  	[tilespmem:s15], [sflag:$0x7] =	stream.indirect_vreg.gather @!p0 [hbm4b:s9+s10], $0x80, v28, vm1, $0xb8;
	v28 =	vbroadcast @!p0 v29, $0x0;
	[tilespmem:$0x1C400] =	vst v63  }
0x34b: {  	s16 =	simm.s32 @!p0 $0x1A100  }
0x34c: {  	v28 =	vsel @!p0 vm2, v29, v28;
	[tilespmem:s16], [sflag:$0x7] =	stream.indirect_vreg.gather @!p0 [hbm4b:s5+s10], $0x80, v24, vm1, $0xb8;
	[tilespmem:$0x1C400] =	vst v63  }
0x34d: {  	s17 =	simm.s32 @!p0 $0x1A900;
	v29 =	vshll.u32 @!p0 v28, $0x3  }
0x34e: {  	v28 =	vand.u32 @!p0 $0x7, v28;
	[tilespmem:s17], [sflag:$0x7] =	stream.indirect_vreg.gather @!p0 [hbm4b:s7+s10], $0x80, v24, vm1, $0xb8;
	v29 =	vand.u32 @!p0 $0xFFFFFFC0, v29;
	[tilespmem:$0x1C400] =	vst v63  }
0x34f: {  	s25 =	simm.s32 @!p0 $0x1B100;
	v28 =	vor.u32 @!p0 v28, v29  }
0x350: {  	[tilespmem:s25], [sflag:$0x7] =	stream.indirect_vreg.gather @!p0 [hbm4b:s8+s10], $0x80, v24, vm1, $0xb8;
	v26 =	vperm.xlane @!p0 v28, v26;
	[tilespmem:$0x1C400] =	vst v63  }
0x351: {  	s26 =	simm.s32 @!p0 $0x1B900  }
0x352: {  	[tilespmem:s26], [sflag:$0x7] =	stream.indirect_vreg.gather @!p0 [hbm4b:s9+s10], $0x80, v24, vm1, $0xb8;
	v24 =	vadd.s32 @!p0 v27, v26;
	[tilespmem:$0x1C400] =	vst v63  }
0x353: {  	s28 =	simm.s32 @!p0 $0x7  }
0x354: {  	_ =	swait.ge @!p0 [sflag:s28], $0x4000  }
0x355: {  	[sflag:s28] =	ssyncset.done @!p0 $0x0  }
0x356: {  	[sflag:s28] =	ssyncadd.s32 @!p0 $0xFFFFC000  }
0x357: {  	[hbm4b:s0+s10] =	stream.indirect_vreg.scatter @!p0 [tilespmem:s11], [sflag:$0x4], $0x80, v24, vm1, $0xb8;
	[tilespmem:$0x1C400] =	vst v63  }
0x358: {  	v25 =	vperm.xlane @!p0 v28, v25  }
0x359: {  	[hbm4b:s22+s10] =	stream.indirect_vreg.scatter @!p0 [tilespmem:s13], [sflag:$0x4], $0x80, v24, vm1, $0xb8;
	[tilespmem:$0x1C400] =	vst v63  }
0x35a: {  	v25 =	vadd.s32 @!p0 v27, v25  }
0x35b: {  	[hbm4b:s23+s10] =	stream.indirect_vreg.scatter @!p0 [tilespmem:s14], [sflag:$0x4], $0x80, v24, vm1, $0xb8;
	[tilespmem:$0x1C400] =	vst v63  }
0x35c: {  	_ = 	snop  }
0x35d: {  	[hbm4b:s24+s10] =	stream.indirect_vreg.scatter @!p0 [tilespmem:s15], [sflag:$0x4], $0x80, v24, vm1, $0xb8;
	[tilespmem:$0x1C400] =	vst v63  }
0x35e: {  	_ = 	snop  }
0x35f: {  	[hbm4b:s0+s10] =	stream.indirect_vreg.scatter @!p0 [tilespmem:s16], [sflag:$0x4], $0x80, v25, vm1, $0xb8;
	[tilespmem:$0x1C400] =	vst v63  }
0x360: {  	_ = 	snop  }
0x361: {  	[hbm4b:s22+s10] =	stream.indirect_vreg.scatter @!p0 [tilespmem:s17], [sflag:$0x4], $0x80, v25, vm1, $0xb8;
	[tilespmem:$0x1C400] =	vst v63  }
0x362: {  	_ = 	snop  }
0x363: {  	[hbm4b:s23+s10] =	stream.indirect_vreg.scatter @!p0 [tilespmem:s25], [sflag:$0x4], $0x80, v25, vm1, $0xb8;
	[tilespmem:$0x1C400] =	vst v63  }
0x364: {  	_ = 	snop  }
0x365: {  	[hbm4b:s24+s10] =	stream.indirect_vreg.scatter @!p0 [tilespmem:s26], [sflag:$0x4], $0x80, v25, vm1, $0xb8;
	[tilespmem:$0x1C400] =	vst v63  }
0x366: {  	s10 =	simm.s32 @!p0 $0x4  }
0x367: {  	_ =	swait.ge @!p0 [sflag:s10], $0x4000  }
0x368: {  	p1 =	slt.u32 @!p0 s31, $0x31;
	[sflag:s10] =	ssyncset.done @!p0 $0x0  }
0x369: {  	[sflag:s10] =	ssyncadd.s32 @!p0 $0xFFFFC000;
	p0 =	por p0, p1  }
0x36a: {  	v24 =	vld @!p0 [tilespmem:$0x1C130];
	_ =	sdelay $0x3  }
0x36b: {  	v25 =	vlaneseq.u32 @!p0  }
0x36c: {  	v26 =	vor.u32 @!p0 $0x30, v25;
	v27 =	vbroadcast @!p0 v24, $0x0  }
0x36d: {  	vm2 =	vgt.s32 @!p0 v23, v26  }
0x36e: {  	v24 =	vsel @!p0 vm2, v24, v27  }
0x36f: {  	v26 =	vshll.u32 @!p0 v24, $0x3  }
0x370: {  	v24 =	vand.u32 @!p0 $0x7, v24;
	v26 =	vand.u32 @!p0 $0xFFFFFFC0, v26  }
0x371: {  	v27 =	vshrl.u32 @!p0 v25, $0x3;
	v24 =	vor.u32 @!p0 v24, v26;
	v26 =	vand.u32 @!p0 $0x7, v25  }
0x372: {  	v27 =	vmul.u32 @!p0 $0x8, v27;
	v28 =	vperm.xlane @!p0 v24, v26;
	_ =	sdelay $0x1  }
0x373: {  	v28 =	vadd.s32 @!p0 v27, v28;
	_ =	sdelay $0x3  }
0x374: {  	vm1 =	vmmov @!p0 $0xffff;
	s10 =	simm.s32 @!p0 $0x0;
	s11 =	simm.s32 @!p0 $0x18100  }
0x375: {  	v29 =	vld @!p0 [tilespmem:$0x1C2B0];
	v25 =	vor.u32 @!p0 $0x8, v25;
	[tilespmem:s11], [sflag:$0x7] =	stream.indirect_vreg.gather @!p0 [hbm4b:s5+s10], $0x80, v28, vm1, $0xb8;
	[tilespmem:$0x1C400] =	vst v63  }
0x376: {  	s13 =	simm.s32 @!p0 $0x18900;
	v24 =	vperm.xlane @!p0 v24, v25  }
0x377: {  	[tilespmem:s13], [sflag:$0x7] =	stream.indirect_vreg.gather @!p0 [hbm4b:s7+s10], $0x80, v28, vm1, $0xb8;
	[tilespmem:$0x1C400] =	vst v63  }
0x378: {  	s14 =	simm.s32 @!p0 $0x19100;
	v24 =	vadd.s32 @!p0 v27, v24  }
0x379: {  	[tilespmem:s14], [sflag:$0x7] =	stream.indirect_vreg.gather @!p0 [hbm4b:s8+s10], $0x80, v28, vm1, $0xb8;
	[tilespmem:$0x1C400] =	vst v63  }
0x37a: {  	s15 =	simm.s32 @!p0 $0x19900  }
0x37b: {  	[tilespmem:s15], [sflag:$0x7] =	stream.indirect_vreg.gather @!p0 [hbm4b:s9+s10], $0x80, v28, vm1, $0xb8;
	v28 =	vbroadcast @!p0 v29, $0x0;
	[tilespmem:$0x1C400] =	vst v63  }
0x37c: {  	s16 =	simm.s32 @!p0 $0x1A100  }
0x37d: {  	v28 =	vsel @!p0 vm2, v29, v28;
	[tilespmem:s16], [sflag:$0x7] =	stream.indirect_vreg.gather @!p0 [hbm4b:s5+s10], $0x80, v24, vm1, $0xb8;
	[tilespmem:$0x1C400] =	vst v63  }
0x37e: {  	s17 =	simm.s32 @!p0 $0x1A900;
	v29 =	vshll.u32 @!p0 v28, $0x3  }
0x37f: {  	v28 =	vand.u32 @!p0 $0x7, v28;
	[tilespmem:s17], [sflag:$0x7] =	stream.indirect_vreg.gather @!p0 [hbm4b:s7+s10], $0x80, v24, vm1, $0xb8;
	v29 =	vand.u32 @!p0 $0xFFFFFFC0, v29;
	[tilespmem:$0x1C400] =	vst v63  }
0x380: {  	s25 =	simm.s32 @!p0 $0x1B100;
	v28 =	vor.u32 @!p0 v28, v29  }
0x381: {  	[tilespmem:s25], [sflag:$0x7] =	stream.indirect_vreg.gather @!p0 [hbm4b:s8+s10], $0x80, v24, vm1, $0xb8;
	v26 =	vperm.xlane @!p0 v28, v26;
	[tilespmem:$0x1C400] =	vst v63  }
0x382: {  	s26 =	simm.s32 @!p0 $0x1B900  }
0x383: {  	[tilespmem:s26], [sflag:$0x7] =	stream.indirect_vreg.gather @!p0 [hbm4b:s9+s10], $0x80, v24, vm1, $0xb8;
	v24 =	vadd.s32 @!p0 v27, v26;
	[tilespmem:$0x1C400] =	vst v63  }
0x384: {  	s28 =	simm.s32 @!p0 $0x7  }
0x385: {  	_ =	swait.ge @!p0 [sflag:s28], $0x4000  }
0x386: {  	[sflag:s28] =	ssyncset.done @!p0 $0x0  }
0x387: {  	[sflag:s28] =	ssyncadd.s32 @!p0 $0xFFFFC000  }
0x388: {  	[hbm4b:s0+s10] =	stream.indirect_vreg.scatter @!p0 [tilespmem:s11], [sflag:$0x4], $0x80, v24, vm1, $0xb8;
	[tilespmem:$0x1C400] =	vst v63  }
0x389: {  	v25 =	vperm.xlane @!p0 v28, v25  }
0x38a: {  	[hbm4b:s22+s10] =	stream.indirect_vreg.scatter @!p0 [tilespmem:s13], [sflag:$0x4], $0x80, v24, vm1, $0xb8;
	[tilespmem:$0x1C400] =	vst v63  }
0x38b: {  	v25 =	vadd.s32 @!p0 v27, v25  }
0x38c: {  	[hbm4b:s23+s10] =	stream.indirect_vreg.scatter @!p0 [tilespmem:s14], [sflag:$0x4], $0x80, v24, vm1, $0xb8;
	[tilespmem:$0x1C400] =	vst v63  }
0x38d: {  	_ = 	snop  }
0x38e: {  	[hbm4b:s24+s10] =	stream.indirect_vreg.scatter @!p0 [tilespmem:s15], [sflag:$0x4], $0x80, v24, vm1, $0xb8;
	[tilespmem:$0x1C400] =	vst v63  }
0x38f: {  	_ = 	snop  }
0x390: {  	[hbm4b:s0+s10] =	stream.indirect_vreg.scatter @!p0 [tilespmem:s16], [sflag:$0x4], $0x80, v25, vm1, $0xb8;
	[tilespmem:$0x1C400] =	vst v63  }
0x391: {  	_ = 	snop  }
0x392: {  	[hbm4b:s22+s10] =	stream.indirect_vreg.scatter @!p0 [tilespmem:s17], [sflag:$0x4], $0x80, v25, vm1, $0xb8;
	[tilespmem:$0x1C400] =	vst v63  }
0x393: {  	_ = 	snop  }
0x394: {  	[hbm4b:s23+s10] =	stream.indirect_vreg.scatter @!p0 [tilespmem:s25], [sflag:$0x4], $0x80, v25, vm1, $0xb8;
	[tilespmem:$0x1C400] =	vst v63  }
0x395: {  	_ = 	snop  }
0x396: {  	[hbm4b:s24+s10] =	stream.indirect_vreg.scatter @!p0 [tilespmem:s26], [sflag:$0x4], $0x80, v25, vm1, $0xb8;
	[tilespmem:$0x1C400] =	vst v63  }
0x397: {  	s10 =	simm.s32 @!p0 $0x4  }
0x398: {  	_ =	swait.ge @!p0 [sflag:s10], $0x4000  }
0x399: {  	p1 =	slt.u32 @!p0 s31, $0x41;
	[sflag:s10] =	ssyncset.done @!p0 $0x0  }
0x39a: {  	[sflag:s10] =	ssyncadd.s32 @!p0 $0xFFFFC000;
	p0 =	por p0, p1  }
0x39b: {  	v24 =	vld @!p0 [tilespmem:$0x1C140];
	_ =	sdelay $0x3  }
0x39c: {  	v25 =	vlaneseq.u32 @!p0  }
0x39d: {  	v26 =	vor.u32 @!p0 $0x40, v25;
	v27 =	vbroadcast @!p0 v24, $0x0  }
0x39e: {  	vm2 =	vgt.s32 @!p0 v23, v26  }
0x39f: {  	v24 =	vsel @!p0 vm2, v24, v27  }
0x3a0: {  	v26 =	vshll.u32 @!p0 v24, $0x3  }
0x3a1: {  	v24 =	vand.u32 @!p0 $0x7, v24;
	v26 =	vand.u32 @!p0 $0xFFFFFFC0, v26  }
0x3a2: {  	v27 =	vshrl.u32 @!p0 v25, $0x3;
	v24 =	vor.u32 @!p0 v24, v26;
	v26 =	vand.u32 @!p0 $0x7, v25  }
0x3a3: {  	v27 =	vmul.u32 @!p0 $0x8, v27;
	v28 =	vperm.xlane @!p0 v24, v26;
	_ =	sdelay $0x1  }
0x3a4: {  	v28 =	vadd.s32 @!p0 v27, v28;
	_ =	sdelay $0x3  }
0x3a5: {  	vm1 =	vmmov @!p0 $0xffff;
	s10 =	simm.s32 @!p0 $0x0;
	s11 =	simm.s32 @!p0 $0x18100  }
0x3a6: {  	v29 =	vld @!p0 [tilespmem:$0x1C2C0];
	v25 =	vor.u32 @!p0 $0x8, v25;
	[tilespmem:s11], [sflag:$0x7] =	stream.indirect_vreg.gather @!p0 [hbm4b:s5+s10], $0x80, v28, vm1, $0xb8;
	[tilespmem:$0x1C400] =	vst v63  }
0x3a7: {  	s13 =	simm.s32 @!p0 $0x18900;
	v24 =	vperm.xlane @!p0 v24, v25  }
0x3a8: {  	[tilespmem:s13], [sflag:$0x7] =	stream.indirect_vreg.gather @!p0 [hbm4b:s7+s10], $0x80, v28, vm1, $0xb8;
	[tilespmem:$0x1C400] =	vst v63  }
0x3a9: {  	s14 =	simm.s32 @!p0 $0x19100;
	v24 =	vadd.s32 @!p0 v27, v24  }
0x3aa: {  	[tilespmem:s14], [sflag:$0x7] =	stream.indirect_vreg.gather @!p0 [hbm4b:s8+s10], $0x80, v28, vm1, $0xb8;
	[tilespmem:$0x1C400] =	vst v63  }
0x3ab: {  	s15 =	simm.s32 @!p0 $0x19900  }
0x3ac: {  	[tilespmem:s15], [sflag:$0x7] =	stream.indirect_vreg.gather @!p0 [hbm4b:s9+s10], $0x80, v28, vm1, $0xb8;
	v28 =	vbroadcast @!p0 v29, $0x0;
	[tilespmem:$0x1C400] =	vst v63  }
0x3ad: {  	s16 =	simm.s32 @!p0 $0x1A100  }
0x3ae: {  	v28 =	vsel @!p0 vm2, v29, v28;
	[tilespmem:s16], [sflag:$0x7] =	stream.indirect_vreg.gather @!p0 [hbm4b:s5+s10], $0x80, v24, vm1, $0xb8;
	[tilespmem:$0x1C400] =	vst v63  }
0x3af: {  	s17 =	simm.s32 @!p0 $0x1A900;
	v29 =	vshll.u32 @!p0 v28, $0x3  }
0x3b0: {  	v28 =	vand.u32 @!p0 $0x7, v28;
	[tilespmem:s17], [sflag:$0x7] =	stream.indirect_vreg.gather @!p0 [hbm4b:s7+s10], $0x80, v24, vm1, $0xb8;
	v29 =	vand.u32 @!p0 $0xFFFFFFC0, v29;
	[tilespmem:$0x1C400] =	vst v63  }
0x3b1: {  	s25 =	simm.s32 @!p0 $0x1B100;
	v28 =	vor.u32 @!p0 v28, v29  }
0x3b2: {  	[tilespmem:s25], [sflag:$0x7] =	stream.indirect_vreg.gather @!p0 [hbm4b:s8+s10], $0x80, v24, vm1, $0xb8;
	v26 =	vperm.xlane @!p0 v28, v26;
	[tilespmem:$0x1C400] =	vst v63  }
0x3b3: {  	s26 =	simm.s32 @!p0 $0x1B900  }
0x3b4: {  	[tilespmem:s26], [sflag:$0x7] =	stream.indirect_vreg.gather @!p0 [hbm4b:s9+s10], $0x80, v24, vm1, $0xb8;
	v24 =	vadd.s32 @!p0 v27, v26;
	[tilespmem:$0x1C400] =	vst v63  }
0x3b5: {  	s28 =	simm.s32 @!p0 $0x7  }
0x3b6: {  	_ =	swait.ge @!p0 [sflag:s28], $0x4000  }
0x3b7: {  	[sflag:s28] =	ssyncset.done @!p0 $0x0  }
0x3b8: {  	[sflag:s28] =	ssyncadd.s32 @!p0 $0xFFFFC000  }
0x3b9: {  	[hbm4b:s0+s10] =	stream.indirect_vreg.scatter @!p0 [tilespmem:s11], [sflag:$0x4], $0x80, v24, vm1, $0xb8;
	[tilespmem:$0x1C400] =	vst v63  }
0x3ba: {  	v25 =	vperm.xlane @!p0 v28, v25  }
0x3bb: {  	[hbm4b:s22+s10] =	stream.indirect_vreg.scatter @!p0 [tilespmem:s13], [sflag:$0x4], $0x80, v24, vm1, $0xb8;
	[tilespmem:$0x1C400] =	vst v63  }
0x3bc: {  	v25 =	vadd.s32 @!p0 v27, v25  }
0x3bd: {  	[hbm4b:s23+s10] =	stream.indirect_vreg.scatter @!p0 [tilespmem:s14], [sflag:$0x4], $0x80, v24, vm1, $0xb8;
	[tilespmem:$0x1C400] =	vst v63  }
0x3be: {  	_ = 	snop  }
0x3bf: {  	[hbm4b:s24+s10] =	stream.indirect_vreg.scatter @!p0 [tilespmem:s15], [sflag:$0x4], $0x80, v24, vm1, $0xb8;
	[tilespmem:$0x1C400] =	vst v63  }
0x3c0: {  	_ = 	snop  }
0x3c1: {  	[hbm4b:s0+s10] =	stream.indirect_vreg.scatter @!p0 [tilespmem:s16], [sflag:$0x4], $0x80, v25, vm1, $0xb8;
	[tilespmem:$0x1C400] =	vst v63  }
0x3c2: {  	_ = 	snop  }
0x3c3: {  	[hbm4b:s22+s10] =	stream.indirect_vreg.scatter @!p0 [tilespmem:s17], [sflag:$0x4], $0x80, v25, vm1, $0xb8;
	[tilespmem:$0x1C400] =	vst v63  }
0x3c4: {  	_ = 	snop  }
0x3c5: {  	[hbm4b:s23+s10] =	stream.indirect_vreg.scatter @!p0 [tilespmem:s25], [sflag:$0x4], $0x80, v25, vm1, $0xb8;
	[tilespmem:$0x1C400] =	vst v63  }
0x3c6: {  	_ = 	snop  }
0x3c7: {  	[hbm4b:s24+s10] =	stream.indirect_vreg.scatter @!p0 [tilespmem:s26], [sflag:$0x4], $0x80, v25, vm1, $0xb8;
	[tilespmem:$0x1C400] =	vst v63  }
0x3c8: {  	s10 =	simm.s32 @!p0 $0x4  }
0x3c9: {  	_ =	swait.ge @!p0 [sflag:s10], $0x4000  }
0x3ca: {  	p1 =	slt.u32 @!p0 s31, $0x51;
	[sflag:s10] =	ssyncset.done @!p0 $0x0  }
0x3cb: {  	[sflag:s10] =	ssyncadd.s32 @!p0 $0xFFFFC000;
	p0 =	por p0, p1  }
0x3cc: {  	v24 =	vld @!p0 [tilespmem:$0x1C150];
	_ =	sdelay $0x3  }
0x3cd: {  	v25 =	vlaneseq.u32 @!p0  }
0x3ce: {  	v26 =	vor.u32 @!p0 $0x50, v25;
	v27 =	vbroadcast @!p0 v24, $0x0  }
0x3cf: {  	vm2 =	vgt.s32 @!p0 v23, v26  }
0x3d0: {  	v24 =	vsel @!p0 vm2, v24, v27  }
0x3d1: {  	v26 =	vshll.u32 @!p0 v24, $0x3  }
0x3d2: {  	v24 =	vand.u32 @!p0 $0x7, v24;
	v26 =	vand.u32 @!p0 $0xFFFFFFC0, v26  }
0x3d3: {  	v27 =	vshrl.u32 @!p0 v25, $0x3;
	v24 =	vor.u32 @!p0 v24, v26;
	v26 =	vand.u32 @!p0 $0x7, v25  }
0x3d4: {  	v27 =	vmul.u32 @!p0 $0x8, v27;
	v28 =	vperm.xlane @!p0 v24, v26;
	_ =	sdelay $0x1  }
0x3d5: {  	v28 =	vadd.s32 @!p0 v27, v28;
	_ =	sdelay $0x3  }
0x3d6: {  	vm1 =	vmmov @!p0 $0xffff;
	s10 =	simm.s32 @!p0 $0x0;
	s11 =	simm.s32 @!p0 $0x18100  }
0x3d7: {  	v29 =	vld @!p0 [tilespmem:$0x1C2D0];
	v25 =	vor.u32 @!p0 $0x8, v25;
	[tilespmem:s11], [sflag:$0x7] =	stream.indirect_vreg.gather @!p0 [hbm4b:s5+s10], $0x80, v28, vm1, $0xb8;
	[tilespmem:$0x1C400] =	vst v63  }
0x3d8: {  	s13 =	simm.s32 @!p0 $0x18900;
	v24 =	vperm.xlane @!p0 v24, v25  }
0x3d9: {  	[tilespmem:s13], [sflag:$0x7] =	stream.indirect_vreg.gather @!p0 [hbm4b:s7+s10], $0x80, v28, vm1, $0xb8;
	[tilespmem:$0x1C400] =	vst v63  }
0x3da: {  	s14 =	simm.s32 @!p0 $0x19100;
	v24 =	vadd.s32 @!p0 v27, v24  }
0x3db: {  	[tilespmem:s14], [sflag:$0x7] =	stream.indirect_vreg.gather @!p0 [hbm4b:s8+s10], $0x80, v28, vm1, $0xb8;
	[tilespmem:$0x1C400] =	vst v63  }
0x3dc: {  	s15 =	simm.s32 @!p0 $0x19900  }
0x3dd: {  	[tilespmem:s15], [sflag:$0x7] =	stream.indirect_vreg.gather @!p0 [hbm4b:s9+s10], $0x80, v28, vm1, $0xb8;
	v28 =	vbroadcast @!p0 v29, $0x0;
	[tilespmem:$0x1C400] =	vst v63  }
0x3de: {  	s16 =	simm.s32 @!p0 $0x1A100  }
0x3df: {  	v28 =	vsel @!p0 vm2, v29, v28;
	[tilespmem:s16], [sflag:$0x7] =	stream.indirect_vreg.gather @!p0 [hbm4b:s5+s10], $0x80, v24, vm1, $0xb8;
	[tilespmem:$0x1C400] =	vst v63  }
0x3e0: {  	s17 =	simm.s32 @!p0 $0x1A900;
	v29 =	vshll.u32 @!p0 v28, $0x3  }
0x3e1: {  	v28 =	vand.u32 @!p0 $0x7, v28;
	[tilespmem:s17], [sflag:$0x7] =	stream.indirect_vreg.gather @!p0 [hbm4b:s7+s10], $0x80, v24, vm1, $0xb8;
	v29 =	vand.u32 @!p0 $0xFFFFFFC0, v29;
	[tilespmem:$0x1C400] =	vst v63  }
0x3e2: {  	s25 =	simm.s32 @!p0 $0x1B100;
	v28 =	vor.u32 @!p0 v28, v29  }
0x3e3: {  	[tilespmem:s25], [sflag:$0x7] =	stream.indirect_vreg.gather @!p0 [hbm4b:s8+s10], $0x80, v24, vm1, $0xb8;
	v26 =	vperm.xlane @!p0 v28, v26;
	[tilespmem:$0x1C400] =	vst v63  }
0x3e4: {  	s26 =	simm.s32 @!p0 $0x1B900  }
0x3e5: {  	[tilespmem:s26], [sflag:$0x7] =	stream.indirect_vreg.gather @!p0 [hbm4b:s9+s10], $0x80, v24, vm1, $0xb8;
	v24 =	vadd.s32 @!p0 v27, v26;
	[tilespmem:$0x1C400] =	vst v63  }
0x3e6: {  	s28 =	simm.s32 @!p0 $0x7  }
0x3e7: {  	_ =	swait.ge @!p0 [sflag:s28], $0x4000  }
0x3e8: {  	[sflag:s28] =	ssyncset.done @!p0 $0x0  }
0x3e9: {  	[sflag:s28] =	ssyncadd.s32 @!p0 $0xFFFFC000  }
0x3ea: {  	[hbm4b:s0+s10] =	stream.indirect_vreg.scatter @!p0 [tilespmem:s11], [sflag:$0x4], $0x80, v24, vm1, $0xb8;
	[tilespmem:$0x1C400] =	vst v63  }
0x3eb: {  	v25 =	vperm.xlane @!p0 v28, v25  }
0x3ec: {  	[hbm4b:s22+s10] =	stream.indirect_vreg.scatter @!p0 [tilespmem:s13], [sflag:$0x4], $0x80, v24, vm1, $0xb8;
	[tilespmem:$0x1C400] =	vst v63  }
0x3ed: {  	v25 =	vadd.s32 @!p0 v27, v25  }
0x3ee: {  	[hbm4b:s23+s10] =	stream.indirect_vreg.scatter @!p0 [tilespmem:s14], [sflag:$0x4], $0x80, v24, vm1, $0xb8;
	[tilespmem:$0x1C400] =	vst v63  }
0x3ef: {  	_ = 	snop  }
0x3f0: {  	[hbm4b:s24+s10] =	stream.indirect_vreg.scatter @!p0 [tilespmem:s15], [sflag:$0x4], $0x80, v24, vm1, $0xb8;
	[tilespmem:$0x1C400] =	vst v63  }
0x3f1: {  	_ = 	snop  }
0x3f2: {  	[hbm4b:s0+s10] =	stream.indirect_vreg.scatter @!p0 [tilespmem:s16], [sflag:$0x4], $0x80, v25, vm1, $0xb8;
	[tilespmem:$0x1C400] =	vst v63  }
0x3f3: {  	_ = 	snop  }
0x3f4: {  	[hbm4b:s22+s10] =	stream.indirect_vreg.scatter @!p0 [tilespmem:s17], [sflag:$0x4], $0x80, v25, vm1, $0xb8;
	[tilespmem:$0x1C400] =	vst v63  }
0x3f5: {  	_ = 	snop  }
0x3f6: {  	[hbm4b:s23+s10] =	stream.indirect_vreg.scatter @!p0 [tilespmem:s25], [sflag:$0x4], $0x80, v25, vm1, $0xb8;
	[tilespmem:$0x1C400] =	vst v63  }
0x3f7: {  	_ = 	snop  }
0x3f8: {  	[hbm4b:s24+s10] =	stream.indirect_vreg.scatter @!p0 [tilespmem:s26], [sflag:$0x4], $0x80, v25, vm1, $0xb8;
	[tilespmem:$0x1C400] =	vst v63  }
0x3f9: {  	s10 =	simm.s32 @!p0 $0x4  }
0x3fa: {  	_ =	swait.ge @!p0 [sflag:s10], $0x4000  }
0x3fb: {  	p1 =	slt.u32 @!p0 s31, $0x61;
	[sflag:s10] =	ssyncset.done @!p0 $0x0  }
0x3fc: {  	[sflag:s10] =	ssyncadd.s32 @!p0 $0xFFFFC000;
	p0 =	por p0, p1  }
0x3fd: {  	v24 =	vld @!p0 [tilespmem:$0x1C160];
	_ =	sdelay $0x3  }
0x3fe: {  	v25 =	vlaneseq.u32 @!p0  }
0x3ff: {  	v26 =	vor.u32 @!p0 $0x60, v25;
	v27 =	vbroadcast @!p0 v24, $0x0  }
0x400: {  	vm2 =	vgt.s32 @!p0 v23, v26  }
0x401: {  	v24 =	vsel @!p0 vm2, v24, v27  }
0x402: {  	v26 =	vshll.u32 @!p0 v24, $0x3  }
0x403: {  	v24 =	vand.u32 @!p0 $0x7, v24;
	v26 =	vand.u32 @!p0 $0xFFFFFFC0, v26  }
0x404: {  	v27 =	vshrl.u32 @!p0 v25, $0x3;
	v24 =	vor.u32 @!p0 v24, v26;
	v26 =	vand.u32 @!p0 $0x7, v25  }
0x405: {  	v27 =	vmul.u32 @!p0 $0x8, v27;
	v28 =	vperm.xlane @!p0 v24, v26;
	_ =	sdelay $0x1  }
0x406: {  	v28 =	vadd.s32 @!p0 v27, v28;
	_ =	sdelay $0x3  }
0x407: {  	vm1 =	vmmov @!p0 $0xffff;
	s10 =	simm.s32 @!p0 $0x0;
	s11 =	simm.s32 @!p0 $0x18100  }
0x408: {  	v29 =	vld @!p0 [tilespmem:$0x1C2E0];
	v25 =	vor.u32 @!p0 $0x8, v25;
	[tilespmem:s11], [sflag:$0x7] =	stream.indirect_vreg.gather @!p0 [hbm4b:s5+s10], $0x80, v28, vm1, $0xb8;
	[tilespmem:$0x1C400] =	vst v63  }
0x409: {  	s13 =	simm.s32 @!p0 $0x18900;
	v24 =	vperm.xlane @!p0 v24, v25  }
0x40a: {  	[tilespmem:s13], [sflag:$0x7] =	stream.indirect_vreg.gather @!p0 [hbm4b:s7+s10], $0x80, v28, vm1, $0xb8;
	[tilespmem:$0x1C400] =	vst v63  }
0x40b: {  	s14 =	simm.s32 @!p0 $0x19100;
	v24 =	vadd.s32 @!p0 v27, v24  }
0x40c: {  	[tilespmem:s14], [sflag:$0x7] =	stream.indirect_vreg.gather @!p0 [hbm4b:s8+s10], $0x80, v28, vm1, $0xb8;
	[tilespmem:$0x1C400] =	vst v63  }
0x40d: {  	s15 =	simm.s32 @!p0 $0x19900  }
0x40e: {  	[tilespmem:s15], [sflag:$0x7] =	stream.indirect_vreg.gather @!p0 [hbm4b:s9+s10], $0x80, v28, vm1, $0xb8;
	v28 =	vbroadcast @!p0 v29, $0x0;
	[tilespmem:$0x1C400] =	vst v63  }
0x40f: {  	s16 =	simm.s32 @!p0 $0x1A100  }
0x410: {  	v28 =	vsel @!p0 vm2, v29, v28;
	[tilespmem:s16], [sflag:$0x7] =	stream.indirect_vreg.gather @!p0 [hbm4b:s5+s10], $0x80, v24, vm1, $0xb8;
	[tilespmem:$0x1C400] =	vst v63  }
0x411: {  	s17 =	simm.s32 @!p0 $0x1A900;
	v29 =	vshll.u32 @!p0 v28, $0x3  }
0x412: {  	v28 =	vand.u32 @!p0 $0x7, v28;
	[tilespmem:s17], [sflag:$0x7] =	stream.indirect_vreg.gather @!p0 [hbm4b:s7+s10], $0x80, v24, vm1, $0xb8;
	v29 =	vand.u32 @!p0 $0xFFFFFFC0, v29;
	[tilespmem:$0x1C400] =	vst v63  }
0x413: {  	s25 =	simm.s32 @!p0 $0x1B100;
	v28 =	vor.u32 @!p0 v28, v29  }
0x414: {  	[tilespmem:s25], [sflag:$0x7] =	stream.indirect_vreg.gather @!p0 [hbm4b:s8+s10], $0x80, v24, vm1, $0xb8;
	v26 =	vperm.xlane @!p0 v28, v26;
	[tilespmem:$0x1C400] =	vst v63  }
0x415: {  	s26 =	simm.s32 @!p0 $0x1B900  }
0x416: {  	[tilespmem:s26], [sflag:$0x7] =	stream.indirect_vreg.gather @!p0 [hbm4b:s9+s10], $0x80, v24, vm1, $0xb8;
	v24 =	vadd.s32 @!p0 v27, v26;
	[tilespmem:$0x1C400] =	vst v63  }
0x417: {  	s28 =	simm.s32 @!p0 $0x7  }
0x418: {  	_ =	swait.ge @!p0 [sflag:s28], $0x4000  }
0x419: {  	[sflag:s28] =	ssyncset.done @!p0 $0x0  }
0x41a: {  	[sflag:s28] =	ssyncadd.s32 @!p0 $0xFFFFC000  }
0x41b: {  	[hbm4b:s0+s10] =	stream.indirect_vreg.scatter @!p0 [tilespmem:s11], [sflag:$0x4], $0x80, v24, vm1, $0xb8;
	[tilespmem:$0x1C400] =	vst v63  }
0x41c: {  	v25 =	vperm.xlane @!p0 v28, v25  }
0x41d: {  	[hbm4b:s22+s10] =	stream.indirect_vreg.scatter @!p0 [tilespmem:s13], [sflag:$0x4], $0x80, v24, vm1, $0xb8;
	[tilespmem:$0x1C400] =	vst v63  }
0x41e: {  	v25 =	vadd.s32 @!p0 v27, v25  }
0x41f: {  	[hbm4b:s23+s10] =	stream.indirect_vreg.scatter @!p0 [tilespmem:s14], [sflag:$0x4], $0x80, v24, vm1, $0xb8;
	[tilespmem:$0x1C400] =	vst v63  }
0x420: {  	_ = 	snop  }
0x421: {  	[hbm4b:s24+s10] =	stream.indirect_vreg.scatter @!p0 [tilespmem:s15], [sflag:$0x4], $0x80, v24, vm1, $0xb8;
	[tilespmem:$0x1C400] =	vst v63  }
0x422: {  	_ = 	snop  }
0x423: {  	[hbm4b:s0+s10] =	stream.indirect_vreg.scatter @!p0 [tilespmem:s16], [sflag:$0x4], $0x80, v25, vm1, $0xb8;
	[tilespmem:$0x1C400] =	vst v63  }
0x424: {  	_ = 	snop  }
0x425: {  	[hbm4b:s22+s10] =	stream.indirect_vreg.scatter @!p0 [tilespmem:s17], [sflag:$0x4], $0x80, v25, vm1, $0xb8;
	[tilespmem:$0x1C400] =	vst v63  }
0x426: {  	_ = 	snop  }
0x427: {  	[hbm4b:s23+s10] =	stream.indirect_vreg.scatter @!p0 [tilespmem:s25], [sflag:$0x4], $0x80, v25, vm1, $0xb8;
	[tilespmem:$0x1C400] =	vst v63  }
0x428: {  	_ = 	snop  }
0x429: {  	[hbm4b:s24+s10] =	stream.indirect_vreg.scatter @!p0 [tilespmem:s26], [sflag:$0x4], $0x80, v25, vm1, $0xb8;
	[tilespmem:$0x1C400] =	vst v63  }
0x42a: {  	s10 =	simm.s32 @!p0 $0x4  }
0x42b: {  	_ =	swait.ge @!p0 [sflag:s10], $0x4000  }
0x42c: {  	p1 =	slt.u32 @!p0 s31, $0x71;
	[sflag:s10] =	ssyncset.done @!p0 $0x0  }
0x42d: {  	[sflag:s10] =	ssyncadd.s32 @!p0 $0xFFFFC000;
	p0 =	por p0, p1  }
0x42e: {  	v24 =	vld @!p0 [tilespmem:$0x1C170];
	_ =	sdelay $0x3  }
0x42f: {  	v25 =	vlaneseq.u32 @!p0  }
0x430: {  	v26 =	vor.u32 @!p0 $0x70, v25;
	v27 =	vbroadcast @!p0 v24, $0x0  }
0x431: {  	vm2 =	vgt.s32 @!p0 v23, v26  }
0x432: {  	v24 =	vsel @!p0 vm2, v24, v27  }
0x433: {  	v26 =	vshll.u32 @!p0 v24, $0x3  }
0x434: {  	v24 =	vand.u32 @!p0 $0x7, v24;
	v26 =	vand.u32 @!p0 $0xFFFFFFC0, v26  }
0x435: {  	v27 =	vshrl.u32 @!p0 v25, $0x3;
	v24 =	vor.u32 @!p0 v24, v26;
	v26 =	vand.u32 @!p0 $0x7, v25  }
0x436: {  	v27 =	vmul.u32 @!p0 $0x8, v27;
	v28 =	vperm.xlane @!p0 v24, v26;
	_ =	sdelay $0x1  }
0x437: {  	v28 =	vadd.s32 @!p0 v27, v28;
	_ =	sdelay $0x3  }
0x438: {  	vm1 =	vmmov @!p0 $0xffff;
	s10 =	simm.s32 @!p0 $0x0;
	s11 =	simm.s32 @!p0 $0x18100  }
0x439: {  	v29 =	vld @!p0 [tilespmem:$0x1C2F0];
	v25 =	vor.u32 @!p0 $0x8, v25;
	[tilespmem:s11], [sflag:$0x7] =	stream.indirect_vreg.gather @!p0 [hbm4b:s5+s10], $0x80, v28, vm1, $0xb8;
	[tilespmem:$0x1C400] =	vst v63  }
0x43a: {  	s13 =	simm.s32 @!p0 $0x18900;
	v24 =	vperm.xlane @!p0 v24, v25  }
0x43b: {  	[tilespmem:s13], [sflag:$0x7] =	stream.indirect_vreg.gather @!p0 [hbm4b:s7+s10], $0x80, v28, vm1, $0xb8;
	[tilespmem:$0x1C400] =	vst v63  }
0x43c: {  	s14 =	simm.s32 @!p0 $0x19100;
	v24 =	vadd.s32 @!p0 v27, v24  }
0x43d: {  	[tilespmem:s14], [sflag:$0x7] =	stream.indirect_vreg.gather @!p0 [hbm4b:s8+s10], $0x80, v28, vm1, $0xb8;
	[tilespmem:$0x1C400] =	vst v63  }
0x43e: {  	s15 =	simm.s32 @!p0 $0x19900  }
0x43f: {  	[tilespmem:s15], [sflag:$0x7] =	stream.indirect_vreg.gather @!p0 [hbm4b:s9+s10], $0x80, v28, vm1, $0xb8;
	v28 =	vbroadcast @!p0 v29, $0x0;
	[tilespmem:$0x1C400] =	vst v63  }
0x440: {  	s16 =	simm.s32 @!p0 $0x1A100  }
0x441: {  	v28 =	vsel @!p0 vm2, v29, v28;
	[tilespmem:s16], [sflag:$0x7] =	stream.indirect_vreg.gather @!p0 [hbm4b:s5+s10], $0x80, v24, vm1, $0xb8;
	[tilespmem:$0x1C400] =	vst v63  }
0x442: {  	s17 =	simm.s32 @!p0 $0x1A900;
	v29 =	vshll.u32 @!p0 v28, $0x3  }
0x443: {  	v28 =	vand.u32 @!p0 $0x7, v28;
	[tilespmem:s17], [sflag:$0x7] =	stream.indirect_vreg.gather @!p0 [hbm4b:s7+s10], $0x80, v24, vm1, $0xb8;
	v29 =	vand.u32 @!p0 $0xFFFFFFC0, v29;
	[tilespmem:$0x1C400] =	vst v63  }
0x444: {  	s25 =	simm.s32 @!p0 $0x1B100;
	v28 =	vor.u32 @!p0 v28, v29  }
0x445: {  	[tilespmem:s25], [sflag:$0x7] =	stream.indirect_vreg.gather @!p0 [hbm4b:s8+s10], $0x80, v24, vm1, $0xb8;
	v26 =	vperm.xlane @!p0 v28, v26;
	[tilespmem:$0x1C400] =	vst v63  }
0x446: {  	s26 =	simm.s32 @!p0 $0x1B900  }
0x447: {  	[tilespmem:s26], [sflag:$0x7] =	stream.indirect_vreg.gather @!p0 [hbm4b:s9+s10], $0x80, v24, vm1, $0xb8;
	v24 =	vadd.s32 @!p0 v27, v26;
	[tilespmem:$0x1C400] =	vst v63  }
0x448: {  	s28 =	simm.s32 @!p0 $0x7  }
0x449: {  	_ =	swait.ge @!p0 [sflag:s28], $0x4000  }
0x44a: {  	[sflag:s28] =	ssyncset.done @!p0 $0x0  }
0x44b: {  	[sflag:s28] =	ssyncadd.s32 @!p0 $0xFFFFC000  }
0x44c: {  	[hbm4b:s0+s10] =	stream.indirect_vreg.scatter @!p0 [tilespmem:s11], [sflag:$0x4], $0x80, v24, vm1, $0xb8;
	[tilespmem:$0x1C400] =	vst v63  }
0x44d: {  	v25 =	vperm.xlane @!p0 v28, v25  }
0x44e: {  	[hbm4b:s22+s10] =	stream.indirect_vreg.scatter @!p0 [tilespmem:s13], [sflag:$0x4], $0x80, v24, vm1, $0xb8;
	[tilespmem:$0x1C400] =	vst v63  }
0x44f: {  	v25 =	vadd.s32 @!p0 v27, v25  }
0x450: {  	[hbm4b:s23+s10] =	stream.indirect_vreg.scatter @!p0 [tilespmem:s14], [sflag:$0x4], $0x80, v24, vm1, $0xb8;
	[tilespmem:$0x1C400] =	vst v63  }
0x451: {  	_ = 	snop  }
0x452: {  	[hbm4b:s24+s10] =	stream.indirect_vreg.scatter @!p0 [tilespmem:s15], [sflag:$0x4], $0x80, v24, vm1, $0xb8;
	[tilespmem:$0x1C400] =	vst v63  }
0x453: {  	_ = 	snop  }
0x454: {  	[hbm4b:s0+s10] =	stream.indirect_vreg.scatter @!p0 [tilespmem:s16], [sflag:$0x4], $0x80, v25, vm1, $0xb8;
	[tilespmem:$0x1C400] =	vst v63  }
0x455: {  	_ = 	snop  }
0x456: {  	[hbm4b:s22+s10] =	stream.indirect_vreg.scatter @!p0 [tilespmem:s17], [sflag:$0x4], $0x80, v25, vm1, $0xb8;
	[tilespmem:$0x1C400] =	vst v63  }
0x457: {  	_ = 	snop  }
0x458: {  	[hbm4b:s23+s10] =	stream.indirect_vreg.scatter @!p0 [tilespmem:s25], [sflag:$0x4], $0x80, v25, vm1, $0xb8;
	[tilespmem:$0x1C400] =	vst v63  }
0x459: {  	_ = 	snop  }
0x45a: {  	[hbm4b:s24+s10] =	stream.indirect_vreg.scatter @!p0 [tilespmem:s26], [sflag:$0x4], $0x80, v25, vm1, $0xb8;
	[tilespmem:$0x1C400] =	vst v63  }
0x45b: {  	s10 =	simm.s32 @!p0 $0x4  }
0x45c: {  	_ =	swait.ge @!p0 [sflag:s10], $0x4000  }
0x45d: {  	p1 =	slt.u32 @!p0 s31, $0x81;
	[sflag:s10] =	ssyncset.done @!p0 $0x0  }
0x45e: {  	[sflag:s10] =	ssyncadd.s32 @!p0 $0xFFFFC000;
	p0 =	por p0, p1  }
0x45f: {  	v24 =	vld @!p0 [tilespmem:$0x1C180];
	_ =	sdelay $0x3  }
0x460: {  	v25 =	vlaneseq.u32 @!p0  }
0x461: {  	v26 =	vor.u32 @!p0 $0x80, v25;
	v27 =	vbroadcast @!p0 v24, $0x0  }
0x462: {  	vm2 =	vgt.s32 @!p0 v23, v26  }
0x463: {  	v24 =	vsel @!p0 vm2, v24, v27  }
0x464: {  	v26 =	vshll.u32 @!p0 v24, $0x3  }
0x465: {  	v24 =	vand.u32 @!p0 $0x7, v24;
	v26 =	vand.u32 @!p0 $0xFFFFFFC0, v26  }
0x466: {  	v27 =	vshrl.u32 @!p0 v25, $0x3;
	v24 =	vor.u32 @!p0 v24, v26;
	v26 =	vand.u32 @!p0 $0x7, v25  }
0x467: {  	v27 =	vmul.u32 @!p0 $0x8, v27;
	v28 =	vperm.xlane @!p0 v24, v26;
	_ =	sdelay $0x1  }
0x468: {  	v28 =	vadd.s32 @!p0 v27, v28;
	_ =	sdelay $0x3  }
0x469: {  	vm1 =	vmmov @!p0 $0xffff;
	s10 =	simm.s32 @!p0 $0x0;
	s11 =	simm.s32 @!p0 $0x18100  }
0x46a: {  	v29 =	vld @!p0 [tilespmem:$0x1C300];
	v25 =	vor.u32 @!p0 $0x8, v25;
	[tilespmem:s11], [sflag:$0x7] =	stream.indirect_vreg.gather @!p0 [hbm4b:s5+s10], $0x80, v28, vm1, $0xb8;
	[tilespmem:$0x1C400] =	vst v63  }
0x46b: {  	s13 =	simm.s32 @!p0 $0x18900;
	v24 =	vperm.xlane @!p0 v24, v25  }
0x46c: {  	[tilespmem:s13], [sflag:$0x7] =	stream.indirect_vreg.gather @!p0 [hbm4b:s7+s10], $0x80, v28, vm1, $0xb8;
	[tilespmem:$0x1C400] =	vst v63  }
0x46d: {  	s14 =	simm.s32 @!p0 $0x19100;
	v24 =	vadd.s32 @!p0 v27, v24  }
0x46e: {  	[tilespmem:s14], [sflag:$0x7] =	stream.indirect_vreg.gather @!p0 [hbm4b:s8+s10], $0x80, v28, vm1, $0xb8;
	[tilespmem:$0x1C400] =	vst v63  }
0x46f: {  	s15 =	simm.s32 @!p0 $0x19900  }
0x470: {  	[tilespmem:s15], [sflag:$0x7] =	stream.indirect_vreg.gather @!p0 [hbm4b:s9+s10], $0x80, v28, vm1, $0xb8;
	v28 =	vbroadcast @!p0 v29, $0x0;
	[tilespmem:$0x1C400] =	vst v63  }
0x471: {  	s16 =	simm.s32 @!p0 $0x1A100  }
0x472: {  	v28 =	vsel @!p0 vm2, v29, v28;
	[tilespmem:s16], [sflag:$0x7] =	stream.indirect_vreg.gather @!p0 [hbm4b:s5+s10], $0x80, v24, vm1, $0xb8;
	[tilespmem:$0x1C400] =	vst v63  }
0x473: {  	s17 =	simm.s32 @!p0 $0x1A900;
	v29 =	vshll.u32 @!p0 v28, $0x3  }
0x474: {  	v28 =	vand.u32 @!p0 $0x7, v28;
	[tilespmem:s17], [sflag:$0x7] =	stream.indirect_vreg.gather @!p0 [hbm4b:s7+s10], $0x80, v24, vm1, $0xb8;
	v29 =	vand.u32 @!p0 $0xFFFFFFC0, v29;
	[tilespmem:$0x1C400] =	vst v63  }
0x475: {  	s25 =	simm.s32 @!p0 $0x1B100;
	v28 =	vor.u32 @!p0 v28, v29  }
0x476: {  	[tilespmem:s25], [sflag:$0x7] =	stream.indirect_vreg.gather @!p0 [hbm4b:s8+s10], $0x80, v24, vm1, $0xb8;
	v26 =	vperm.xlane @!p0 v28, v26;
	[tilespmem:$0x1C400] =	vst v63  }
0x477: {  	s26 =	simm.s32 @!p0 $0x1B900  }
0x478: {  	[tilespmem:s26], [sflag:$0x7] =	stream.indirect_vreg.gather @!p0 [hbm4b:s9+s10], $0x80, v24, vm1, $0xb8;
	v24 =	vadd.s32 @!p0 v27, v26;
	[tilespmem:$0x1C400] =	vst v63  }
0x479: {  	s28 =	simm.s32 @!p0 $0x7  }
0x47a: {  	_ =	swait.ge @!p0 [sflag:s28], $0x4000  }
0x47b: {  	[sflag:s28] =	ssyncset.done @!p0 $0x0  }
0x47c: {  	[sflag:s28] =	ssyncadd.s32 @!p0 $0xFFFFC000  }
0x47d: {  	[hbm4b:s0+s10] =	stream.indirect_vreg.scatter @!p0 [tilespmem:s11], [sflag:$0x4], $0x80, v24, vm1, $0xb8;
	[tilespmem:$0x1C400] =	vst v63  }
0x47e: {  	v25 =	vperm.xlane @!p0 v28, v25  }
0x47f: {  	[hbm4b:s22+s10] =	stream.indirect_vreg.scatter @!p0 [tilespmem:s13], [sflag:$0x4], $0x80, v24, vm1, $0xb8;
	[tilespmem:$0x1C400] =	vst v63  }
0x480: {  	v25 =	vadd.s32 @!p0 v27, v25  }
0x481: {  	[hbm4b:s23+s10] =	stream.indirect_vreg.scatter @!p0 [tilespmem:s14], [sflag:$0x4], $0x80, v24, vm1, $0xb8;
	[tilespmem:$0x1C400] =	vst v63  }
0x482: {  	_ = 	snop  }
0x483: {  	[hbm4b:s24+s10] =	stream.indirect_vreg.scatter @!p0 [tilespmem:s15], [sflag:$0x4], $0x80, v24, vm1, $0xb8;
	[tilespmem:$0x1C400] =	vst v63  }
0x484: {  	_ = 	snop  }
0x485: {  	[hbm4b:s0+s10] =	stream.indirect_vreg.scatter @!p0 [tilespmem:s16], [sflag:$0x4], $0x80, v25, vm1, $0xb8;
	[tilespmem:$0x1C400] =	vst v63  }
0x486: {  	_ = 	snop  }
0x487: {  	[hbm4b:s22+s10] =	stream.indirect_vreg.scatter @!p0 [tilespmem:s17], [sflag:$0x4], $0x80, v25, vm1, $0xb8;
	[tilespmem:$0x1C400] =	vst v63  }
0x488: {  	_ = 	snop  }
0x489: {  	[hbm4b:s23+s10] =	stream.indirect_vreg.scatter @!p0 [tilespmem:s25], [sflag:$0x4], $0x80, v25, vm1, $0xb8;
	[tilespmem:$0x1C400] =	vst v63  }
0x48a: {  	_ = 	snop  }
0x48b: {  	[hbm4b:s24+s10] =	stream.indirect_vreg.scatter @!p0 [tilespmem:s26], [sflag:$0x4], $0x80, v25, vm1, $0xb8;
	[tilespmem:$0x1C400] =	vst v63  }
0x48c: {  	s10 =	simm.s32 @!p0 $0x4  }
0x48d: {  	_ =	swait.ge @!p0 [sflag:s10], $0x4000  }
0x48e: {  	p1 =	slt.u32 @!p0 s31, $0x91;
	[sflag:s10] =	ssyncset.done @!p0 $0x0  }
0x48f: {  	[sflag:s10] =	ssyncadd.s32 @!p0 $0xFFFFC000;
	p0 =	por p0, p1  }
0x490: {  	v24 =	vld @!p0 [tilespmem:$0x1C190];
	_ =	sdelay $0x3  }
0x491: {  	v25 =	vlaneseq.u32 @!p0  }
0x492: {  	v26 =	vor.u32 @!p0 $0x90, v25;
	v27 =	vbroadcast @!p0 v24, $0x0  }
0x493: {  	vm2 =	vgt.s32 @!p0 v23, v26  }
0x494: {  	v24 =	vsel @!p0 vm2, v24, v27  }
0x495: {  	v26 =	vshll.u32 @!p0 v24, $0x3  }
0x496: {  	v24 =	vand.u32 @!p0 $0x7, v24;
	v26 =	vand.u32 @!p0 $0xFFFFFFC0, v26  }
0x497: {  	v27 =	vshrl.u32 @!p0 v25, $0x3;
	v24 =	vor.u32 @!p0 v24, v26;
	v26 =	vand.u32 @!p0 $0x7, v25  }
0x498: {  	v27 =	vmul.u32 @!p0 $0x8, v27;
	v28 =	vperm.xlane @!p0 v24, v26;
	_ =	sdelay $0x1  }
0x499: {  	v28 =	vadd.s32 @!p0 v27, v28;
	_ =	sdelay $0x3  }
0x49a: {  	vm1 =	vmmov @!p0 $0xffff;
	s10 =	simm.s32 @!p0 $0x0;
	s11 =	simm.s32 @!p0 $0x18100  }
0x49b: {  	v29 =	vld @!p0 [tilespmem:$0x1C310];
	v25 =	vor.u32 @!p0 $0x8, v25;
	[tilespmem:s11], [sflag:$0x7] =	stream.indirect_vreg.gather @!p0 [hbm4b:s5+s10], $0x80, v28, vm1, $0xb8;
	[tilespmem:$0x1C400] =	vst v63  }
0x49c: {  	s13 =	simm.s32 @!p0 $0x18900;
	v24 =	vperm.xlane @!p0 v24, v25  }
0x49d: {  	[tilespmem:s13], [sflag:$0x7] =	stream.indirect_vreg.gather @!p0 [hbm4b:s7+s10], $0x80, v28, vm1, $0xb8;
	[tilespmem:$0x1C400] =	vst v63  }
0x49e: {  	s14 =	simm.s32 @!p0 $0x19100;
	v24 =	vadd.s32 @!p0 v27, v24  }
0x49f: {  	[tilespmem:s14], [sflag:$0x7] =	stream.indirect_vreg.gather @!p0 [hbm4b:s8+s10], $0x80, v28, vm1, $0xb8;
	[tilespmem:$0x1C400] =	vst v63  }
0x4a0: {  	s15 =	simm.s32 @!p0 $0x19900  }
0x4a1: {  	[tilespmem:s15], [sflag:$0x7] =	stream.indirect_vreg.gather @!p0 [hbm4b:s9+s10], $0x80, v28, vm1, $0xb8;
	v28 =	vbroadcast @!p0 v29, $0x0;
	[tilespmem:$0x1C400] =	vst v63  }
0x4a2: {  	s16 =	simm.s32 @!p0 $0x1A100  }
0x4a3: {  	v28 =	vsel @!p0 vm2, v29, v28;
	[tilespmem:s16], [sflag:$0x7] =	stream.indirect_vreg.gather @!p0 [hbm4b:s5+s10], $0x80, v24, vm1, $0xb8;
	[tilespmem:$0x1C400] =	vst v63  }
0x4a4: {  	s17 =	simm.s32 @!p0 $0x1A900;
	v29 =	vshll.u32 @!p0 v28, $0x3  }
0x4a5: {  	v28 =	vand.u32 @!p0 $0x7, v28;
	[tilespmem:s17], [sflag:$0x7] =	stream.indirect_vreg.gather @!p0 [hbm4b:s7+s10], $0x80, v24, vm1, $0xb8;
	v29 =	vand.u32 @!p0 $0xFFFFFFC0, v29;
	[tilespmem:$0x1C400] =	vst v63  }
0x4a6: {  	s25 =	simm.s32 @!p0 $0x1B100;
	v28 =	vor.u32 @!p0 v28, v29  }
0x4a7: {  	[tilespmem:s25], [sflag:$0x7] =	stream.indirect_vreg.gather @!p0 [hbm4b:s8+s10], $0x80, v24, vm1, $0xb8;
	v26 =	vperm.xlane @!p0 v28, v26;
	[tilespmem:$0x1C400] =	vst v63  }
0x4a8: {  	s26 =	simm.s32 @!p0 $0x1B900  }
0x4a9: {  	[tilespmem:s26], [sflag:$0x7] =	stream.indirect_vreg.gather @!p0 [hbm4b:s9+s10], $0x80, v24, vm1, $0xb8;
	v24 =	vadd.s32 @!p0 v27, v26;
	[tilespmem:$0x1C400] =	vst v63  }
0x4aa: {  	s28 =	simm.s32 @!p0 $0x7  }
0x4ab: {  	_ =	swait.ge @!p0 [sflag:s28], $0x4000  }
0x4ac: {  	[sflag:s28] =	ssyncset.done @!p0 $0x0  }
0x4ad: {  	[sflag:s28] =	ssyncadd.s32 @!p0 $0xFFFFC000  }
0x4ae: {  	[hbm4b:s0+s10] =	stream.indirect_vreg.scatter @!p0 [tilespmem:s11], [sflag:$0x4], $0x80, v24, vm1, $0xb8;
	[tilespmem:$0x1C400] =	vst v63  }
0x4af: {  	v25 =	vperm.xlane @!p0 v28, v25  }
0x4b0: {  	[hbm4b:s22+s10] =	stream.indirect_vreg.scatter @!p0 [tilespmem:s13], [sflag:$0x4], $0x80, v24, vm1, $0xb8;
	[tilespmem:$0x1C400] =	vst v63  }
0x4b1: {  	v25 =	vadd.s32 @!p0 v27, v25  }
0x4b2: {  	[hbm4b:s23+s10] =	stream.indirect_vreg.scatter @!p0 [tilespmem:s14], [sflag:$0x4], $0x80, v24, vm1, $0xb8;
	[tilespmem:$0x1C400] =	vst v63  }
0x4b3: {  	_ = 	snop  }
0x4b4: {  	[hbm4b:s24+s10] =	stream.indirect_vreg.scatter @!p0 [tilespmem:s15], [sflag:$0x4], $0x80, v24, vm1, $0xb8;
	[tilespmem:$0x1C400] =	vst v63  }
0x4b5: {  	_ = 	snop  }
0x4b6: {  	[hbm4b:s0+s10] =	stream.indirect_vreg.scatter @!p0 [tilespmem:s16], [sflag:$0x4], $0x80, v25, vm1, $0xb8;
	[tilespmem:$0x1C400] =	vst v63  }
0x4b7: {  	_ = 	snop  }
0x4b8: {  	[hbm4b:s22+s10] =	stream.indirect_vreg.scatter @!p0 [tilespmem:s17], [sflag:$0x4], $0x80, v25, vm1, $0xb8;
	[tilespmem:$0x1C400] =	vst v63  }
0x4b9: {  	_ = 	snop  }
0x4ba: {  	[hbm4b:s23+s10] =	stream.indirect_vreg.scatter @!p0 [tilespmem:s25], [sflag:$0x4], $0x80, v25, vm1, $0xb8;
	[tilespmem:$0x1C400] =	vst v63  }
0x4bb: {  	_ = 	snop  }
0x4bc: {  	[hbm4b:s24+s10] =	stream.indirect_vreg.scatter @!p0 [tilespmem:s26], [sflag:$0x4], $0x80, v25, vm1, $0xb8;
	[tilespmem:$0x1C400] =	vst v63  }
0x4bd: {  	s10 =	simm.s32 @!p0 $0x4  }
0x4be: {  	_ =	swait.ge @!p0 [sflag:s10], $0x4000  }
0x4bf: {  	p1 =	slt.u32 @!p0 s31, $0xA1;
	[sflag:s10] =	ssyncset.done @!p0 $0x0  }
0x4c0: {  	[sflag:s10] =	ssyncadd.s32 @!p0 $0xFFFFC000;
	p0 =	por p0, p1  }
0x4c1: {  	v24 =	vld @!p0 [tilespmem:$0x1C1A0];
	_ =	sdelay $0x3  }
0x4c2: {  	v25 =	vlaneseq.u32 @!p0  }
0x4c3: {  	v26 =	vor.u32 @!p0 $0xA0, v25;
	v27 =	vbroadcast @!p0 v24, $0x0  }
0x4c4: {  	vm2 =	vgt.s32 @!p0 v23, v26  }
0x4c5: {  	v24 =	vsel @!p0 vm2, v24, v27  }
0x4c6: {  	v26 =	vshll.u32 @!p0 v24, $0x3  }
0x4c7: {  	v24 =	vand.u32 @!p0 $0x7, v24;
	v26 =	vand.u32 @!p0 $0xFFFFFFC0, v26  }
0x4c8: {  	v27 =	vshrl.u32 @!p0 v25, $0x3;
	v24 =	vor.u32 @!p0 v24, v26;
	v26 =	vand.u32 @!p0 $0x7, v25  }
0x4c9: {  	v27 =	vmul.u32 @!p0 $0x8, v27;
	v28 =	vperm.xlane @!p0 v24, v26;
	_ =	sdelay $0x1  }
0x4ca: {  	v28 =	vadd.s32 @!p0 v27, v28;
	_ =	sdelay $0x3  }
0x4cb: {  	vm1 =	vmmov @!p0 $0xffff;
	s10 =	simm.s32 @!p0 $0x0;
	s11 =	simm.s32 @!p0 $0x18100  }
0x4cc: {  	v29 =	vld @!p0 [tilespmem:$0x1C320];
	v25 =	vor.u32 @!p0 $0x8, v25;
	[tilespmem:s11], [sflag:$0x7] =	stream.indirect_vreg.gather @!p0 [hbm4b:s5+s10], $0x80, v28, vm1, $0xb8;
	[tilespmem:$0x1C400] =	vst v63  }
0x4cd: {  	s13 =	simm.s32 @!p0 $0x18900;
	v24 =	vperm.xlane @!p0 v24, v25  }
0x4ce: {  	[tilespmem:s13], [sflag:$0x7] =	stream.indirect_vreg.gather @!p0 [hbm4b:s7+s10], $0x80, v28, vm1, $0xb8;
	[tilespmem:$0x1C400] =	vst v63  }
0x4cf: {  	s14 =	simm.s32 @!p0 $0x19100;
	v24 =	vadd.s32 @!p0 v27, v24  }
0x4d0: {  	[tilespmem:s14], [sflag:$0x7] =	stream.indirect_vreg.gather @!p0 [hbm4b:s8+s10], $0x80, v28, vm1, $0xb8;
	[tilespmem:$0x1C400] =	vst v63  }
0x4d1: {  	s15 =	simm.s32 @!p0 $0x19900  }
0x4d2: {  	[tilespmem:s15], [sflag:$0x7] =	stream.indirect_vreg.gather @!p0 [hbm4b:s9+s10], $0x80, v28, vm1, $0xb8;
	v28 =	vbroadcast @!p0 v29, $0x0;
	[tilespmem:$0x1C400] =	vst v63  }
0x4d3: {  	s16 =	simm.s32 @!p0 $0x1A100  }
0x4d4: {  	v28 =	vsel @!p0 vm2, v29, v28;
	[tilespmem:s16], [sflag:$0x7] =	stream.indirect_vreg.gather @!p0 [hbm4b:s5+s10], $0x80, v24, vm1, $0xb8;
	[tilespmem:$0x1C400] =	vst v63  }
0x4d5: {  	s17 =	simm.s32 @!p0 $0x1A900;
	v29 =	vshll.u32 @!p0 v28, $0x3  }
0x4d6: {  	v28 =	vand.u32 @!p0 $0x7, v28;
	[tilespmem:s17], [sflag:$0x7] =	stream.indirect_vreg.gather @!p0 [hbm4b:s7+s10], $0x80, v24, vm1, $0xb8;
	v29 =	vand.u32 @!p0 $0xFFFFFFC0, v29;
	[tilespmem:$0x1C400] =	vst v63  }
0x4d7: {  	s25 =	simm.s32 @!p0 $0x1B100;
	v28 =	vor.u32 @!p0 v28, v29  }
0x4d8: {  	[tilespmem:s25], [sflag:$0x7] =	stream.indirect_vreg.gather @!p0 [hbm4b:s8+s10], $0x80, v24, vm1, $0xb8;
	v26 =	vperm.xlane @!p0 v28, v26;
	[tilespmem:$0x1C400] =	vst v63  }
0x4d9: {  	s26 =	simm.s32 @!p0 $0x1B900  }
0x4da: {  	[tilespmem:s26], [sflag:$0x7] =	stream.indirect_vreg.gather @!p0 [hbm4b:s9+s10], $0x80, v24, vm1, $0xb8;
	v24 =	vadd.s32 @!p0 v27, v26;
	[tilespmem:$0x1C400] =	vst v63  }
0x4db: {  	s28 =	simm.s32 @!p0 $0x7  }
0x4dc: {  	_ =	swait.ge @!p0 [sflag:s28], $0x4000  }
0x4dd: {  	[sflag:s28] =	ssyncset.done @!p0 $0x0  }
0x4de: {  	[sflag:s28] =	ssyncadd.s32 @!p0 $0xFFFFC000  }
0x4df: {  	[hbm4b:s0+s10] =	stream.indirect_vreg.scatter @!p0 [tilespmem:s11], [sflag:$0x4], $0x80, v24, vm1, $0xb8;
	[tilespmem:$0x1C400] =	vst v63  }
0x4e0: {  	v25 =	vperm.xlane @!p0 v28, v25  }
0x4e1: {  	[hbm4b:s22+s10] =	stream.indirect_vreg.scatter @!p0 [tilespmem:s13], [sflag:$0x4], $0x80, v24, vm1, $0xb8;
	[tilespmem:$0x1C400] =	vst v63  }
0x4e2: {  	v25 =	vadd.s32 @!p0 v27, v25  }
0x4e3: {  	[hbm4b:s23+s10] =	stream.indirect_vreg.scatter @!p0 [tilespmem:s14], [sflag:$0x4], $0x80, v24, vm1, $0xb8;
	[tilespmem:$0x1C400] =	vst v63  }
0x4e4: {  	_ = 	snop  }
0x4e5: {  	[hbm4b:s24+s10] =	stream.indirect_vreg.scatter @!p0 [tilespmem:s15], [sflag:$0x4], $0x80, v24, vm1, $0xb8;
	[tilespmem:$0x1C400] =	vst v63  }
0x4e6: {  	_ = 	snop  }
0x4e7: {  	[hbm4b:s0+s10] =	stream.indirect_vreg.scatter @!p0 [tilespmem:s16], [sflag:$0x4], $0x80, v25, vm1, $0xb8;
	[tilespmem:$0x1C400] =	vst v63  }
0x4e8: {  	_ = 	snop  }
0x4e9: {  	[hbm4b:s22+s10] =	stream.indirect_vreg.scatter @!p0 [tilespmem:s17], [sflag:$0x4], $0x80, v25, vm1, $0xb8;
	[tilespmem:$0x1C400] =	vst v63  }
0x4ea: {  	_ = 	snop  }
0x4eb: {  	[hbm4b:s23+s10] =	stream.indirect_vreg.scatter @!p0 [tilespmem:s25], [sflag:$0x4], $0x80, v25, vm1, $0xb8;
	[tilespmem:$0x1C400] =	vst v63  }
0x4ec: {  	_ = 	snop  }
0x4ed: {  	[hbm4b:s24+s10] =	stream.indirect_vreg.scatter @!p0 [tilespmem:s26], [sflag:$0x4], $0x80, v25, vm1, $0xb8;
	[tilespmem:$0x1C400] =	vst v63  }
0x4ee: {  	s10 =	simm.s32 @!p0 $0x4  }
0x4ef: {  	_ =	swait.ge @!p0 [sflag:s10], $0x4000  }
0x4f0: {  	p1 =	slt.u32 @!p0 s31, $0xB1;
	[sflag:s10] =	ssyncset.done @!p0 $0x0  }
0x4f1: {  	[sflag:s10] =	ssyncadd.s32 @!p0 $0xFFFFC000;
	p0 =	por p0, p1  }
0x4f2: {  	v24 =	vld @!p0 [tilespmem:$0x1C1B0];
	_ =	sdelay $0x3  }
0x4f3: {  	v25 =	vlaneseq.u32 @!p0  }
0x4f4: {  	v26 =	vor.u32 @!p0 $0xB0, v25;
	v27 =	vbroadcast @!p0 v24, $0x0  }
0x4f5: {  	vm2 =	vgt.s32 @!p0 v23, v26  }
0x4f6: {  	v24 =	vsel @!p0 vm2, v24, v27  }
0x4f7: {  	v26 =	vshll.u32 @!p0 v24, $0x3  }
0x4f8: {  	v24 =	vand.u32 @!p0 $0x7, v24;
	v26 =	vand.u32 @!p0 $0xFFFFFFC0, v26  }
0x4f9: {  	v27 =	vshrl.u32 @!p0 v25, $0x3;
	v24 =	vor.u32 @!p0 v24, v26;
	v26 =	vand.u32 @!p0 $0x7, v25  }
0x4fa: {  	v27 =	vmul.u32 @!p0 $0x8, v27;
	v28 =	vperm.xlane @!p0 v24, v26;
	_ =	sdelay $0x1  }
0x4fb: {  	v28 =	vadd.s32 @!p0 v27, v28;
	_ =	sdelay $0x3  }
0x4fc: {  	vm1 =	vmmov @!p0 $0xffff;
	s10 =	simm.s32 @!p0 $0x0;
	s11 =	simm.s32 @!p0 $0x18100  }
0x4fd: {  	v29 =	vld @!p0 [tilespmem:$0x1C330];
	v25 =	vor.u32 @!p0 $0x8, v25;
	[tilespmem:s11], [sflag:$0x7] =	stream.indirect_vreg.gather @!p0 [hbm4b:s5+s10], $0x80, v28, vm1, $0xb8;
	[tilespmem:$0x1C400] =	vst v63  }
0x4fe: {  	s13 =	simm.s32 @!p0 $0x18900;
	v24 =	vperm.xlane @!p0 v24, v25  }
0x4ff: {  	[tilespmem:s13], [sflag:$0x7] =	stream.indirect_vreg.gather @!p0 [hbm4b:s7+s10], $0x80, v28, vm1, $0xb8;
	[tilespmem:$0x1C400] =	vst v63  }
0x500: {  	s14 =	simm.s32 @!p0 $0x19100;
	v24 =	vadd.s32 @!p0 v27, v24  }
0x501: {  	[tilespmem:s14], [sflag:$0x7] =	stream.indirect_vreg.gather @!p0 [hbm4b:s8+s10], $0x80, v28, vm1, $0xb8;
	[tilespmem:$0x1C400] =	vst v63  }
0x502: {  	s15 =	simm.s32 @!p0 $0x19900  }
0x503: {  	[tilespmem:s15], [sflag:$0x7] =	stream.indirect_vreg.gather @!p0 [hbm4b:s9+s10], $0x80, v28, vm1, $0xb8;
	v28 =	vbroadcast @!p0 v29, $0x0;
	[tilespmem:$0x1C400] =	vst v63  }
0x504: {  	s16 =	simm.s32 @!p0 $0x1A100  }
0x505: {  	v28 =	vsel @!p0 vm2, v29, v28;
	[tilespmem:s16], [sflag:$0x7] =	stream.indirect_vreg.gather @!p0 [hbm4b:s5+s10], $0x80, v24, vm1, $0xb8;
	[tilespmem:$0x1C400] =	vst v63  }
0x506: {  	s17 =	simm.s32 @!p0 $0x1A900;
	v29 =	vshll.u32 @!p0 v28, $0x3  }
0x507: {  	v28 =	vand.u32 @!p0 $0x7, v28;
	[tilespmem:s17], [sflag:$0x7] =	stream.indirect_vreg.gather @!p0 [hbm4b:s7+s10], $0x80, v24, vm1, $0xb8;
	v29 =	vand.u32 @!p0 $0xFFFFFFC0, v29;
	[tilespmem:$0x1C400] =	vst v63  }
0x508: {  	s25 =	simm.s32 @!p0 $0x1B100;
	v28 =	vor.u32 @!p0 v28, v29  }
0x509: {  	[tilespmem:s25], [sflag:$0x7] =	stream.indirect_vreg.gather @!p0 [hbm4b:s8+s10], $0x80, v24, vm1, $0xb8;
	v26 =	vperm.xlane @!p0 v28, v26;
	[tilespmem:$0x1C400] =	vst v63  }
0x50a: {  	s26 =	simm.s32 @!p0 $0x1B900  }
0x50b: {  	[tilespmem:s26], [sflag:$0x7] =	stream.indirect_vreg.gather @!p0 [hbm4b:s9+s10], $0x80, v24, vm1, $0xb8;
	v24 =	vadd.s32 @!p0 v27, v26;
	[tilespmem:$0x1C400] =	vst v63  }
0x50c: {  	s28 =	simm.s32 @!p0 $0x7  }
0x50d: {  	_ =	swait.ge @!p0 [sflag:s28], $0x4000  }
0x50e: {  	[sflag:s28] =	ssyncset.done @!p0 $0x0  }
0x50f: {  	[sflag:s28] =	ssyncadd.s32 @!p0 $0xFFFFC000  }
0x510: {  	[hbm4b:s0+s10] =	stream.indirect_vreg.scatter @!p0 [tilespmem:s11], [sflag:$0x4], $0x80, v24, vm1, $0xb8;
	[tilespmem:$0x1C400] =	vst v63  }
0x511: {  	v25 =	vperm.xlane @!p0 v28, v25  }
0x512: {  	[hbm4b:s22+s10] =	stream.indirect_vreg.scatter @!p0 [tilespmem:s13], [sflag:$0x4], $0x80, v24, vm1, $0xb8;
	[tilespmem:$0x1C400] =	vst v63  }
0x513: {  	v25 =	vadd.s32 @!p0 v27, v25  }
0x514: {  	[hbm4b:s23+s10] =	stream.indirect_vreg.scatter @!p0 [tilespmem:s14], [sflag:$0x4], $0x80, v24, vm1, $0xb8;
	[tilespmem:$0x1C400] =	vst v63  }
0x515: {  	_ = 	snop  }
0x516: {  	[hbm4b:s24+s10] =	stream.indirect_vreg.scatter @!p0 [tilespmem:s15], [sflag:$0x4], $0x80, v24, vm1, $0xb8;
	[tilespmem:$0x1C400] =	vst v63  }
0x517: {  	_ = 	snop  }
0x518: {  	[hbm4b:s0+s10] =	stream.indirect_vreg.scatter @!p0 [tilespmem:s16], [sflag:$0x4], $0x80, v25, vm1, $0xb8;
	[tilespmem:$0x1C400] =	vst v63  }
0x519: {  	_ = 	snop  }
0x51a: {  	[hbm4b:s22+s10] =	stream.indirect_vreg.scatter @!p0 [tilespmem:s17], [sflag:$0x4], $0x80, v25, vm1, $0xb8;
	[tilespmem:$0x1C400] =	vst v63  }
0x51b: {  	_ = 	snop  }
0x51c: {  	[hbm4b:s23+s10] =	stream.indirect_vreg.scatter @!p0 [tilespmem:s25], [sflag:$0x4], $0x80, v25, vm1, $0xb8;
	[tilespmem:$0x1C400] =	vst v63  }
0x51d: {  	_ = 	snop  }
0x51e: {  	[hbm4b:s24+s10] =	stream.indirect_vreg.scatter @!p0 [tilespmem:s26], [sflag:$0x4], $0x80, v25, vm1, $0xb8;
	[tilespmem:$0x1C400] =	vst v63  }
0x51f: {  	s10 =	simm.s32 @!p0 $0x4  }
0x520: {  	_ =	swait.ge @!p0 [sflag:s10], $0x4000  }
0x521: {  	p1 =	slt.u32 @!p0 s31, $0xC1;
	[sflag:s10] =	ssyncset.done @!p0 $0x0  }
0x522: {  	[sflag:s10] =	ssyncadd.s32 @!p0 $0xFFFFC000;
	p0 =	por p0, p1  }
0x523: {  	v24 =	vld @!p0 [tilespmem:$0x1C1C0];
	_ =	sdelay $0x3  }
0x524: {  	v25 =	vlaneseq.u32 @!p0  }
0x525: {  	v26 =	vor.u32 @!p0 $0xC0, v25;
	v27 =	vbroadcast @!p0 v24, $0x0  }
0x526: {  	vm2 =	vgt.s32 @!p0 v23, v26  }
0x527: {  	v24 =	vsel @!p0 vm2, v24, v27  }
0x528: {  	v26 =	vshll.u32 @!p0 v24, $0x3  }
0x529: {  	v24 =	vand.u32 @!p0 $0x7, v24;
	v26 =	vand.u32 @!p0 $0xFFFFFFC0, v26  }
0x52a: {  	v27 =	vshrl.u32 @!p0 v25, $0x3;
	v24 =	vor.u32 @!p0 v24, v26;
	v26 =	vand.u32 @!p0 $0x7, v25  }
0x52b: {  	v27 =	vmul.u32 @!p0 $0x8, v27;
	v28 =	vperm.xlane @!p0 v24, v26;
	_ =	sdelay $0x1  }
0x52c: {  	v28 =	vadd.s32 @!p0 v27, v28;
	_ =	sdelay $0x3  }
0x52d: {  	vm1 =	vmmov @!p0 $0xffff;
	s10 =	simm.s32 @!p0 $0x0;
	s11 =	simm.s32 @!p0 $0x18100  }
0x52e: {  	v29 =	vld @!p0 [tilespmem:$0x1C340];
	v25 =	vor.u32 @!p0 $0x8, v25;
	[tilespmem:s11], [sflag:$0x7] =	stream.indirect_vreg.gather @!p0 [hbm4b:s5+s10], $0x80, v28, vm1, $0xb8;
	[tilespmem:$0x1C400] =	vst v63  }
0x52f: {  	s13 =	simm.s32 @!p0 $0x18900;
	v24 =	vperm.xlane @!p0 v24, v25  }
0x530: {  	[tilespmem:s13], [sflag:$0x7] =	stream.indirect_vreg.gather @!p0 [hbm4b:s7+s10], $0x80, v28, vm1, $0xb8;
	[tilespmem:$0x1C400] =	vst v63  }
0x531: {  	s14 =	simm.s32 @!p0 $0x19100;
	v24 =	vadd.s32 @!p0 v27, v24  }
0x532: {  	[tilespmem:s14], [sflag:$0x7] =	stream.indirect_vreg.gather @!p0 [hbm4b:s8+s10], $0x80, v28, vm1, $0xb8;
	[tilespmem:$0x1C400] =	vst v63  }
0x533: {  	s15 =	simm.s32 @!p0 $0x19900  }
0x534: {  	[tilespmem:s15], [sflag:$0x7] =	stream.indirect_vreg.gather @!p0 [hbm4b:s9+s10], $0x80, v28, vm1, $0xb8;
	v28 =	vbroadcast @!p0 v29, $0x0;
	[tilespmem:$0x1C400] =	vst v63  }
0x535: {  	s16 =	simm.s32 @!p0 $0x1A100  }
0x536: {  	v28 =	vsel @!p0 vm2, v29, v28;
	[tilespmem:s16], [sflag:$0x7] =	stream.indirect_vreg.gather @!p0 [hbm4b:s5+s10], $0x80, v24, vm1, $0xb8;
	[tilespmem:$0x1C400] =	vst v63  }
0x537: {  	s17 =	simm.s32 @!p0 $0x1A900;
	v29 =	vshll.u32 @!p0 v28, $0x3  }
0x538: {  	v28 =	vand.u32 @!p0 $0x7, v28;
	[tilespmem:s17], [sflag:$0x7] =	stream.indirect_vreg.gather @!p0 [hbm4b:s7+s10], $0x80, v24, vm1, $0xb8;
	v29 =	vand.u32 @!p0 $0xFFFFFFC0, v29;
	[tilespmem:$0x1C400] =	vst v63  }
0x539: {  	s25 =	simm.s32 @!p0 $0x1B100;
	v28 =	vor.u32 @!p0 v28, v29  }
0x53a: {  	[tilespmem:s25], [sflag:$0x7] =	stream.indirect_vreg.gather @!p0 [hbm4b:s8+s10], $0x80, v24, vm1, $0xb8;
	v26 =	vperm.xlane @!p0 v28, v26;
	[tilespmem:$0x1C400] =	vst v63  }
0x53b: {  	s26 =	simm.s32 @!p0 $0x1B900  }
0x53c: {  	[tilespmem:s26], [sflag:$0x7] =	stream.indirect_vreg.gather @!p0 [hbm4b:s9+s10], $0x80, v24, vm1, $0xb8;
	v24 =	vadd.s32 @!p0 v27, v26;
	[tilespmem:$0x1C400] =	vst v63  }
0x53d: {  	s28 =	simm.s32 @!p0 $0x7  }
0x53e: {  	_ =	swait.ge @!p0 [sflag:s28], $0x4000  }
0x53f: {  	[sflag:s28] =	ssyncset.done @!p0 $0x0  }
0x540: {  	[sflag:s28] =	ssyncadd.s32 @!p0 $0xFFFFC000  }
0x541: {  	[hbm4b:s0+s10] =	stream.indirect_vreg.scatter @!p0 [tilespmem:s11], [sflag:$0x4], $0x80, v24, vm1, $0xb8;
	[tilespmem:$0x1C400] =	vst v63  }
0x542: {  	v25 =	vperm.xlane @!p0 v28, v25  }
0x543: {  	[hbm4b:s22+s10] =	stream.indirect_vreg.scatter @!p0 [tilespmem:s13], [sflag:$0x4], $0x80, v24, vm1, $0xb8;
	[tilespmem:$0x1C400] =	vst v63  }
0x544: {  	v25 =	vadd.s32 @!p0 v27, v25  }
0x545: {  	[hbm4b:s23+s10] =	stream.indirect_vreg.scatter @!p0 [tilespmem:s14], [sflag:$0x4], $0x80, v24, vm1, $0xb8;
	[tilespmem:$0x1C400] =	vst v63  }
0x546: {  	_ = 	snop  }
0x547: {  	[hbm4b:s24+s10] =	stream.indirect_vreg.scatter @!p0 [tilespmem:s15], [sflag:$0x4], $0x80, v24, vm1, $0xb8;
	[tilespmem:$0x1C400] =	vst v63  }
0x548: {  	_ = 	snop  }
0x549: {  	[hbm4b:s0+s10] =	stream.indirect_vreg.scatter @!p0 [tilespmem:s16], [sflag:$0x4], $0x80, v25, vm1, $0xb8;
	[tilespmem:$0x1C400] =	vst v63  }
0x54a: {  	_ = 	snop  }
0x54b: {  	[hbm4b:s22+s10] =	stream.indirect_vreg.scatter @!p0 [tilespmem:s17], [sflag:$0x4], $0x80, v25, vm1, $0xb8;
	[tilespmem:$0x1C400] =	vst v63  }
0x54c: {  	_ = 	snop  }
0x54d: {  	[hbm4b:s23+s10] =	stream.indirect_vreg.scatter @!p0 [tilespmem:s25], [sflag:$0x4], $0x80, v25, vm1, $0xb8;
	[tilespmem:$0x1C400] =	vst v63  }
0x54e: {  	_ = 	snop  }
0x54f: {  	[hbm4b:s24+s10] =	stream.indirect_vreg.scatter @!p0 [tilespmem:s26], [sflag:$0x4], $0x80, v25, vm1, $0xb8;
	[tilespmem:$0x1C400] =	vst v63  }
0x550: {  	s10 =	simm.s32 @!p0 $0x4  }
0x551: {  	_ =	swait.ge @!p0 [sflag:s10], $0x4000  }
0x552: {  	p1 =	slt.u32 @!p0 s31, $0xD1;
	[sflag:s10] =	ssyncset.done @!p0 $0x0  }
0x553: {  	[sflag:s10] =	ssyncadd.s32 @!p0 $0xFFFFC000;
	p0 =	por p0, p1  }
0x554: {  	v24 =	vld @!p0 [tilespmem:$0x1C1D0];
	_ =	sdelay $0x3  }
0x555: {  	v25 =	vlaneseq.u32 @!p0  }
0x556: {  	v26 =	vor.u32 @!p0 $0xD0, v25;
	v27 =	vbroadcast @!p0 v24, $0x0  }
0x557: {  	vm2 =	vgt.s32 @!p0 v23, v26  }
0x558: {  	v24 =	vsel @!p0 vm2, v24, v27  }
0x559: {  	v26 =	vshll.u32 @!p0 v24, $0x3  }
0x55a: {  	v24 =	vand.u32 @!p0 $0x7, v24;
	v26 =	vand.u32 @!p0 $0xFFFFFFC0, v26  }
0x55b: {  	v27 =	vshrl.u32 @!p0 v25, $0x3;
	v24 =	vor.u32 @!p0 v24, v26;
	v26 =	vand.u32 @!p0 $0x7, v25  }
0x55c: {  	v27 =	vmul.u32 @!p0 $0x8, v27;
	v28 =	vperm.xlane @!p0 v24, v26;
	_ =	sdelay $0x1  }
0x55d: {  	v28 =	vadd.s32 @!p0 v27, v28;
	_ =	sdelay $0x3  }
0x55e: {  	vm1 =	vmmov @!p0 $0xffff;
	s10 =	simm.s32 @!p0 $0x0;
	s11 =	simm.s32 @!p0 $0x18100  }
0x55f: {  	v29 =	vld @!p0 [tilespmem:$0x1C350];
	v25 =	vor.u32 @!p0 $0x8, v25;
	[tilespmem:s11], [sflag:$0x7] =	stream.indirect_vreg.gather @!p0 [hbm4b:s5+s10], $0x80, v28, vm1, $0xb8;
	[tilespmem:$0x1C400] =	vst v63  }
0x560: {  	s13 =	simm.s32 @!p0 $0x18900;
	v24 =	vperm.xlane @!p0 v24, v25  }
0x561: {  	[tilespmem:s13], [sflag:$0x7] =	stream.indirect_vreg.gather @!p0 [hbm4b:s7+s10], $0x80, v28, vm1, $0xb8;
	[tilespmem:$0x1C400] =	vst v63  }
0x562: {  	s14 =	simm.s32 @!p0 $0x19100;
	v24 =	vadd.s32 @!p0 v27, v24  }
0x563: {  	[tilespmem:s14], [sflag:$0x7] =	stream.indirect_vreg.gather @!p0 [hbm4b:s8+s10], $0x80, v28, vm1, $0xb8;
	[tilespmem:$0x1C400] =	vst v63  }
0x564: {  	s15 =	simm.s32 @!p0 $0x19900  }
0x565: {  	[tilespmem:s15], [sflag:$0x7] =	stream.indirect_vreg.gather @!p0 [hbm4b:s9+s10], $0x80, v28, vm1, $0xb8;
	v28 =	vbroadcast @!p0 v29, $0x0;
	[tilespmem:$0x1C400] =	vst v63  }
0x566: {  	s16 =	simm.s32 @!p0 $0x1A100  }
0x567: {  	v28 =	vsel @!p0 vm2, v29, v28;
	[tilespmem:s16], [sflag:$0x7] =	stream.indirect_vreg.gather @!p0 [hbm4b:s5+s10], $0x80, v24, vm1, $0xb8;
	[tilespmem:$0x1C400] =	vst v63  }
0x568: {  	s17 =	simm.s32 @!p0 $0x1A900;
	v29 =	vshll.u32 @!p0 v28, $0x3  }
0x569: {  	v28 =	vand.u32 @!p0 $0x7, v28;
	[tilespmem:s17], [sflag:$0x7] =	stream.indirect_vreg.gather @!p0 [hbm4b:s7+s10], $0x80, v24, vm1, $0xb8;
	v29 =	vand.u32 @!p0 $0xFFFFFFC0, v29;
	[tilespmem:$0x1C400] =	vst v63  }
0x56a: {  	s25 =	simm.s32 @!p0 $0x1B100;
	v28 =	vor.u32 @!p0 v28, v29  }
0x56b: {  	[tilespmem:s25], [sflag:$0x7] =	stream.indirect_vreg.gather @!p0 [hbm4b:s8+s10], $0x80, v24, vm1, $0xb8;
	v26 =	vperm.xlane @!p0 v28, v26;
	[tilespmem:$0x1C400] =	vst v63  }
0x56c: {  	s26 =	simm.s32 @!p0 $0x1B900  }
0x56d: {  	[tilespmem:s26], [sflag:$0x7] =	stream.indirect_vreg.gather @!p0 [hbm4b:s9+s10], $0x80, v24, vm1, $0xb8;
	v24 =	vadd.s32 @!p0 v27, v26;
	[tilespmem:$0x1C400] =	vst v63  }
0x56e: {  	s28 =	simm.s32 @!p0 $0x7  }
0x56f: {  	_ =	swait.ge @!p0 [sflag:s28], $0x4000  }
0x570: {  	[sflag:s28] =	ssyncset.done @!p0 $0x0  }
0x571: {  	[sflag:s28] =	ssyncadd.s32 @!p0 $0xFFFFC000  }
0x572: {  	[hbm4b:s0+s10] =	stream.indirect_vreg.scatter @!p0 [tilespmem:s11], [sflag:$0x4], $0x80, v24, vm1, $0xb8;
	[tilespmem:$0x1C400] =	vst v63  }
0x573: {  	v25 =	vperm.xlane @!p0 v28, v25  }
0x574: {  	[hbm4b:s22+s10] =	stream.indirect_vreg.scatter @!p0 [tilespmem:s13], [sflag:$0x4], $0x80, v24, vm1, $0xb8;
	[tilespmem:$0x1C400] =	vst v63  }
0x575: {  	v25 =	vadd.s32 @!p0 v27, v25  }
0x576: {  	[hbm4b:s23+s10] =	stream.indirect_vreg.scatter @!p0 [tilespmem:s14], [sflag:$0x4], $0x80, v24, vm1, $0xb8;
	[tilespmem:$0x1C400] =	vst v63  }
0x577: {  	_ = 	snop  }
0x578: {  	[hbm4b:s24+s10] =	stream.indirect_vreg.scatter @!p0 [tilespmem:s15], [sflag:$0x4], $0x80, v24, vm1, $0xb8;
	[tilespmem:$0x1C400] =	vst v63  }
0x579: {  	_ = 	snop  }
0x57a: {  	[hbm4b:s0+s10] =	stream.indirect_vreg.scatter @!p0 [tilespmem:s16], [sflag:$0x4], $0x80, v25, vm1, $0xb8;
	[tilespmem:$0x1C400] =	vst v63  }
0x57b: {  	_ = 	snop  }
0x57c: {  	[hbm4b:s22+s10] =	stream.indirect_vreg.scatter @!p0 [tilespmem:s17], [sflag:$0x4], $0x80, v25, vm1, $0xb8;
	[tilespmem:$0x1C400] =	vst v63  }
0x57d: {  	p1 =	slt.u32 @!p0 s31, $0xE1  }
0x57e: {  	[hbm4b:s23+s10] =	stream.indirect_vreg.scatter @!p0 [tilespmem:s25], [sflag:$0x4], $0x80, v25, vm1, $0xb8;
	[tilespmem:$0x1C400] =	vst v63  }
0x57f: {  	p1 =	por p0, p1  }
0x580: {  	[hbm4b:s24+s10] =	stream.indirect_vreg.scatter @!p0 [tilespmem:s26], [sflag:$0x4], $0x80, v25, vm1, $0xb8;
	[tilespmem:$0x1C400] =	vst v63  }
.Ltmp2:
0x581: {  	_ = 	snop;
	(pc) =	sbr.rel @p1 .LBB2_3-.Ltmp2, $4  }
0x582: {  	s10 =	simm.s32 @!p0 $0x4  }
0x583: {  	_ =	swait.ge @!p0 [sflag:s10], $0x4000  }
0x584: {  	[sflag:s10] =	ssyncset.done @!p0 $0x0  }
0x585: {  	[sflag:s10] =	ssyncadd.s32 @!p0 $0xFFFFC000  }
0x586: {  	v24 =	vld [tilespmem:$0x1C1E0];
	_ =	sdelay $0x4  }
0x587: {  	v25 =	vor.u32 $0xE0, v0;
	v26 =	vbroadcast v24, $0x0  }
0x588: {  	vm1 =	vgt.s32 v23, v25  }
0x589: {  	v24 =	vsel vm1, v24, v26  }
0x58a: {  	v60 =	vshll.u32 v24, $0x3  }
0x58b: {  	v24 =	vand.u32 $0x7, v24;
	v25 =	vand.u32 $0xFFFFFFC0, v60  }
0x58c: {  	v24 =	vor.u32 v24, v25  }
0x58d: {  	v25 =	vperm.xlane v24, v18;
	_ =	sdelay $0x1  }
0x58e: {  	v25 =	vadd.s32 v19, v25;
	_ =	sdelay $0x3  }
0x58f: {  	s0 =	simm.s32 $0x18100  }
0x590: {  	v61 =	vld [tilespmem:$0x1C360];
	[tilespmem:s0], [sflag:$0x7] =	stream.indirect_vreg.gather [hbm4b:s5+s4], $0x80, v25, vm0, $0xb8  }
0x591: {  	s1 =	simm.s32 $0x18900;
	v24 =	vperm.xlane v24, v20  }
0x592: {  	[tilespmem:s1], [sflag:$0x7] =	stream.indirect_vreg.gather [hbm4b:s7+s4], $0x80, v25, vm0, $0xb8;
	[tilespmem:$0x1C400] =	vst v63  }
0x593: {  	s6 =	simm.s32 $0x19100;
	v24 =	vadd.s32 v19, v24  }
0x594: {  	[tilespmem:s6], [sflag:$0x7] =	stream.indirect_vreg.gather [hbm4b:s8+s4], $0x80, v25, vm0, $0xb8;
	[tilespmem:$0x1C400] =	vst v63  }
0x595: {  	s10 =	simm.s32 $0x19900  }
0x596: {  	v27 =	vbroadcast v61, $0x0;
	[tilespmem:s10], [sflag:$0x7] =	stream.indirect_vreg.gather [hbm4b:s9+s4], $0x80, v25, vm0, $0xb8;
	[tilespmem:$0x1C400] =	vst v63  }
0x597: {  	s11 =	simm.s32 $0x1A100  }
0x598: {  	v62 =	vsel vm1, v61, v27;
	[tilespmem:s11], [sflag:$0x7] =	stream.indirect_vreg.gather [hbm4b:s5+s4], $0x80, v24, vm0, $0xb8;
	[tilespmem:$0x1C400] =	vst v63  }
0x599: {  	s13 =	simm.s32 $0x1A900;
	v26 =	vshll.u32 v62, $0x3  }
0x59a: {  	v26 =	vand.u32 $0xFFFFFFC0, v26;
	v25 =	vand.u32 $0x7, v62;
	[tilespmem:s13], [sflag:$0x7] =	stream.indirect_vreg.gather [hbm4b:s7+s4], $0x80, v24, vm0, $0xb8;
	[tilespmem:$0x1C400] =	vst v63  }
0x59b: {  	s14 =	simm.s32 $0x1B100;
	v25 =	vor.u32 v25, v26  }
0x59c: {  	v26 =	vperm.xlane v25, v18;
	[tilespmem:s14], [sflag:$0x7] =	stream.indirect_vreg.gather [hbm4b:s8+s4], $0x80, v24, vm0, $0xb8;
	[tilespmem:$0x1C400] =	vst v63  }
0x59d: {  	s15 =	simm.s32 $0x1B900;
	s16 =	simm.s32 $0x7  }
0x59e: {  	v26 =	vadd.s32 v19, v26;
	[tilespmem:s15], [sflag:$0x7] =	stream.indirect_vreg.gather [hbm4b:s9+s4], $0x80, v24, vm0, $0xb8;
	[tilespmem:$0x1C400] =	vst v63  }
0x59f: {  	_ =	swait.ge [sflag:s16], $0x4000  }
0x5a0: {  	[sflag:s16] =	ssyncset.done $0x0  }
0x5a1: {  	[sflag:s16] =	ssyncadd.s32 $0xFFFFC000  }
0x5a2: {  	s3 =	rddreg [dreg:$0x2]  }
0x5a3: {  	[hbm4b:s3+s4] =	stream.indirect_vreg.scatter [tilespmem:s0], [sflag:$0x4], $0x80, v26, vm0, $0xb8;
	[tilespmem:$0x1C400] =	vst v63  }
0x5a4: {  	v63 =	vperm.xlane v25, v20  }
0x5a5: {  	[hbm4b:s22+s4] =	stream.indirect_vreg.scatter [tilespmem:s1], [sflag:$0x4], $0x80, v26, vm0, $0xb8;
	[tilespmem:$0x1C400] =	vst v63  }
0x5a6: {  	v24 =	vadd.s32 v19, v63  }
0x5a7: {  	[hbm4b:s23+s4] =	stream.indirect_vreg.scatter [tilespmem:s6], [sflag:$0x4], $0x80, v26, vm0, $0xb8;
	[tilespmem:$0x1C400] =	vst v63  }
0x5a8: {  	_ = 	snop  }
0x5a9: {  	[hbm4b:s24+s4] =	stream.indirect_vreg.scatter [tilespmem:s10], [sflag:$0x4], $0x80, v26, vm0, $0xb8;
	[tilespmem:$0x1C400] =	vst v63  }
0x5aa: {  	_ = 	snop  }
0x5ab: {  	[hbm4b:s3+s4] =	stream.indirect_vreg.scatter [tilespmem:s11], [sflag:$0x4], $0x80, v24, vm0, $0xb8;
	[tilespmem:$0x1C400] =	vst v63  }
0x5ac: {  	_ = 	snop  }
0x5ad: {  	[hbm4b:s22+s4] =	stream.indirect_vreg.scatter [tilespmem:s13], [sflag:$0x4], $0x80, v24, vm0, $0xb8;
	[tilespmem:$0x1C400] =	vst v63  }
0x5ae: {  	_ = 	snop  }
0x5af: {  	[hbm4b:s23+s4] =	stream.indirect_vreg.scatter [tilespmem:s14], [sflag:$0x4], $0x80, v24, vm0, $0xb8;
	[tilespmem:$0x1C400] =	vst v63  }
0x5b0: {  	s28 =	simm.s32 $0x4  }
0x5b1: {  	[hbm4b:s24+s4] =	stream.indirect_vreg.scatter [tilespmem:s15], [sflag:$0x4], $0x80, v24, vm0, $0xb8;
	[tilespmem:$0x1C400] =	vst v63  }
0x5b2: {  	_ =	swait.ge [sflag:s28], $0x4000  }
0x5b3: {  	[sflag:s28] =	ssyncset.done $0x0  }
0x5b4: {  	p0 =	slt.u32 s31, $0xF1;
	[sflag:s28] =	ssyncadd.s32 $0xFFFFC000  }
0x5b5: {  	v24 =	vld @!p0 [tilespmem:$0x1C1F0];
	_ =	sdelay $0x3  }
0x5b6: {  	v25 =	vlaneseq.u32 @!p0  }
0x5b7: {  	v26 =	vor.u32 @!p0 $0xF0, v25;
	v27 =	vbroadcast @!p0 v24, $0x0  }
0x5b8: {  	vm2 =	vgt.s32 @!p0 v23, v26  }
0x5b9: {  	v23 =	vsel @!p0 vm2, v24, v27  }
0x5ba: {  	v24 =	vshll.u32 @!p0 v23, $0x3  }
0x5bb: {  	v23 =	vand.u32 @!p0 $0x7, v23;
	v24 =	vand.u32 @!p0 $0xFFFFFFC0, v24  }
0x5bc: {  	v26 =	vshrl.u32 @!p0 v25, $0x3;
	v23 =	vor.u32 @!p0 v23, v24;
	v24 =	vand.u32 @!p0 $0x7, v25  }
0x5bd: {  	v26 =	vmul.u32 @!p0 $0x8, v26;
	v27 =	vperm.xlane @!p0 v23, v24;
	_ =	sdelay $0x1  }
0x5be: {  	v27 =	vadd.s32 @!p0 v26, v27;
	_ =	sdelay $0x3  }
0x5bf: {  	vm1 =	vmmov @!p0 $0xffff;
	s10 =	simm.s32 @!p0 $0x0;
	s11 =	simm.s32 @!p0 $0x18100  }
0x5c0: {  	v28 =	vld @!p0 [tilespmem:$0x1C370];
	v25 =	vor.u32 @!p0 $0x8, v25;
	[tilespmem:s11], [sflag:$0x7] =	stream.indirect_vreg.gather @!p0 [hbm4b:s5+s10], $0x80, v27, vm1, $0xb8;
	[tilespmem:$0x1C400] =	vst v63  }
0x5c1: {  	s12 =	simm.s32 @!p0 $0x18900;
	v23 =	vperm.xlane @!p0 v23, v25  }
0x5c2: {  	[tilespmem:s12], [sflag:$0x7] =	stream.indirect_vreg.gather @!p0 [hbm4b:s7+s10], $0x80, v27, vm1, $0xb8;
	[tilespmem:$0x1C400] =	vst v63  }
0x5c3: {  	s13 =	simm.s32 @!p0 $0x19100;
	v23 =	vadd.s32 @!p0 v26, v23  }
0x5c4: {  	[tilespmem:s13], [sflag:$0x7] =	stream.indirect_vreg.gather @!p0 [hbm4b:s8+s10], $0x80, v27, vm1, $0xb8;
	[tilespmem:$0x1C400] =	vst v63  }
0x5c5: {  	s14 =	simm.s32 @!p0 $0x19900  }
0x5c6: {  	[tilespmem:s14], [sflag:$0x7] =	stream.indirect_vreg.gather @!p0 [hbm4b:s9+s10], $0x80, v27, vm1, $0xb8;
	v27 =	vbroadcast @!p0 v28, $0x0;
	[tilespmem:$0x1C400] =	vst v63  }
0x5c7: {  	s15 =	simm.s32 @!p0 $0x1A100  }
0x5c8: {  	v27 =	vsel @!p0 vm2, v28, v27;
	[tilespmem:s15], [sflag:$0x7] =	stream.indirect_vreg.gather @!p0 [hbm4b:s5+s10], $0x80, v23, vm1, $0xb8;
	[tilespmem:$0x1C400] =	vst v63  }
0x5c9: {  	s16 =	simm.s32 @!p0 $0x1A900;
	v28 =	vshll.u32 @!p0 v27, $0x3  }
0x5ca: {  	v27 =	vand.u32 @!p0 $0x7, v27;
	[tilespmem:s16], [sflag:$0x7] =	stream.indirect_vreg.gather @!p0 [hbm4b:s7+s10], $0x80, v23, vm1, $0xb8;
	v28 =	vand.u32 @!p0 $0xFFFFFFC0, v28;
	[tilespmem:$0x1C400] =	vst v63  }
0x5cb: {  	s17 =	simm.s32 @!p0 $0x1B100;
	v27 =	vor.u32 @!p0 v27, v28  }
0x5cc: {  	[tilespmem:s17], [sflag:$0x7] =	stream.indirect_vreg.gather @!p0 [hbm4b:s8+s10], $0x80, v23, vm1, $0xb8;
	v24 =	vperm.xlane @!p0 v27, v24;
	[tilespmem:$0x1C400] =	vst v63  }
0x5cd: {  	s25 =	simm.s32 @!p0 $0x1B900  }
0x5ce: {  	[tilespmem:s25], [sflag:$0x7] =	stream.indirect_vreg.gather @!p0 [hbm4b:s9+s10], $0x80, v23, vm1, $0xb8;
	v23 =	vadd.s32 @!p0 v26, v24;
	[tilespmem:$0x1C400] =	vst v63  }
0x5cf: {  	s26 =	simm.s32 @!p0 $0x7  }
0x5d0: {  	_ =	swait.ge @!p0 [sflag:s26], $0x4000  }
0x5d1: {  	[sflag:s26] =	ssyncset.done @!p0 $0x0  }
0x5d2: {  	[sflag:s26] =	ssyncadd.s32 @!p0 $0xFFFFC000  }
0x5d3: {  	[hbm4b:s3+s10] =	stream.indirect_vreg.scatter @!p0 [tilespmem:s11], [sflag:$0x4], $0x80, v23, vm1, $0xb8;
	[tilespmem:$0x1C400] =	vst v63  }
0x5d4: {  	v24 =	vperm.xlane @!p0 v27, v25  }
0x5d5: {  	[hbm4b:s22+s10] =	stream.indirect_vreg.scatter @!p0 [tilespmem:s12], [sflag:$0x4], $0x80, v23, vm1, $0xb8;
	[tilespmem:$0x1C400] =	vst v63  }
0x5d6: {  	v24 =	vadd.s32 @!p0 v26, v24  }
0x5d7: {  	[hbm4b:s23+s10] =	stream.indirect_vreg.scatter @!p0 [tilespmem:s13], [sflag:$0x4], $0x80, v23, vm1, $0xb8;
	[tilespmem:$0x1C400] =	vst v63  }
0x5d8: {  	_ = 	snop  }
0x5d9: {  	[hbm4b:s24+s10] =	stream.indirect_vreg.scatter @!p0 [tilespmem:s14], [sflag:$0x4], $0x80, v23, vm1, $0xb8;
	[tilespmem:$0x1C400] =	vst v63  }
0x5da: {  	_ = 	snop  }
0x5db: {  	[hbm4b:s3+s10] =	stream.indirect_vreg.scatter @!p0 [tilespmem:s15], [sflag:$0x4], $0x80, v24, vm1, $0xb8;
	[tilespmem:$0x1C400] =	vst v63  }
0x5dc: {  	_ = 	snop  }
0x5dd: {  	[hbm4b:s22+s10] =	stream.indirect_vreg.scatter @!p0 [tilespmem:s16], [sflag:$0x4], $0x80, v24, vm1, $0xb8;
	[tilespmem:$0x1C400] =	vst v63  }
0x5de: {  	_ = 	snop  }
0x5df: {  	[hbm4b:s23+s10] =	stream.indirect_vreg.scatter @!p0 [tilespmem:s17], [sflag:$0x4], $0x80, v24, vm1, $0xb8;
	[tilespmem:$0x1C400] =	vst v63  }
0x5e0: {  	_ = 	snop  }
0x5e1: {  	[hbm4b:s24+s10] =	stream.indirect_vreg.scatter @!p0 [tilespmem:s25], [sflag:$0x4], $0x80, v24, vm1, $0xb8;
	[tilespmem:$0x1C400] =	vst v63  }
.Ltmp3:
0x5e2: {  	_ = 	snop;
	(pc) =	sbr.rel .LBB2_3-.Ltmp3, $4  }
0x5e3: {  	s10 =	simm.s32 @!p0 $0x4  }
0x5e4: {  	_ =	swait.ge @!p0 [sflag:s10], $0x4000  }
0x5e5: {  	[sflag:s10] =	ssyncset.done @!p0 $0x0  }
0x5e6: {  	[sflag:s10] =	ssyncadd.s32 @!p0 $0xFFFFC000  }
.LBB2_4:
0x5e7: {  	_ =	sfence.sel $0x180000  }
0x5e8: {  	[bflag:$0x0] =	sbarrier.arrive $0xFFFF  }
0x5e9: {  	_ =	strace $0x90000047  }
0x5ea: {  	s0 =	stileid.u32;
	[bflag:$0x2] =	sbarrier.arrive $0xFFFF  }
0x5eb: {  	p0 =	sne.s32 s0, $0x0;
	s0 =	rddreg [dreg:$0x3]  }
0x5ec: {  	s0 =	sadd.s32 @!p0 $0x100000, s0  }
0x5ed: {  	[sflag:s0] =	ssyncadd.tile.s32 @!p0 $0x1;
	_ =	shalt  }
.Lfunc_end2:
_tile_overlayer_lowered:
.L_overlay_start_2:
0x5ee: {  	(tag) =	ssettag $0x2  }
0x5ef: {  	s0 =	rddreg [dreg:$0x0];
	s2 =	stileid.u32  }
0x5f0: {  	s1 =	rddreg [dreg:$0x1];
	p0 =	sne.s32 s2, $0x0  }
0x5f1: {  	s3 =	rddreg [dreg:$0x2];
	[bflag:$0x3] =	sbarrier.arrive $0xFFFF;
	s2 =	simm.s32 @!p0 $0x1C08  }
0x5f2: {  	[timem:s3], [sflag:s2] =	dma.local @!p0 [hbm:s0], s1  }
0x5f3: {  	s0 =	simm.s32 @!p0 $0x8  }
0x5f4: {  	_ =	swait.ge @!p0 [sflag:s0], s1  }
0x5f5: {  	s1 =	ssub.s32 @!p0 $0x0, s1;
	[sflag:s0] =	ssyncset.done @!p0 $0x0  }
0x5f6: {  	[sflag:s0] =	ssyncadd.s32 @!p0 s1  }
0x5f7: {  	[bflag:$0x3] =	sbarrier.arrive $0xFFFF  }
0x5f8: {  	_ =	shalt  }

</sc_bundles>
